<compile_context>
chip_gen: v7x
topology: tpu7x:2x2x1
jax: 0.10.2.dev20260603
libtpu: 0.0.44.dev20260713+nightly
codegen_flags: <defaults>
</compile_context>

<pallas_src>
import jax
import jax.numpy as jnp
from jax import lax
from jax.experimental import pallas as pl
from jax.experimental.pallas import tpu as pltpu
from jax.experimental.pallas import tpu_sc as plsc

N = 10000
E = 320000
D = 128
HID = 128
HEADS = 8
OUT = 128

NW = 32
EW = 10240
NCHUNK = 80
CHUNK = 128
NP = N + 240
ROWS_PER_TILE = N // 16

_f32 = jnp.float32
_i32 = jnp.int32


def _splat(v, h):
    idx = jnp.full((16, 1), h, dtype=_i32)
    dnums = lax.GatherDimensionNumbers(
        offset_dims=(), collapsed_slice_dims=(0,), start_index_map=(0,))
    return lax.gather(v, idx, dnums, (1,),
                      mode=lax.GatherScatterMode.PROMISE_IN_BOUNDS)


def _leaky_exp(s):
    return jnp.exp(jnp.maximum(s, 0.0) + 0.2 * jnp.minimum(s, 0.0))


def _edge_body(is_layer2):

    def body(edges_hbm, atab_hbm, atabsw_hbm, xw_hbm, acc_out, den_out,
             sd_a, sd_b, ats_a, ats_b, atd_a, atd_b, ex_a, ex_b, xw_a, xw_b,
             acc_sh, den_sh, gsem_a, gsem_b, ssem_a, ssem_b):
        cid = lax.axis_index("c")
        sid = lax.axis_index("s")
        w = cid * 16 + sid
        cbase = w * NCHUNK
        col = lax.iota(_i32, 16)
        col8 = lax.bitwise_and(col, 7)
        m8 = col < 8
        cols = [col + h * 16 for h in range(8)]
        zero16 = jnp.zeros((16,), _f32)

        @pl.loop(0, 25)
        def _(r):
            row = jnp.full((16,), r, _i32)
            for cb in range(8):
                plsc.store_scatter(xw_a, [row, cols[cb]], zero16)
            plsc.store_scatter(ex_a, [row, col8], zero16, mask=m8)

        base = sid * ROWS_PER_TILE

        @pl.loop(0, 25)
        def _(k):
            pltpu.sync_copy(xw_a.at[pl.ds(0, 25)],
                            acc_sh.at[pl.ds(base + k * 25, 25)])
            pltpu.sync_copy(ex_a.at[pl.ds(0, 25)],
                            den_sh.at[pl.ds(base + k * 25, 25)])

        plsc.subcore_barrier()

        def issue_gathers(c, sd_v, ats_v, atd_v, xw_v, sem):
            pltpu.sync_copy(edges_hbm.at[c], sd_v)
            pltpu.async_copy(atab_hbm.at[sd_v.at[0]], ats_v, sem)
            pltpu.async_copy(atabsw_hbm.at[sd_v.at[1]], atd_v, sem)
            pltpu.async_copy(xw_hbm.at[sd_v.at[0]], xw_v, sem)

        def wait_gathers(sd_v, ats_v, atd_v, xw_v, sem):
            pltpu.make_async_copy(atab_hbm.at[sd_v.at[0]], ats_v, sem).wait()
            pltpu.make_async_copy(atabsw_hbm.at[sd_v.at[1]], atd_v, sem).wait()
            pltpu.make_async_copy(xw_hbm.at[sd_v.at[0]], xw_v, sem).wait()

        def issue_scatters(sd_v, ex_v, xw_v, sem):
            pltpu.async_copy(xw_v, acc_sh.at[sd_v.at[1]], sem, add=True)
            pltpu.async_copy(ex_v, den_sh.at[sd_v.at[1]], sem, add=True)

        def wait_scatters(sd_v, ex_v, xw_v, sem):
            pltpu.make_async_copy(xw_v, acc_sh.at[sd_v.at[1]], sem).wait()
            pltpu.make_async_copy(ex_v, den_sh.at[sd_v.at[1]], sem).wait()

        if not is_layer2:
            def compute(ats_v, atd_v, ex_v, xw_v):
                @plsc.parallel_loop(0, CHUNK, unroll=6)
                def _(e):
                    row = jnp.full((16,), e, _i32)
                    va = plsc.load_gather(ats_v, [row, col])
                    vb = plsc.load_gather(atd_v, [row, col])
                    exr = _leaky_exp(va + vb)
                    plsc.store_scatter(ex_v, [row, col8], exr, mask=m8)
                    for h in range(HEADS):
                        sp = _splat(exr, h)
                        xv = plsc.load_gather(xw_v, [row, cols[h]])
                        plsc.store_scatter(xw_v, [row, cols[h]], xv * sp)
        else:
            def compute(ats_v, atd_v, ex_v, xw_v):
                @plsc.parallel_loop(0, CHUNK, unroll=4)
                def _(e):
                    row = jnp.full((16,), e, _i32)
                    va = plsc.load_gather(ats_v, [row])
                    vb = plsc.load_gather(atd_v, [row])
                    sp = _leaky_exp(va + vb)
                    plsc.store_scatter(ex_v, [row, col8], sp, mask=m8)
                    for h in range(8):
                        xv = plsc.load_gather(xw_v, [row, cols[h]])
                        plsc.store_scatter(xw_v, [row, cols[h]], xv * sp)

        issue_gathers(cbase, sd_a, ats_a, atd_a, xw_a, gsem_a)

        @pl.loop(0, NCHUNK // 2)
        def _(t):
            c0 = cbase + 2 * t

            @pl.when(t > 0)
            def _():
                wait_scatters(sd_b, ex_b, xw_b, ssem_b)

            issue_gathers(c0 + 1, sd_b, ats_b, atd_b, xw_b, gsem_b)
            wait_gathers(sd_a, ats_a, atd_a, xw_a, gsem_a)
            compute(ats_a, atd_a, ex_a, xw_a)
            issue_scatters(sd_a, ex_a, xw_a, ssem_a)

            wait_scatters(sd_a, ex_a, xw_a, ssem_a)
            c2 = jnp.minimum(c0 + 2, cbase + NCHUNK - 1)
            issue_gathers(c2, sd_a, ats_a, atd_a, xw_a, gsem_a)
            wait_gathers(sd_b, ats_b, atd_b, xw_b, gsem_b)
            compute(ats_b, atd_b, ex_b, xw_b)
            issue_scatters(sd_b, ex_b, xw_b, ssem_b)

        wait_gathers(sd_a, ats_a, atd_a, xw_a, gsem_a)
        wait_scatters(sd_b, ex_b, xw_b, ssem_b)

        plsc.subcore_barrier()
        pltpu.sync_copy(acc_sh.at[pl.ds(base, ROWS_PER_TILE)],
                        acc_out.at[cid, pl.ds(base, ROWS_PER_TILE)])
        pltpu.sync_copy(den_sh.at[pl.ds(base, ROWS_PER_TILE)],
                        den_out.at[cid, pl.ds(base, ROWS_PER_TILE)])

    return body


def _make_sc(is_layer2):
    mesh = plsc.VectorSubcoreMesh(core_axis_name="c", subcore_axis_name="s")
    a_shape = (CHUNK,) if is_layer2 else (CHUNK, 16)
    scratch = [
        pltpu.VMEM((2, CHUNK), _i32),
        pltpu.VMEM((2, CHUNK), _i32),
        pltpu.VMEM(a_shape, _f32),
        pltpu.VMEM(a_shape, _f32),
        pltpu.VMEM(a_shape, _f32),
        pltpu.VMEM(a_shape, _f32),
        pltpu.VMEM((CHUNK, 8), _f32),
        pltpu.VMEM((CHUNK, 8), _f32),
        pltpu.VMEM((CHUNK, 128), _f32),
        pltpu.VMEM((CHUNK, 128), _f32),
        pltpu.VMEM_SHARED((N, 128), _f32),
        pltpu.VMEM_SHARED((N, 8), _f32),
        pltpu.SemaphoreType.DMA,
        pltpu.SemaphoreType.DMA,
        pltpu.SemaphoreType.DMA,
        pltpu.SemaphoreType.DMA,
    ]
    return pl.kernel(
        _edge_body(is_layer2),
        mesh=mesh,
        out_type=[
            jax.ShapeDtypeStruct((2, N, 128), _f32),
            jax.ShapeDtypeStruct((2, N, 8), _f32),
        ],
        scratch_types=scratch,
        compiler_params=pltpu.CompilerParams(
            use_tc_tiling_on_sc=False, needs_layout_passes=False),
    )


def _tc1_body(x_ref, w1_ref, a1_ref, xw_ref, atab_ref, atabsw_ref):
    xw = jnp.dot(x_ref[...], w1_ref[...], preferred_element_type=_f32)
    xw_ref[pl.ds(0, N), :] = xw
    xw_ref[pl.ds(N, NP - N), :] = jnp.zeros((NP - N, HID), _f32)
    at = jnp.dot(xw, a1_ref[...], preferred_element_type=_f32)
    atab_ref[pl.ds(0, N), :] = at[:, :16]
    atab_ref[pl.ds(N, NP - N), :] = jnp.full((NP - N, 16), -1e30, _f32)
    atabsw_ref[pl.ds(0, N), :] = at[:, 16:]
    atabsw_ref[pl.ds(N, NP - N), :] = jnp.full((NP - N, 16), -1e30, _f32)


def _tc2_body(acc_ref, den_ref, b8_ref, b1_ref, w2_ref, a2_ref,
              xw2_ref, atab2_ref):
    dens = den_ref[0] + den_ref[1]
    den128 = jnp.dot(dens, b8_ref[...], preferred_element_type=_f32)
    out1 = (acc_ref[0] + acc_ref[1]) / (den128 + 1e-16) + b1_ref[...]
    h = jnp.where(out1 > 0, out1, jnp.exp(out1) - 1.0)
    xw2 = jnp.dot(h, w2_ref[...], preferred_element_type=_f32)
    xw2_ref[pl.ds(0, N), :] = xw2
    xw2_ref[pl.ds(N, NP - N), :] = jnp.zeros((NP - N, OUT), _f32)
    at2 = jnp.dot(xw2, a2_ref[...], preferred_element_type=_f32)
    atab2_ref[pl.ds(0, N), :] = at2
    atab2_ref[pl.ds(N, NP - N), :] = jnp.full((NP - N, 2), -1e30, _f32)


def _tc3_body(acc_ref, den_ref, bsel_ref, b2_ref, o_ref):
    dens = den_ref[0] + den_ref[1]
    den128 = jnp.dot(dens, bsel_ref[...], preferred_element_type=_f32)
    o_ref[...] = (acc_ref[0] + acc_ref[1]) / (den128 + 1e-16) + b2_ref[...]


def kernel(x, edge_index, W1, att_src1, att_dst1, bias1, W2, att_src2,
           att_dst2, bias2):
    src = edge_index[0]
    dst = edge_index[1]

    pad_src = N + jnp.arange(240, dtype=_i32)
    pad_dst = (jnp.arange(240, dtype=_i32) * 41) % N
    src_p = jnp.concatenate(
        [src.reshape(NW, E // NW),
         jnp.broadcast_to(pad_src, (NW, 240))], axis=1)
    dst_p = jnp.concatenate(
        [dst.reshape(NW, E // NW),
         jnp.broadcast_to(pad_dst, (NW, 240))], axis=1)
    edges = jnp.stack(
        [src_p.reshape(NW * NCHUNK, CHUNK),
         dst_p.reshape(NW * NCHUNK, CHUNK)], axis=1)

    a_s = att_src1.reshape(HEADS, HID // HEADS)
    a_d = att_dst1.reshape(HEADS, HID // HEADS)
    eye8 = jnp.eye(HEADS, dtype=_f32)
    A1s = (eye8[:, None, :] * a_s[:, :, None]).reshape(HID, HEADS)
    A1d = (eye8[:, None, :] * a_d[:, :, None]).reshape(HID, HEADS)
    A1cat = jnp.concatenate([A1s, A1d, A1d, A1s], axis=1)
    A2cat = jnp.concatenate(
        [att_src2.reshape(OUT, 1), att_dst2.reshape(OUT, 1)], axis=1)

    lane_h = jnp.arange(128, dtype=_i32) // 16
    B8 = (jnp.arange(8, dtype=_i32)[:, None] == lane_h[None, :]).astype(_f32)
    B1sel = (jnp.arange(8, dtype=_i32)[:, None] == 0).astype(_f32)
    B1sel = jnp.broadcast_to(B1sel, (8, 128)).astype(_f32)

    xw1, atab, atabsw = pl.pallas_call(
        _tc1_body,
        out_shape=[
            jax.ShapeDtypeStruct((NP, HID), _f32),
            jax.ShapeDtypeStruct((NP, 16), _f32),
            jax.ShapeDtypeStruct((NP, 16), _f32),
        ],
    )(x, W1, A1cat)

    acc1, den1 = _make_sc(is_layer2=False)(edges, atab, atabsw, xw1)

    xw2, atab2 = pl.pallas_call(
        _tc2_body,
        out_shape=[
            jax.ShapeDtypeStruct((NP, OUT), _f32),
            jax.ShapeDtypeStruct((NP, 2), _f32),
        ],
    )(acc1, den1, B8, bias1.reshape(1, HID), W2, A2cat)

    as2 = atab2[:, 0]
    ad2 = atab2[:, 1]

    acc2, den2 = _make_sc(is_layer2=True)(edges, as2, ad2, xw2)

    out = pl.pallas_call(
        _tc3_body,
        out_shape=jax.ShapeDtypeStruct((N, OUT), _f32),
    )(acc2, den2, B1sel, bias2.reshape(1, OUT))

    return out

# --- scband reference (transcript-rebuilt; emitter-appended) ---
"""Pipeline reference for scband-gat-9345848836281 (READ-ONLY COPY).

The authoritative reference and input builder live on the scoring server;
editing this copy changes nothing except your own understanding.
"""

import jax, jax.numpy as jnp
import numpy as np

N = 10000
E = 320000
D = 128
HID = 128
HEADS = 8
OUT = 128


def setup_inputs(seed: int = 0) -> dict:
    key = jax.random.key(seed)
    ks = jax.random.split(key, 10)
    x = jax.random.normal(ks[0], (N, D), dtype=jnp.float32)
    edge_index = jax.random.randint(ks[1], (2, E), 0, N, dtype=jnp.int32)
    W1 = jax.random.normal(ks[2], (D, HID), dtype=jnp.float32) * (1.0 / np.sqrt(D))
    att_src1 = jax.random.normal(ks[3], (1, HEADS, HID // HEADS), dtype=jnp.float32) * 0.1
    att_dst1 = jax.random.normal(ks[4], (1, HEADS, HID // HEADS), dtype=jnp.float32) * 0.1
    bias1 = jnp.zeros((HID,), dtype=jnp.float32)
    W2 = jax.random.normal(ks[5], (HID, OUT), dtype=jnp.float32) * (1.0 / np.sqrt(HID))
    att_src2 = jax.random.normal(ks[6], (1, 1, OUT), dtype=jnp.float32) * 0.1
    att_dst2 = jax.random.normal(ks[7], (1, 1, OUT), dtype=jnp.float32) * 0.1
    bias2 = jnp.zeros((OUT,), dtype=jnp.float32)
    return {"x": x, "edge_index": edge_index, "W1": W1, "att_src1": att_src1, "att_dst1": att_dst1, "bias1": bias1, "W2": W2, "att_src2": att_src2, "att_dst2": att_dst2, "bias2": bias2}


def _gat_conv(x, src, dst, W, a_src, a_dst, bias, heads, ch, concat):
    n = x.shape[0]
    xw = (x @ W).reshape(n, heads, ch)
    alpha_src = jnp.sum(xw * a_src, axis=-1)
    alpha_dst = jnp.sum(xw * a_dst, axis=-1)
    alpha = alpha_src[src] + alpha_dst[dst]
    alpha = jax.nn.leaky_relu(alpha, negative_slope=0.2)
    amax = jax.ops.segment_max(alpha, dst, num_segments=n)
    amax = jnp.where(jnp.isfinite(amax), amax, 0.0)
    amax = jax.lax.stop_gradient(amax)
    ex = jnp.exp(alpha - amax[dst])
    denom = jax.ops.segment_sum(ex, dst, num_segments=n)
    coef = ex / (denom[dst] + 1e-16)
    msg = xw[src] * coef[:, :, None]
    out = jax.ops.segment_sum(msg, dst, num_segments=n)
    if concat:
        out = out.reshape(n, heads * ch)
    else:
        out = out.mean(axis=1)
    return out + bias


def reference(x, edge_index, W1, att_src1, att_dst1, bias1, W2, att_src2, att_dst2, bias2):
    # Eval mode: dropout is identity.
    src = edge_index[0]
    dst = edge_index[1]
    h = _gat_conv(x, src, dst, W1, att_src1, att_dst1, bias1, HEADS, HID // HEADS, True)
    h = jax.nn.elu(h)
    out = _gat_conv(h, src, dst, W2, att_src2, att_dst2, bias2, 1, OUT, False)
    return out

if __name__ == "__main__":
    import jax
    _d = setup_inputs()
    print(jax.jit(kernel)(*tuple(_d.values())))

</pallas_src>

<mosaic_0001>
#map = affine_map<(d0, d1) -> (0, 0, 0)>
#map1 = affine_map<(d0, d1) -> (0)>
#map2 = affine_map<(d0, d1) -> (0, 0)>
module attributes {stable_mosaic.version = 14 : i64} {
  func.func @body(%arg0: i32, %arg1: i32, %arg2: memref<2560x2x128xi32, #tpu.memory_space<hbm>>, %arg3: memref<10240xf32, #tpu.memory_space<hbm>>, %arg4: memref<10240xf32, #tpu.memory_space<hbm>>, %arg5: memref<10240x128xf32, #tpu.memory_space<hbm>>, %arg6: memref<2x10000x128xf32, #tpu.memory_space<hbm>>, %arg7: memref<2x10000x8xf32, #tpu.memory_space<hbm>>, %arg8: memref<2x128xi32, #tpu.memory_space<vmem>>, %arg9: memref<2x128xi32, #tpu.memory_space<vmem>>, %arg10: memref<128xf32, #tpu.memory_space<vmem>>, %arg11: memref<128xf32, #tpu.memory_space<vmem>>, %arg12: memref<128xf32, #tpu.memory_space<vmem>>, %arg13: memref<128xf32, #tpu.memory_space<vmem>>, %arg14: memref<128x8xf32, #tpu.memory_space<vmem>>, %arg15: memref<128x8xf32, #tpu.memory_space<vmem>>, %arg16: memref<128x128xf32, #tpu.memory_space<vmem>>, %arg17: memref<128x128xf32, #tpu.memory_space<vmem>>, %arg18: memref<10000x128xf32, #tpu.memory_space<vmem_shared>>, %arg19: memref<10000x8xf32, #tpu.memory_space<vmem_shared>>, %arg20: memref<!tpu.dma_semaphore, #tpu.memory_space<semaphore_mem>>, %arg21: memref<!tpu.dma_semaphore, #tpu.memory_space<semaphore_mem>>, %arg22: memref<!tpu.dma_semaphore, #tpu.memory_space<semaphore_mem>>, %arg23: memref<!tpu.dma_semaphore, #tpu.memory_space<semaphore_mem>>) attributes {dimension_semantics = [#tpu.dimension_semantics<core_parallel>, #tpu.dimension_semantics<subcore_parallel>], iteration_bounds = array<i64: 2, 16>, scalar_prefetch = 0 : i64, scratch_operands = 16 : i64, tpu.core_type = #tpu.core_type<sc_vector_subcore>, window_params = [{transform_indices = #map}, {transform_indices = #map1}, {transform_indices = #map1}, {transform_indices = #map2}, {transform_indices = #map}, {transform_indices = #map}]} {
    %mul3A = arith.constant 16 : i32
    %mul3A_0 = arith.muli %arg0, %mul3A : i32
    %add3A = arith.addi %mul3A_0, %arg1 : i32
    %mul3A_1 = arith.constant 80 : i32
    %mul3A_2 = arith.muli %add3A, %mul3A_1 : i32
    %iota3A = tpu.iota {dimensions = array<i32: 0>} : vector<16xi32>
    %and3A = arith.constant 7 : i32
    %and3A_3 = vector.broadcast %and3A : i32 to vector<16xi32>
    %and3A_4 = arith.andi %iota3A, %and3A_3 : vector<16xi32>
    %lt3A = arith.constant 8 : i32
    %lt3A_5 = vector.broadcast %lt3A : i32 to vector<16xi32>
    %lt3A_6 = arith.cmpi slt, %iota3A, %lt3A_5 : vector<16xi32>
    %add3A_7 = arith.constant 0 : i32
    %add3A_8 = vector.broadcast %add3A_7 : i32 to vector<16xi32>
    %add3A_9 = arith.addi %iota3A, %add3A_8 : vector<16xi32>
    %add3A_10 = arith.constant 16 : i32
    %add3A_11 = vector.broadcast %add3A_10 : i32 to vector<16xi32>
    %add3A_12 = arith.addi %iota3A, %add3A_11 : vector<16xi32>
    %add3A_13 = arith.constant 32 : i32
    %add3A_14 = vector.broadcast %add3A_13 : i32 to vector<16xi32>
    %add3A_15 = arith.addi %iota3A, %add3A_14 : vector<16xi32>
    %add3A_16 = arith.constant 48 : i32
    %add3A_17 = vector.broadcast %add3A_16 : i32 to vector<16xi32>
    %add3A_18 = arith.addi %iota3A, %add3A_17 : vector<16xi32>
    %add3A_19 = arith.constant 64 : i32
    %add3A_20 = vector.broadcast %add3A_19 : i32 to vector<16xi32>
    %add3A_21 = arith.addi %iota3A, %add3A_20 : vector<16xi32>
    %add3A_22 = arith.constant 80 : i32
    %add3A_23 = vector.broadcast %add3A_22 : i32 to vector<16xi32>
    %add3A_24 = arith.addi %iota3A, %add3A_23 : vector<16xi32>
    %add3A_25 = arith.constant 96 : i32
    %add3A_26 = vector.broadcast %add3A_25 : i32 to vector<16xi32>
    %add3A_27 = arith.addi %iota3A, %add3A_26 : vector<16xi32>
    %add3A_28 = arith.constant 112 : i32
    %add3A_29 = vector.broadcast %add3A_28 : i32 to vector<16xi32>
    %add3A_30 = arith.addi %iota3A, %add3A_29 : vector<16xi32>
    %broadcast_in_dim3A = arith.constant 0.000000e+00 : f32
    %broadcast_in_dim3A_31 = vector.broadcast %broadcast_in_dim3A : f32 to vector<16xf32>
    %scan3A = arith.constant 0 : i32
    %scan3A_32 = arith.constant 25 : i32
    %scan3A_33 = arith.addi %scan3A, %scan3A_32 : i32
    %scan3A_34 = arith.constant 1 : i32
    scf.for %scan3A_99 = %scan3A to %scan3A_33 step %scan3A_34  : i32 {
      %mul3A_100 = arith.constant 1 : i32
      %mul3A_101 = arith.muli %scan3A_99, %mul3A_100 : i32
      %add3A_102 = arith.constant 0 : i32
      %add3A_103 = arith.addi %add3A_102, %mul3A_101 : i32
      %broadcast_in_dim3A_104 = vector.broadcast %add3A_103 : i32 to vector<16xi32>
      tpu.vector_store_idx %arg16[%broadcast_in_dim3A_104, %add3A_9], %broadcast_in_dim3A_31 : memref<128x128xf32, #tpu.memory_space<vmem>>[vector<16xi32>, vector<16xi32>], vector<16xf32>,
      tpu.vector_store_idx %arg16[%broadcast_in_dim3A_104, %add3A_12], %broadcast_in_dim3A_31 : memref<128x128xf32, #tpu.memory_space<vmem>>[vector<16xi32>, vector<16xi32>], vector<16xf32>,
      tpu.vector_store_idx %arg16[%broadcast_in_dim3A_104, %add3A_15], %broadcast_in_dim3A_31 : memref<128x128xf32, #tpu.memory_space<vmem>>[vector<16xi32>, vector<16xi32>], vector<16xf32>,
      tpu.vector_store_idx %arg16[%broadcast_in_dim3A_104, %add3A_18], %broadcast_in_dim3A_31 : memref<128x128xf32, #tpu.memory_space<vmem>>[vector<16xi32>, vector<16xi32>], vector<16xf32>,
      tpu.vector_store_idx %arg16[%broadcast_in_dim3A_104, %add3A_21], %broadcast_in_dim3A_31 : memref<128x128xf32, #tpu.memory_space<vmem>>[vector<16xi32>, vector<16xi32>], vector<16xf32>,
      tpu.vector_store_idx %arg16[%broadcast_in_dim3A_104, %add3A_24], %broadcast_in_dim3A_31 : memref<128x128xf32, #tpu.memory_space<vmem>>[vector<16xi32>, vector<16xi32>], vector<16xf32>,
      tpu.vector_store_idx %arg16[%broadcast_in_dim3A_104, %add3A_27], %broadcast_in_dim3A_31 : memref<128x128xf32, #tpu.memory_space<vmem>>[vector<16xi32>, vector<16xi32>], vector<16xf32>,
      tpu.vector_store_idx %arg16[%broadcast_in_dim3A_104, %add3A_30], %broadcast_in_dim3A_31 : memref<128x128xf32, #tpu.memory_space<vmem>>[vector<16xi32>, vector<16xi32>], vector<16xf32>,
      tpu.vector_store_idx %arg14[%broadcast_in_dim3A_104, %and3A_4], %broadcast_in_dim3A_31 masked %lt3A_6 : memref<128x8xf32, #tpu.memory_space<vmem>>[vector<16xi32>, vector<16xi32>], vector<16xf32>, vector<16xi1>
    }
    %scan3A_35 = arith.constant 25 : i32
    %mul3A_36 = arith.constant 625 : i32
    %mul3A_37 = arith.muli %arg1, %mul3A_36 : i32
    %scan3A_38 = arith.constant 0 : i32
    %scan3A_39 = arith.constant 25 : i32
    %scan3A_40 = arith.addi %scan3A_38, %scan3A_39 : i32
    %scan3A_41 = arith.constant 1 : i32
    scf.for %scan3A_99 = %scan3A_38 to %scan3A_40 step %scan3A_41  : i32 {
      %mul3A_100 = arith.constant 1 : i32
      %mul3A_101 = arith.muli %scan3A_99, %mul3A_100 : i32
      %add3A_102 = arith.constant 0 : i32
      %add3A_103 = arith.addi %add3A_102, %mul3A_101 : i32
      %mul3A_104 = arith.constant 25 : i32
      %mul3A_105 = arith.muli %add3A_103, %mul3A_104 : i32
      %add3A_106 = arith.addi %mul3A_37, %mul3A_105 : i32
      "tpu.region"() ({
        %run_scoped3A = tpu.sem_alloc : memref<!tpu.dma_semaphore, #tpu.memory_space<semaphore_mem>>
        %dma_start3A_110 = arith.constant 0 : i32
        %dma_start3A_111 = arith.constant 0 : i32
        %dma_start3A_112 = tpu.memref_slice %arg16[%dma_start3A_110, %dma_start3A_111] : memref<128x128xf32, #tpu.memory_space<vmem>> -> memref<25x128xf32, #tpu.memory_space<vmem>>
        %dma_start3A_113 = arith.constant 0 : i32
        %dma_start3A_114 = tpu.memref_slice %arg18[%add3A_106, %dma_start3A_113] : memref<10000x128xf32, #tpu.memory_space<vmem_shared>> -> memref<25x128xf32, #tpu.memory_space<vmem_shared>>
        %dma_start3A_115 = arith.constant 0 : i32
        %dma_start3A_116 = tpu.memref_slice %arg18[%add3A_106, %dma_start3A_115] : memref<10000x128xf32, #tpu.memory_space<vmem_shared>> -> memref<25x128xf32, #tpu.memory_space<vmem_shared>>
        %dma_start3A_117 = arith.constant 0 : i32
        %dma_start3A_118 = arith.constant 0 : i32
        %dma_start3A_119 = tpu.memref_slice %arg16[%dma_start3A_117, %dma_start3A_118] : memref<128x128xf32, #tpu.memory_space<vmem>> -> memref<25x128xf32, #tpu.memory_space<vmem>>
        tpu.enqueue_dma source(%dma_start3A_119 : memref<25x128xf32, #tpu.memory_space<vmem>>) target(%dma_start3A_116 : memref<25x128xf32, #tpu.memory_space<vmem_shared>>) target_semaphore(%run_scoped3A : memref<!tpu.dma_semaphore, #tpu.memory_space<semaphore_mem>>)
        %dma_wait3A_120 = arith.constant 0 : i32
        %dma_wait3A_121 = arith.constant 0 : i32
        %dma_wait3A_122 = tpu.memref_slice %arg16[%dma_wait3A_120, %dma_wait3A_121] : memref<128x128xf32, #tpu.memory_space<vmem>> -> memref<25x128xf32, #tpu.memory_space<vmem>>
        %dma_wait3A_123 = arith.constant 0 : i32
        %dma_wait3A_124 = tpu.memref_slice %arg18[%add3A_106, %dma_wait3A_123] : memref<10000x128xf32, #tpu.memory_space<vmem_shared>> -> memref<25x128xf32, #tpu.memory_space<vmem_shared>>
        %dma_wait3A_125 = arith.constant 0 : i32
        %dma_wait3A_126 = tpu.memref_slice %arg18[%add3A_106, %dma_wait3A_125] : memref<10000x128xf32, #tpu.memory_space<vmem_shared>> -> memref<25x128xf32, #tpu.memory_space<vmem_shared>>
        %dma_wait3A_127 = arith.constant 0 : i32
        %dma_wait3A_128 = arith.constant 0 : i32
        %dma_wait3A_129 = tpu.memref_slice %arg16[%dma_wait3A_127, %dma_wait3A_128] : memref<128x128xf32, #tpu.memory_space<vmem>> -> memref<25x128xf32, #tpu.memory_space<vmem>>
        tpu.wait_dma2 semaphore(%run_scoped3A : memref<!tpu.dma_semaphore, #tpu.memory_space<semaphore_mem>>) src(%dma_wait3A_129 : memref<25x128xf32, #tpu.memory_space<vmem>>) dst(%dma_wait3A_126 : memref<25x128xf32, #tpu.memory_space<vmem_shared>>)
        tpu.yield
      }) : () -> ()
      %mul3A_107 = arith.constant 25 : i32
      %mul3A_108 = arith.muli %add3A_103, %mul3A_107 : i32
      %add3A_109 = arith.addi %mul3A_37, %mul3A_108 : i32
      "tpu.region"() ({
        %run_scoped3A = tpu.sem_alloc : memref<!tpu.dma_semaphore, #tpu.memory_space<semaphore_mem>>
        %dma_start3A_110 = arith.constant 0 : i32
        %dma_start3A_111 = arith.constant 0 : i32
        %dma_start3A_112 = tpu.memref_slice %arg14[%dma_start3A_110, %dma_start3A_111] : memref<128x8xf32, #tpu.memory_space<vmem>> -> memref<25x8xf32, #tpu.memory_space<vmem>>
        %dma_start3A_113 = arith.constant 0 : i32
        %dma_start3A_114 = tpu.memref_slice %arg19[%add3A_109, %dma_start3A_113] : memref<10000x8xf32, #tpu.memory_space<vmem_shared>> -> memref<25x8xf32, #tpu.memory_space<vmem_shared>>
        %dma_start3A_115 = arith.constant 0 : i32
        %dma_start3A_116 = tpu.memref_slice %arg19[%add3A_109, %dma_start3A_115] : memref<10000x8xf32, #tpu.memory_space<vmem_shared>> -> memref<25x8xf32, #tpu.memory_space<vmem_shared>>
        %dma_start3A_117 = arith.constant 0 : i32
        %dma_start3A_118 = arith.constant 0 : i32
        %dma_start3A_119 = tpu.memref_slice %arg14[%dma_start3A_117, %dma_start3A_118] : memref<128x8xf32, #tpu.memory_space<vmem>> -> memref<25x8xf32, #tpu.memory_space<vmem>>
        tpu.enqueue_dma source(%dma_start3A_119 : memref<25x8xf32, #tpu.memory_space<vmem>>) target(%dma_start3A_116 : memref<25x8xf32, #tpu.memory_space<vmem_shared>>) target_semaphore(%run_scoped3A : memref<!tpu.dma_semaphore, #tpu.memory_space<semaphore_mem>>)
        %dma_wait3A_120 = arith.constant 0 : i32
        %dma_wait3A_121 = arith.constant 0 : i32
        %dma_wait3A_122 = tpu.memref_slice %arg14[%dma_wait3A_120, %dma_wait3A_121] : memref<128x8xf32, #tpu.memory_space<vmem>> -> memref<25x8xf32, #tpu.memory_space<vmem>>
        %dma_wait3A_123 = arith.constant 0 : i32
        %dma_wait3A_124 = tpu.memref_slice %arg19[%add3A_109, %dma_wait3A_123] : memref<10000x8xf32, #tpu.memory_space<vmem_shared>> -> memref<25x8xf32, #tpu.memory_space<vmem_shared>>
        %dma_wait3A_125 = arith.constant 0 : i32
        %dma_wait3A_126 = tpu.memref_slice %arg19[%add3A_109, %dma_wait3A_125] : memref<10000x8xf32, #tpu.memory_space<vmem_shared>> -> memref<25x8xf32, #tpu.memory_space<vmem_shared>>
        %dma_wait3A_127 = arith.constant 0 : i32
        %dma_wait3A_128 = arith.constant 0 : i32
        %dma_wait3A_129 = tpu.memref_slice %arg14[%dma_wait3A_127, %dma_wait3A_128] : memref<128x8xf32, #tpu.memory_space<vmem>> -> memref<25x8xf32, #tpu.memory_space<vmem>>
        tpu.wait_dma2 semaphore(%run_scoped3A : memref<!tpu.dma_semaphore, #tpu.memory_space<semaphore_mem>>) src(%dma_wait3A_129 : memref<25x8xf32, #tpu.memory_space<vmem>>) dst(%dma_wait3A_126 : memref<25x8xf32, #tpu.memory_space<vmem_shared>>)
        tpu.yield
      }) : () -> ()
    }
    %scan3A_42 = arith.constant 25 : i32
    %barrier3A = arith.constant 0 : index
    tpu.barrier barrier_id(%barrier3A)
    "tpu.region"() ({
      %run_scoped3A = tpu.sem_alloc : memref<!tpu.dma_semaphore, #tpu.memory_space<semaphore_mem>>
      %dma_start3A_99 = arith.constant 0 : i32
      %dma_start3A_100 = arith.constant 0 : i32
      %dma_start3A_101 = tpu.memref_slice %arg2[%mul3A_2, %dma_start3A_99, %dma_start3A_100] : memref<2560x2x128xi32, #tpu.memory_space<hbm>> -> memref<1x2x128xi32, #tpu.memory_space<hbm>>
      %dma_start3A_102 = tpu.memref_squeeze %dma_start3A_101 : memref<1x2x128xi32, #tpu.memory_space<hbm>> -> memref<2x128xi32, #tpu.memory_space<hbm>>
      %dma_start3A_103 = arith.constant 0 : i32
      %dma_start3A_104 = arith.constant 0 : i32
      %dma_start3A_105 = tpu.memref_slice %arg2[%mul3A_2, %dma_start3A_103, %dma_start3A_104] : memref<2560x2x128xi32, #tpu.memory_space<hbm>> -> memref<1x2x128xi32, #tpu.memory_space<hbm>>
      %dma_start3A_106 = tpu.memref_squeeze %dma_start3A_105 : memref<1x2x128xi32, #tpu.memory_space<hbm>> -> memref<2x128xi32, #tpu.memory_space<hbm>>
      tpu.enqueue_dma source(%dma_start3A_106 : memref<2x128xi32, #tpu.memory_space<hbm>>) target(%arg8 : memref<2x128xi32, #tpu.memory_space<vmem>>) target_semaphore(%run_scoped3A : memref<!tpu.dma_semaphore, #tpu.memory_space<semaphore_mem>>)
      %dma_wait3A_107 = arith.constant 0 : i32
      %dma_wait3A_108 = arith.constant 0 : i32
      %dma_wait3A_109 = tpu.memref_slice %arg2[%mul3A_2, %dma_wait3A_107, %dma_wait3A_108] : memref<2560x2x128xi32, #tpu.memory_space<hbm>> -> memref<1x2x128xi32, #tpu.memory_space<hbm>>
      %dma_wait3A_110 = tpu.memref_squeeze %dma_wait3A_109 : memref<1x2x128xi32, #tpu.memory_space<hbm>> -> memref<2x128xi32, #tpu.memory_space<hbm>>
      %dma_wait3A_111 = arith.constant 0 : i32
      %dma_wait3A_112 = arith.constant 0 : i32
      %dma_wait3A_113 = tpu.memref_slice %arg2[%mul3A_2, %dma_wait3A_111, %dma_wait3A_112] : memref<2560x2x128xi32, #tpu.memory_space<hbm>> -> memref<1x2x128xi32, #tpu.memory_space<hbm>>
      %dma_wait3A_114 = tpu.memref_squeeze %dma_wait3A_113 : memref<1x2x128xi32, #tpu.memory_space<hbm>> -> memref<2x128xi32, #tpu.memory_space<hbm>>
      tpu.wait_dma2 semaphore(%run_scoped3A : memref<!tpu.dma_semaphore, #tpu.memory_space<semaphore_mem>>) src(%dma_wait3A_114 : memref<2x128xi32, #tpu.memory_space<hbm>>) dst(%arg8 : memref<2x128xi32, #tpu.memory_space<vmem>>)
      tpu.yield
    }) : () -> ()
    %dma_start3A = arith.constant 0 : i32
    %dma_start3A_43 = arith.constant 0 : i32
    %dma_start3A_44 = tpu.memref_slice %arg8[%dma_start3A, %dma_start3A_43] : memref<2x128xi32, #tpu.memory_space<vmem>> -> memref<1x128xi32, #tpu.memory_space<vmem>>
    %dma_start3A_45 = tpu.memref_squeeze %dma_start3A_44 : memref<1x128xi32, #tpu.memory_space<vmem>> -> memref<128xi32, #tpu.memory_space<vmem>>
    %dma_start3A_46 = arith.constant 0 : i32
    %dma_start3A_47 = tpu.memref_slice %arg3[%dma_start3A_46] : memref<10240xf32, #tpu.memory_space<hbm>> -> memref<10240xf32, #tpu.memory_space<hbm>>
    tpu.enqueue_indirect_dma source(%dma_start3A_47 : memref<10240xf32, #tpu.memory_space<hbm>>) target(%arg10 : memref<128xf32, #tpu.memory_space<vmem>>) offsets(%dma_start3A_45 : memref<128xi32, #tpu.memory_space<vmem>>) semaphore(%arg20 : memref<!tpu.dma_semaphore, #tpu.memory_space<semaphore_mem>>)
    %dma_start3A_48 = arith.constant 1 : i32
    %dma_start3A_49 = arith.constant 0 : i32
    %dma_start3A_50 = tpu.memref_slice %arg8[%dma_start3A_48, %dma_start3A_49] : memref<2x128xi32, #tpu.memory_space<vmem>> -> memref<1x128xi32, #tpu.memory_space<vmem>>
    %dma_start3A_51 = tpu.memref_squeeze %dma_start3A_50 : memref<1x128xi32, #tpu.memory_space<vmem>> -> memref<128xi32, #tpu.memory_space<vmem>>
    %dma_start3A_52 = arith.constant 0 : i32
    %dma_start3A_53 = tpu.memref_slice %arg4[%dma_start3A_52] : memref<10240xf32, #tpu.memory_space<hbm>> -> memref<10240xf32, #tpu.memory_space<hbm>>
    tpu.enqueue_indirect_dma source(%dma_start3A_53 : memref<10240xf32, #tpu.memory_space<hbm>>) target(%arg12 : memref<128xf32, #tpu.memory_space<vmem>>) offsets(%dma_start3A_51 : memref<128xi32, #tpu.memory_space<vmem>>) semaphore(%arg20 : memref<!tpu.dma_semaphore, #tpu.memory_space<semaphore_mem>>)
    %dma_start3A_54 = arith.constant 0 : i32
    %dma_start3A_55 = arith.constant 0 : i32
    %dma_start3A_56 = tpu.memref_slice %arg8[%dma_start3A_54, %dma_start3A_55] : memref<2x128xi32, #tpu.memory_space<vmem>> -> memref<1x128xi32, #tpu.memory_space<vmem>>
    %dma_start3A_57 = tpu.memref_squeeze %dma_start3A_56 : memref<1x128xi32, #tpu.memory_space<vmem>> -> memref<128xi32, #tpu.memory_space<vmem>>
    %dma_start3A_58 = arith.constant 0 : i32
    %dma_start3A_59 = arith.constant 0 : i32
    %dma_start3A_60 = tpu.memref_slice %arg5[%dma_start3A_58, %dma_start3A_59] : memref<10240x128xf32, #tpu.memory_space<hbm>> -> memref<10240x128xf32, #tpu.memory_space<hbm>>
    tpu.enqueue_indirect_dma source(%dma_start3A_60 : memref<10240x128xf32, #tpu.memory_space<hbm>>) target(%arg16 : memref<128x128xf32, #tpu.memory_space<vmem>>) offsets(%dma_start3A_57 : memref<128xi32, #tpu.memory_space<vmem>>) semaphore(%arg20 : memref<!tpu.dma_semaphore, #tpu.memory_space<semaphore_mem>>)
    %scan3A_61 = arith.constant 0 : i32
    %scan3A_62 = arith.constant 40 : i32
    %scan3A_63 = arith.addi %scan3A_61, %scan3A_62 : i32
    %scan3A_64 = arith.constant 1 : i32
    scf.for %scan3A_99 = %scan3A_61 to %scan3A_63 step %scan3A_64  : i32 {
      %mul3A_100 = arith.constant 1 : i32
      %mul3A_101 = arith.muli %scan3A_99, %mul3A_100 : i32
      %add3A_102 = arith.constant 0 : i32
      %add3A_103 = arith.addi %add3A_102, %mul3A_101 : i32
      %mul3A_104 = arith.constant 2 : i32
      %mul3A_105 = arith.muli %mul3A_104, %add3A_103 : i32
      %add3A_106 = arith.addi %mul3A_2, %mul3A_105 : i32
      %gt3A = arith.constant 0 : i32
      %gt3A_107 = arith.cmpi sgt, %add3A_103, %gt3A : i32
      %convert_element_type3A = arith.extui %gt3A_107 : i1 to i32
      %cond3A = arith.constant 0 : i32
      %cond3A_108 = arith.cmpi ne, %convert_element_type3A, %cond3A : i32
      scf.if %cond3A_108 {
        %dma_wait3A_239 = arith.constant 1 : i32
        %dma_wait3A_240 = arith.constant 0 : i32
        %dma_wait3A_241 = tpu.memref_slice %arg9[%dma_wait3A_239, %dma_wait3A_240] : memref<2x128xi32, #tpu.memory_space<vmem>> -> memref<1x128xi32, #tpu.memory_space<vmem>>
        %dma_wait3A_242 = tpu.memref_squeeze %dma_wait3A_241 : memref<1x128xi32, #tpu.memory_space<vmem>> -> memref<128xi32, #tpu.memory_space<vmem>>
        %dma_wait3A_243 = arith.constant 0 : i32
        %dma_wait3A_244 = arith.constant 0 : i32
        %dma_wait3A_245 = tpu.memref_slice %arg18[%dma_wait3A_243, %dma_wait3A_244] : memref<10000x128xf32, #tpu.memory_space<vmem_shared>> -> memref<10000x128xf32, #tpu.memory_space<vmem_shared>>
        tpu.wait_indirect_dma semaphore(%arg23 : memref<!tpu.dma_semaphore, #tpu.memory_space<semaphore_mem>>) src(%arg17 : memref<128x128xf32, #tpu.memory_space<vmem>>) dst(%dma_wait3A_245 : memref<10000x128xf32, #tpu.memory_space<vmem_shared>>)
        %dma_wait3A_246 = arith.constant 1 : i32
        %dma_wait3A_247 = arith.constant 0 : i32
        %dma_wait3A_248 = tpu.memref_slice %arg9[%dma_wait3A_246, %dma_wait3A_247] : memref<2x128xi32, #tpu.memory_space<vmem>> -> memref<1x128xi32, #tpu.memory_space<vmem>>
        %dma_wait3A_249 = tpu.memref_squeeze %dma_wait3A_248 : memref<1x128xi32, #tpu.memory_space<vmem>> -> memref<128xi32, #tpu.memory_space<vmem>>
        %dma_wait3A_250 = arith.constant 0 : i32
        %dma_wait3A_251 = arith.constant 0 : i32
        %dma_wait3A_252 = tpu.memref_slice %arg19[%dma_wait3A_250, %dma_wait3A_251] : memref<10000x8xf32, #tpu.memory_space<vmem_shared>> -> memref<10000x8xf32, #tpu.memory_space<vmem_shared>>
        tpu.wait_indirect_dma semaphore(%arg23 : memref<!tpu.dma_semaphore, #tpu.memory_space<semaphore_mem>>) src(%arg15 : memref<128x8xf32, #tpu.memory_space<vmem>>) dst(%dma_wait3A_252 : memref<10000x8xf32, #tpu.memory_space<vmem_shared>>)
      } else {
      }
      %add3A_109 = arith.constant 1 : i32
      %add3A_110 = arith.addi %add3A_106, %add3A_109 : i32
      "tpu.region"() ({
        %run_scoped3A = tpu.sem_alloc : memref<!tpu.dma_semaphore, #tpu.memory_space<semaphore_mem>>
        %dma_start3A_239 = arith.constant 0 : i32
        %dma_start3A_240 = arith.constant 0 : i32
        %dma_start3A_241 = tpu.memref_slice %arg2[%add3A_110, %dma_start3A_239, %dma_start3A_240] : memref<2560x2x128xi32, #tpu.memory_space<hbm>> -> memref<1x2x128xi32, #tpu.memory_space<hbm>>
        %dma_start3A_242 = tpu.memref_squeeze %dma_start3A_241 : memref<1x2x128xi32, #tpu.memory_space<hbm>> -> memref<2x128xi32, #tpu.memory_space<hbm>>
        %dma_start3A_243 = arith.constant 0 : i32
        %dma_start3A_244 = arith.constant 0 : i32
        %dma_start3A_245 = tpu.memref_slice %arg2[%add3A_110, %dma_start3A_243, %dma_start3A_244] : memref<2560x2x128xi32, #tpu.memory_space<hbm>> -> memref<1x2x128xi32, #tpu.memory_space<hbm>>
        %dma_start3A_246 = tpu.memref_squeeze %dma_start3A_245 : memref<1x2x128xi32, #tpu.memory_space<hbm>> -> memref<2x128xi32, #tpu.memory_space<hbm>>
        tpu.enqueue_dma source(%dma_start3A_246 : memref<2x128xi32, #tpu.memory_space<hbm>>) target(%arg9 : memref<2x128xi32, #tpu.memory_space<vmem>>) target_semaphore(%run_scoped3A : memref<!tpu.dma_semaphore, #tpu.memory_space<semaphore_mem>>)
        %dma_wait3A_247 = arith.constant 0 : i32
        %dma_wait3A_248 = arith.constant 0 : i32
        %dma_wait3A_249 = tpu.memref_slice %arg2[%add3A_110, %dma_wait3A_247, %dma_wait3A_248] : memref<2560x2x128xi32, #tpu.memory_space<hbm>> -> memref<1x2x128xi32, #tpu.memory_space<hbm>>
        %dma_wait3A_250 = tpu.memref_squeeze %dma_wait3A_249 : memref<1x2x128xi32, #tpu.memory_space<hbm>> -> memref<2x128xi32, #tpu.memory_space<hbm>>
        %dma_wait3A_251 = arith.constant 0 : i32
        %dma_wait3A_252 = arith.constant 0 : i32
        %dma_wait3A_253 = tpu.memref_slice %arg2[%add3A_110, %dma_wait3A_251, %dma_wait3A_252] : memref<2560x2x128xi32, #tpu.memory_space<hbm>> -> memref<1x2x128xi32, #tpu.memory_space<hbm>>
        %dma_wait3A_254 = tpu.memref_squeeze %dma_wait3A_253 : memref<1x2x128xi32, #tpu.memory_space<hbm>> -> memref<2x128xi32, #tpu.memory_space<hbm>>
        tpu.wait_dma2 semaphore(%run_scoped3A : memref<!tpu.dma_semaphore, #tpu.memory_space<semaphore_mem>>) src(%dma_wait3A_254 : memref<2x128xi32, #tpu.memory_space<hbm>>) dst(%arg9 : memref<2x128xi32, #tpu.memory_space<vmem>>)
        tpu.yield
      }) : () -> ()
      %dma_start3A_111 = arith.constant 0 : i32
      %dma_start3A_112 = arith.constant 0 : i32
      %dma_start3A_113 = tpu.memref_slice %arg9[%dma_start3A_111, %dma_start3A_112] : memref<2x128xi32, #tpu.memory_space<vmem>> -> memref<1x128xi32, #tpu.memory_space<vmem>>
      %dma_start3A_114 = tpu.memref_squeeze %dma_start3A_113 : memref<1x128xi32, #tpu.memory_space<vmem>> -> memref<128xi32, #tpu.memory_space<vmem>>
      %dma_start3A_115 = arith.constant 0 : i32
      %dma_start3A_116 = tpu.memref_slice %arg3[%dma_start3A_115] : memref<10240xf32, #tpu.memory_space<hbm>> -> memref<10240xf32, #tpu.memory_space<hbm>>
      tpu.enqueue_indirect_dma source(%dma_start3A_116 : memref<10240xf32, #tpu.memory_space<hbm>>) target(%arg11 : memref<128xf32, #tpu.memory_space<vmem>>) offsets(%dma_start3A_114 : memref<128xi32, #tpu.memory_space<vmem>>) semaphore(%arg21 : memref<!tpu.dma_semaphore, #tpu.memory_space<semaphore_mem>>)
      %dma_start3A_117 = arith.constant 1 : i32
      %dma_start3A_118 = arith.constant 0 : i32
      %dma_start3A_119 = tpu.memref_slice %arg9[%dma_start3A_117, %dma_start3A_118] : memref<2x128xi32, #tpu.memory_space<vmem>> -> memref<1x128xi32, #tpu.memory_space<vmem>>
      %dma_start3A_120 = tpu.memref_squeeze %dma_start3A_119 : memref<1x128xi32, #tpu.memory_space<vmem>> -> memref<128xi32, #tpu.memory_space<vmem>>
      %dma_start3A_121 = arith.constant 0 : i32
      %dma_start3A_122 = tpu.memref_slice %arg4[%dma_start3A_121] : memref<10240xf32, #tpu.memory_space<hbm>> -> memref<10240xf32, #tpu.memory_space<hbm>>
      tpu.enqueue_indirect_dma source(%dma_start3A_122 : memref<10240xf32, #tpu.memory_space<hbm>>) target(%arg13 : memref<128xf32, #tpu.memory_space<vmem>>) offsets(%dma_start3A_120 : memref<128xi32, #tpu.memory_space<vmem>>) semaphore(%arg21 : memref<!tpu.dma_semaphore, #tpu.memory_space<semaphore_mem>>)
      %dma_start3A_123 = arith.constant 0 : i32
      %dma_start3A_124 = arith.constant 0 : i32
      %dma_start3A_125 = tpu.memref_slice %arg9[%dma_start3A_123, %dma_start3A_124] : memref<2x128xi32, #tpu.memory_space<vmem>> -> memref<1x128xi32, #tpu.memory_space<vmem>>
      %dma_start3A_126 = tpu.memref_squeeze %dma_start3A_125 : memref<1x128xi32, #tpu.memory_space<vmem>> -> memref<128xi32, #tpu.memory_space<vmem>>
      %dma_start3A_127 = arith.constant 0 : i32
      %dma_start3A_128 = arith.constant 0 : i32
      %dma_start3A_129 = tpu.memref_slice %arg5[%dma_start3A_127, %dma_start3A_128] : memref<10240x128xf32, #tpu.memory_space<hbm>> -> memref<10240x128xf32, #tpu.memory_space<hbm>>
      tpu.enqueue_indirect_dma source(%dma_start3A_129 : memref<10240x128xf32, #tpu.memory_space<hbm>>) target(%arg17 : memref<128x128xf32, #tpu.memory_space<vmem>>) offsets(%dma_start3A_126 : memref<128xi32, #tpu.memory_space<vmem>>) semaphore(%arg21 : memref<!tpu.dma_semaphore, #tpu.memory_space<semaphore_mem>>)
      %dma_wait3A_130 = arith.constant 0 : i32
      %dma_wait3A_131 = arith.constant 0 : i32
      %dma_wait3A_132 = tpu.memref_slice %arg8[%dma_wait3A_130, %dma_wait3A_131] : memref<2x128xi32, #tpu.memory_space<vmem>> -> memref<1x128xi32, #tpu.memory_space<vmem>>
      %dma_wait3A_133 = tpu.memref_squeeze %dma_wait3A_132 : memref<1x128xi32, #tpu.memory_space<vmem>> -> memref<128xi32, #tpu.memory_space<vmem>>
      %dma_wait3A_134 = arith.constant 0 : i32
      %dma_wait3A_135 = tpu.memref_slice %arg3[%dma_wait3A_134] : memref<10240xf32, #tpu.memory_space<hbm>> -> memref<10240xf32, #tpu.memory_space<hbm>>
      tpu.wait_indirect_dma semaphore(%arg20 : memref<!tpu.dma_semaphore, #tpu.memory_space<semaphore_mem>>) src(%dma_wait3A_135 : memref<10240xf32, #tpu.memory_space<hbm>>) dst(%arg10 : memref<128xf32, #tpu.memory_space<vmem>>)
      %dma_wait3A_136 = arith.constant 1 : i32
      %dma_wait3A_137 = arith.constant 0 : i32
      %dma_wait3A_138 = tpu.memref_slice %arg8[%dma_wait3A_136, %dma_wait3A_137] : memref<2x128xi32, #tpu.memory_space<vmem>> -> memref<1x128xi32, #tpu.memory_space<vmem>>
      %dma_wait3A_139 = tpu.memref_squeeze %dma_wait3A_138 : memref<1x128xi32, #tpu.memory_space<vmem>> -> memref<128xi32, #tpu.memory_space<vmem>>
      %dma_wait3A_140 = arith.constant 0 : i32
      %dma_wait3A_141 = tpu.memref_slice %arg4[%dma_wait3A_140] : memref<10240xf32, #tpu.memory_space<hbm>> -> memref<10240xf32, #tpu.memory_space<hbm>>
      tpu.wait_indirect_dma semaphore(%arg20 : memref<!tpu.dma_semaphore, #tpu.memory_space<semaphore_mem>>) src(%dma_wait3A_141 : memref<10240xf32, #tpu.memory_space<hbm>>) dst(%arg12 : memref<128xf32, #tpu.memory_space<vmem>>)
      %dma_wait3A_142 = arith.constant 0 : i32
      %dma_wait3A_143 = arith.constant 0 : i32
      %dma_wait3A_144 = tpu.memref_slice %arg8[%dma_wait3A_142, %dma_wait3A_143] : memref<2x128xi32, #tpu.memory_space<vmem>> -> memref<1x128xi32, #tpu.memory_space<vmem>>
      %dma_wait3A_145 = tpu.memref_squeeze %dma_wait3A_144 : memref<1x128xi32, #tpu.memory_space<vmem>> -> memref<128xi32, #tpu.memory_space<vmem>>
      %dma_wait3A_146 = arith.constant 0 : i32
      %dma_wait3A_147 = arith.constant 0 : i32
      %dma_wait3A_148 = tpu.memref_slice %arg5[%dma_wait3A_146, %dma_wait3A_147] : memref<10240x128xf32, #tpu.memory_space<hbm>> -> memref<10240x128xf32, #tpu.memory_space<hbm>>
      tpu.wait_indirect_dma semaphore(%arg20 : memref<!tpu.dma_semaphore, #tpu.memory_space<semaphore_mem>>) src(%dma_wait3A_148 : memref<10240x128xf32, #tpu.memory_space<hbm>>) dst(%arg16 : memref<128x128xf32, #tpu.memory_space<vmem>>)
      %parallel_loop3A = arith.constant 0 : i32
      %parallel_loop3A_149 = arith.constant 128 : i32
      %parallel_loop3A_150 = arith.constant 1 : i32
      scf.for %parallel_loop3A_239 = %parallel_loop3A to %parallel_loop3A_149 step %parallel_loop3A_150  : i32 {
        %parallel_loop3A_240 = vector.broadcast %parallel_loop3A_239 : i32 to vector<16xi32>
        %parallel_loop3A_241 = tpu.vector_load_idx %arg10[%parallel_loop3A_240] : memref<128xf32, #tpu.memory_space<vmem>>[vector<16xi32>], vector<16xf32>,
        %parallel_loop3A_242 = tpu.vector_load_idx %arg12[%parallel_loop3A_240] : memref<128xf32, #tpu.memory_space<vmem>>[vector<16xi32>], vector<16xf32>,
        %parallel_loop3A_243 = arith.addf %parallel_loop3A_241, %parallel_loop3A_242 : vector<16xf32>
        %parallel_loop3A_244 = arith.constant 0.000000e+00 : f32
        %parallel_loop3A_245 = vector.broadcast %parallel_loop3A_244 : f32 to vector<16xf32>
        %parallel_loop3A_246 = arith.maximumf %parallel_loop3A_243, %parallel_loop3A_245 : vector<16xf32>
        %parallel_loop3A_247 = arith.constant 0.000000e+00 : f32
        %parallel_loop3A_248 = vector.broadcast %parallel_loop3A_247 : f32 to vector<16xf32>
        %parallel_loop3A_249 = arith.minimumf %parallel_loop3A_243, %parallel_loop3A_248 : vector<16xf32>
        %parallel_loop3A_250 = arith.constant 2.000000e-01 : f32
        %parallel_loop3A_251 = vector.broadcast %parallel_loop3A_250 : f32 to vector<16xf32>
        %parallel_loop3A_252 = arith.mulf %parallel_loop3A_251, %parallel_loop3A_249 : vector<16xf32>
        %parallel_loop3A_253 = arith.addf %parallel_loop3A_246, %parallel_loop3A_252 : vector<16xf32>
        %parallel_loop3A_254 = math.exp %parallel_loop3A_253 : vector<16xf32>
        tpu.vector_store_idx %arg14[%parallel_loop3A_240, %and3A_4], %parallel_loop3A_254 masked %lt3A_6 : memref<128x8xf32, #tpu.memory_space<vmem>>[vector<16xi32>, vector<16xi32>], vector<16xf32>, vector<16xi1>
        %parallel_loop3A_255 = tpu.vector_load_idx %arg16[%parallel_loop3A_240, %add3A_9] : memref<128x128xf32, #tpu.memory_space<vmem>>[vector<16xi32>, vector<16xi32>], vector<16xf32>,
        %parallel_loop3A_256 = arith.mulf %parallel_loop3A_255, %parallel_loop3A_254 : vector<16xf32>
        tpu.vector_store_idx %arg16[%parallel_loop3A_240, %add3A_9], %parallel_loop3A_256 : memref<128x128xf32, #tpu.memory_space<vmem>>[vector<16xi32>, vector<16xi32>], vector<16xf32>,
        %parallel_loop3A_257 = tpu.vector_load_idx %arg16[%parallel_loop3A_240, %add3A_12] : memref<128x128xf32, #tpu.memory_space<vmem>>[vector<16xi32>, vector<16xi32>], vector<16xf32>,
        %parallel_loop3A_258 = arith.mulf %parallel_loop3A_257, %parallel_loop3A_254 : vector<16xf32>
        tpu.vector_store_idx %arg16[%parallel_loop3A_240, %add3A_12], %parallel_loop3A_258 : memref<128x128xf32, #tpu.memory_space<vmem>>[vector<16xi32>, vector<16xi32>], vector<16xf32>,
        %parallel_loop3A_259 = tpu.vector_load_idx %arg16[%parallel_loop3A_240, %add3A_15] : memref<128x128xf32, #tpu.memory_space<vmem>>[vector<16xi32>, vector<16xi32>], vector<16xf32>,
        %parallel_loop3A_260 = arith.mulf %parallel_loop3A_259, %parallel_loop3A_254 : vector<16xf32>
        tpu.vector_store_idx %arg16[%parallel_loop3A_240, %add3A_15], %parallel_loop3A_260 : memref<128x128xf32, #tpu.memory_space<vmem>>[vector<16xi32>, vector<16xi32>], vector<16xf32>,
        %parallel_loop3A_261 = tpu.vector_load_idx %arg16[%parallel_loop3A_240, %add3A_18] : memref<128x128xf32, #tpu.memory_space<vmem>>[vector<16xi32>, vector<16xi32>], vector<16xf32>,
        %parallel_loop3A_262 = arith.mulf %parallel_loop3A_261, %parallel_loop3A_254 : vector<16xf32>
        tpu.vector_store_idx %arg16[%parallel_loop3A_240, %add3A_18], %parallel_loop3A_262 : memref<128x128xf32, #tpu.memory_space<vmem>>[vector<16xi32>, vector<16xi32>], vector<16xf32>,
        %parallel_loop3A_263 = tpu.vector_load_idx %arg16[%parallel_loop3A_240, %add3A_21] : memref<128x128xf32, #tpu.memory_space<vmem>>[vector<16xi32>, vector<16xi32>], vector<16xf32>,
        %parallel_loop3A_264 = arith.mulf %parallel_loop3A_263, %parallel_loop3A_254 : vector<16xf32>
        tpu.vector_store_idx %arg16[%parallel_loop3A_240, %add3A_21], %parallel_loop3A_264 : memref<128x128xf32, #tpu.memory_space<vmem>>[vector<16xi32>, vector<16xi32>], vector<16xf32>,
        %parallel_loop3A_265 = tpu.vector_load_idx %arg16[%parallel_loop3A_240, %add3A_24] : memref<128x128xf32, #tpu.memory_space<vmem>>[vector<16xi32>, vector<16xi32>], vector<16xf32>,
        %parallel_loop3A_266 = arith.mulf %parallel_loop3A_265, %parallel_loop3A_254 : vector<16xf32>
        tpu.vector_store_idx %arg16[%parallel_loop3A_240, %add3A_24], %parallel_loop3A_266 : memref<128x128xf32, #tpu.memory_space<vmem>>[vector<16xi32>, vector<16xi32>], vector<16xf32>,
        %parallel_loop3A_267 = tpu.vector_load_idx %arg16[%parallel_loop3A_240, %add3A_27] : memref<128x128xf32, #tpu.memory_space<vmem>>[vector<16xi32>, vector<16xi32>], vector<16xf32>,
        %parallel_loop3A_268 = arith.mulf %parallel_loop3A_267, %parallel_loop3A_254 : vector<16xf32>
        tpu.vector_store_idx %arg16[%parallel_loop3A_240, %add3A_27], %parallel_loop3A_268 : memref<128x128xf32, #tpu.memory_space<vmem>>[vector<16xi32>, vector<16xi32>], vector<16xf32>,
        %parallel_loop3A_269 = tpu.vector_load_idx %arg16[%parallel_loop3A_240, %add3A_30] : memref<128x128xf32, #tpu.memory_space<vmem>>[vector<16xi32>, vector<16xi32>], vector<16xf32>,
        %parallel_loop3A_270 = arith.mulf %parallel_loop3A_269, %parallel_loop3A_254 : vector<16xf32>
        tpu.vector_store_idx %arg16[%parallel_loop3A_240, %add3A_30], %parallel_loop3A_270 : memref<128x128xf32, #tpu.memory_space<vmem>>[vector<16xi32>, vector<16xi32>], vector<16xf32>,
      } {sc.loop_unroll_factor = 4 : i64, sc.parallel_access}
      %dma_start3A_151 = arith.constant 1 : i32
      %dma_start3A_152 = arith.constant 0 : i32
      %dma_start3A_153 = tpu.memref_slice %arg8[%dma_start3A_151, %dma_start3A_152] : memref<2x128xi32, #tpu.memory_space<vmem>> -> memref<1x128xi32, #tpu.memory_space<vmem>>
      %dma_start3A_154 = tpu.memref_squeeze %dma_start3A_153 : memref<1x128xi32, #tpu.memory_space<vmem>> -> memref<128xi32, #tpu.memory_space<vmem>>
      %dma_start3A_155 = arith.constant 0 : i32
      %dma_start3A_156 = arith.constant 0 : i32
      %dma_start3A_157 = tpu.memref_slice %arg18[%dma_start3A_155, %dma_start3A_156] : memref<10000x128xf32, #tpu.memory_space<vmem_shared>> -> memref<10000x128xf32, #tpu.memory_space<vmem_shared>>
      tpu.enqueue_indirect_dma source(%arg16 : memref<128x128xf32, #tpu.memory_space<vmem>>) target(%dma_start3A_157 : memref<10000x128xf32, #tpu.memory_space<vmem_shared>>) offsets(%dma_start3A_154 : memref<128xi32, #tpu.memory_space<vmem>>) semaphore(%arg22 : memref<!tpu.dma_semaphore, #tpu.memory_space<semaphore_mem>>) {add = true}
      %dma_start3A_158 = arith.constant 1 : i32
      %dma_start3A_159 = arith.constant 0 : i32
      %dma_start3A_160 = tpu.memref_slice %arg8[%dma_start3A_158, %dma_start3A_159] : memref<2x128xi32, #tpu.memory_space<vmem>> -> memref<1x128xi32, #tpu.memory_space<vmem>>
      %dma_start3A_161 = tpu.memref_squeeze %dma_start3A_160 : memref<1x128xi32, #tpu.memory_space<vmem>> -> memref<128xi32, #tpu.memory_space<vmem>>
      %dma_start3A_162 = arith.constant 0 : i32
      %dma_start3A_163 = arith.constant 0 : i32
      %dma_start3A_164 = tpu.memref_slice %arg19[%dma_start3A_162, %dma_start3A_163] : memref<10000x8xf32, #tpu.memory_space<vmem_shared>> -> memref<10000x8xf32, #tpu.memory_space<vmem_shared>>
      tpu.enqueue_indirect_dma source(%arg14 : memref<128x8xf32, #tpu.memory_space<vmem>>) target(%dma_start3A_164 : memref<10000x8xf32, #tpu.memory_space<vmem_shared>>) offsets(%dma_start3A_161 : memref<128xi32, #tpu.memory_space<vmem>>) semaphore(%arg22 : memref<!tpu.dma_semaphore, #tpu.memory_space<semaphore_mem>>) {add = true}
      %dma_wait3A_165 = arith.constant 1 : i32
      %dma_wait3A_166 = arith.constant 0 : i32
      %dma_wait3A_167 = tpu.memref_slice %arg8[%dma_wait3A_165, %dma_wait3A_166] : memref<2x128xi32, #tpu.memory_space<vmem>> -> memref<1x128xi32, #tpu.memory_space<vmem>>
      %dma_wait3A_168 = tpu.memref_squeeze %dma_wait3A_167 : memref<1x128xi32, #tpu.memory_space<vmem>> -> memref<128xi32, #tpu.memory_space<vmem>>
      %dma_wait3A_169 = arith.constant 0 : i32
      %dma_wait3A_170 = arith.constant 0 : i32
      %dma_wait3A_171 = tpu.memref_slice %arg18[%dma_wait3A_169, %dma_wait3A_170] : memref<10000x128xf32, #tpu.memory_space<vmem_shared>> -> memref<10000x128xf32, #tpu.memory_space<vmem_shared>>
      tpu.wait_indirect_dma semaphore(%arg22 : memref<!tpu.dma_semaphore, #tpu.memory_space<semaphore_mem>>) src(%arg16 : memref<128x128xf32, #tpu.memory_space<vmem>>) dst(%dma_wait3A_171 : memref<10000x128xf32, #tpu.memory_space<vmem_shared>>)
      %dma_wait3A_172 = arith.constant 1 : i32
      %dma_wait3A_173 = arith.constant 0 : i32
      %dma_wait3A_174 = tpu.memref_slice %arg8[%dma_wait3A_172, %dma_wait3A_173] : memref<2x128xi32, #tpu.memory_space<vmem>> -> memref<1x128xi32, #tpu.memory_space<vmem>>
      %dma_wait3A_175 = tpu.memref_squeeze %dma_wait3A_174 : memref<1x128xi32, #tpu.memory_space<vmem>> -> memref<128xi32, #tpu.memory_space<vmem>>
      %dma_wait3A_176 = arith.constant 0 : i32
      %dma_wait3A_177 = arith.constant 0 : i32
      %dma_wait3A_178 = tpu.memref_slice %arg19[%dma_wait3A_176, %dma_wait3A_177] : memref<10000x8xf32, #tpu.memory_space<vmem_shared>> -> memref<10000x8xf32, #tpu.memory_space<vmem_shared>>
      tpu.wait_indirect_dma semaphore(%arg22 : memref<!tpu.dma_semaphore, #tpu.memory_space<semaphore_mem>>) src(%arg14 : memref<128x8xf32, #tpu.memory_space<vmem>>) dst(%dma_wait3A_178 : memref<10000x8xf32, #tpu.memory_space<vmem_shared>>)
      %add3A_179 = arith.constant 2 : i32
      %add3A_180 = arith.addi %add3A_106, %add3A_179 : i32
      %add3A_181 = arith.constant 80 : i32
      %add3A_182 = arith.addi %mul3A_2, %add3A_181 : i32
      %sub3A = arith.constant 1 : i32
      %sub3A_183 = arith.subi %add3A_182, %sub3A : i32
      %min3A = arith.minsi %add3A_180, %sub3A_183 : i32
      "tpu.region"() ({
        %run_scoped3A = tpu.sem_alloc : memref<!tpu.dma_semaphore, #tpu.memory_space<semaphore_mem>>
        %dma_start3A_239 = arith.constant 0 : i32
        %dma_start3A_240 = arith.constant 0 : i32
        %dma_start3A_241 = tpu.memref_slice %arg2[%min3A, %dma_start3A_239, %dma_start3A_240] : memref<2560x2x128xi32, #tpu.memory_space<hbm>> -> memref<1x2x128xi32, #tpu.memory_space<hbm>>
        %dma_start3A_242 = tpu.memref_squeeze %dma_start3A_241 : memref<1x2x128xi32, #tpu.memory_space<hbm>> -> memref<2x128xi32, #tpu.memory_space<hbm>>
        %dma_start3A_243 = arith.constant 0 : i32
        %dma_start3A_244 = arith.constant 0 : i32
        %dma_start3A_245 = tpu.memref_slice %arg2[%min3A, %dma_start3A_243, %dma_start3A_244] : memref<2560x2x128xi32, #tpu.memory_space<hbm>> -> memref<1x2x128xi32, #tpu.memory_space<hbm>>
        %dma_start3A_246 = tpu.memref_squeeze %dma_start3A_245 : memref<1x2x128xi32, #tpu.memory_space<hbm>> -> memref<2x128xi32, #tpu.memory_space<hbm>>
        tpu.enqueue_dma source(%dma_start3A_246 : memref<2x128xi32, #tpu.memory_space<hbm>>) target(%arg8 : memref<2x128xi32, #tpu.memory_space<vmem>>) target_semaphore(%run_scoped3A : memref<!tpu.dma_semaphore, #tpu.memory_space<semaphore_mem>>)
        %dma_wait3A_247 = arith.constant 0 : i32
        %dma_wait3A_248 = arith.constant 0 : i32
        %dma_wait3A_249 = tpu.memref_slice %arg2[%min3A, %dma_wait3A_247, %dma_wait3A_248] : memref<2560x2x128xi32, #tpu.memory_space<hbm>> -> memref<1x2x128xi32, #tpu.memory_space<hbm>>
        %dma_wait3A_250 = tpu.memref_squeeze %dma_wait3A_249 : memref<1x2x128xi32, #tpu.memory_space<hbm>> -> memref<2x128xi32, #tpu.memory_space<hbm>>
        %dma_wait3A_251 = arith.constant 0 : i32
        %dma_wait3A_252 = arith.constant 0 : i32
        %dma_wait3A_253 = tpu.memref_slice %arg2[%min3A, %dma_wait3A_251, %dma_wait3A_252] : memref<2560x2x128xi32, #tpu.memory_space<hbm>> -> memref<1x2x128xi32, #tpu.memory_space<hbm>>
        %dma_wait3A_254 = tpu.memref_squeeze %dma_wait3A_253 : memref<1x2x128xi32, #tpu.memory_space<hbm>> -> memref<2x128xi32, #tpu.memory_space<hbm>>
        tpu.wait_dma2 semaphore(%run_scoped3A : memref<!tpu.dma_semaphore, #tpu.memory_space<semaphore_mem>>) src(%dma_wait3A_254 : memref<2x128xi32, #tpu.memory_space<hbm>>) dst(%arg8 : memref<2x128xi32, #tpu.memory_space<vmem>>)
        tpu.yield
      }) : () -> ()
      %dma_start3A_184 = arith.constant 0 : i32
      %dma_start3A_185 = arith.constant 0 : i32
      %dma_start3A_186 = tpu.memref_slice %arg8[%dma_start3A_184, %dma_start3A_185] : memref<2x128xi32, #tpu.memory_space<vmem>> -> memref<1x128xi32, #tpu.memory_space<vmem>>
      %dma_start3A_187 = tpu.memref_squeeze %dma_start3A_186 : memref<1x128xi32, #tpu.memory_space<vmem>> -> memref<128xi32, #tpu.memory_space<vmem>>
      %dma_start3A_188 = arith.constant 0 : i32
      %dma_start3A_189 = tpu.memref_slice %arg3[%dma_start3A_188] : memref<10240xf32, #tpu.memory_space<hbm>> -> memref<10240xf32, #tpu.memory_space<hbm>>
      tpu.enqueue_indirect_dma source(%dma_start3A_189 : memref<10240xf32, #tpu.memory_space<hbm>>) target(%arg10 : memref<128xf32, #tpu.memory_space<vmem>>) offsets(%dma_start3A_187 : memref<128xi32, #tpu.memory_space<vmem>>) semaphore(%arg20 : memref<!tpu.dma_semaphore, #tpu.memory_space<semaphore_mem>>)
      %dma_start3A_190 = arith.constant 1 : i32
      %dma_start3A_191 = arith.constant 0 : i32
      %dma_start3A_192 = tpu.memref_slice %arg8[%dma_start3A_190, %dma_start3A_191] : memref<2x128xi32, #tpu.memory_space<vmem>> -> memref<1x128xi32, #tpu.memory_space<vmem>>
      %dma_start3A_193 = tpu.memref_squeeze %dma_start3A_192 : memref<1x128xi32, #tpu.memory_space<vmem>> -> memref<128xi32, #tpu.memory_space<vmem>>
      %dma_start3A_194 = arith.constant 0 : i32
      %dma_start3A_195 = tpu.memref_slice %arg4[%dma_start3A_194] : memref<10240xf32, #tpu.memory_space<hbm>> -> memref<10240xf32, #tpu.memory_space<hbm>>
      tpu.enqueue_indirect_dma source(%dma_start3A_195 : memref<10240xf32, #tpu.memory_space<hbm>>) target(%arg12 : memref<128xf32, #tpu.memory_space<vmem>>) offsets(%dma_start3A_193 : memref<128xi32, #tpu.memory_space<vmem>>) semaphore(%arg20 : memref<!tpu.dma_semaphore, #tpu.memory_space<semaphore_mem>>)
      %dma_start3A_196 = arith.constant 0 : i32
      %dma_start3A_197 = arith.constant 0 : i32
      %dma_start3A_198 = tpu.memref_slice %arg8[%dma_start3A_196, %dma_start3A_197] : memref<2x128xi32, #tpu.memory_space<vmem>> -> memref<1x128xi32, #tpu.memory_space<vmem>>
      %dma_start3A_199 = tpu.memref_squeeze %dma_start3A_198 : memref<1x128xi32, #tpu.memory_space<vmem>> -> memref<128xi32, #tpu.memory_space<vmem>>
      %dma_start3A_200 = arith.constant 0 : i32
      %dma_start3A_201 = arith.constant 0 : i32
      %dma_start3A_202 = tpu.memref_slice %arg5[%dma_start3A_200, %dma_start3A_201] : memref<10240x128xf32, #tpu.memory_space<hbm>> -> memref<10240x128xf32, #tpu.memory_space<hbm>>
      tpu.enqueue_indirect_dma source(%dma_start3A_202 : memref<10240x128xf32, #tpu.memory_space<hbm>>) target(%arg16 : memref<128x128xf32, #tpu.memory_space<vmem>>) offsets(%dma_start3A_199 : memref<128xi32, #tpu.memory_space<vmem>>) semaphore(%arg20 : memref<!tpu.dma_semaphore, #tpu.memory_space<semaphore_mem>>)
      %dma_wait3A_203 = arith.constant 0 : i32
      %dma_wait3A_204 = arith.constant 0 : i32
      %dma_wait3A_205 = tpu.memref_slice %arg9[%dma_wait3A_203, %dma_wait3A_204] : memref<2x128xi32, #tpu.memory_space<vmem>> -> memref<1x128xi32, #tpu.memory_space<vmem>>
      %dma_wait3A_206 = tpu.memref_squeeze %dma_wait3A_205 : memref<1x128xi32, #tpu.memory_space<vmem>> -> memref<128xi32, #tpu.memory_space<vmem>>
      %dma_wait3A_207 = arith.constant 0 : i32
      %dma_wait3A_208 = tpu.memref_slice %arg3[%dma_wait3A_207] : memref<10240xf32, #tpu.memory_space<hbm>> -> memref<10240xf32, #tpu.memory_space<hbm>>
      tpu.wait_indirect_dma semaphore(%arg21 : memref<!tpu.dma_semaphore, #tpu.memory_space<semaphore_mem>>) src(%dma_wait3A_208 : memref<10240xf32, #tpu.memory_space<hbm>>) dst(%arg11 : memref<128xf32, #tpu.memory_space<vmem>>)
      %dma_wait3A_209 = arith.constant 1 : i32
      %dma_wait3A_210 = arith.constant 0 : i32
      %dma_wait3A_211 = tpu.memref_slice %arg9[%dma_wait3A_209, %dma_wait3A_210] : memref<2x128xi32, #tpu.memory_space<vmem>> -> memref<1x128xi32, #tpu.memory_space<vmem>>
      %dma_wait3A_212 = tpu.memref_squeeze %dma_wait3A_211 : memref<1x128xi32, #tpu.memory_space<vmem>> -> memref<128xi32, #tpu.memory_space<vmem>>
      %dma_wait3A_213 = arith.constant 0 : i32
      %dma_wait3A_214 = tpu.memref_slice %arg4[%dma_wait3A_213] : memref<10240xf32, #tpu.memory_space<hbm>> -> memref<10240xf32, #tpu.memory_space<hbm>>
      tpu.wait_indirect_dma semaphore(%arg21 : memref<!tpu.dma_semaphore, #tpu.memory_space<semaphore_mem>>) src(%dma_wait3A_214 : memref<10240xf32, #tpu.memory_space<hbm>>) dst(%arg13 : memref<128xf32, #tpu.memory_space<vmem>>)
      %dma_wait3A_215 = arith.constant 0 : i32
      %dma_wait3A_216 = arith.constant 0 : i32
      %dma_wait3A_217 = tpu.memref_slice %arg9[%dma_wait3A_215, %dma_wait3A_216] : memref<2x128xi32, #tpu.memory_space<vmem>> -> memref<1x128xi32, #tpu.memory_space<vmem>>
      %dma_wait3A_218 = tpu.memref_squeeze %dma_wait3A_217 : memref<1x128xi32, #tpu.memory_space<vmem>> -> memref<128xi32, #tpu.memory_space<vmem>>
      %dma_wait3A_219 = arith.constant 0 : i32
      %dma_wait3A_220 = arith.constant 0 : i32
      %dma_wait3A_221 = tpu.memref_slice %arg5[%dma_wait3A_219, %dma_wait3A_220] : memref<10240x128xf32, #tpu.memory_space<hbm>> -> memref<10240x128xf32, #tpu.memory_space<hbm>>
      tpu.wait_indirect_dma semaphore(%arg21 : memref<!tpu.dma_semaphore, #tpu.memory_space<semaphore_mem>>) src(%dma_wait3A_221 : memref<10240x128xf32, #tpu.memory_space<hbm>>) dst(%arg17 : memref<128x128xf32, #tpu.memory_space<vmem>>)
      %parallel_loop3A_222 = arith.constant 0 : i32
      %parallel_loop3A_223 = arith.constant 128 : i32
      %parallel_loop3A_224 = arith.constant 1 : i32
      scf.for %parallel_loop3A_239 = %parallel_loop3A_222 to %parallel_loop3A_223 step %parallel_loop3A_224  : i32 {
        %parallel_loop3A_240 = vector.broadcast %parallel_loop3A_239 : i32 to vector<16xi32>
        %parallel_loop3A_241 = tpu.vector_load_idx %arg11[%parallel_loop3A_240] : memref<128xf32, #tpu.memory_space<vmem>>[vector<16xi32>], vector<16xf32>,
        %parallel_loop3A_242 = tpu.vector_load_idx %arg13[%parallel_loop3A_240] : memref<128xf32, #tpu.memory_space<vmem>>[vector<16xi32>], vector<16xf32>,
        %parallel_loop3A_243 = arith.addf %parallel_loop3A_241, %parallel_loop3A_242 : vector<16xf32>
        %parallel_loop3A_244 = arith.constant 0.000000e+00 : f32
        %parallel_loop3A_245 = vector.broadcast %parallel_loop3A_244 : f32 to vector<16xf32>
        %parallel_loop3A_246 = arith.maximumf %parallel_loop3A_243, %parallel_loop3A_245 : vector<16xf32>
        %parallel_loop3A_247 = arith.constant 0.000000e+00 : f32
        %parallel_loop3A_248 = vector.broadcast %parallel_loop3A_247 : f32 to vector<16xf32>
        %parallel_loop3A_249 = arith.minimumf %parallel_loop3A_243, %parallel_loop3A_248 : vector<16xf32>
        %parallel_loop3A_250 = arith.constant 2.000000e-01 : f32
        %parallel_loop3A_251 = vector.broadcast %parallel_loop3A_250 : f32 to vector<16xf32>
        %parallel_loop3A_252 = arith.mulf %parallel_loop3A_251, %parallel_loop3A_249 : vector<16xf32>
        %parallel_loop3A_253 = arith.addf %parallel_loop3A_246, %parallel_loop3A_252 : vector<16xf32>
        %parallel_loop3A_254 = math.exp %parallel_loop3A_253 : vector<16xf32>
        tpu.vector_store_idx %arg15[%parallel_loop3A_240, %and3A_4], %parallel_loop3A_254 masked %lt3A_6 : memref<128x8xf32, #tpu.memory_space<vmem>>[vector<16xi32>, vector<16xi32>], vector<16xf32>, vector<16xi1>
        %parallel_loop3A_255 = tpu.vector_load_idx %arg17[%parallel_loop3A_240, %add3A_9] : memref<128x128xf32, #tpu.memory_space<vmem>>[vector<16xi32>, vector<16xi32>], vector<16xf32>,
        %parallel_loop3A_256 = arith.mulf %parallel_loop3A_255, %parallel_loop3A_254 : vector<16xf32>
        tpu.vector_store_idx %arg17[%parallel_loop3A_240, %add3A_9], %parallel_loop3A_256 : memref<128x128xf32, #tpu.memory_space<vmem>>[vector<16xi32>, vector<16xi32>], vector<16xf32>,
        %parallel_loop3A_257 = tpu.vector_load_idx %arg17[%parallel_loop3A_240, %add3A_12] : memref<128x128xf32, #tpu.memory_space<vmem>>[vector<16xi32>, vector<16xi32>], vector<16xf32>,
        %parallel_loop3A_258 = arith.mulf %parallel_loop3A_257, %parallel_loop3A_254 : vector<16xf32>
        tpu.vector_store_idx %arg17[%parallel_loop3A_240, %add3A_12], %parallel_loop3A_258 : memref<128x128xf32, #tpu.memory_space<vmem>>[vector<16xi32>, vector<16xi32>], vector<16xf32>,
        %parallel_loop3A_259 = tpu.vector_load_idx %arg17[%parallel_loop3A_240, %add3A_15] : memref<128x128xf32, #tpu.memory_space<vmem>>[vector<16xi32>, vector<16xi32>], vector<16xf32>,
        %parallel_loop3A_260 = arith.mulf %parallel_loop3A_259, %parallel_loop3A_254 : vector<16xf32>
        tpu.vector_store_idx %arg17[%parallel_loop3A_240, %add3A_15], %parallel_loop3A_260 : memref<128x128xf32, #tpu.memory_space<vmem>>[vector<16xi32>, vector<16xi32>], vector<16xf32>,
        %parallel_loop3A_261 = tpu.vector_load_idx %arg17[%parallel_loop3A_240, %add3A_18] : memref<128x128xf32, #tpu.memory_space<vmem>>[vector<16xi32>, vector<16xi32>], vector<16xf32>,
        %parallel_loop3A_262 = arith.mulf %parallel_loop3A_261, %parallel_loop3A_254 : vector<16xf32>
        tpu.vector_store_idx %arg17[%parallel_loop3A_240, %add3A_18], %parallel_loop3A_262 : memref<128x128xf32, #tpu.memory_space<vmem>>[vector<16xi32>, vector<16xi32>], vector<16xf32>,
        %parallel_loop3A_263 = tpu.vector_load_idx %arg17[%parallel_loop3A_240, %add3A_21] : memref<128x128xf32, #tpu.memory_space<vmem>>[vector<16xi32>, vector<16xi32>], vector<16xf32>,
        %parallel_loop3A_264 = arith.mulf %parallel_loop3A_263, %parallel_loop3A_254 : vector<16xf32>
        tpu.vector_store_idx %arg17[%parallel_loop3A_240, %add3A_21], %parallel_loop3A_264 : memref<128x128xf32, #tpu.memory_space<vmem>>[vector<16xi32>, vector<16xi32>], vector<16xf32>,
        %parallel_loop3A_265 = tpu.vector_load_idx %arg17[%parallel_loop3A_240, %add3A_24] : memref<128x128xf32, #tpu.memory_space<vmem>>[vector<16xi32>, vector<16xi32>], vector<16xf32>,
        %parallel_loop3A_266 = arith.mulf %parallel_loop3A_265, %parallel_loop3A_254 : vector<16xf32>
        tpu.vector_store_idx %arg17[%parallel_loop3A_240, %add3A_24], %parallel_loop3A_266 : memref<128x128xf32, #tpu.memory_space<vmem>>[vector<16xi32>, vector<16xi32>], vector<16xf32>,
        %parallel_loop3A_267 = tpu.vector_load_idx %arg17[%parallel_loop3A_240, %add3A_27] : memref<128x128xf32, #tpu.memory_space<vmem>>[vector<16xi32>, vector<16xi32>], vector<16xf32>,
        %parallel_loop3A_268 = arith.mulf %parallel_loop3A_267, %parallel_loop3A_254 : vector<16xf32>
        tpu.vector_store_idx %arg17[%parallel_loop3A_240, %add3A_27], %parallel_loop3A_268 : memref<128x128xf32, #tpu.memory_space<vmem>>[vector<16xi32>, vector<16xi32>], vector<16xf32>,
        %parallel_loop3A_269 = tpu.vector_load_idx %arg17[%parallel_loop3A_240, %add3A_30] : memref<128x128xf32, #tpu.memory_space<vmem>>[vector<16xi32>, vector<16xi32>], vector<16xf32>,
        %parallel_loop3A_270 = arith.mulf %parallel_loop3A_269, %parallel_loop3A_254 : vector<16xf32>
        tpu.vector_store_idx %arg17[%parallel_loop3A_240, %add3A_30], %parallel_loop3A_270 : memref<128x128xf32, #tpu.memory_space<vmem>>[vector<16xi32>, vector<16xi32>], vector<16xf32>,
      } {sc.loop_unroll_factor = 4 : i64, sc.parallel_access}
      %dma_start3A_225 = arith.constant 1 : i32
      %dma_start3A_226 = arith.constant 0 : i32
      %dma_start3A_227 = tpu.memref_slice %arg9[%dma_start3A_225, %dma_start3A_226] : memref<2x128xi32, #tpu.memory_space<vmem>> -> memref<1x128xi32, #tpu.memory_space<vmem>>
      %dma_start3A_228 = tpu.memref_squeeze %dma_start3A_227 : memref<1x128xi32, #tpu.memory_space<vmem>> -> memref<128xi32, #tpu.memory_space<vmem>>
      %dma_start3A_229 = arith.constant 0 : i32
      %dma_start3A_230 = arith.constant 0 : i32
      %dma_start3A_231 = tpu.memref_slice %arg18[%dma_start3A_229, %dma_start3A_230] : memref<10000x128xf32, #tpu.memory_space<vmem_shared>> -> memref<10000x128xf32, #tpu.memory_space<vmem_shared>>
      tpu.enqueue_indirect_dma source(%arg17 : memref<128x128xf32, #tpu.memory_space<vmem>>) target(%dma_start3A_231 : memref<10000x128xf32, #tpu.memory_space<vmem_shared>>) offsets(%dma_start3A_228 : memref<128xi32, #tpu.memory_space<vmem>>) semaphore(%arg23 : memref<!tpu.dma_semaphore, #tpu.memory_space<semaphore_mem>>) {add = true}
      %dma_start3A_232 = arith.constant 1 : i32
      %dma_start3A_233 = arith.constant 0 : i32
      %dma_start3A_234 = tpu.memref_slice %arg9[%dma_start3A_232, %dma_start3A_233] : memref<2x128xi32, #tpu.memory_space<vmem>> -> memref<1x128xi32, #tpu.memory_space<vmem>>
      %dma_start3A_235 = tpu.memref_squeeze %dma_start3A_234 : memref<1x128xi32, #tpu.memory_space<vmem>> -> memref<128xi32, #tpu.memory_space<vmem>>
      %dma_start3A_236 = arith.constant 0 : i32
      %dma_start3A_237 = arith.constant 0 : i32
      %dma_start3A_238 = tpu.memref_slice %arg19[%dma_start3A_236, %dma_start3A_237] : memref<10000x8xf32, #tpu.memory_space<vmem_shared>> -> memref<10000x8xf32, #tpu.memory_space<vmem_shared>>
      tpu.enqueue_indirect_dma source(%arg15 : memref<128x8xf32, #tpu.memory_space<vmem>>) target(%dma_start3A_238 : memref<10000x8xf32, #tpu.memory_space<vmem_shared>>) offsets(%dma_start3A_235 : memref<128xi32, #tpu.memory_space<vmem>>) semaphore(%arg23 : memref<!tpu.dma_semaphore, #tpu.memory_space<semaphore_mem>>) {add = true}
    }
    %scan3A_65 = arith.constant 40 : i32
    %dma_wait3A = arith.constant 0 : i32
    %dma_wait3A_66 = arith.constant 0 : i32
    %dma_wait3A_67 = tpu.memref_slice %arg8[%dma_wait3A, %dma_wait3A_66] : memref<2x128xi32, #tpu.memory_space<vmem>> -> memref<1x128xi32, #tpu.memory_space<vmem>>
    %dma_wait3A_68 = tpu.memref_squeeze %dma_wait3A_67 : memref<1x128xi32, #tpu.memory_space<vmem>> -> memref<128xi32, #tpu.memory_space<vmem>>
    %dma_wait3A_69 = arith.constant 0 : i32
    %dma_wait3A_70 = tpu.memref_slice %arg3[%dma_wait3A_69] : memref<10240xf32, #tpu.memory_space<hbm>> -> memref<10240xf32, #tpu.memory_space<hbm>>
    tpu.wait_indirect_dma semaphore(%arg20 : memref<!tpu.dma_semaphore, #tpu.memory_space<semaphore_mem>>) src(%dma_wait3A_70 : memref<10240xf32, #tpu.memory_space<hbm>>) dst(%arg10 : memref<128xf32, #tpu.memory_space<vmem>>)
    %dma_wait3A_71 = arith.constant 1 : i32
    %dma_wait3A_72 = arith.constant 0 : i32
    %dma_wait3A_73 = tpu.memref_slice %arg8[%dma_wait3A_71, %dma_wait3A_72] : memref<2x128xi32, #tpu.memory_space<vmem>> -> memref<1x128xi32, #tpu.memory_space<vmem>>
    %dma_wait3A_74 = tpu.memref_squeeze %dma_wait3A_73 : memref<1x128xi32, #tpu.memory_space<vmem>> -> memref<128xi32, #tpu.memory_space<vmem>>
    %dma_wait3A_75 = arith.constant 0 : i32
    %dma_wait3A_76 = tpu.memref_slice %arg4[%dma_wait3A_75] : memref<10240xf32, #tpu.memory_space<hbm>> -> memref<10240xf32, #tpu.memory_space<hbm>>
    tpu.wait_indirect_dma semaphore(%arg20 : memref<!tpu.dma_semaphore, #tpu.memory_space<semaphore_mem>>) src(%dma_wait3A_76 : memref<10240xf32, #tpu.memory_space<hbm>>) dst(%arg12 : memref<128xf32, #tpu.memory_space<vmem>>)
    %dma_wait3A_77 = arith.constant 0 : i32
    %dma_wait3A_78 = arith.constant 0 : i32
    %dma_wait3A_79 = tpu.memref_slice %arg8[%dma_wait3A_77, %dma_wait3A_78] : memref<2x128xi32, #tpu.memory_space<vmem>> -> memref<1x128xi32, #tpu.memory_space<vmem>>
    %dma_wait3A_80 = tpu.memref_squeeze %dma_wait3A_79 : memref<1x128xi32, #tpu.memory_space<vmem>> -> memref<128xi32, #tpu.memory_space<vmem>>
    %dma_wait3A_81 = arith.constant 0 : i32
    %dma_wait3A_82 = arith.constant 0 : i32
    %dma_wait3A_83 = tpu.memref_slice %arg5[%dma_wait3A_81, %dma_wait3A_82] : memref<10240x128xf32, #tpu.memory_space<hbm>> -> memref<10240x128xf32, #tpu.memory_space<hbm>>
    tpu.wait_indirect_dma semaphore(%arg20 : memref<!tpu.dma_semaphore, #tpu.memory_space<semaphore_mem>>) src(%dma_wait3A_83 : memref<10240x128xf32, #tpu.memory_space<hbm>>) dst(%arg16 : memref<128x128xf32, #tpu.memory_space<vmem>>)
    %dma_wait3A_84 = arith.constant 1 : i32
    %dma_wait3A_85 = arith.constant 0 : i32
    %dma_wait3A_86 = tpu.memref_slice %arg9[%dma_wait3A_84, %dma_wait3A_85] : memref<2x128xi32, #tpu.memory_space<vmem>> -> memref<1x128xi32, #tpu.memory_space<vmem>>
    %dma_wait3A_87 = tpu.memref_squeeze %dma_wait3A_86 : memref<1x128xi32, #tpu.memory_space<vmem>> -> memref<128xi32, #tpu.memory_space<vmem>>
    %dma_wait3A_88 = arith.constant 0 : i32
    %dma_wait3A_89 = arith.constant 0 : i32
    %dma_wait3A_90 = tpu.memref_slice %arg18[%dma_wait3A_88, %dma_wait3A_89] : memref<10000x128xf32, #tpu.memory_space<vmem_shared>> -> memref<10000x128xf32, #tpu.memory_space<vmem_shared>>
    tpu.wait_indirect_dma semaphore(%arg23 : memref<!tpu.dma_semaphore, #tpu.memory_space<semaphore_mem>>) src(%arg17 : memref<128x128xf32, #tpu.memory_space<vmem>>) dst(%dma_wait3A_90 : memref<10000x128xf32, #tpu.memory_space<vmem_shared>>)
    %dma_wait3A_91 = arith.constant 1 : i32
    %dma_wait3A_92 = arith.constant 0 : i32
    %dma_wait3A_93 = tpu.memref_slice %arg9[%dma_wait3A_91, %dma_wait3A_92] : memref<2x128xi32, #tpu.memory_space<vmem>> -> memref<1x128xi32, #tpu.memory_space<vmem>>
    %dma_wait3A_94 = tpu.memref_squeeze %dma_wait3A_93 : memref<1x128xi32, #tpu.memory_space<vmem>> -> memref<128xi32, #tpu.memory_space<vmem>>
    %dma_wait3A_95 = arith.constant 0 : i32
    %dma_wait3A_96 = arith.constant 0 : i32
    %dma_wait3A_97 = tpu.memref_slice %arg19[%dma_wait3A_95, %dma_wait3A_96] : memref<10000x8xf32, #tpu.memory_space<vmem_shared>> -> memref<10000x8xf32, #tpu.memory_space<vmem_shared>>
    tpu.wait_indirect_dma semaphore(%arg23 : memref<!tpu.dma_semaphore, #tpu.memory_space<semaphore_mem>>) src(%arg15 : memref<128x8xf32, #tpu.memory_space<vmem>>) dst(%dma_wait3A_97 : memref<10000x8xf32, #tpu.memory_space<vmem_shared>>)
    %barrier3A_98 = arith.constant 0 : index
    tpu.barrier barrier_id(%barrier3A_98)
    "tpu.region"() ({
      %run_scoped3A = tpu.sem_alloc : memref<!tpu.dma_semaphore, #tpu.memory_space<semaphore_mem>>
      %dma_start3A_99 = arith.constant 0 : i32
      %dma_start3A_100 = tpu.memref_slice %arg6[%arg0, %mul3A_37, %dma_start3A_99] : memref<2x10000x128xf32, #tpu.memory_space<hbm>> -> memref<1x625x128xf32, #tpu.memory_space<hbm>>
      %dma_start3A_101 = tpu.memref_squeeze %dma_start3A_100 : memref<1x625x128xf32, #tpu.memory_space<hbm>> -> memref<625x128xf32, #tpu.memory_space<hbm>>
      %dma_start3A_102 = arith.constant 0 : i32
      %dma_start3A_103 = tpu.memref_slice %arg18[%mul3A_37, %dma_start3A_102] : memref<10000x128xf32, #tpu.memory_space<vmem_shared>> -> memref<625x128xf32, #tpu.memory_space<vmem_shared>>
      tpu.enqueue_dma source(%dma_start3A_103 : memref<625x128xf32, #tpu.memory_space<vmem_shared>>) target(%dma_start3A_101 : memref<625x128xf32, #tpu.memory_space<hbm>>) target_semaphore(%run_scoped3A : memref<!tpu.dma_semaphore, #tpu.memory_space<semaphore_mem>>)
      %dma_wait3A_104 = arith.constant 0 : i32
      %dma_wait3A_105 = tpu.memref_slice %arg6[%arg0, %mul3A_37, %dma_wait3A_104] : memref<2x10000x128xf32, #tpu.memory_space<hbm>> -> memref<1x625x128xf32, #tpu.memory_space<hbm>>
      %dma_wait3A_106 = tpu.memref_squeeze %dma_wait3A_105 : memref<1x625x128xf32, #tpu.memory_space<hbm>> -> memref<625x128xf32, #tpu.memory_space<hbm>>
      %dma_wait3A_107 = arith.constant 0 : i32
      %dma_wait3A_108 = tpu.memref_slice %arg18[%mul3A_37, %dma_wait3A_107] : memref<10000x128xf32, #tpu.memory_space<vmem_shared>> -> memref<625x128xf32, #tpu.memory_space<vmem_shared>>
      tpu.wait_dma2 semaphore(%run_scoped3A : memref<!tpu.dma_semaphore, #tpu.memory_space<semaphore_mem>>) src(%dma_wait3A_108 : memref<625x128xf32, #tpu.memory_space<vmem_shared>>) dst(%dma_wait3A_106 : memref<625x128xf32, #tpu.memory_space<hbm>>)
      tpu.yield
    }) : () -> ()
    "tpu.region"() ({
      %run_scoped3A = tpu.sem_alloc : memref<!tpu.dma_semaphore, #tpu.memory_space<semaphore_mem>>
      %dma_start3A_99 = arith.constant 0 : i32
      %dma_start3A_100 = tpu.memref_slice %arg7[%arg0, %mul3A_37, %dma_start3A_99] : memref<2x10000x8xf32, #tpu.memory_space<hbm>> -> memref<1x625x8xf32, #tpu.memory_space<hbm>>
      %dma_start3A_101 = tpu.memref_squeeze %dma_start3A_100 : memref<1x625x8xf32, #tpu.memory_space<hbm>> -> memref<625x8xf32, #tpu.memory_space<hbm>>
      %dma_start3A_102 = arith.constant 0 : i32
      %dma_start3A_103 = tpu.memref_slice %arg19[%mul3A_37, %dma_start3A_102] : memref<10000x8xf32, #tpu.memory_space<vmem_shared>> -> memref<625x8xf32, #tpu.memory_space<vmem_shared>>
      tpu.enqueue_dma source(%dma_start3A_103 : memref<625x8xf32, #tpu.memory_space<vmem_shared>>) target(%dma_start3A_101 : memref<625x8xf32, #tpu.memory_space<hbm>>) target_semaphore(%run_scoped3A : memref<!tpu.dma_semaphore, #tpu.memory_space<semaphore_mem>>)
      %dma_wait3A_104 = arith.constant 0 : i32
      %dma_wait3A_105 = tpu.memref_slice %arg7[%arg0, %mul3A_37, %dma_wait3A_104] : memref<2x10000x8xf32, #tpu.memory_space<hbm>> -> memref<1x625x8xf32, #tpu.memory_space<hbm>>
      %dma_wait3A_106 = tpu.memref_squeeze %dma_wait3A_105 : memref<1x625x8xf32, #tpu.memory_space<hbm>> -> memref<625x8xf32, #tpu.memory_space<hbm>>
      %dma_wait3A_107 = arith.constant 0 : i32
      %dma_wait3A_108 = tpu.memref_slice %arg19[%mul3A_37, %dma_wait3A_107] : memref<10000x8xf32, #tpu.memory_space<vmem_shared>> -> memref<625x8xf32, #tpu.memory_space<vmem_shared>>
      tpu.wait_dma2 semaphore(%run_scoped3A : memref<!tpu.dma_semaphore, #tpu.memory_space<semaphore_mem>>) src(%dma_wait3A_108 : memref<625x8xf32, #tpu.memory_space<vmem_shared>>) dst(%dma_wait3A_106 : memref<625x8xf32, #tpu.memory_space<hbm>>)
      tpu.yield
    }) : () -> ()
    return
  }
}

#map = affine_map<(d0, d1) -> (0, 0, 0)>
#map1 = affine_map<(d0, d1) -> (0, 0)>
module attributes {stable_mosaic.version = 14 : i64} {
  func.func @body(%arg0: i32, %arg1: i32, %arg2: memref<2560x2x128xi32, #tpu.memory_space<hbm>>, %arg3: memref<10240x16xf32, #tpu.memory_space<hbm>>, %arg4: memref<10240x16xf32, #tpu.memory_space<hbm>>, %arg5: memref<10240x128xf32, #tpu.memory_space<hbm>>, %arg6: memref<2x10000x128xf32, #tpu.memory_space<hbm>>, %arg7: memref<2x10000x8xf32, #tpu.memory_space<hbm>>, %arg8: memref<2x128xi32, #tpu.memory_space<vmem>>, %arg9: memref<2x128xi32, #tpu.memory_space<vmem>>, %arg10: memref<128x16xf32, #tpu.memory_space<vmem>>, %arg11: memref<128x16xf32, #tpu.memory_space<vmem>>, %arg12: memref<128x16xf32, #tpu.memory_space<vmem>>, %arg13: memref<128x16xf32, #tpu.memory_space<vmem>>, %arg14: memref<128x8xf32, #tpu.memory_space<vmem>>, %arg15: memref<128x8xf32, #tpu.memory_space<vmem>>, %arg16: memref<128x128xf32, #tpu.memory_space<vmem>>, %arg17: memref<128x128xf32, #tpu.memory_space<vmem>>, %arg18: memref<10000x128xf32, #tpu.memory_space<vmem_shared>>, %arg19: memref<10000x8xf32, #tpu.memory_space<vmem_shared>>, %arg20: memref<!tpu.dma_semaphore, #tpu.memory_space<semaphore_mem>>, %arg21: memref<!tpu.dma_semaphore, #tpu.memory_space<semaphore_mem>>, %arg22: memref<!tpu.dma_semaphore, #tpu.memory_space<semaphore_mem>>, %arg23: memref<!tpu.dma_semaphore, #tpu.memory_space<semaphore_mem>>) attributes {dimension_semantics = [#tpu.dimension_semantics<core_parallel>, #tpu.dimension_semantics<subcore_parallel>], iteration_bounds = array<i64: 2, 16>, scalar_prefetch = 0 : i64, scratch_operands = 16 : i64, tpu.core_type = #tpu.core_type<sc_vector_subcore>, window_params = [{transform_indices = #map}, {transform_indices = #map1}, {transform_indices = #map1}, {transform_indices = #map1}, {transform_indices = #map}, {transform_indices = #map}]} {
    %mul3A = arith.constant 16 : i32
    %mul3A_0 = arith.muli %arg0, %mul3A : i32
    %add3A = arith.addi %mul3A_0, %arg1 : i32
    %mul3A_1 = arith.constant 80 : i32
    %mul3A_2 = arith.muli %add3A, %mul3A_1 : i32
    %iota3A = tpu.iota {dimensions = array<i32: 0>} : vector<16xi32>
    %and3A = arith.constant 7 : i32
    %and3A_3 = vector.broadcast %and3A : i32 to vector<16xi32>
    %and3A_4 = arith.andi %iota3A, %and3A_3 : vector<16xi32>
    %lt3A = arith.constant 8 : i32
    %lt3A_5 = vector.broadcast %lt3A : i32 to vector<16xi32>
    %lt3A_6 = arith.cmpi slt, %iota3A, %lt3A_5 : vector<16xi32>
    %add3A_7 = arith.constant 0 : i32
    %add3A_8 = vector.broadcast %add3A_7 : i32 to vector<16xi32>
    %add3A_9 = arith.addi %iota3A, %add3A_8 : vector<16xi32>
    %add3A_10 = arith.constant 16 : i32
    %add3A_11 = vector.broadcast %add3A_10 : i32 to vector<16xi32>
    %add3A_12 = arith.addi %iota3A, %add3A_11 : vector<16xi32>
    %add3A_13 = arith.constant 32 : i32
    %add3A_14 = vector.broadcast %add3A_13 : i32 to vector<16xi32>
    %add3A_15 = arith.addi %iota3A, %add3A_14 : vector<16xi32>
    %add3A_16 = arith.constant 48 : i32
    %add3A_17 = vector.broadcast %add3A_16 : i32 to vector<16xi32>
    %add3A_18 = arith.addi %iota3A, %add3A_17 : vector<16xi32>
    %add3A_19 = arith.constant 64 : i32
    %add3A_20 = vector.broadcast %add3A_19 : i32 to vector<16xi32>
    %add3A_21 = arith.addi %iota3A, %add3A_20 : vector<16xi32>
    %add3A_22 = arith.constant 80 : i32
    %add3A_23 = vector.broadcast %add3A_22 : i32 to vector<16xi32>
    %add3A_24 = arith.addi %iota3A, %add3A_23 : vector<16xi32>
    %add3A_25 = arith.constant 96 : i32
    %add3A_26 = vector.broadcast %add3A_25 : i32 to vector<16xi32>
    %add3A_27 = arith.addi %iota3A, %add3A_26 : vector<16xi32>
    %add3A_28 = arith.constant 112 : i32
    %add3A_29 = vector.broadcast %add3A_28 : i32 to vector<16xi32>
    %add3A_30 = arith.addi %iota3A, %add3A_29 : vector<16xi32>
    %broadcast_in_dim3A = arith.constant 0.000000e+00 : f32
    %broadcast_in_dim3A_31 = vector.broadcast %broadcast_in_dim3A : f32 to vector<16xf32>
    %scan3A = arith.constant 0 : i32
    %scan3A_32 = arith.constant 25 : i32
    %scan3A_33 = arith.addi %scan3A, %scan3A_32 : i32
    %scan3A_34 = arith.constant 1 : i32
    scf.for %scan3A_103 = %scan3A to %scan3A_33 step %scan3A_34  : i32 {
      %mul3A_104 = arith.constant 1 : i32
      %mul3A_105 = arith.muli %scan3A_103, %mul3A_104 : i32
      %add3A_106 = arith.constant 0 : i32
      %add3A_107 = arith.addi %add3A_106, %mul3A_105 : i32
      %broadcast_in_dim3A_108 = vector.broadcast %add3A_107 : i32 to vector<16xi32>
      tpu.vector_store_idx %arg16[%broadcast_in_dim3A_108, %add3A_9], %broadcast_in_dim3A_31 : memref<128x128xf32, #tpu.memory_space<vmem>>[vector<16xi32>, vector<16xi32>], vector<16xf32>,
      tpu.vector_store_idx %arg16[%broadcast_in_dim3A_108, %add3A_12], %broadcast_in_dim3A_31 : memref<128x128xf32, #tpu.memory_space<vmem>>[vector<16xi32>, vector<16xi32>], vector<16xf32>,
      tpu.vector_store_idx %arg16[%broadcast_in_dim3A_108, %add3A_15], %broadcast_in_dim3A_31 : memref<128x128xf32, #tpu.memory_space<vmem>>[vector<16xi32>, vector<16xi32>], vector<16xf32>,
      tpu.vector_store_idx %arg16[%broadcast_in_dim3A_108, %add3A_18], %broadcast_in_dim3A_31 : memref<128x128xf32, #tpu.memory_space<vmem>>[vector<16xi32>, vector<16xi32>], vector<16xf32>,
      tpu.vector_store_idx %arg16[%broadcast_in_dim3A_108, %add3A_21], %broadcast_in_dim3A_31 : memref<128x128xf32, #tpu.memory_space<vmem>>[vector<16xi32>, vector<16xi32>], vector<16xf32>,
      tpu.vector_store_idx %arg16[%broadcast_in_dim3A_108, %add3A_24], %broadcast_in_dim3A_31 : memref<128x128xf32, #tpu.memory_space<vmem>>[vector<16xi32>, vector<16xi32>], vector<16xf32>,
      tpu.vector_store_idx %arg16[%broadcast_in_dim3A_108, %add3A_27], %broadcast_in_dim3A_31 : memref<128x128xf32, #tpu.memory_space<vmem>>[vector<16xi32>, vector<16xi32>], vector<16xf32>,
      tpu.vector_store_idx %arg16[%broadcast_in_dim3A_108, %add3A_30], %broadcast_in_dim3A_31 : memref<128x128xf32, #tpu.memory_space<vmem>>[vector<16xi32>, vector<16xi32>], vector<16xf32>,
      tpu.vector_store_idx %arg14[%broadcast_in_dim3A_108, %and3A_4], %broadcast_in_dim3A_31 masked %lt3A_6 : memref<128x8xf32, #tpu.memory_space<vmem>>[vector<16xi32>, vector<16xi32>], vector<16xf32>, vector<16xi1>
    }
    %scan3A_35 = arith.constant 25 : i32
    %mul3A_36 = arith.constant 625 : i32
    %mul3A_37 = arith.muli %arg1, %mul3A_36 : i32
    %scan3A_38 = arith.constant 0 : i32
    %scan3A_39 = arith.constant 25 : i32
    %scan3A_40 = arith.addi %scan3A_38, %scan3A_39 : i32
    %scan3A_41 = arith.constant 1 : i32
    scf.for %scan3A_103 = %scan3A_38 to %scan3A_40 step %scan3A_41  : i32 {
      %mul3A_104 = arith.constant 1 : i32
      %mul3A_105 = arith.muli %scan3A_103, %mul3A_104 : i32
      %add3A_106 = arith.constant 0 : i32
      %add3A_107 = arith.addi %add3A_106, %mul3A_105 : i32
      %mul3A_108 = arith.constant 25 : i32
      %mul3A_109 = arith.muli %add3A_107, %mul3A_108 : i32
      %add3A_110 = arith.addi %mul3A_37, %mul3A_109 : i32
      "tpu.region"() ({
        %run_scoped3A = tpu.sem_alloc : memref<!tpu.dma_semaphore, #tpu.memory_space<semaphore_mem>>
        %dma_start3A_114 = arith.constant 0 : i32
        %dma_start3A_115 = arith.constant 0 : i32
        %dma_start3A_116 = tpu.memref_slice %arg16[%dma_start3A_114, %dma_start3A_115] : memref<128x128xf32, #tpu.memory_space<vmem>> -> memref<25x128xf32, #tpu.memory_space<vmem>>
        %dma_start3A_117 = arith.constant 0 : i32
        %dma_start3A_118 = tpu.memref_slice %arg18[%add3A_110, %dma_start3A_117] : memref<10000x128xf32, #tpu.memory_space<vmem_shared>> -> memref<25x128xf32, #tpu.memory_space<vmem_shared>>
        %dma_start3A_119 = arith.constant 0 : i32
        %dma_start3A_120 = tpu.memref_slice %arg18[%add3A_110, %dma_start3A_119] : memref<10000x128xf32, #tpu.memory_space<vmem_shared>> -> memref<25x128xf32, #tpu.memory_space<vmem_shared>>
        %dma_start3A_121 = arith.constant 0 : i32
        %dma_start3A_122 = arith.constant 0 : i32
        %dma_start3A_123 = tpu.memref_slice %arg16[%dma_start3A_121, %dma_start3A_122] : memref<128x128xf32, #tpu.memory_space<vmem>> -> memref<25x128xf32, #tpu.memory_space<vmem>>
        tpu.enqueue_dma source(%dma_start3A_123 : memref<25x128xf32, #tpu.memory_space<vmem>>) target(%dma_start3A_120 : memref<25x128xf32, #tpu.memory_space<vmem_shared>>) target_semaphore(%run_scoped3A : memref<!tpu.dma_semaphore, #tpu.memory_space<semaphore_mem>>)
        %dma_wait3A_124 = arith.constant 0 : i32
        %dma_wait3A_125 = arith.constant 0 : i32
        %dma_wait3A_126 = tpu.memref_slice %arg16[%dma_wait3A_124, %dma_wait3A_125] : memref<128x128xf32, #tpu.memory_space<vmem>> -> memref<25x128xf32, #tpu.memory_space<vmem>>
        %dma_wait3A_127 = arith.constant 0 : i32
        %dma_wait3A_128 = tpu.memref_slice %arg18[%add3A_110, %dma_wait3A_127] : memref<10000x128xf32, #tpu.memory_space<vmem_shared>> -> memref<25x128xf32, #tpu.memory_space<vmem_shared>>
        %dma_wait3A_129 = arith.constant 0 : i32
        %dma_wait3A_130 = tpu.memref_slice %arg18[%add3A_110, %dma_wait3A_129] : memref<10000x128xf32, #tpu.memory_space<vmem_shared>> -> memref<25x128xf32, #tpu.memory_space<vmem_shared>>
        %dma_wait3A_131 = arith.constant 0 : i32
        %dma_wait3A_132 = arith.constant 0 : i32
        %dma_wait3A_133 = tpu.memref_slice %arg16[%dma_wait3A_131, %dma_wait3A_132] : memref<128x128xf32, #tpu.memory_space<vmem>> -> memref<25x128xf32, #tpu.memory_space<vmem>>
        tpu.wait_dma2 semaphore(%run_scoped3A : memref<!tpu.dma_semaphore, #tpu.memory_space<semaphore_mem>>) src(%dma_wait3A_133 : memref<25x128xf32, #tpu.memory_space<vmem>>) dst(%dma_wait3A_130 : memref<25x128xf32, #tpu.memory_space<vmem_shared>>)
        tpu.yield
      }) : () -> ()
      %mul3A_111 = arith.constant 25 : i32
      %mul3A_112 = arith.muli %add3A_107, %mul3A_111 : i32
      %add3A_113 = arith.addi %mul3A_37, %mul3A_112 : i32
      "tpu.region"() ({
        %run_scoped3A = tpu.sem_alloc : memref<!tpu.dma_semaphore, #tpu.memory_space<semaphore_mem>>
        %dma_start3A_114 = arith.constant 0 : i32
        %dma_start3A_115 = arith.constant 0 : i32
        %dma_start3A_116 = tpu.memref_slice %arg14[%dma_start3A_114, %dma_start3A_115] : memref<128x8xf32, #tpu.memory_space<vmem>> -> memref<25x8xf32, #tpu.memory_space<vmem>>
        %dma_start3A_117 = arith.constant 0 : i32
        %dma_start3A_118 = tpu.memref_slice %arg19[%add3A_113, %dma_start3A_117] : memref<10000x8xf32, #tpu.memory_space<vmem_shared>> -> memref<25x8xf32, #tpu.memory_space<vmem_shared>>
        %dma_start3A_119 = arith.constant 0 : i32
        %dma_start3A_120 = tpu.memref_slice %arg19[%add3A_113, %dma_start3A_119] : memref<10000x8xf32, #tpu.memory_space<vmem_shared>> -> memref<25x8xf32, #tpu.memory_space<vmem_shared>>
        %dma_start3A_121 = arith.constant 0 : i32
        %dma_start3A_122 = arith.constant 0 : i32
        %dma_start3A_123 = tpu.memref_slice %arg14[%dma_start3A_121, %dma_start3A_122] : memref<128x8xf32, #tpu.memory_space<vmem>> -> memref<25x8xf32, #tpu.memory_space<vmem>>
        tpu.enqueue_dma source(%dma_start3A_123 : memref<25x8xf32, #tpu.memory_space<vmem>>) target(%dma_start3A_120 : memref<25x8xf32, #tpu.memory_space<vmem_shared>>) target_semaphore(%run_scoped3A : memref<!tpu.dma_semaphore, #tpu.memory_space<semaphore_mem>>)
        %dma_wait3A_124 = arith.constant 0 : i32
        %dma_wait3A_125 = arith.constant 0 : i32
        %dma_wait3A_126 = tpu.memref_slice %arg14[%dma_wait3A_124, %dma_wait3A_125] : memref<128x8xf32, #tpu.memory_space<vmem>> -> memref<25x8xf32, #tpu.memory_space<vmem>>
        %dma_wait3A_127 = arith.constant 0 : i32
        %dma_wait3A_128 = tpu.memref_slice %arg19[%add3A_113, %dma_wait3A_127] : memref<10000x8xf32, #tpu.memory_space<vmem_shared>> -> memref<25x8xf32, #tpu.memory_space<vmem_shared>>
        %dma_wait3A_129 = arith.constant 0 : i32
        %dma_wait3A_130 = tpu.memref_slice %arg19[%add3A_113, %dma_wait3A_129] : memref<10000x8xf32, #tpu.memory_space<vmem_shared>> -> memref<25x8xf32, #tpu.memory_space<vmem_shared>>
        %dma_wait3A_131 = arith.constant 0 : i32
        %dma_wait3A_132 = arith.constant 0 : i32
        %dma_wait3A_133 = tpu.memref_slice %arg14[%dma_wait3A_131, %dma_wait3A_132] : memref<128x8xf32, #tpu.memory_space<vmem>> -> memref<25x8xf32, #tpu.memory_space<vmem>>
        tpu.wait_dma2 semaphore(%run_scoped3A : memref<!tpu.dma_semaphore, #tpu.memory_space<semaphore_mem>>) src(%dma_wait3A_133 : memref<25x8xf32, #tpu.memory_space<vmem>>) dst(%dma_wait3A_130 : memref<25x8xf32, #tpu.memory_space<vmem_shared>>)
        tpu.yield
      }) : () -> ()
    }
    %scan3A_42 = arith.constant 25 : i32
    %barrier3A = arith.constant 0 : index
    tpu.barrier barrier_id(%barrier3A)
    "tpu.region"() ({
      %run_scoped3A = tpu.sem_alloc : memref<!tpu.dma_semaphore, #tpu.memory_space<semaphore_mem>>
      %dma_start3A_103 = arith.constant 0 : i32
      %dma_start3A_104 = arith.constant 0 : i32
      %dma_start3A_105 = tpu.memref_slice %arg2[%mul3A_2, %dma_start3A_103, %dma_start3A_104] : memref<2560x2x128xi32, #tpu.memory_space<hbm>> -> memref<1x2x128xi32, #tpu.memory_space<hbm>>
      %dma_start3A_106 = tpu.memref_squeeze %dma_start3A_105 : memref<1x2x128xi32, #tpu.memory_space<hbm>> -> memref<2x128xi32, #tpu.memory_space<hbm>>
      %dma_start3A_107 = arith.constant 0 : i32
      %dma_start3A_108 = arith.constant 0 : i32
      %dma_start3A_109 = tpu.memref_slice %arg2[%mul3A_2, %dma_start3A_107, %dma_start3A_108] : memref<2560x2x128xi32, #tpu.memory_space<hbm>> -> memref<1x2x128xi32, #tpu.memory_space<hbm>>
      %dma_start3A_110 = tpu.memref_squeeze %dma_start3A_109 : memref<1x2x128xi32, #tpu.memory_space<hbm>> -> memref<2x128xi32, #tpu.memory_space<hbm>>
      tpu.enqueue_dma source(%dma_start3A_110 : memref<2x128xi32, #tpu.memory_space<hbm>>) target(%arg8 : memref<2x128xi32, #tpu.memory_space<vmem>>) target_semaphore(%run_scoped3A : memref<!tpu.dma_semaphore, #tpu.memory_space<semaphore_mem>>)
      %dma_wait3A_111 = arith.constant 0 : i32
      %dma_wait3A_112 = arith.constant 0 : i32
      %dma_wait3A_113 = tpu.memref_slice %arg2[%mul3A_2, %dma_wait3A_111, %dma_wait3A_112] : memref<2560x2x128xi32, #tpu.memory_space<hbm>> -> memref<1x2x128xi32, #tpu.memory_space<hbm>>
      %dma_wait3A_114 = tpu.memref_squeeze %dma_wait3A_113 : memref<1x2x128xi32, #tpu.memory_space<hbm>> -> memref<2x128xi32, #tpu.memory_space<hbm>>
      %dma_wait3A_115 = arith.constant 0 : i32
      %dma_wait3A_116 = arith.constant 0 : i32
      %dma_wait3A_117 = tpu.memref_slice %arg2[%mul3A_2, %dma_wait3A_115, %dma_wait3A_116] : memref<2560x2x128xi32, #tpu.memory_space<hbm>> -> memref<1x2x128xi32, #tpu.memory_space<hbm>>
      %dma_wait3A_118 = tpu.memref_squeeze %dma_wait3A_117 : memref<1x2x128xi32, #tpu.memory_space<hbm>> -> memref<2x128xi32, #tpu.memory_space<hbm>>
      tpu.wait_dma2 semaphore(%run_scoped3A : memref<!tpu.dma_semaphore, #tpu.memory_space<semaphore_mem>>) src(%dma_wait3A_118 : memref<2x128xi32, #tpu.memory_space<hbm>>) dst(%arg8 : memref<2x128xi32, #tpu.memory_space<vmem>>)
      tpu.yield
    }) : () -> ()
    %dma_start3A = arith.constant 0 : i32
    %dma_start3A_43 = arith.constant 0 : i32
    %dma_start3A_44 = tpu.memref_slice %arg8[%dma_start3A, %dma_start3A_43] : memref<2x128xi32, #tpu.memory_space<vmem>> -> memref<1x128xi32, #tpu.memory_space<vmem>>
    %dma_start3A_45 = tpu.memref_squeeze %dma_start3A_44 : memref<1x128xi32, #tpu.memory_space<vmem>> -> memref<128xi32, #tpu.memory_space<vmem>>
    %dma_start3A_46 = arith.constant 0 : i32
    %dma_start3A_47 = arith.constant 0 : i32
    %dma_start3A_48 = tpu.memref_slice %arg3[%dma_start3A_46, %dma_start3A_47] : memref<10240x16xf32, #tpu.memory_space<hbm>> -> memref<10240x16xf32, #tpu.memory_space<hbm>>
    tpu.enqueue_indirect_dma source(%dma_start3A_48 : memref<10240x16xf32, #tpu.memory_space<hbm>>) target(%arg10 : memref<128x16xf32, #tpu.memory_space<vmem>>) offsets(%dma_start3A_45 : memref<128xi32, #tpu.memory_space<vmem>>) semaphore(%arg20 : memref<!tpu.dma_semaphore, #tpu.memory_space<semaphore_mem>>)
    %dma_start3A_49 = arith.constant 1 : i32
    %dma_start3A_50 = arith.constant 0 : i32
    %dma_start3A_51 = tpu.memref_slice %arg8[%dma_start3A_49, %dma_start3A_50] : memref<2x128xi32, #tpu.memory_space<vmem>> -> memref<1x128xi32, #tpu.memory_space<vmem>>
    %dma_start3A_52 = tpu.memref_squeeze %dma_start3A_51 : memref<1x128xi32, #tpu.memory_space<vmem>> -> memref<128xi32, #tpu.memory_space<vmem>>
    %dma_start3A_53 = arith.constant 0 : i32
    %dma_start3A_54 = arith.constant 0 : i32
    %dma_start3A_55 = tpu.memref_slice %arg4[%dma_start3A_53, %dma_start3A_54] : memref<10240x16xf32, #tpu.memory_space<hbm>> -> memref<10240x16xf32, #tpu.memory_space<hbm>>
    tpu.enqueue_indirect_dma source(%dma_start3A_55 : memref<10240x16xf32, #tpu.memory_space<hbm>>) target(%arg12 : memref<128x16xf32, #tpu.memory_space<vmem>>) offsets(%dma_start3A_52 : memref<128xi32, #tpu.memory_space<vmem>>) semaphore(%arg20 : memref<!tpu.dma_semaphore, #tpu.memory_space<semaphore_mem>>)
    %dma_start3A_56 = arith.constant 0 : i32
    %dma_start3A_57 = arith.constant 0 : i32
    %dma_start3A_58 = tpu.memref_slice %arg8[%dma_start3A_56, %dma_start3A_57] : memref<2x128xi32, #tpu.memory_space<vmem>> -> memref<1x128xi32, #tpu.memory_space<vmem>>
    %dma_start3A_59 = tpu.memref_squeeze %dma_start3A_58 : memref<1x128xi32, #tpu.memory_space<vmem>> -> memref<128xi32, #tpu.memory_space<vmem>>
    %dma_start3A_60 = arith.constant 0 : i32
    %dma_start3A_61 = arith.constant 0 : i32
    %dma_start3A_62 = tpu.memref_slice %arg5[%dma_start3A_60, %dma_start3A_61] : memref<10240x128xf32, #tpu.memory_space<hbm>> -> memref<10240x128xf32, #tpu.memory_space<hbm>>
    tpu.enqueue_indirect_dma source(%dma_start3A_62 : memref<10240x128xf32, #tpu.memory_space<hbm>>) target(%arg16 : memref<128x128xf32, #tpu.memory_space<vmem>>) offsets(%dma_start3A_59 : memref<128xi32, #tpu.memory_space<vmem>>) semaphore(%arg20 : memref<!tpu.dma_semaphore, #tpu.memory_space<semaphore_mem>>)
    %scan3A_63 = arith.constant 0 : i32
    %scan3A_64 = arith.constant 40 : i32
    %scan3A_65 = arith.addi %scan3A_63, %scan3A_64 : i32
    %scan3A_66 = arith.constant 1 : i32
    scf.for %scan3A_103 = %scan3A_63 to %scan3A_65 step %scan3A_66  : i32 {
      %mul3A_104 = arith.constant 1 : i32
      %mul3A_105 = arith.muli %scan3A_103, %mul3A_104 : i32
      %add3A_106 = arith.constant 0 : i32
      %add3A_107 = arith.addi %add3A_106, %mul3A_105 : i32
      %mul3A_108 = arith.constant 2 : i32
      %mul3A_109 = arith.muli %mul3A_108, %add3A_107 : i32
      %add3A_110 = arith.addi %mul3A_2, %mul3A_109 : i32
      %gt3A = arith.constant 0 : i32
      %gt3A_111 = arith.cmpi sgt, %add3A_107, %gt3A : i32
      %convert_element_type3A = arith.extui %gt3A_111 : i1 to i32
      %cond3A = arith.constant 0 : i32
      %cond3A_112 = arith.cmpi ne, %convert_element_type3A, %cond3A : i32
      scf.if %cond3A_112 {
        %dma_wait3A_251 = arith.constant 1 : i32
        %dma_wait3A_252 = arith.constant 0 : i32
        %dma_wait3A_253 = tpu.memref_slice %arg9[%dma_wait3A_251, %dma_wait3A_252] : memref<2x128xi32, #tpu.memory_space<vmem>> -> memref<1x128xi32, #tpu.memory_space<vmem>>
        %dma_wait3A_254 = tpu.memref_squeeze %dma_wait3A_253 : memref<1x128xi32, #tpu.memory_space<vmem>> -> memref<128xi32, #tpu.memory_space<vmem>>
        %dma_wait3A_255 = arith.constant 0 : i32
        %dma_wait3A_256 = arith.constant 0 : i32
        %dma_wait3A_257 = tpu.memref_slice %arg18[%dma_wait3A_255, %dma_wait3A_256] : memref<10000x128xf32, #tpu.memory_space<vmem_shared>> -> memref<10000x128xf32, #tpu.memory_space<vmem_shared>>
        tpu.wait_indirect_dma semaphore(%arg23 : memref<!tpu.dma_semaphore, #tpu.memory_space<semaphore_mem>>) src(%arg17 : memref<128x128xf32, #tpu.memory_space<vmem>>) dst(%dma_wait3A_257 : memref<10000x128xf32, #tpu.memory_space<vmem_shared>>)
        %dma_wait3A_258 = arith.constant 1 : i32
        %dma_wait3A_259 = arith.constant 0 : i32
        %dma_wait3A_260 = tpu.memref_slice %arg9[%dma_wait3A_258, %dma_wait3A_259] : memref<2x128xi32, #tpu.memory_space<vmem>> -> memref<1x128xi32, #tpu.memory_space<vmem>>
        %dma_wait3A_261 = tpu.memref_squeeze %dma_wait3A_260 : memref<1x128xi32, #tpu.memory_space<vmem>> -> memref<128xi32, #tpu.memory_space<vmem>>
        %dma_wait3A_262 = arith.constant 0 : i32
        %dma_wait3A_263 = arith.constant 0 : i32
        %dma_wait3A_264 = tpu.memref_slice %arg19[%dma_wait3A_262, %dma_wait3A_263] : memref<10000x8xf32, #tpu.memory_space<vmem_shared>> -> memref<10000x8xf32, #tpu.memory_space<vmem_shared>>
        tpu.wait_indirect_dma semaphore(%arg23 : memref<!tpu.dma_semaphore, #tpu.memory_space<semaphore_mem>>) src(%arg15 : memref<128x8xf32, #tpu.memory_space<vmem>>) dst(%dma_wait3A_264 : memref<10000x8xf32, #tpu.memory_space<vmem_shared>>)
      } else {
      }
      %add3A_113 = arith.constant 1 : i32
      %add3A_114 = arith.addi %add3A_110, %add3A_113 : i32
      "tpu.region"() ({
        %run_scoped3A = tpu.sem_alloc : memref<!tpu.dma_semaphore, #tpu.memory_space<semaphore_mem>>
        %dma_start3A_251 = arith.constant 0 : i32
        %dma_start3A_252 = arith.constant 0 : i32
        %dma_start3A_253 = tpu.memref_slice %arg2[%add3A_114, %dma_start3A_251, %dma_start3A_252] : memref<2560x2x128xi32, #tpu.memory_space<hbm>> -> memref<1x2x128xi32, #tpu.memory_space<hbm>>
        %dma_start3A_254 = tpu.memref_squeeze %dma_start3A_253 : memref<1x2x128xi32, #tpu.memory_space<hbm>> -> memref<2x128xi32, #tpu.memory_space<hbm>>
        %dma_start3A_255 = arith.constant 0 : i32
        %dma_start3A_256 = arith.constant 0 : i32
        %dma_start3A_257 = tpu.memref_slice %arg2[%add3A_114, %dma_start3A_255, %dma_start3A_256] : memref<2560x2x128xi32, #tpu.memory_space<hbm>> -> memref<1x2x128xi32, #tpu.memory_space<hbm>>
        %dma_start3A_258 = tpu.memref_squeeze %dma_start3A_257 : memref<1x2x128xi32, #tpu.memory_space<hbm>> -> memref<2x128xi32, #tpu.memory_space<hbm>>
        tpu.enqueue_dma source(%dma_start3A_258 : memref<2x128xi32, #tpu.memory_space<hbm>>) target(%arg9 : memref<2x128xi32, #tpu.memory_space<vmem>>) target_semaphore(%run_scoped3A : memref<!tpu.dma_semaphore, #tpu.memory_space<semaphore_mem>>)
        %dma_wait3A_259 = arith.constant 0 : i32
        %dma_wait3A_260 = arith.constant 0 : i32
        %dma_wait3A_261 = tpu.memref_slice %arg2[%add3A_114, %dma_wait3A_259, %dma_wait3A_260] : memref<2560x2x128xi32, #tpu.memory_space<hbm>> -> memref<1x2x128xi32, #tpu.memory_space<hbm>>
        %dma_wait3A_262 = tpu.memref_squeeze %dma_wait3A_261 : memref<1x2x128xi32, #tpu.memory_space<hbm>> -> memref<2x128xi32, #tpu.memory_space<hbm>>
        %dma_wait3A_263 = arith.constant 0 : i32
        %dma_wait3A_264 = arith.constant 0 : i32
        %dma_wait3A_265 = tpu.memref_slice %arg2[%add3A_114, %dma_wait3A_263, %dma_wait3A_264] : memref<2560x2x128xi32, #tpu.memory_space<hbm>> -> memref<1x2x128xi32, #tpu.memory_space<hbm>>
        %dma_wait3A_266 = tpu.memref_squeeze %dma_wait3A_265 : memref<1x2x128xi32, #tpu.memory_space<hbm>> -> memref<2x128xi32, #tpu.memory_space<hbm>>
        tpu.wait_dma2 semaphore(%run_scoped3A : memref<!tpu.dma_semaphore, #tpu.memory_space<semaphore_mem>>) src(%dma_wait3A_266 : memref<2x128xi32, #tpu.memory_space<hbm>>) dst(%arg9 : memref<2x128xi32, #tpu.memory_space<vmem>>)
        tpu.yield
      }) : () -> ()
      %dma_start3A_115 = arith.constant 0 : i32
      %dma_start3A_116 = arith.constant 0 : i32
      %dma_start3A_117 = tpu.memref_slice %arg9[%dma_start3A_115, %dma_start3A_116] : memref<2x128xi32, #tpu.memory_space<vmem>> -> memref<1x128xi32, #tpu.memory_space<vmem>>
      %dma_start3A_118 = tpu.memref_squeeze %dma_start3A_117 : memref<1x128xi32, #tpu.memory_space<vmem>> -> memref<128xi32, #tpu.memory_space<vmem>>
      %dma_start3A_119 = arith.constant 0 : i32
      %dma_start3A_120 = arith.constant 0 : i32
      %dma_start3A_121 = tpu.memref_slice %arg3[%dma_start3A_119, %dma_start3A_120] : memref<10240x16xf32, #tpu.memory_space<hbm>> -> memref<10240x16xf32, #tpu.memory_space<hbm>>
      tpu.enqueue_indirect_dma source(%dma_start3A_121 : memref<10240x16xf32, #tpu.memory_space<hbm>>) target(%arg11 : memref<128x16xf32, #tpu.memory_space<vmem>>) offsets(%dma_start3A_118 : memref<128xi32, #tpu.memory_space<vmem>>) semaphore(%arg21 : memref<!tpu.dma_semaphore, #tpu.memory_space<semaphore_mem>>)
      %dma_start3A_122 = arith.constant 1 : i32
      %dma_start3A_123 = arith.constant 0 : i32
      %dma_start3A_124 = tpu.memref_slice %arg9[%dma_start3A_122, %dma_start3A_123] : memref<2x128xi32, #tpu.memory_space<vmem>> -> memref<1x128xi32, #tpu.memory_space<vmem>>
      %dma_start3A_125 = tpu.memref_squeeze %dma_start3A_124 : memref<1x128xi32, #tpu.memory_space<vmem>> -> memref<128xi32, #tpu.memory_space<vmem>>
      %dma_start3A_126 = arith.constant 0 : i32
      %dma_start3A_127 = arith.constant 0 : i32
      %dma_start3A_128 = tpu.memref_slice %arg4[%dma_start3A_126, %dma_start3A_127] : memref<10240x16xf32, #tpu.memory_space<hbm>> -> memref<10240x16xf32, #tpu.memory_space<hbm>>
      tpu.enqueue_indirect_dma source(%dma_start3A_128 : memref<10240x16xf32, #tpu.memory_space<hbm>>) target(%arg13 : memref<128x16xf32, #tpu.memory_space<vmem>>) offsets(%dma_start3A_125 : memref<128xi32, #tpu.memory_space<vmem>>) semaphore(%arg21 : memref<!tpu.dma_semaphore, #tpu.memory_space<semaphore_mem>>)
      %dma_start3A_129 = arith.constant 0 : i32
      %dma_start3A_130 = arith.constant 0 : i32
      %dma_start3A_131 = tpu.memref_slice %arg9[%dma_start3A_129, %dma_start3A_130] : memref<2x128xi32, #tpu.memory_space<vmem>> -> memref<1x128xi32, #tpu.memory_space<vmem>>
      %dma_start3A_132 = tpu.memref_squeeze %dma_start3A_131 : memref<1x128xi32, #tpu.memory_space<vmem>> -> memref<128xi32, #tpu.memory_space<vmem>>
      %dma_start3A_133 = arith.constant 0 : i32
      %dma_start3A_134 = arith.constant 0 : i32
      %dma_start3A_135 = tpu.memref_slice %arg5[%dma_start3A_133, %dma_start3A_134] : memref<10240x128xf32, #tpu.memory_space<hbm>> -> memref<10240x128xf32, #tpu.memory_space<hbm>>
      tpu.enqueue_indirect_dma source(%dma_start3A_135 : memref<10240x128xf32, #tpu.memory_space<hbm>>) target(%arg17 : memref<128x128xf32, #tpu.memory_space<vmem>>) offsets(%dma_start3A_132 : memref<128xi32, #tpu.memory_space<vmem>>) semaphore(%arg21 : memref<!tpu.dma_semaphore, #tpu.memory_space<semaphore_mem>>)
      %dma_wait3A_136 = arith.constant 0 : i32
      %dma_wait3A_137 = arith.constant 0 : i32
      %dma_wait3A_138 = tpu.memref_slice %arg8[%dma_wait3A_136, %dma_wait3A_137] : memref<2x128xi32, #tpu.memory_space<vmem>> -> memref<1x128xi32, #tpu.memory_space<vmem>>
      %dma_wait3A_139 = tpu.memref_squeeze %dma_wait3A_138 : memref<1x128xi32, #tpu.memory_space<vmem>> -> memref<128xi32, #tpu.memory_space<vmem>>
      %dma_wait3A_140 = arith.constant 0 : i32
      %dma_wait3A_141 = arith.constant 0 : i32
      %dma_wait3A_142 = tpu.memref_slice %arg3[%dma_wait3A_140, %dma_wait3A_141] : memref<10240x16xf32, #tpu.memory_space<hbm>> -> memref<10240x16xf32, #tpu.memory_space<hbm>>
      tpu.wait_indirect_dma semaphore(%arg20 : memref<!tpu.dma_semaphore, #tpu.memory_space<semaphore_mem>>) src(%dma_wait3A_142 : memref<10240x16xf32, #tpu.memory_space<hbm>>) dst(%arg10 : memref<128x16xf32, #tpu.memory_space<vmem>>)
      %dma_wait3A_143 = arith.constant 1 : i32
      %dma_wait3A_144 = arith.constant 0 : i32
      %dma_wait3A_145 = tpu.memref_slice %arg8[%dma_wait3A_143, %dma_wait3A_144] : memref<2x128xi32, #tpu.memory_space<vmem>> -> memref<1x128xi32, #tpu.memory_space<vmem>>
      %dma_wait3A_146 = tpu.memref_squeeze %dma_wait3A_145 : memref<1x128xi32, #tpu.memory_space<vmem>> -> memref<128xi32, #tpu.memory_space<vmem>>
      %dma_wait3A_147 = arith.constant 0 : i32
      %dma_wait3A_148 = arith.constant 0 : i32
      %dma_wait3A_149 = tpu.memref_slice %arg4[%dma_wait3A_147, %dma_wait3A_148] : memref<10240x16xf32, #tpu.memory_space<hbm>> -> memref<10240x16xf32, #tpu.memory_space<hbm>>
      tpu.wait_indirect_dma semaphore(%arg20 : memref<!tpu.dma_semaphore, #tpu.memory_space<semaphore_mem>>) src(%dma_wait3A_149 : memref<10240x16xf32, #tpu.memory_space<hbm>>) dst(%arg12 : memref<128x16xf32, #tpu.memory_space<vmem>>)
      %dma_wait3A_150 = arith.constant 0 : i32
      %dma_wait3A_151 = arith.constant 0 : i32
      %dma_wait3A_152 = tpu.memref_slice %arg8[%dma_wait3A_150, %dma_wait3A_151] : memref<2x128xi32, #tpu.memory_space<vmem>> -> memref<1x128xi32, #tpu.memory_space<vmem>>
      %dma_wait3A_153 = tpu.memref_squeeze %dma_wait3A_152 : memref<1x128xi32, #tpu.memory_space<vmem>> -> memref<128xi32, #tpu.memory_space<vmem>>
      %dma_wait3A_154 = arith.constant 0 : i32
      %dma_wait3A_155 = arith.constant 0 : i32
      %dma_wait3A_156 = tpu.memref_slice %arg5[%dma_wait3A_154, %dma_wait3A_155] : memref<10240x128xf32, #tpu.memory_space<hbm>> -> memref<10240x128xf32, #tpu.memory_space<hbm>>
      tpu.wait_indirect_dma semaphore(%arg20 : memref<!tpu.dma_semaphore, #tpu.memory_space<semaphore_mem>>) src(%dma_wait3A_156 : memref<10240x128xf32, #tpu.memory_space<hbm>>) dst(%arg16 : memref<128x128xf32, #tpu.memory_space<vmem>>)
      %parallel_loop3A = arith.constant 0 : i32
      %parallel_loop3A_157 = arith.constant 128 : i32
      %parallel_loop3A_158 = arith.constant 1 : i32
      scf.for %parallel_loop3A_251 = %parallel_loop3A to %parallel_loop3A_157 step %parallel_loop3A_158  : i32 {
        %parallel_loop3A_252 = vector.broadcast %parallel_loop3A_251 : i32 to vector<16xi32>
        %parallel_loop3A_253 = tpu.vector_load_idx %arg10[%parallel_loop3A_252, %iota3A] : memref<128x16xf32, #tpu.memory_space<vmem>>[vector<16xi32>, vector<16xi32>], vector<16xf32>,
        %parallel_loop3A_254 = tpu.vector_load_idx %arg12[%parallel_loop3A_252, %iota3A] : memref<128x16xf32, #tpu.memory_space<vmem>>[vector<16xi32>, vector<16xi32>], vector<16xf32>,
        %parallel_loop3A_255 = arith.addf %parallel_loop3A_253, %parallel_loop3A_254 : vector<16xf32>
        %parallel_loop3A_256 = arith.constant 0.000000e+00 : f32
        %parallel_loop3A_257 = vector.broadcast %parallel_loop3A_256 : f32 to vector<16xf32>
        %parallel_loop3A_258 = arith.maximumf %parallel_loop3A_255, %parallel_loop3A_257 : vector<16xf32>
        %parallel_loop3A_259 = arith.constant 0.000000e+00 : f32
        %parallel_loop3A_260 = vector.broadcast %parallel_loop3A_259 : f32 to vector<16xf32>
        %parallel_loop3A_261 = arith.minimumf %parallel_loop3A_255, %parallel_loop3A_260 : vector<16xf32>
        %parallel_loop3A_262 = arith.constant 2.000000e-01 : f32
        %parallel_loop3A_263 = vector.broadcast %parallel_loop3A_262 : f32 to vector<16xf32>
        %parallel_loop3A_264 = arith.mulf %parallel_loop3A_263, %parallel_loop3A_261 : vector<16xf32>
        %parallel_loop3A_265 = arith.addf %parallel_loop3A_258, %parallel_loop3A_264 : vector<16xf32>
        %parallel_loop3A_266 = math.exp %parallel_loop3A_265 : vector<16xf32>
        tpu.vector_store_idx %arg14[%parallel_loop3A_252, %and3A_4], %parallel_loop3A_266 masked %lt3A_6 : memref<128x8xf32, #tpu.memory_space<vmem>>[vector<16xi32>, vector<16xi32>], vector<16xf32>, vector<16xi1>
        %parallel_loop3A_267 = arith.constant 0 : i32
        %parallel_loop3A_268 = vector.broadcast %parallel_loop3A_267 : i32 to vector<16x1xi32>
        %parallel_loop3A_269 = vector.shape_cast %parallel_loop3A_268 : vector<16x1xi32> to vector<16xi32>
        %parallel_loop3A_270 = tpu.dynamic_gather %parallel_loop3A_266[%parallel_loop3A_269] in [0] : vector<16xf32>, vector<16xi32> -> vector<16xf32>
        %parallel_loop3A_271 = tpu.vector_load_idx %arg16[%parallel_loop3A_252, %add3A_9] : memref<128x128xf32, #tpu.memory_space<vmem>>[vector<16xi32>, vector<16xi32>], vector<16xf32>,
        %parallel_loop3A_272 = arith.mulf %parallel_loop3A_271, %parallel_loop3A_270 : vector<16xf32>
        tpu.vector_store_idx %arg16[%parallel_loop3A_252, %add3A_9], %parallel_loop3A_272 : memref<128x128xf32, #tpu.memory_space<vmem>>[vector<16xi32>, vector<16xi32>], vector<16xf32>,
        %parallel_loop3A_273 = arith.constant 1 : i32
        %parallel_loop3A_274 = vector.broadcast %parallel_loop3A_273 : i32 to vector<16x1xi32>
        %parallel_loop3A_275 = vector.shape_cast %parallel_loop3A_274 : vector<16x1xi32> to vector<16xi32>
        %parallel_loop3A_276 = tpu.dynamic_gather %parallel_loop3A_266[%parallel_loop3A_275] in [0] : vector<16xf32>, vector<16xi32> -> vector<16xf32>
        %parallel_loop3A_277 = tpu.vector_load_idx %arg16[%parallel_loop3A_252, %add3A_12] : memref<128x128xf32, #tpu.memory_space<vmem>>[vector<16xi32>, vector<16xi32>], vector<16xf32>,
        %parallel_loop3A_278 = arith.mulf %parallel_loop3A_277, %parallel_loop3A_276 : vector<16xf32>
        tpu.vector_store_idx %arg16[%parallel_loop3A_252, %add3A_12], %parallel_loop3A_278 : memref<128x128xf32, #tpu.memory_space<vmem>>[vector<16xi32>, vector<16xi32>], vector<16xf32>,
        %parallel_loop3A_279 = arith.constant 2 : i32
        %parallel_loop3A_280 = vector.broadcast %parallel_loop3A_279 : i32 to vector<16x1xi32>
        %parallel_loop3A_281 = vector.shape_cast %parallel_loop3A_280 : vector<16x1xi32> to vector<16xi32>
        %parallel_loop3A_282 = tpu.dynamic_gather %parallel_loop3A_266[%parallel_loop3A_281] in [0] : vector<16xf32>, vector<16xi32> -> vector<16xf32>
        %parallel_loop3A_283 = tpu.vector_load_idx %arg16[%parallel_loop3A_252, %add3A_15] : memref<128x128xf32, #tpu.memory_space<vmem>>[vector<16xi32>, vector<16xi32>], vector<16xf32>,
        %parallel_loop3A_284 = arith.mulf %parallel_loop3A_283, %parallel_loop3A_282 : vector<16xf32>
        tpu.vector_store_idx %arg16[%parallel_loop3A_252, %add3A_15], %parallel_loop3A_284 : memref<128x128xf32, #tpu.memory_space<vmem>>[vector<16xi32>, vector<16xi32>], vector<16xf32>,
        %parallel_loop3A_285 = arith.constant 3 : i32
        %parallel_loop3A_286 = vector.broadcast %parallel_loop3A_285 : i32 to vector<16x1xi32>
        %parallel_loop3A_287 = vector.shape_cast %parallel_loop3A_286 : vector<16x1xi32> to vector<16xi32>
        %parallel_loop3A_288 = tpu.dynamic_gather %parallel_loop3A_266[%parallel_loop3A_287] in [0] : vector<16xf32>, vector<16xi32> -> vector<16xf32>
        %parallel_loop3A_289 = tpu.vector_load_idx %arg16[%parallel_loop3A_252, %add3A_18] : memref<128x128xf32, #tpu.memory_space<vmem>>[vector<16xi32>, vector<16xi32>], vector<16xf32>,
        %parallel_loop3A_290 = arith.mulf %parallel_loop3A_289, %parallel_loop3A_288 : vector<16xf32>
        tpu.vector_store_idx %arg16[%parallel_loop3A_252, %add3A_18], %parallel_loop3A_290 : memref<128x128xf32, #tpu.memory_space<vmem>>[vector<16xi32>, vector<16xi32>], vector<16xf32>,
        %parallel_loop3A_291 = arith.constant 4 : i32
        %parallel_loop3A_292 = vector.broadcast %parallel_loop3A_291 : i32 to vector<16x1xi32>
        %parallel_loop3A_293 = vector.shape_cast %parallel_loop3A_292 : vector<16x1xi32> to vector<16xi32>
        %parallel_loop3A_294 = tpu.dynamic_gather %parallel_loop3A_266[%parallel_loop3A_293] in [0] : vector<16xf32>, vector<16xi32> -> vector<16xf32>
        %parallel_loop3A_295 = tpu.vector_load_idx %arg16[%parallel_loop3A_252, %add3A_21] : memref<128x128xf32, #tpu.memory_space<vmem>>[vector<16xi32>, vector<16xi32>], vector<16xf32>,
        %parallel_loop3A_296 = arith.mulf %parallel_loop3A_295, %parallel_loop3A_294 : vector<16xf32>
        tpu.vector_store_idx %arg16[%parallel_loop3A_252, %add3A_21], %parallel_loop3A_296 : memref<128x128xf32, #tpu.memory_space<vmem>>[vector<16xi32>, vector<16xi32>], vector<16xf32>,
        %parallel_loop3A_297 = arith.constant 5 : i32
        %parallel_loop3A_298 = vector.broadcast %parallel_loop3A_297 : i32 to vector<16x1xi32>
        %parallel_loop3A_299 = vector.shape_cast %parallel_loop3A_298 : vector<16x1xi32> to vector<16xi32>
        %parallel_loop3A_300 = tpu.dynamic_gather %parallel_loop3A_266[%parallel_loop3A_299] in [0] : vector<16xf32>, vector<16xi32> -> vector<16xf32>
        %parallel_loop3A_301 = tpu.vector_load_idx %arg16[%parallel_loop3A_252, %add3A_24] : memref<128x128xf32, #tpu.memory_space<vmem>>[vector<16xi32>, vector<16xi32>], vector<16xf32>,
        %parallel_loop3A_302 = arith.mulf %parallel_loop3A_301, %parallel_loop3A_300 : vector<16xf32>
        tpu.vector_store_idx %arg16[%parallel_loop3A_252, %add3A_24], %parallel_loop3A_302 : memref<128x128xf32, #tpu.memory_space<vmem>>[vector<16xi32>, vector<16xi32>], vector<16xf32>,
        %parallel_loop3A_303 = arith.constant 6 : i32
        %parallel_loop3A_304 = vector.broadcast %parallel_loop3A_303 : i32 to vector<16x1xi32>
        %parallel_loop3A_305 = vector.shape_cast %parallel_loop3A_304 : vector<16x1xi32> to vector<16xi32>
        %parallel_loop3A_306 = tpu.dynamic_gather %parallel_loop3A_266[%parallel_loop3A_305] in [0] : vector<16xf32>, vector<16xi32> -> vector<16xf32>
        %parallel_loop3A_307 = tpu.vector_load_idx %arg16[%parallel_loop3A_252, %add3A_27] : memref<128x128xf32, #tpu.memory_space<vmem>>[vector<16xi32>, vector<16xi32>], vector<16xf32>,
        %parallel_loop3A_308 = arith.mulf %parallel_loop3A_307, %parallel_loop3A_306 : vector<16xf32>
        tpu.vector_store_idx %arg16[%parallel_loop3A_252, %add3A_27], %parallel_loop3A_308 : memref<128x128xf32, #tpu.memory_space<vmem>>[vector<16xi32>, vector<16xi32>], vector<16xf32>,
        %parallel_loop3A_309 = arith.constant 7 : i32
        %parallel_loop3A_310 = vector.broadcast %parallel_loop3A_309 : i32 to vector<16x1xi32>
        %parallel_loop3A_311 = vector.shape_cast %parallel_loop3A_310 : vector<16x1xi32> to vector<16xi32>
        %parallel_loop3A_312 = tpu.dynamic_gather %parallel_loop3A_266[%parallel_loop3A_311] in [0] : vector<16xf32>, vector<16xi32> -> vector<16xf32>
        %parallel_loop3A_313 = tpu.vector_load_idx %arg16[%parallel_loop3A_252, %add3A_30] : memref<128x128xf32, #tpu.memory_space<vmem>>[vector<16xi32>, vector<16xi32>], vector<16xf32>,
        %parallel_loop3A_314 = arith.mulf %parallel_loop3A_313, %parallel_loop3A_312 : vector<16xf32>
        tpu.vector_store_idx %arg16[%parallel_loop3A_252, %add3A_30], %parallel_loop3A_314 : memref<128x128xf32, #tpu.memory_space<vmem>>[vector<16xi32>, vector<16xi32>], vector<16xf32>,
      } {sc.loop_unroll_factor = 6 : i64, sc.parallel_access}
      %dma_start3A_159 = arith.constant 1 : i32
      %dma_start3A_160 = arith.constant 0 : i32
      %dma_start3A_161 = tpu.memref_slice %arg8[%dma_start3A_159, %dma_start3A_160] : memref<2x128xi32, #tpu.memory_space<vmem>> -> memref<1x128xi32, #tpu.memory_space<vmem>>
      %dma_start3A_162 = tpu.memref_squeeze %dma_start3A_161 : memref<1x128xi32, #tpu.memory_space<vmem>> -> memref<128xi32, #tpu.memory_space<vmem>>
      %dma_start3A_163 = arith.constant 0 : i32
      %dma_start3A_164 = arith.constant 0 : i32
      %dma_start3A_165 = tpu.memref_slice %arg18[%dma_start3A_163, %dma_start3A_164] : memref<10000x128xf32, #tpu.memory_space<vmem_shared>> -> memref<10000x128xf32, #tpu.memory_space<vmem_shared>>
      tpu.enqueue_indirect_dma source(%arg16 : memref<128x128xf32, #tpu.memory_space<vmem>>) target(%dma_start3A_165 : memref<10000x128xf32, #tpu.memory_space<vmem_shared>>) offsets(%dma_start3A_162 : memref<128xi32, #tpu.memory_space<vmem>>) semaphore(%arg22 : memref<!tpu.dma_semaphore, #tpu.memory_space<semaphore_mem>>) {add = true}
      %dma_start3A_166 = arith.constant 1 : i32
      %dma_start3A_167 = arith.constant 0 : i32
      %dma_start3A_168 = tpu.memref_slice %arg8[%dma_start3A_166, %dma_start3A_167] : memref<2x128xi32, #tpu.memory_space<vmem>> -> memref<1x128xi32, #tpu.memory_space<vmem>>
      %dma_start3A_169 = tpu.memref_squeeze %dma_start3A_168 : memref<1x128xi32, #tpu.memory_space<vmem>> -> memref<128xi32, #tpu.memory_space<vmem>>
      %dma_start3A_170 = arith.constant 0 : i32
      %dma_start3A_171 = arith.constant 0 : i32
      %dma_start3A_172 = tpu.memref_slice %arg19[%dma_start3A_170, %dma_start3A_171] : memref<10000x8xf32, #tpu.memory_space<vmem_shared>> -> memref<10000x8xf32, #tpu.memory_space<vmem_shared>>
      tpu.enqueue_indirect_dma source(%arg14 : memref<128x8xf32, #tpu.memory_space<vmem>>) target(%dma_start3A_172 : memref<10000x8xf32, #tpu.memory_space<vmem_shared>>) offsets(%dma_start3A_169 : memref<128xi32, #tpu.memory_space<vmem>>) semaphore(%arg22 : memref<!tpu.dma_semaphore, #tpu.memory_space<semaphore_mem>>) {add = true}
      %dma_wait3A_173 = arith.constant 1 : i32
      %dma_wait3A_174 = arith.constant 0 : i32
      %dma_wait3A_175 = tpu.memref_slice %arg8[%dma_wait3A_173, %dma_wait3A_174] : memref<2x128xi32, #tpu.memory_space<vmem>> -> memref<1x128xi32, #tpu.memory_space<vmem>>
      %dma_wait3A_176 = tpu.memref_squeeze %dma_wait3A_175 : memref<1x128xi32, #tpu.memory_space<vmem>> -> memref<128xi32, #tpu.memory_space<vmem>>
      %dma_wait3A_177 = arith.constant 0 : i32
      %dma_wait3A_178 = arith.constant 0 : i32
      %dma_wait3A_179 = tpu.memref_slice %arg18[%dma_wait3A_177, %dma_wait3A_178] : memref<10000x128xf32, #tpu.memory_space<vmem_shared>> -> memref<10000x128xf32, #tpu.memory_space<vmem_shared>>
      tpu.wait_indirect_dma semaphore(%arg22 : memref<!tpu.dma_semaphore, #tpu.memory_space<semaphore_mem>>) src(%arg16 : memref<128x128xf32, #tpu.memory_space<vmem>>) dst(%dma_wait3A_179 : memref<10000x128xf32, #tpu.memory_space<vmem_shared>>)
      %dma_wait3A_180 = arith.constant 1 : i32
      %dma_wait3A_181 = arith.constant 0 : i32
      %dma_wait3A_182 = tpu.memref_slice %arg8[%dma_wait3A_180, %dma_wait3A_181] : memref<2x128xi32, #tpu.memory_space<vmem>> -> memref<1x128xi32, #tpu.memory_space<vmem>>
      %dma_wait3A_183 = tpu.memref_squeeze %dma_wait3A_182 : memref<1x128xi32, #tpu.memory_space<vmem>> -> memref<128xi32, #tpu.memory_space<vmem>>
      %dma_wait3A_184 = arith.constant 0 : i32
      %dma_wait3A_185 = arith.constant 0 : i32
      %dma_wait3A_186 = tpu.memref_slice %arg19[%dma_wait3A_184, %dma_wait3A_185] : memref<10000x8xf32, #tpu.memory_space<vmem_shared>> -> memref<10000x8xf32, #tpu.memory_space<vmem_shared>>
      tpu.wait_indirect_dma semaphore(%arg22 : memref<!tpu.dma_semaphore, #tpu.memory_space<semaphore_mem>>) src(%arg14 : memref<128x8xf32, #tpu.memory_space<vmem>>) dst(%dma_wait3A_186 : memref<10000x8xf32, #tpu.memory_space<vmem_shared>>)
      %add3A_187 = arith.constant 2 : i32
      %add3A_188 = arith.addi %add3A_110, %add3A_187 : i32
      %add3A_189 = arith.constant 80 : i32
      %add3A_190 = arith.addi %mul3A_2, %add3A_189 : i32
      %sub3A = arith.constant 1 : i32
      %sub3A_191 = arith.subi %add3A_190, %sub3A : i32
      %min3A = arith.minsi %add3A_188, %sub3A_191 : i32
      "tpu.region"() ({
        %run_scoped3A = tpu.sem_alloc : memref<!tpu.dma_semaphore, #tpu.memory_space<semaphore_mem>>
        %dma_start3A_251 = arith.constant 0 : i32
        %dma_start3A_252 = arith.constant 0 : i32
        %dma_start3A_253 = tpu.memref_slice %arg2[%min3A, %dma_start3A_251, %dma_start3A_252] : memref<2560x2x128xi32, #tpu.memory_space<hbm>> -> memref<1x2x128xi32, #tpu.memory_space<hbm>>
        %dma_start3A_254 = tpu.memref_squeeze %dma_start3A_253 : memref<1x2x128xi32, #tpu.memory_space<hbm>> -> memref<2x128xi32, #tpu.memory_space<hbm>>
        %dma_start3A_255 = arith.constant 0 : i32
        %dma_start3A_256 = arith.constant 0 : i32
        %dma_start3A_257 = tpu.memref_slice %arg2[%min3A, %dma_start3A_255, %dma_start3A_256] : memref<2560x2x128xi32, #tpu.memory_space<hbm>> -> memref<1x2x128xi32, #tpu.memory_space<hbm>>
        %dma_start3A_258 = tpu.memref_squeeze %dma_start3A_257 : memref<1x2x128xi32, #tpu.memory_space<hbm>> -> memref<2x128xi32, #tpu.memory_space<hbm>>
        tpu.enqueue_dma source(%dma_start3A_258 : memref<2x128xi32, #tpu.memory_space<hbm>>) target(%arg8 : memref<2x128xi32, #tpu.memory_space<vmem>>) target_semaphore(%run_scoped3A : memref<!tpu.dma_semaphore, #tpu.memory_space<semaphore_mem>>)
        %dma_wait3A_259 = arith.constant 0 : i32
        %dma_wait3A_260 = arith.constant 0 : i32
        %dma_wait3A_261 = tpu.memref_slice %arg2[%min3A, %dma_wait3A_259, %dma_wait3A_260] : memref<2560x2x128xi32, #tpu.memory_space<hbm>> -> memref<1x2x128xi32, #tpu.memory_space<hbm>>
        %dma_wait3A_262 = tpu.memref_squeeze %dma_wait3A_261 : memref<1x2x128xi32, #tpu.memory_space<hbm>> -> memref<2x128xi32, #tpu.memory_space<hbm>>
        %dma_wait3A_263 = arith.constant 0 : i32
        %dma_wait3A_264 = arith.constant 0 : i32
        %dma_wait3A_265 = tpu.memref_slice %arg2[%min3A, %dma_wait3A_263, %dma_wait3A_264] : memref<2560x2x128xi32, #tpu.memory_space<hbm>> -> memref<1x2x128xi32, #tpu.memory_space<hbm>>
        %dma_wait3A_266 = tpu.memref_squeeze %dma_wait3A_265 : memref<1x2x128xi32, #tpu.memory_space<hbm>> -> memref<2x128xi32, #tpu.memory_space<hbm>>
        tpu.wait_dma2 semaphore(%run_scoped3A : memref<!tpu.dma_semaphore, #tpu.memory_space<semaphore_mem>>) src(%dma_wait3A_266 : memref<2x128xi32, #tpu.memory_space<hbm>>) dst(%arg8 : memref<2x128xi32, #tpu.memory_space<vmem>>)
        tpu.yield
      }) : () -> ()
      %dma_start3A_192 = arith.constant 0 : i32
      %dma_start3A_193 = arith.constant 0 : i32
      %dma_start3A_194 = tpu.memref_slice %arg8[%dma_start3A_192, %dma_start3A_193] : memref<2x128xi32, #tpu.memory_space<vmem>> -> memref<1x128xi32, #tpu.memory_space<vmem>>
      %dma_start3A_195 = tpu.memref_squeeze %dma_start3A_194 : memref<1x128xi32, #tpu.memory_space<vmem>> -> memref<128xi32, #tpu.memory_space<vmem>>
      %dma_start3A_196 = arith.constant 0 : i32
      %dma_start3A_197 = arith.constant 0 : i32
      %dma_start3A_198 = tpu.memref_slice %arg3[%dma_start3A_196, %dma_start3A_197] : memref<10240x16xf32, #tpu.memory_space<hbm>> -> memref<10240x16xf32, #tpu.memory_space<hbm>>
      tpu.enqueue_indirect_dma source(%dma_start3A_198 : memref<10240x16xf32, #tpu.memory_space<hbm>>) target(%arg10 : memref<128x16xf32, #tpu.memory_space<vmem>>) offsets(%dma_start3A_195 : memref<128xi32, #tpu.memory_space<vmem>>) semaphore(%arg20 : memref<!tpu.dma_semaphore, #tpu.memory_space<semaphore_mem>>)
      %dma_start3A_199 = arith.constant 1 : i32
      %dma_start3A_200 = arith.constant 0 : i32
      %dma_start3A_201 = tpu.memref_slice %arg8[%dma_start3A_199, %dma_start3A_200] : memref<2x128xi32, #tpu.memory_space<vmem>> -> memref<1x128xi32, #tpu.memory_space<vmem>>
      %dma_start3A_202 = tpu.memref_squeeze %dma_start3A_201 : memref<1x128xi32, #tpu.memory_space<vmem>> -> memref<128xi32, #tpu.memory_space<vmem>>
      %dma_start3A_203 = arith.constant 0 : i32
      %dma_start3A_204 = arith.constant 0 : i32
      %dma_start3A_205 = tpu.memref_slice %arg4[%dma_start3A_203, %dma_start3A_204] : memref<10240x16xf32, #tpu.memory_space<hbm>> -> memref<10240x16xf32, #tpu.memory_space<hbm>>
      tpu.enqueue_indirect_dma source(%dma_start3A_205 : memref<10240x16xf32, #tpu.memory_space<hbm>>) target(%arg12 : memref<128x16xf32, #tpu.memory_space<vmem>>) offsets(%dma_start3A_202 : memref<128xi32, #tpu.memory_space<vmem>>) semaphore(%arg20 : memref<!tpu.dma_semaphore, #tpu.memory_space<semaphore_mem>>)
      %dma_start3A_206 = arith.constant 0 : i32
      %dma_start3A_207 = arith.constant 0 : i32
      %dma_start3A_208 = tpu.memref_slice %arg8[%dma_start3A_206, %dma_start3A_207] : memref<2x128xi32, #tpu.memory_space<vmem>> -> memref<1x128xi32, #tpu.memory_space<vmem>>
      %dma_start3A_209 = tpu.memref_squeeze %dma_start3A_208 : memref<1x128xi32, #tpu.memory_space<vmem>> -> memref<128xi32, #tpu.memory_space<vmem>>
      %dma_start3A_210 = arith.constant 0 : i32
      %dma_start3A_211 = arith.constant 0 : i32
      %dma_start3A_212 = tpu.memref_slice %arg5[%dma_start3A_210, %dma_start3A_211] : memref<10240x128xf32, #tpu.memory_space<hbm>> -> memref<10240x128xf32, #tpu.memory_space<hbm>>
      tpu.enqueue_indirect_dma source(%dma_start3A_212 : memref<10240x128xf32, #tpu.memory_space<hbm>>) target(%arg16 : memref<128x128xf32, #tpu.memory_space<vmem>>) offsets(%dma_start3A_209 : memref<128xi32, #tpu.memory_space<vmem>>) semaphore(%arg20 : memref<!tpu.dma_semaphore, #tpu.memory_space<semaphore_mem>>)
      %dma_wait3A_213 = arith.constant 0 : i32
      %dma_wait3A_214 = arith.constant 0 : i32
      %dma_wait3A_215 = tpu.memref_slice %arg9[%dma_wait3A_213, %dma_wait3A_214] : memref<2x128xi32, #tpu.memory_space<vmem>> -> memref<1x128xi32, #tpu.memory_space<vmem>>
      %dma_wait3A_216 = tpu.memref_squeeze %dma_wait3A_215 : memref<1x128xi32, #tpu.memory_space<vmem>> -> memref<128xi32, #tpu.memory_space<vmem>>
      %dma_wait3A_217 = arith.constant 0 : i32
      %dma_wait3A_218 = arith.constant 0 : i32
      %dma_wait3A_219 = tpu.memref_slice %arg3[%dma_wait3A_217, %dma_wait3A_218] : memref<10240x16xf32, #tpu.memory_space<hbm>> -> memref<10240x16xf32, #tpu.memory_space<hbm>>
      tpu.wait_indirect_dma semaphore(%arg21 : memref<!tpu.dma_semaphore, #tpu.memory_space<semaphore_mem>>) src(%dma_wait3A_219 : memref<10240x16xf32, #tpu.memory_space<hbm>>) dst(%arg11 : memref<128x16xf32, #tpu.memory_space<vmem>>)
      %dma_wait3A_220 = arith.constant 1 : i32
      %dma_wait3A_221 = arith.constant 0 : i32
      %dma_wait3A_222 = tpu.memref_slice %arg9[%dma_wait3A_220, %dma_wait3A_221] : memref<2x128xi32, #tpu.memory_space<vmem>> -> memref<1x128xi32, #tpu.memory_space<vmem>>
      %dma_wait3A_223 = tpu.memref_squeeze %dma_wait3A_222 : memref<1x128xi32, #tpu.memory_space<vmem>> -> memref<128xi32, #tpu.memory_space<vmem>>
      %dma_wait3A_224 = arith.constant 0 : i32
      %dma_wait3A_225 = arith.constant 0 : i32
      %dma_wait3A_226 = tpu.memref_slice %arg4[%dma_wait3A_224, %dma_wait3A_225] : memref<10240x16xf32, #tpu.memory_space<hbm>> -> memref<10240x16xf32, #tpu.memory_space<hbm>>
      tpu.wait_indirect_dma semaphore(%arg21 : memref<!tpu.dma_semaphore, #tpu.memory_space<semaphore_mem>>) src(%dma_wait3A_226 : memref<10240x16xf32, #tpu.memory_space<hbm>>) dst(%arg13 : memref<128x16xf32, #tpu.memory_space<vmem>>)
      %dma_wait3A_227 = arith.constant 0 : i32
      %dma_wait3A_228 = arith.constant 0 : i32
      %dma_wait3A_229 = tpu.memref_slice %arg9[%dma_wait3A_227, %dma_wait3A_228] : memref<2x128xi32, #tpu.memory_space<vmem>> -> memref<1x128xi32, #tpu.memory_space<vmem>>
      %dma_wait3A_230 = tpu.memref_squeeze %dma_wait3A_229 : memref<1x128xi32, #tpu.memory_space<vmem>> -> memref<128xi32, #tpu.memory_space<vmem>>
      %dma_wait3A_231 = arith.constant 0 : i32
      %dma_wait3A_232 = arith.constant 0 : i32
      %dma_wait3A_233 = tpu.memref_slice %arg5[%dma_wait3A_231, %dma_wait3A_232] : memref<10240x128xf32, #tpu.memory_space<hbm>> -> memref<10240x128xf32, #tpu.memory_space<hbm>>
      tpu.wait_indirect_dma semaphore(%arg21 : memref<!tpu.dma_semaphore, #tpu.memory_space<semaphore_mem>>) src(%dma_wait3A_233 : memref<10240x128xf32, #tpu.memory_space<hbm>>) dst(%arg17 : memref<128x128xf32, #tpu.memory_space<vmem>>)
      %parallel_loop3A_234 = arith.constant 0 : i32
      %parallel_loop3A_235 = arith.constant 128 : i32
      %parallel_loop3A_236 = arith.constant 1 : i32
      scf.for %parallel_loop3A_251 = %parallel_loop3A_234 to %parallel_loop3A_235 step %parallel_loop3A_236  : i32 {
        %parallel_loop3A_252 = vector.broadcast %parallel_loop3A_251 : i32 to vector<16xi32>
        %parallel_loop3A_253 = tpu.vector_load_idx %arg11[%parallel_loop3A_252, %iota3A] : memref<128x16xf32, #tpu.memory_space<vmem>>[vector<16xi32>, vector<16xi32>], vector<16xf32>,
        %parallel_loop3A_254 = tpu.vector_load_idx %arg13[%parallel_loop3A_252, %iota3A] : memref<128x16xf32, #tpu.memory_space<vmem>>[vector<16xi32>, vector<16xi32>], vector<16xf32>,
        %parallel_loop3A_255 = arith.addf %parallel_loop3A_253, %parallel_loop3A_254 : vector<16xf32>
        %parallel_loop3A_256 = arith.constant 0.000000e+00 : f32
        %parallel_loop3A_257 = vector.broadcast %parallel_loop3A_256 : f32 to vector<16xf32>
        %parallel_loop3A_258 = arith.maximumf %parallel_loop3A_255, %parallel_loop3A_257 : vector<16xf32>
        %parallel_loop3A_259 = arith.constant 0.000000e+00 : f32
        %parallel_loop3A_260 = vector.broadcast %parallel_loop3A_259 : f32 to vector<16xf32>
        %parallel_loop3A_261 = arith.minimumf %parallel_loop3A_255, %parallel_loop3A_260 : vector<16xf32>
        %parallel_loop3A_262 = arith.constant 2.000000e-01 : f32
        %parallel_loop3A_263 = vector.broadcast %parallel_loop3A_262 : f32 to vector<16xf32>
        %parallel_loop3A_264 = arith.mulf %parallel_loop3A_263, %parallel_loop3A_261 : vector<16xf32>
        %parallel_loop3A_265 = arith.addf %parallel_loop3A_258, %parallel_loop3A_264 : vector<16xf32>
        %parallel_loop3A_266 = math.exp %parallel_loop3A_265 : vector<16xf32>
        tpu.vector_store_idx %arg15[%parallel_loop3A_252, %and3A_4], %parallel_loop3A_266 masked %lt3A_6 : memref<128x8xf32, #tpu.memory_space<vmem>>[vector<16xi32>, vector<16xi32>], vector<16xf32>, vector<16xi1>
        %parallel_loop3A_267 = arith.constant 0 : i32
        %parallel_loop3A_268 = vector.broadcast %parallel_loop3A_267 : i32 to vector<16x1xi32>
        %parallel_loop3A_269 = vector.shape_cast %parallel_loop3A_268 : vector<16x1xi32> to vector<16xi32>
        %parallel_loop3A_270 = tpu.dynamic_gather %parallel_loop3A_266[%parallel_loop3A_269] in [0] : vector<16xf32>, vector<16xi32> -> vector<16xf32>
        %parallel_loop3A_271 = tpu.vector_load_idx %arg17[%parallel_loop3A_252, %add3A_9] : memref<128x128xf32, #tpu.memory_space<vmem>>[vector<16xi32>, vector<16xi32>], vector<16xf32>,
        %parallel_loop3A_272 = arith.mulf %parallel_loop3A_271, %parallel_loop3A_270 : vector<16xf32>
        tpu.vector_store_idx %arg17[%parallel_loop3A_252, %add3A_9], %parallel_loop3A_272 : memref<128x128xf32, #tpu.memory_space<vmem>>[vector<16xi32>, vector<16xi32>], vector<16xf32>,
        %parallel_loop3A_273 = arith.constant 1 : i32
        %parallel_loop3A_274 = vector.broadcast %parallel_loop3A_273 : i32 to vector<16x1xi32>
        %parallel_loop3A_275 = vector.shape_cast %parallel_loop3A_274 : vector<16x1xi32> to vector<16xi32>
        %parallel_loop3A_276 = tpu.dynamic_gather %parallel_loop3A_266[%parallel_loop3A_275] in [0] : vector<16xf32>, vector<16xi32> -> vector<16xf32>
        %parallel_loop3A_277 = tpu.vector_load_idx %arg17[%parallel_loop3A_252, %add3A_12] : memref<128x128xf32, #tpu.memory_space<vmem>>[vector<16xi32>, vector<16xi32>], vector<16xf32>,
        %parallel_loop3A_278 = arith.mulf %parallel_loop3A_277, %parallel_loop3A_276 : vector<16xf32>
        tpu.vector_store_idx %arg17[%parallel_loop3A_252, %add3A_12], %parallel_loop3A_278 : memref<128x128xf32, #tpu.memory_space<vmem>>[vector<16xi32>, vector<16xi32>], vector<16xf32>,
        %parallel_loop3A_279 = arith.constant 2 : i32
        %parallel_loop3A_280 = vector.broadcast %parallel_loop3A_279 : i32 to vector<16x1xi32>
        %parallel_loop3A_281 = vector.shape_cast %parallel_loop3A_280 : vector<16x1xi32> to vector<16xi32>
        %parallel_loop3A_282 = tpu.dynamic_gather %parallel_loop3A_266[%parallel_loop3A_281] in [0] : vector<16xf32>, vector<16xi32> -> vector<16xf32>
        %parallel_loop3A_283 = tpu.vector_load_idx %arg17[%parallel_loop3A_252, %add3A_15] : memref<128x128xf32, #tpu.memory_space<vmem>>[vector<16xi32>, vector<16xi32>], vector<16xf32>,
        %parallel_loop3A_284 = arith.mulf %parallel_loop3A_283, %parallel_loop3A_282 : vector<16xf32>
        tpu.vector_store_idx %arg17[%parallel_loop3A_252, %add3A_15], %parallel_loop3A_284 : memref<128x128xf32, #tpu.memory_space<vmem>>[vector<16xi32>, vector<16xi32>], vector<16xf32>,
        %parallel_loop3A_285 = arith.constant 3 : i32
        %parallel_loop3A_286 = vector.broadcast %parallel_loop3A_285 : i32 to vector<16x1xi32>
        %parallel_loop3A_287 = vector.shape_cast %parallel_loop3A_286 : vector<16x1xi32> to vector<16xi32>
        %parallel_loop3A_288 = tpu.dynamic_gather %parallel_loop3A_266[%parallel_loop3A_287] in [0] : vector<16xf32>, vector<16xi32> -> vector<16xf32>
        %parallel_loop3A_289 = tpu.vector_load_idx %arg17[%parallel_loop3A_252, %add3A_18] : memref<128x128xf32, #tpu.memory_space<vmem>>[vector<16xi32>, vector<16xi32>], vector<16xf32>,
        %parallel_loop3A_290 = arith.mulf %parallel_loop3A_289, %parallel_loop3A_288 : vector<16xf32>
        tpu.vector_store_idx %arg17[%parallel_loop3A_252, %add3A_18], %parallel_loop3A_290 : memref<128x128xf32, #tpu.memory_space<vmem>>[vector<16xi32>, vector<16xi32>], vector<16xf32>,
        %parallel_loop3A_291 = arith.constant 4 : i32
        %parallel_loop3A_292 = vector.broadcast %parallel_loop3A_291 : i32 to vector<16x1xi32>
        %parallel_loop3A_293 = vector.shape_cast %parallel_loop3A_292 : vector<16x1xi32> to vector<16xi32>
        %parallel_loop3A_294 = tpu.dynamic_gather %parallel_loop3A_266[%parallel_loop3A_293] in [0] : vector<16xf32>, vector<16xi32> -> vector<16xf32>
        %parallel_loop3A_295 = tpu.vector_load_idx %arg17[%parallel_loop3A_252, %add3A_21] : memref<128x128xf32, #tpu.memory_space<vmem>>[vector<16xi32>, vector<16xi32>], vector<16xf32>,
        %parallel_loop3A_296 = arith.mulf %parallel_loop3A_295, %parallel_loop3A_294 : vector<16xf32>
        tpu.vector_store_idx %arg17[%parallel_loop3A_252, %add3A_21], %parallel_loop3A_296 : memref<128x128xf32, #tpu.memory_space<vmem>>[vector<16xi32>, vector<16xi32>], vector<16xf32>,
        %parallel_loop3A_297 = arith.constant 5 : i32
        %parallel_loop3A_298 = vector.broadcast %parallel_loop3A_297 : i32 to vector<16x1xi32>
        %parallel_loop3A_299 = vector.shape_cast %parallel_loop3A_298 : vector<16x1xi32> to vector<16xi32>
        %parallel_loop3A_300 = tpu.dynamic_gather %parallel_loop3A_266[%parallel_loop3A_299] in [0] : vector<16xf32>, vector<16xi32> -> vector<16xf32>
        %parallel_loop3A_301 = tpu.vector_load_idx %arg17[%parallel_loop3A_252, %add3A_24] : memref<128x128xf32, #tpu.memory_space<vmem>>[vector<16xi32>, vector<16xi32>], vector<16xf32>,
        %parallel_loop3A_302 = arith.mulf %parallel_loop3A_301, %parallel_loop3A_300 : vector<16xf32>
        tpu.vector_store_idx %arg17[%parallel_loop3A_252, %add3A_24], %parallel_loop3A_302 : memref<128x128xf32, #tpu.memory_space<vmem>>[vector<16xi32>, vector<16xi32>], vector<16xf32>,
        %parallel_loop3A_303 = arith.constant 6 : i32
        %parallel_loop3A_304 = vector.broadcast %parallel_loop3A_303 : i32 to vector<16x1xi32>
        %parallel_loop3A_305 = vector.shape_cast %parallel_loop3A_304 : vector<16x1xi32> to vector<16xi32>
        %parallel_loop3A_306 = tpu.dynamic_gather %parallel_loop3A_266[%parallel_loop3A_305] in [0] : vector<16xf32>, vector<16xi32> -> vector<16xf32>
        %parallel_loop3A_307 = tpu.vector_load_idx %arg17[%parallel_loop3A_252, %add3A_27] : memref<128x128xf32, #tpu.memory_space<vmem>>[vector<16xi32>, vector<16xi32>], vector<16xf32>,
        %parallel_loop3A_308 = arith.mulf %parallel_loop3A_307, %parallel_loop3A_306 : vector<16xf32>
        tpu.vector_store_idx %arg17[%parallel_loop3A_252, %add3A_27], %parallel_loop3A_308 : memref<128x128xf32, #tpu.memory_space<vmem>>[vector<16xi32>, vector<16xi32>], vector<16xf32>,
        %parallel_loop3A_309 = arith.constant 7 : i32
        %parallel_loop3A_310 = vector.broadcast %parallel_loop3A_309 : i32 to vector<16x1xi32>
        %parallel_loop3A_311 = vector.shape_cast %parallel_loop3A_310 : vector<16x1xi32> to vector<16xi32>
        %parallel_loop3A_312 = tpu.dynamic_gather %parallel_loop3A_266[%parallel_loop3A_311] in [0] : vector<16xf32>, vector<16xi32> -> vector<16xf32>
        %parallel_loop3A_313 = tpu.vector_load_idx %arg17[%parallel_loop3A_252, %add3A_30] : memref<128x128xf32, #tpu.memory_space<vmem>>[vector<16xi32>, vector<16xi32>], vector<16xf32>,
        %parallel_loop3A_314 = arith.mulf %parallel_loop3A_313, %parallel_loop3A_312 : vector<16xf32>
        tpu.vector_store_idx %arg17[%parallel_loop3A_252, %add3A_30], %parallel_loop3A_314 : memref<128x128xf32, #tpu.memory_space<vmem>>[vector<16xi32>, vector<16xi32>], vector<16xf32>,
      } {sc.loop_unroll_factor = 6 : i64, sc.parallel_access}
      %dma_start3A_237 = arith.constant 1 : i32
      %dma_start3A_238 = arith.constant 0 : i32
      %dma_start3A_239 = tpu.memref_slice %arg9[%dma_start3A_237, %dma_start3A_238] : memref<2x128xi32, #tpu.memory_space<vmem>> -> memref<1x128xi32, #tpu.memory_space<vmem>>
      %dma_start3A_240 = tpu.memref_squeeze %dma_start3A_239 : memref<1x128xi32, #tpu.memory_space<vmem>> -> memref<128xi32, #tpu.memory_space<vmem>>
      %dma_start3A_241 = arith.constant 0 : i32
      %dma_start3A_242 = arith.constant 0 : i32
      %dma_start3A_243 = tpu.memref_slice %arg18[%dma_start3A_241, %dma_start3A_242] : memref<10000x128xf32, #tpu.memory_space<vmem_shared>> -> memref<10000x128xf32, #tpu.memory_space<vmem_shared>>
      tpu.enqueue_indirect_dma source(%arg17 : memref<128x128xf32, #tpu.memory_space<vmem>>) target(%dma_start3A_243 : memref<10000x128xf32, #tpu.memory_space<vmem_shared>>) offsets(%dma_start3A_240 : memref<128xi32, #tpu.memory_space<vmem>>) semaphore(%arg23 : memref<!tpu.dma_semaphore, #tpu.memory_space<semaphore_mem>>) {add = true}
      %dma_start3A_244 = arith.constant 1 : i32
      %dma_start3A_245 = arith.constant 0 : i32
      %dma_start3A_246 = tpu.memref_slice %arg9[%dma_start3A_244, %dma_start3A_245] : memref<2x128xi32, #tpu.memory_space<vmem>> -> memref<1x128xi32, #tpu.memory_space<vmem>>
      %dma_start3A_247 = tpu.memref_squeeze %dma_start3A_246 : memref<1x128xi32, #tpu.memory_space<vmem>> -> memref<128xi32, #tpu.memory_space<vmem>>
      %dma_start3A_248 = arith.constant 0 : i32
      %dma_start3A_249 = arith.constant 0 : i32
      %dma_start3A_250 = tpu.memref_slice %arg19[%dma_start3A_248, %dma_start3A_249] : memref<10000x8xf32, #tpu.memory_space<vmem_shared>> -> memref<10000x8xf32, #tpu.memory_space<vmem_shared>>
      tpu.enqueue_indirect_dma source(%arg15 : memref<128x8xf32, #tpu.memory_space<vmem>>) target(%dma_start3A_250 : memref<10000x8xf32, #tpu.memory_space<vmem_shared>>) offsets(%dma_start3A_247 : memref<128xi32, #tpu.memory_space<vmem>>) semaphore(%arg23 : memref<!tpu.dma_semaphore, #tpu.memory_space<semaphore_mem>>) {add = true}
    }
    %scan3A_67 = arith.constant 40 : i32
    %dma_wait3A = arith.constant 0 : i32
    %dma_wait3A_68 = arith.constant 0 : i32
    %dma_wait3A_69 = tpu.memref_slice %arg8[%dma_wait3A, %dma_wait3A_68] : memref<2x128xi32, #tpu.memory_space<vmem>> -> memref<1x128xi32, #tpu.memory_space<vmem>>
    %dma_wait3A_70 = tpu.memref_squeeze %dma_wait3A_69 : memref<1x128xi32, #tpu.memory_space<vmem>> -> memref<128xi32, #tpu.memory_space<vmem>>
    %dma_wait3A_71 = arith.constant 0 : i32
    %dma_wait3A_72 = arith.constant 0 : i32
    %dma_wait3A_73 = tpu.memref_slice %arg3[%dma_wait3A_71, %dma_wait3A_72] : memref<10240x16xf32, #tpu.memory_space<hbm>> -> memref<10240x16xf32, #tpu.memory_space<hbm>>
    tpu.wait_indirect_dma semaphore(%arg20 : memref<!tpu.dma_semaphore, #tpu.memory_space<semaphore_mem>>) src(%dma_wait3A_73 : memref<10240x16xf32, #tpu.memory_space<hbm>>) dst(%arg10 : memref<128x16xf32, #tpu.memory_space<vmem>>)
    %dma_wait3A_74 = arith.constant 1 : i32
    %dma_wait3A_75 = arith.constant 0 : i32
    %dma_wait3A_76 = tpu.memref_slice %arg8[%dma_wait3A_74, %dma_wait3A_75] : memref<2x128xi32, #tpu.memory_space<vmem>> -> memref<1x128xi32, #tpu.memory_space<vmem>>
    %dma_wait3A_77 = tpu.memref_squeeze %dma_wait3A_76 : memref<1x128xi32, #tpu.memory_space<vmem>> -> memref<128xi32, #tpu.memory_space<vmem>>
    %dma_wait3A_78 = arith.constant 0 : i32
    %dma_wait3A_79 = arith.constant 0 : i32
    %dma_wait3A_80 = tpu.memref_slice %arg4[%dma_wait3A_78, %dma_wait3A_79] : memref<10240x16xf32, #tpu.memory_space<hbm>> -> memref<10240x16xf32, #tpu.memory_space<hbm>>
    tpu.wait_indirect_dma semaphore(%arg20 : memref<!tpu.dma_semaphore, #tpu.memory_space<semaphore_mem>>) src(%dma_wait3A_80 : memref<10240x16xf32, #tpu.memory_space<hbm>>) dst(%arg12 : memref<128x16xf32, #tpu.memory_space<vmem>>)
    %dma_wait3A_81 = arith.constant 0 : i32
    %dma_wait3A_82 = arith.constant 0 : i32
    %dma_wait3A_83 = tpu.memref_slice %arg8[%dma_wait3A_81, %dma_wait3A_82] : memref<2x128xi32, #tpu.memory_space<vmem>> -> memref<1x128xi32, #tpu.memory_space<vmem>>
    %dma_wait3A_84 = tpu.memref_squeeze %dma_wait3A_83 : memref<1x128xi32, #tpu.memory_space<vmem>> -> memref<128xi32, #tpu.memory_space<vmem>>
    %dma_wait3A_85 = arith.constant 0 : i32
    %dma_wait3A_86 = arith.constant 0 : i32
    %dma_wait3A_87 = tpu.memref_slice %arg5[%dma_wait3A_85, %dma_wait3A_86] : memref<10240x128xf32, #tpu.memory_space<hbm>> -> memref<10240x128xf32, #tpu.memory_space<hbm>>
    tpu.wait_indirect_dma semaphore(%arg20 : memref<!tpu.dma_semaphore, #tpu.memory_space<semaphore_mem>>) src(%dma_wait3A_87 : memref<10240x128xf32, #tpu.memory_space<hbm>>) dst(%arg16 : memref<128x128xf32, #tpu.memory_space<vmem>>)
    %dma_wait3A_88 = arith.constant 1 : i32
    %dma_wait3A_89 = arith.constant 0 : i32
    %dma_wait3A_90 = tpu.memref_slice %arg9[%dma_wait3A_88, %dma_wait3A_89] : memref<2x128xi32, #tpu.memory_space<vmem>> -> memref<1x128xi32, #tpu.memory_space<vmem>>
    %dma_wait3A_91 = tpu.memref_squeeze %dma_wait3A_90 : memref<1x128xi32, #tpu.memory_space<vmem>> -> memref<128xi32, #tpu.memory_space<vmem>>
    %dma_wait3A_92 = arith.constant 0 : i32
    %dma_wait3A_93 = arith.constant 0 : i32
    %dma_wait3A_94 = tpu.memref_slice %arg18[%dma_wait3A_92, %dma_wait3A_93] : memref<10000x128xf32, #tpu.memory_space<vmem_shared>> -> memref<10000x128xf32, #tpu.memory_space<vmem_shared>>
    tpu.wait_indirect_dma semaphore(%arg23 : memref<!tpu.dma_semaphore, #tpu.memory_space<semaphore_mem>>) src(%arg17 : memref<128x128xf32, #tpu.memory_space<vmem>>) dst(%dma_wait3A_94 : memref<10000x128xf32, #tpu.memory_space<vmem_shared>>)
    %dma_wait3A_95 = arith.constant 1 : i32
    %dma_wait3A_96 = arith.constant 0 : i32
    %dma_wait3A_97 = tpu.memref_slice %arg9[%dma_wait3A_95, %dma_wait3A_96] : memref<2x128xi32, #tpu.memory_space<vmem>> -> memref<1x128xi32, #tpu.memory_space<vmem>>
    %dma_wait3A_98 = tpu.memref_squeeze %dma_wait3A_97 : memref<1x128xi32, #tpu.memory_space<vmem>> -> memref<128xi32, #tpu.memory_space<vmem>>
    %dma_wait3A_99 = arith.constant 0 : i32
    %dma_wait3A_100 = arith.constant 0 : i32
    %dma_wait3A_101 = tpu.memref_slice %arg19[%dma_wait3A_99, %dma_wait3A_100] : memref<10000x8xf32, #tpu.memory_space<vmem_shared>> -> memref<10000x8xf32, #tpu.memory_space<vmem_shared>>
    tpu.wait_indirect_dma semaphore(%arg23 : memref<!tpu.dma_semaphore, #tpu.memory_space<semaphore_mem>>) src(%arg15 : memref<128x8xf32, #tpu.memory_space<vmem>>) dst(%dma_wait3A_101 : memref<10000x8xf32, #tpu.memory_space<vmem_shared>>)
    %barrier3A_102 = arith.constant 0 : index
    tpu.barrier barrier_id(%barrier3A_102)
    "tpu.region"() ({
      %run_scoped3A = tpu.sem_alloc : memref<!tpu.dma_semaphore, #tpu.memory_space<semaphore_mem>>
      %dma_start3A_103 = arith.constant 0 : i32
      %dma_start3A_104 = tpu.memref_slice %arg6[%arg0, %mul3A_37, %dma_start3A_103] : memref<2x10000x128xf32, #tpu.memory_space<hbm>> -> memref<1x625x128xf32, #tpu.memory_space<hbm>>
      %dma_start3A_105 = tpu.memref_squeeze %dma_start3A_104 : memref<1x625x128xf32, #tpu.memory_space<hbm>> -> memref<625x128xf32, #tpu.memory_space<hbm>>
      %dma_start3A_106 = arith.constant 0 : i32
      %dma_start3A_107 = tpu.memref_slice %arg18[%mul3A_37, %dma_start3A_106] : memref<10000x128xf32, #tpu.memory_space<vmem_shared>> -> memref<625x128xf32, #tpu.memory_space<vmem_shared>>
      tpu.enqueue_dma source(%dma_start3A_107 : memref<625x128xf32, #tpu.memory_space<vmem_shared>>) target(%dma_start3A_105 : memref<625x128xf32, #tpu.memory_space<hbm>>) target_semaphore(%run_scoped3A : memref<!tpu.dma_semaphore, #tpu.memory_space<semaphore_mem>>)
      %dma_wait3A_108 = arith.constant 0 : i32
      %dma_wait3A_109 = tpu.memref_slice %arg6[%arg0, %mul3A_37, %dma_wait3A_108] : memref<2x10000x128xf32, #tpu.memory_space<hbm>> -> memref<1x625x128xf32, #tpu.memory_space<hbm>>
      %dma_wait3A_110 = tpu.memref_squeeze %dma_wait3A_109 : memref<1x625x128xf32, #tpu.memory_space<hbm>> -> memref<625x128xf32, #tpu.memory_space<hbm>>
      %dma_wait3A_111 = arith.constant 0 : i32
      %dma_wait3A_112 = tpu.memref_slice %arg18[%mul3A_37, %dma_wait3A_111] : memref<10000x128xf32, #tpu.memory_space<vmem_shared>> -> memref<625x128xf32, #tpu.memory_space<vmem_shared>>
      tpu.wait_dma2 semaphore(%run_scoped3A : memref<!tpu.dma_semaphore, #tpu.memory_space<semaphore_mem>>) src(%dma_wait3A_112 : memref<625x128xf32, #tpu.memory_space<vmem_shared>>) dst(%dma_wait3A_110 : memref<625x128xf32, #tpu.memory_space<hbm>>)
      tpu.yield
    }) : () -> ()
    "tpu.region"() ({
      %run_scoped3A = tpu.sem_alloc : memref<!tpu.dma_semaphore, #tpu.memory_space<semaphore_mem>>
      %dma_start3A_103 = arith.constant 0 : i32
      %dma_start3A_104 = tpu.memref_slice %arg7[%arg0, %mul3A_37, %dma_start3A_103] : memref<2x10000x8xf32, #tpu.memory_space<hbm>> -> memref<1x625x8xf32, #tpu.memory_space<hbm>>
      %dma_start3A_105 = tpu.memref_squeeze %dma_start3A_104 : memref<1x625x8xf32, #tpu.memory_space<hbm>> -> memref<625x8xf32, #tpu.memory_space<hbm>>
      %dma_start3A_106 = arith.constant 0 : i32
      %dma_start3A_107 = tpu.memref_slice %arg19[%mul3A_37, %dma_start3A_106] : memref<10000x8xf32, #tpu.memory_space<vmem_shared>> -> memref<625x8xf32, #tpu.memory_space<vmem_shared>>
      tpu.enqueue_dma source(%dma_start3A_107 : memref<625x8xf32, #tpu.memory_space<vmem_shared>>) target(%dma_start3A_105 : memref<625x8xf32, #tpu.memory_space<hbm>>) target_semaphore(%run_scoped3A : memref<!tpu.dma_semaphore, #tpu.memory_space<semaphore_mem>>)
      %dma_wait3A_108 = arith.constant 0 : i32
      %dma_wait3A_109 = tpu.memref_slice %arg7[%arg0, %mul3A_37, %dma_wait3A_108] : memref<2x10000x8xf32, #tpu.memory_space<hbm>> -> memref<1x625x8xf32, #tpu.memory_space<hbm>>
      %dma_wait3A_110 = tpu.memref_squeeze %dma_wait3A_109 : memref<1x625x8xf32, #tpu.memory_space<hbm>> -> memref<625x8xf32, #tpu.memory_space<hbm>>
      %dma_wait3A_111 = arith.constant 0 : i32
      %dma_wait3A_112 = tpu.memref_slice %arg19[%mul3A_37, %dma_wait3A_111] : memref<10000x8xf32, #tpu.memory_space<vmem_shared>> -> memref<625x8xf32, #tpu.memory_space<vmem_shared>>
      tpu.wait_dma2 semaphore(%run_scoped3A : memref<!tpu.dma_semaphore, #tpu.memory_space<semaphore_mem>>) src(%dma_wait3A_112 : memref<625x8xf32, #tpu.memory_space<vmem_shared>>) dst(%dma_wait3A_110 : memref<625x8xf32, #tpu.memory_space<hbm>>)
      tpu.yield
    }) : () -> ()
    return
  }
}

module attributes {stable_mosaic.version = 14 : i64} {
  func.func @_tc1_body(%arg0: memref<10000x128xf32, #tpu.memory_space<vmem>>, %arg1: memref<128x128xf32, #tpu.memory_space<vmem>>, %arg2: memref<128x32xf32, #tpu.memory_space<vmem>>, %arg3: memref<10240x128xf32, #tpu.memory_space<vmem>>, %arg4: memref<10240x16xf32, #tpu.memory_space<vmem>>, %arg5: memref<10240x16xf32, #tpu.memory_space<vmem>>) attributes {dimension_semantics = [], scalar_prefetch = 0 : i64, scratch_operands = 0 : i64, tpu.core_type = #tpu.core_type<tc>} {
    %get3A = arith.constant 0 : index
    %get3A_0 = arith.constant 0 : index
    %get3A_1 = vector.load %arg0[%get3A, %get3A_0] : memref<10000x128xf32, #tpu.memory_space<vmem>>, vector<10000x128xf32>
    %get3A_2 = arith.constant 0 : index
    %get3A_3 = arith.constant 0 : index
    %get3A_4 = vector.load %arg1[%get3A_2, %get3A_3] : memref<128x128xf32, #tpu.memory_space<vmem>>, vector<128x128xf32>
    %dot_general3A = arith.constant dense<0.000000e+00> : vector<10000x128xf32>
    %dot_general3A_5 = tpu.matmul %get3A_1, %get3A_4, %dot_general3A {dimension_numbers = #tpu.dot_dimension_numbers<[1], [0], [0], [1], [0, 0, 1, 1], [], []>, transpose_lhs_hint = false} : vector<10000x128xf32>, vector<128x128xf32>, vector<10000x128xf32> -> vector<10000x128xf32>
    %swap3A = arith.constant 0 : index
    %swap3A_6 = arith.constant 0 : index
    %swap3A_7 = vector.load %arg3[%swap3A, %swap3A_6] : memref<10240x128xf32, #tpu.memory_space<vmem>>, vector<10000x128xf32>
    tpu.vector_store %arg3[%swap3A, %swap3A_6], %dot_general3A_5 {strides = array<i32>} : memref<10240x128xf32, #tpu.memory_space<vmem>>, vector<10000x128xf32>,
    %broadcast_in_dim3A = arith.constant 0.000000e+00 : f32
    %broadcast_in_dim3A_8 = vector.broadcast %broadcast_in_dim3A : f32 to vector<240x128xf32>
    %swap3A_9 = arith.constant 10000 : index
    %swap3A_10 = arith.constant 0 : index
    %swap3A_11 = vector.load %arg3[%swap3A_9, %swap3A_10] : memref<10240x128xf32, #tpu.memory_space<vmem>>, vector<240x128xf32>
    tpu.vector_store %arg3[%swap3A_9, %swap3A_10], %broadcast_in_dim3A_8 {strides = array<i32>} : memref<10240x128xf32, #tpu.memory_space<vmem>>, vector<240x128xf32>,
    %get3A_12 = arith.constant 0 : index
    %get3A_13 = arith.constant 0 : index
    %get3A_14 = vector.load %arg2[%get3A_12, %get3A_13] : memref<128x32xf32, #tpu.memory_space<vmem>>, vector<128x32xf32>
    %dot_general3A_15 = arith.constant dense<0.000000e+00> : vector<10000x32xf32>
    %dot_general3A_16 = tpu.matmul %dot_general3A_5, %get3A_14, %dot_general3A_15 {dimension_numbers = #tpu.dot_dimension_numbers<[1], [0], [0], [1], [0, 0, 1, 1], [], []>, transpose_lhs_hint = false} : vector<10000x128xf32>, vector<128x32xf32>, vector<10000x32xf32> -> vector<10000x32xf32>
    %slice3A = vector.extract_strided_slice %dot_general3A_16 {offsets = [0, 0], sizes = [10000, 16], strides = [1, 1]} : vector<10000x32xf32> to vector<10000x16xf32>
    %swap3A_17 = arith.constant 0 : index
    %swap3A_18 = arith.constant 0 : index
    %swap3A_19 = vector.load %arg4[%swap3A_17, %swap3A_18] : memref<10240x16xf32, #tpu.memory_space<vmem>>, vector<10000x16xf32>
    tpu.vector_store %arg4[%swap3A_17, %swap3A_18], %slice3A {strides = array<i32>} : memref<10240x16xf32, #tpu.memory_space<vmem>>, vector<10000x16xf32>,
    %broadcast_in_dim3A_20 = arith.constant -1.000000e+30 : f32
    %broadcast_in_dim3A_21 = vector.broadcast %broadcast_in_dim3A_20 : f32 to vector<240x16xf32>
    %swap3A_22 = arith.constant 10000 : index
    %swap3A_23 = arith.constant 0 : index
    %swap3A_24 = vector.load %arg4[%swap3A_22, %swap3A_23] : memref<10240x16xf32, #tpu.memory_space<vmem>>, vector<240x16xf32>
    tpu.vector_store %arg4[%swap3A_22, %swap3A_23], %broadcast_in_dim3A_21 {strides = array<i32>} : memref<10240x16xf32, #tpu.memory_space<vmem>>, vector<240x16xf32>,
    %slice3A_25 = vector.extract_strided_slice %dot_general3A_16 {offsets = [0, 16], sizes = [10000, 16], strides = [1, 1]} : vector<10000x32xf32> to vector<10000x16xf32>
    %swap3A_26 = arith.constant 0 : index
    %swap3A_27 = arith.constant 0 : index
    %swap3A_28 = vector.load %arg5[%swap3A_26, %swap3A_27] : memref<10240x16xf32, #tpu.memory_space<vmem>>, vector<10000x16xf32>
    tpu.vector_store %arg5[%swap3A_26, %swap3A_27], %slice3A_25 {strides = array<i32>} : memref<10240x16xf32, #tpu.memory_space<vmem>>, vector<10000x16xf32>,
    %broadcast_in_dim3A_29 = arith.constant -1.000000e+30 : f32
    %broadcast_in_dim3A_30 = vector.broadcast %broadcast_in_dim3A_29 : f32 to vector<240x16xf32>
    %swap3A_31 = arith.constant 10000 : index
    %swap3A_32 = arith.constant 0 : index
    %swap3A_33 = vector.load %arg5[%swap3A_31, %swap3A_32] : memref<10240x16xf32, #tpu.memory_space<vmem>>, vector<240x16xf32>
    tpu.vector_store %arg5[%swap3A_31, %swap3A_32], %broadcast_in_dim3A_30 {strides = array<i32>} : memref<10240x16xf32, #tpu.memory_space<vmem>>, vector<240x16xf32>,
    return
  }
}

module attributes {stable_mosaic.version = 14 : i64} {
  func.func @_tc2_body(%arg0: memref<2x10000x128xf32, #tpu.memory_space<vmem>>, %arg1: memref<2x10000x8xf32, #tpu.memory_space<vmem>>, %arg2: memref<8x128xf32, #tpu.memory_space<vmem>>, %arg3: memref<1x128xf32, #tpu.memory_space<vmem>>, %arg4: memref<128x128xf32, #tpu.memory_space<vmem>>, %arg5: memref<128x2xf32, #tpu.memory_space<vmem>>, %arg6: memref<10240x128xf32, #tpu.memory_space<vmem>>, %arg7: memref<10240x2xf32, #tpu.memory_space<vmem>>) attributes {dimension_semantics = [], scalar_prefetch = 0 : i64, scratch_operands = 0 : i64, tpu.core_type = #tpu.core_type<tc>} {
    %get3A = arith.constant 0 : index
    %get3A_0 = arith.constant 0 : index
    %get3A_1 = arith.constant 0 : index
    %get3A_2 = vector.load %arg1[%get3A, %get3A_0, %get3A_1] : memref<2x10000x8xf32, #tpu.memory_space<vmem>>, vector<1x10000x8xf32>
    %get3A_3 = vector.shape_cast %get3A_2 : vector<1x10000x8xf32> to vector<10000x8xf32>
    %get3A_4 = arith.constant 1 : index
    %get3A_5 = arith.constant 0 : index
    %get3A_6 = arith.constant 0 : index
    %get3A_7 = vector.load %arg1[%get3A_4, %get3A_5, %get3A_6] : memref<2x10000x8xf32, #tpu.memory_space<vmem>>, vector<1x10000x8xf32>
    %get3A_8 = vector.shape_cast %get3A_7 : vector<1x10000x8xf32> to vector<10000x8xf32>
    %add3A = arith.addf %get3A_3, %get3A_8 : vector<10000x8xf32>
    %get3A_9 = arith.constant 0 : index
    %get3A_10 = arith.constant 0 : index
    %get3A_11 = vector.load %arg2[%get3A_9, %get3A_10] : memref<8x128xf32, #tpu.memory_space<vmem>>, vector<8x128xf32>
    %dot_general3A = arith.constant dense<0.000000e+00> : vector<10000x128xf32>
    %dot_general3A_12 = tpu.matmul %add3A, %get3A_11, %dot_general3A {dimension_numbers = #tpu.dot_dimension_numbers<[1], [0], [0], [1], [0, 0, 1, 1], [], []>, transpose_lhs_hint = false} : vector<10000x8xf32>, vector<8x128xf32>, vector<10000x128xf32> -> vector<10000x128xf32>
    %get3A_13 = arith.constant 0 : index
    %get3A_14 = arith.constant 0 : index
    %get3A_15 = arith.constant 0 : index
    %get3A_16 = vector.load %arg0[%get3A_13, %get3A_14, %get3A_15] : memref<2x10000x128xf32, #tpu.memory_space<vmem>>, vector<1x10000x128xf32>
    %get3A_17 = vector.shape_cast %get3A_16 : vector<1x10000x128xf32> to vector<10000x128xf32>
    %get3A_18 = arith.constant 1 : index
    %get3A_19 = arith.constant 0 : index
    %get3A_20 = arith.constant 0 : index
    %get3A_21 = vector.load %arg0[%get3A_18, %get3A_19, %get3A_20] : memref<2x10000x128xf32, #tpu.memory_space<vmem>>, vector<1x10000x128xf32>
    %get3A_22 = vector.shape_cast %get3A_21 : vector<1x10000x128xf32> to vector<10000x128xf32>
    %add3A_23 = arith.addf %get3A_17, %get3A_22 : vector<10000x128xf32>
    %add3A_24 = arith.constant 1.000000e-16 : f32
    %add3A_25 = vector.broadcast %add3A_24 : f32 to vector<10000x128xf32>
    %add3A_26 = arith.addf %dot_general3A_12, %add3A_25 : vector<10000x128xf32>
    %div3A = arith.divf %add3A_23, %add3A_26 : vector<10000x128xf32>
    %get3A_27 = arith.constant 0 : index
    %get3A_28 = arith.constant 0 : index
    %get3A_29 = vector.load %arg3[%get3A_27, %get3A_28] : memref<1x128xf32, #tpu.memory_space<vmem>>, vector<1x128xf32>
    %add3A_30 = vector.broadcast %get3A_29 : vector<1x128xf32> to vector<10000x128xf32>
    %add3A_31 = arith.addf %div3A, %add3A_30 : vector<10000x128xf32>
    %gt3A = arith.constant 0.000000e+00 : f32
    %gt3A_32 = vector.broadcast %gt3A : f32 to vector<10000x128xf32>
    %gt3A_33 = arith.cmpf ogt, %add3A_31, %gt3A_32 : vector<10000x128xf32>
    %exp3A = math.exp %add3A_31 : vector<10000x128xf32>
    %sub3A = arith.constant 1.000000e+00 : f32
    %sub3A_34 = vector.broadcast %sub3A : f32 to vector<10000x128xf32>
    %sub3A_35 = arith.subf %exp3A, %sub3A_34 : vector<10000x128xf32>
    %select_n3A = arith.select %gt3A_33, %add3A_31, %sub3A_35 : vector<10000x128xi1>, vector<10000x128xf32>
    %get3A_36 = arith.constant 0 : index
    %get3A_37 = arith.constant 0 : index
    %get3A_38 = vector.load %arg4[%get3A_36, %get3A_37] : memref<128x128xf32, #tpu.memory_space<vmem>>, vector<128x128xf32>
    %dot_general3A_39 = arith.constant dense<0.000000e+00> : vector<10000x128xf32>
    %dot_general3A_40 = tpu.matmul %select_n3A, %get3A_38, %dot_general3A_39 {dimension_numbers = #tpu.dot_dimension_numbers<[1], [0], [0], [1], [0, 0, 1, 1], [], []>, transpose_lhs_hint = false} : vector<10000x128xf32>, vector<128x128xf32>, vector<10000x128xf32> -> vector<10000x128xf32>
    %swap3A = arith.constant 0 : index
    %swap3A_41 = arith.constant 0 : index
    %swap3A_42 = vector.load %arg6[%swap3A, %swap3A_41] : memref<10240x128xf32, #tpu.memory_space<vmem>>, vector<10000x128xf32>
    tpu.vector_store %arg6[%swap3A, %swap3A_41], %dot_general3A_40 {strides = array<i32>} : memref<10240x128xf32, #tpu.memory_space<vmem>>, vector<10000x128xf32>,
    %broadcast_in_dim3A = arith.constant 0.000000e+00 : f32
    %broadcast_in_dim3A_43 = vector.broadcast %broadcast_in_dim3A : f32 to vector<240x128xf32>
    %swap3A_44 = arith.constant 10000 : index
    %swap3A_45 = arith.constant 0 : index
    %swap3A_46 = vector.load %arg6[%swap3A_44, %swap3A_45] : memref<10240x128xf32, #tpu.memory_space<vmem>>, vector<240x128xf32>
    tpu.vector_store %arg6[%swap3A_44, %swap3A_45], %broadcast_in_dim3A_43 {strides = array<i32>} : memref<10240x128xf32, #tpu.memory_space<vmem>>, vector<240x128xf32>,
    %get3A_47 = arith.constant 0 : index
    %get3A_48 = arith.constant 0 : index
    %get3A_49 = vector.load %arg5[%get3A_47, %get3A_48] : memref<128x2xf32, #tpu.memory_space<vmem>>, vector<128x2xf32>
    %dot_general3A_50 = arith.constant dense<0.000000e+00> : vector<10000x2xf32>
    %dot_general3A_51 = tpu.matmul %dot_general3A_40, %get3A_49, %dot_general3A_50 {dimension_numbers = #tpu.dot_dimension_numbers<[1], [0], [0], [1], [0, 0, 1, 1], [], []>, transpose_lhs_hint = false} : vector<10000x128xf32>, vector<128x2xf32>, vector<10000x2xf32> -> vector<10000x2xf32>
    %swap3A_52 = arith.constant 0 : index
    %swap3A_53 = arith.constant 0 : index
    %swap3A_54 = vector.load %arg7[%swap3A_52, %swap3A_53] : memref<10240x2xf32, #tpu.memory_space<vmem>>, vector<10000x2xf32>
    tpu.vector_store %arg7[%swap3A_52, %swap3A_53], %dot_general3A_51 {strides = array<i32>} : memref<10240x2xf32, #tpu.memory_space<vmem>>, vector<10000x2xf32>,
    %broadcast_in_dim3A_55 = arith.constant -1.000000e+30 : f32
    %broadcast_in_dim3A_56 = vector.broadcast %broadcast_in_dim3A_55 : f32 to vector<240x2xf32>
    %swap3A_57 = arith.constant 10000 : index
    %swap3A_58 = arith.constant 0 : index
    %swap3A_59 = vector.load %arg7[%swap3A_57, %swap3A_58] : memref<10240x2xf32, #tpu.memory_space<vmem>>, vector<240x2xf32>
    tpu.vector_store %arg7[%swap3A_57, %swap3A_58], %broadcast_in_dim3A_56 {strides = array<i32>} : memref<10240x2xf32, #tpu.memory_space<vmem>>, vector<240x2xf32>,
    return
  }
}

module attributes {stable_mosaic.version = 14 : i64} {
  func.func @_tc3_body(%arg0: memref<2x10000x128xf32, #tpu.memory_space<vmem>>, %arg1: memref<2x10000x8xf32, #tpu.memory_space<vmem>>, %arg2: memref<8x128xf32, #tpu.memory_space<vmem>>, %arg3: memref<1x128xf32, #tpu.memory_space<vmem>>, %arg4: memref<10000x128xf32, #tpu.memory_space<vmem>>) attributes {dimension_semantics = [], scalar_prefetch = 0 : i64, scratch_operands = 0 : i64, tpu.core_type = #tpu.core_type<tc>} {
    %get3A = arith.constant 0 : index
    %get3A_0 = arith.constant 0 : index
    %get3A_1 = arith.constant 0 : index
    %get3A_2 = vector.load %arg1[%get3A, %get3A_0, %get3A_1] : memref<2x10000x8xf32, #tpu.memory_space<vmem>>, vector<1x10000x8xf32>
    %get3A_3 = vector.shape_cast %get3A_2 : vector<1x10000x8xf32> to vector<10000x8xf32>
    %get3A_4 = arith.constant 1 : index
    %get3A_5 = arith.constant 0 : index
    %get3A_6 = arith.constant 0 : index
    %get3A_7 = vector.load %arg1[%get3A_4, %get3A_5, %get3A_6] : memref<2x10000x8xf32, #tpu.memory_space<vmem>>, vector<1x10000x8xf32>
    %get3A_8 = vector.shape_cast %get3A_7 : vector<1x10000x8xf32> to vector<10000x8xf32>
    %add3A = arith.addf %get3A_3, %get3A_8 : vector<10000x8xf32>
    %get3A_9 = arith.constant 0 : index
    %get3A_10 = arith.constant 0 : index
    %get3A_11 = vector.load %arg2[%get3A_9, %get3A_10] : memref<8x128xf32, #tpu.memory_space<vmem>>, vector<8x128xf32>
    %dot_general3A = arith.constant dense<0.000000e+00> : vector<10000x128xf32>
    %dot_general3A_12 = tpu.matmul %add3A, %get3A_11, %dot_general3A {dimension_numbers = #tpu.dot_dimension_numbers<[1], [0], [0], [1], [0, 0, 1, 1], [], []>, transpose_lhs_hint = false} : vector<10000x8xf32>, vector<8x128xf32>, vector<10000x128xf32> -> vector<10000x128xf32>
    %get3A_13 = arith.constant 0 : index
    %get3A_14 = arith.constant 0 : index
    %get3A_15 = arith.constant 0 : index
    %get3A_16 = vector.load %arg0[%get3A_13, %get3A_14, %get3A_15] : memref<2x10000x128xf32, #tpu.memory_space<vmem>>, vector<1x10000x128xf32>
    %get3A_17 = vector.shape_cast %get3A_16 : vector<1x10000x128xf32> to vector<10000x128xf32>
    %get3A_18 = arith.constant 1 : index
    %get3A_19 = arith.constant 0 : index
    %get3A_20 = arith.constant 0 : index
    %get3A_21 = vector.load %arg0[%get3A_18, %get3A_19, %get3A_20] : memref<2x10000x128xf32, #tpu.memory_space<vmem>>, vector<1x10000x128xf32>
    %get3A_22 = vector.shape_cast %get3A_21 : vector<1x10000x128xf32> to vector<10000x128xf32>
    %add3A_23 = arith.addf %get3A_17, %get3A_22 : vector<10000x128xf32>
    %add3A_24 = arith.constant 1.000000e-16 : f32
    %add3A_25 = vector.broadcast %add3A_24 : f32 to vector<10000x128xf32>
    %add3A_26 = arith.addf %dot_general3A_12, %add3A_25 : vector<10000x128xf32>
    %div3A = arith.divf %add3A_23, %add3A_26 : vector<10000x128xf32>
    %get3A_27 = arith.constant 0 : index
    %get3A_28 = arith.constant 0 : index
    %get3A_29 = vector.load %arg3[%get3A_27, %get3A_28] : memref<1x128xf32, #tpu.memory_space<vmem>>, vector<1x128xf32>
    %add3A_30 = vector.broadcast %get3A_29 : vector<1x128xf32> to vector<10000x128xf32>
    %add3A_31 = arith.addf %div3A, %add3A_30 : vector<10000x128xf32>
    %swap3A = arith.constant 0 : index
    %swap3A_32 = arith.constant 0 : index
    %swap3A_33 = vector.load %arg4[%swap3A, %swap3A_32] : memref<10000x128xf32, #tpu.memory_space<vmem>>, vector<10000x128xf32>
    tpu.vector_store %arg4[%swap3A, %swap3A_32], %add3A_31 {strides = array<i32>} : memref<10000x128xf32, #tpu.memory_space<vmem>>, vector<10000x128xf32>,
    return
  }
}

</mosaic_0001>

<sc_bundles>
// kernel: kernel.10.cloned.1.call-start
scs
__scs_entry_jumppad:
0x0: {  	(pc) =	sbr.rel $0x88, $3  }
0x1: {  	(tag) =	ssettag $0x0;
	lr =	simm.s32 $0x1  }
0x2: {  	[smem:$0x3F97] =	sst lr;
	_ =	strace $0xD0000000  }
0x3: {  	_ = 	snop  }
0x4: {  	_ = 	snop  }
0x5: {  	_ = 	snop  }
0x6: {  	_ = 	snop  }
0x7: {  	_ = 	snop  }
__scs_overlays_trampoline_lowered:
0x8: {  	[smem:$0x3FA6] =	sst s0  }
0x9: {  	[smem:$0x3FA7] =	sst s1  }
0xa: {  	[smem:$0x3FA8] =	sst s2  }
0xb: {  	[smem:$0x3FA9] =	sst s3  }
0xc: {  	[smem:$0x3FAA] =	sst s4  }
0xd: {  	[smem:$0x3FAB] =	sst s5  }
0xe: {  	[smem:$0x3FAC] =	sst s6  }
0xf: {  	[smem:$0x3FAD] =	sst s7  }
0x10: {  	[smem:$0x3FAE] =	sst s8  }
0x11: {  	[smem:$0x3FAF] =	sst s9;
	s0 =	simm.s32 @!p0 $0x0  }
0x12: {  	s1 =	sld [smem:$0x3F95];
	s0 =	simm.s32 @p0 $0x1  }
0x13: {  	[smem:$0x3FB0] =	sst s0;
	s0 =	simm.s32 @!p1 $0x0  }
0x14: {  	s2 =	sld [smem:$0x3F94];
	s0 =	simm.s32 @p1 $0x1  }
0x15: {  	[smem:$0x3FB1] =	sst s0;
	s0 =	simm.s32 @!p2 $0x0  }
0x16: {  	s3 =	sld [smem:$0x3FDB];
	s0 =	simm.s32 @p2 $0x1  }
0x17: {  	s4 =	simm.s32 $0x1BF5;
	[smem:$0x3FB3] =	sst s0  }
0x18: {  	s0 =	sld [smem:$0x3F96];
	_ =	swait.ge [sflag:s4], $0x0  }
0x19: {  	s7 =	sld [smem:$0x3F97]  }
0x1a: {  	s8 =	sadd.s32 $0xFFFFE003, lr  }
0x1b: {  	s9 =	sadd.s32 $0xFFFFFEF7, lr;
	s5 =	simm.s32 $0xFFFFFFFF;
	p2 =	slt.u32 s8, $0xFFFFF086  }
0x1c: {  	p1 =	slt.u32 s9, $0xF7A;
	s5 =	simm.s32 @!p2 $0x0  }
0x1d: {  	s5 =	simm.s32 @p1 $0x1;
	p0 =	seq.s32 s7, s2  }
0x1e: {  	s7 =	smul.u32 @!p0 $0xF7A, s2;
	p2 =	seq.s32 @!p0 s5, $0x0  }
0x1f: {  	s9 =	smul.u32 $0xF7A, s1;
	s8 =	simm.s32 @!p0 $0x1BF5;
	p2 =	por !p2, p0  }
0x20: {  	[sflag:s8] =	ssyncset.s32 @!p0 $0xFFFFF086;
	s6 =	sadd.s32 @!p0 s3, s7;
	s7 =	simm.s32 @!p0 $0x108  }
0x21: {  	s3 =	sadd.s32 s3, s9;
	s6 =	sadd.s32 @!p0 $0x88, s6;
	s7 =	simm.s32 @p2 $0x1082  }
0x22: {  	[simem:s7], [sflag:s8] =	dma.local @!p0 [hbm:s6], $0xF7A  }
0x23: {  	s9 =	sor.u32 $0xD0000000, s2;
	s6 =	simm.s32 $0x108;
	_ =	swait.ge @!p0 [sflag:s8], $0x0  }
0x24: {  	s3 =	sadd.s32 $0x88, s3;
	s6 =	simm.s32 @!p1 $0x1082;
	[sflag:s4] =	ssyncset.s32 $0xFFFFF086  }
0x25: {  	[simem:s6], [sflag:s4] =	dma.local [hbm:s3], $0xF7A  }
0x26: {  	[smem:$0x3F97] =	sst s1;
	(tag) =	ssettag s2;
	_ =	strace s9  }
0x27: {  	s1 =	sld [smem:$0x3FA7]  }
0x28: {  	s2 =	sld [smem:$0x3FA8]  }
0x29: {  	s4 =	sld [smem:$0x3FAA]  }
0x2a: {  	p0 =	seq.s32 s5, $0x0;
	s5 =	sld [smem:$0x3FAB]  }
0x2b: {  	s6 =	sld [smem:$0x3FAC]  }
0x2c: {  	s7 =	sld [smem:$0x3FAD]  }
0x2d: {  	s3 =	simm.s32 $0x108;
	s8 =	sld [smem:$0x3FAE]  }
0x2e: {  	s3 =	simm.s32 @!p0 $0x1082;
	s9 =	sld [smem:$0x3FAF]  }
0x2f: {  	lr =	sadd.s32 s0, s3;
	s0 =	sld [smem:$0x3FA6]  }
0x30: {  	s3 =	sld [smem:$0x3FA9]  }
0x31: {  	[smem:$0x3FB2] =	sst s10  }
0x32: {  	s10 =	sld [smem:$0x3FB0];
	_ =	sdelay $0x3  }
0x33: {  	p0 =	seq.s32 s10, $0x1;
	s10 =	sld [smem:$0x3FB2];
	_ =	sdelay $0x3  }
0x34: {  	[smem:$0x3FB2] =	sst s10  }
0x35: {  	s10 =	sld [smem:$0x3FB1];
	_ =	sdelay $0x3  }
0x36: {  	p1 =	seq.s32 s10, $0x1;
	s10 =	sld [smem:$0x3FB2];
	_ =	sdelay $0x3  }
0x37: {  	[smem:$0x3FB2] =	sst s10  }
0x38: {  	s10 =	sld [smem:$0x3FB3]  }
0x39: {  	_ = 	snop;
	(pc) =	sbr.ind lr, $3  }
0x3a: {  	_ = 	snop  }
0x3b: {  	_ = 	snop  }
0x3c: {  	p2 =	seq.s32 s10, $0x1;
	s10 =	sld [smem:$0x3FB2]  }
0x3d: {  	_ =	shalt  }
0x3e: {  	_ =	shalt  }
0x3f: {  	_ =	shalt  }
0x40: {  	_ =	shalt  }
0x41: {  	_ =	shalt  }
0x42: {  	_ =	shalt  }
0x43: {  	_ =	shalt  }
0x44: {  	_ =	shalt  }
0x45: {  	_ =	shalt  }
0x46: {  	_ =	shalt  }
0x47: {  	_ =	shalt  }
0x48: {  	_ =	shalt  }
0x49: {  	_ =	shalt  }
0x4a: {  	_ =	shalt  }
0x4b: {  	_ =	shalt  }
0x4c: {  	_ =	shalt  }
0x4d: {  	_ =	shalt  }
0x4e: {  	_ =	shalt  }
0x4f: {  	_ =	shalt  }
0x50: {  	_ =	shalt  }
0x51: {  	_ =	shalt  }
0x52: {  	_ =	shalt  }
0x53: {  	_ =	shalt  }
0x54: {  	_ =	shalt  }
0x55: {  	_ =	shalt  }
0x56: {  	_ =	shalt  }
0x57: {  	_ =	shalt  }
0x58: {  	_ =	shalt  }
0x59: {  	_ =	shalt  }
0x5a: {  	_ =	shalt  }
0x5b: {  	_ =	shalt  }
0x5c: {  	_ =	shalt  }
0x5d: {  	_ =	shalt  }
0x5e: {  	_ =	shalt  }
0x5f: {  	_ =	shalt  }
0x60: {  	_ =	shalt  }
0x61: {  	_ =	shalt  }
0x62: {  	_ =	shalt  }
0x63: {  	_ =	shalt  }
0x64: {  	_ =	shalt  }
0x65: {  	_ =	shalt  }
0x66: {  	_ =	shalt  }
0x67: {  	_ =	shalt  }
0x68: {  	_ =	shalt  }
0x69: {  	_ =	shalt  }
0x6a: {  	_ =	shalt  }
0x6b: {  	_ =	shalt  }
0x6c: {  	_ =	shalt  }
0x6d: {  	_ =	shalt  }
0x6e: {  	_ =	shalt  }
0x6f: {  	_ =	shalt  }
0x70: {  	_ =	shalt  }
0x71: {  	_ =	shalt  }
0x72: {  	_ =	shalt  }
0x73: {  	_ =	shalt  }
0x74: {  	_ =	shalt  }
0x75: {  	_ =	shalt  }
0x76: {  	_ =	shalt  }
0x77: {  	_ =	shalt  }
0x78: {  	_ =	shalt  }
0x79: {  	_ =	shalt  }
0x7a: {  	_ =	shalt  }
0x7b: {  	_ =	shalt  }
0x7c: {  	_ =	shalt  }
0x7d: {  	_ =	shalt  }
0x7e: {  	_ =	shalt  }
0x7f: {  	_ =	shalt  }
0x80: {  	_ =	shalt  }
0x81: {  	_ =	shalt  }
0x82: {  	_ =	shalt  }
0x83: {  	_ =	shalt  }
0x84: {  	_ =	shalt  }
0x85: {  	_ =	shalt  }
0x86: {  	_ =	shalt  }
0x87: {  	_ =	shalt  }
.Lfunc_end0:
.L_simem_size_0:
called_computation.1_lowered:
.L_overlay_start_0:
0x88: {  	s2 =	sld [smem:$0x3FD9]  }
0x89: {  	s3 =	sld [smem:$0x3FFE];
	_ =	sdelay $0x1  }
0x8a: {  	s1 =	srdreg.scid  }
0x8b: {  	s0 =	sand.u32 $0x1, s1  }
0x8c: {  	s17 =	sshll.u32 s0, $0xA;
	s2 =	sadd.s32 s3, s2  }
0x8d: {  	s2 =	sadd.s32 s2, s17  }
0x8e: {  	[smem:$0x3FBE] =	sst s2  }
0x8f: {  	_ = 	snop  }
0x90: {  	s2 =	sld [smem:$0x3FD0];
	(tm) =	ssettm $0x1  }
0x91: {  	s18 =	sld [smem:$0x3FFB];
	_ =	sdelay $0x3  }
0x92: {  	_ =	strace s18  }
0x93: {  	s3 =	sld [smem:$0x3FFC];
	_ =	sdelay $0x3  }
0x94: {  	_ =	strace s3  }
0x95: {  	s3 =	sld [smem:$0x3FFD];
	_ =	sdelay $0x3  }
0x96: {  	_ =	strace s3  }
0x97: {  	_ =	strace $0x8FFFFFFF  }
0x98: {  	s19 =	sld [smem:$0x3FDB];
	_ =	sdelay $0x1  }
0x99: {  	s4 =	simm.s32 $_scs_section_size  }
0x9a: {  	s5 =	simm.s32 $_size__tile_overlayer_lowered;
	s6 =	simm.s32 $_tile_overlayer_lowered  }
0x9b: {  	s22 =	simm.s32 $0x1BFF;
	s21 =	sshll.u32 s6, $0x1;
	s3 =	sadd.s32 s4, s19  }
0x9c: {  	s7 =	simm.s32 $0x0;
	s20 =	sshll.u32 s5, $0x1;
	s5 =	sadd.s32 s21, s3  }
0x9d: {  	[timem:s7], [sflag:s22] =	dma.local [hbm:s5], s20  }
0x9e: {  	_ =	swait.ge [sflag:s22], s20  }
0x9f: {  	s4 =	ssub.s32 $0x0, s20;
	[sflag:s22] =	ssyncset.done $0x0  }
0xa0: {  	[sflag:s22] =	ssyncadd.s32 s4;
	_ =	sdelay $0x1  }
0xa1: {  	s23 =	simm.s32 $0x1B8B  }
0xa2: {  	_ =	swait.ge [sflag:s23], $0x1  }
0xa3: {  	[sflag:s23] =	ssyncset.done $0x0  }
0xa4: {  	s25 =	simm.s32 $0x1B8E;
	s24 =	sld [smem:$0x3FFE];
	[sflag:s23] =	ssyncadd.s32 $0xFFFFFFFF  }
0xa5: {  	s26 =	simm.s32 $execute0_lowered;
	[smem:$0x3FD2] =	sst s25  }
0xa6: {  	s5 =	sshll.u32 s26, $0x1;
	_ =	strace $0x80000049;
	[dreg:$0x1] =	wrdreg $0xFFFFFFFF  }
0xa7: {  	s28 =	simm.s32 $_size_execute0_lowered;
	s3 =	sadd.s32 s3, s5;
	[dreg:$0x0] =	wrdreg $0x0  }
0xa8: {  	s5 =	sshll.u32 s28, $0x1;
	[dreg:$0x2] =	wrdreg s3  }
0xa9: {  	[dreg:$0x3] =	wrdreg s5  }
0xaa: {  	[dreg:$0x4] =	wrdreg $0xC0  }
0xab: {  	_ =	task [dreg:s7], $0x5FFFF  }
0xac: {  	[dreg:$0x1] =	wrdreg $0xFFFFFFFF  }
0xad: {  	[dreg:$0x0] =	wrdreg $0x60  }
0xae: {  	[dreg:$0x2] =	wrdreg s2  }
0xaf: {  	[dreg:$0x3] =	wrdreg s24  }
0xb0: {  	[dreg:$0x4] =	wrdreg $0x8C000  }
0xb1: {  	[dreg:$0x5] =	wrdreg $0x1C4800  }
0xb2: {  	[dreg:$0x6] =	wrdreg $0x9  }
0xb3: {  	_ =	task.clear_ibuf [dreg:s7], $0x7FFFF;
	_ =	strace $0x90000049  }
0xb4: {  	s29 =	simm.s32 $0x9;
	_ =	strace $0x8000004B  }
0xb5: {  	_ =	swait.ge [sflag:s29], $0x1  }
0xb6: {  	[sflag:s29] =	ssyncadd.s32 $0xFFFFFFFF  }
0xb7: {  	_ =	strace $0x9000004B  }
0xb8: {  	_ =	sfence  }
0xb9: {  	s30 =	sld [smem:$0x0];
	_ =	sdelay $0x2  }
0xba: {  	s31 =	sshll.u32 s1, $0xD;
	s1 =	sshrl.u32 s1, $0x2  }
0xbb: {  	s3 =	sand.u32 $0x4000, s31;
	s1 =	sadd.s32 s1, s30  }
0xbc: {  	s0 =	sor.u32 s3, s0;
	s1 =	sshll.u32 s1, $0x11  }
0xbd: {  	s0 =	sor.u32 s1, s0  }
0xbe: {  	s0 =	sadd.s32 $0x8F2B, s0  }
0xbf: {  	[sflag:s0] =	ssyncadd.remote.s32 $0x1  }
0xc0: {  	_ =	sfence.sel $0xFFFF  }
0xc1: {  	[dreg:$0x0] =	wrdreg $0xFFFFFFFF;
	(pc) =	sbr.abs _section_cstart, $3  }
0xc2: {  	[dreg:$0x1] =	wrdreg $0xFFFFFFFF  }
0xc3: {  	_ =	task.clear_ibuf [dreg:s7], $0x2FFFF;
	_ =	strace $0x9FFFFFFF  }
0xc4: {  	(tm) =	ssettm $0x7FFFFFFF  }
0xc5: {  	_ =	shalt  }
tec
execute0_lowered:
.L_overlay_start_1:
0x0: {  	(tag) =	ssettag $0x1  }
0x1: {  	s1 =	rddreg [dreg:$0x0]  }
0x2: {  	s0 =	rddreg [dreg:$0x1]  }
0x3: {  	s2 =	rddreg [dreg:$0x2]  }
0x4: {  	s3 =	rddreg [dreg:$0x3];
	s4 =	srdreg.scid;
	s6 =	simm.s32 $0x0  }
0x5: {  	s15 =	stileid.u32;
	s18 =	simm.s32 $0xC00;
	s19 =	simm.s32 $0x400  }
0x6: {  	s20 =	simm.s32 $0x5;
	s21 =	simm.s32 $0x80;
	s22 =	simm.s32 $0x200  }
0x7: {  	s23 =	simm.s32 $0x300;
	s28 =	simm.s32 $0x280;
	s10 =	smul.u32 $0x13880, s15  }
0x8: {  	s29 =	simm.s32 $0x180;
	s30 =	simm.s32 $0x380;
	s13 =	smul.u32 $0x1388, s15  }
0x9: {  	s31 =	simm.s32 $0x4C00;
	s4 =	sand.u32 $0x1, s4;
	s26 =	smul.u32 $0x4E20, s15  }
0xa: {  	[smem:$0x7FF] =	sst s6;
	s6 =	sadd.s32 $0x2A200, s0;
	s16 =	smul.u32 $0x4E200, s15  }
0xb: {  	s7 =	sadd.s32 $0x29C00, s0;
	s8 =	sadd.s32 $0x1C00, s0;
	s5 =	smul.u32 $0x138800, s4  }
0xc: {  	s9 =	smul.u32 $0x13880, s4;
	s11 =	sshll.u32 s4, $0x4;
	s4 =	ssub.s32 $0x2, s4  }
0xd: {  	_ =	strace $0x8000004A;
	s11 =	sor.u32 s15, s11;
	s12 =	sshrl.u32 s4, $0x1  }
0xe: {  	s17 =	sadd.s32 s13, s3;
	s24 =	sshrl.u32 s26, $0x2;
	s5 =	sadd.s32 s10, s5  }
0xf: {  	s9 =	sadd.s32 s13, s9;
	s14 =	smul.u32 $0xA00, s11;
	s4 =	ssub.s32 s4, s12  }
0x10: {  	s10 =	sadd.s32 s10, s2;
	s5 =	sshrl.u32 s5, $0x3;
	s9 =	sshrl.u32 s9, $0x3  }
0x11: {  	s4 =	smax.u32 s4, $0x1;
	s26 =	sshrl.u32 s10, $0x3;
	s10 =	simm.s32 $0x800  }
0x12: {  	s5 =	sadd.s32 s5, s0;
	s0 =	sadd.s32 s9, s0;
	s9 =	smul.u32 $0x50, s11  }
0x13: {  	s25 =	sadd.s32 s1, s14;
	s11 =	sadd.s32 $0x20, s1;
	[dreg:$0x8] =	wrdreg s4  }
0x14: {  	[dreg:$0xa] =	wrdreg s26;
	s26 =	simm.s32 $0x100;
	s4 =	simm.s32 $0x2  }
0x15: {  	s14 =	simm.s32 $0x0;
	[dreg:$0x5] =	wrdreg s25;
	s5 =	sadd.s32 $0x2F800, s5  }
0x16: {  	v0 =	vlaneseq.u32;
	s0 =	sadd.s32 $0x2A800, s0;
	s12 =	sadd.s32 $0x4F, s9;
	[dreg:$0x6] =	wrdreg s5  }
0x17: {  	v1 =	vimm.f32 $0.0e+00;
	v2 =	vor.u32 $0x10, v0;
	v3 =	vor.u32 $0x20, v0;
	[dreg:$0x7] =	wrdreg s0;
	s5 =	sshrl.u32 s16, $0x2;
	s0 =	sshrl.u32 s17, $0x3  }
0x18: {  	v4 =	vor.u32 $0x30, v0;
	v5 =	vor.u32 $0x40, v0;
	v6 =	vor.u32 $0x50, v0;
	s16 =	sadd.s32 s24, s3;
	s25 =	sadd.s32 s5, s2;
	[dreg:$0xb] =	wrdreg s0  }
0x19: {  	v7 =	vor.u32 $0x60, v0;
	v8 =	vor.u32 $0x70, v0;
	v9 =	vand.u32 $0x7, v0;
	s0 =	simm.s32 $0x1;
	s5 =	simm.s32 $0x3;
	[dreg:$0x9] =	wrdreg s25  }
.LBB2_1:
0x1a: {  	s13 =	simm.s32 $0x0  }
0x1b: {  	v11 =	vmov s13  }
0x1c: {  	v16 =	vshll.u32 v11, $0x7  }
0x1d: {  	v15 =	vor.u32 v0, v16  }
0x1e: {  	v17 =	vor.u32 v2, v16  }
0x1f: {  	v13 =	vor.u32 v3, v16  }
0x20: {  	v14 =	vor.u32 v4, v16  }
0x21: {  	v12 =	vor.u32 v5, v16  }
0x22: {  	[tilespmem:v15+s18+$0x0] =	vst.idx.msk $0xffff, v1;
	v15 =	vor.u32 v6, v16  }
0x23: {  	s15 =	simm.s32 $0x1;
	v11 =	vshll.u32 v11, $0x3;
	v10 =	vor.u32 v8, v16;
	v16 =	vor.u32 v7, v16;
	[tilespmem:v17+s18+$0x0] =	vst.idx.msk $0xffff, v1  }
.LBB2_2:
0x24: {  	v17 =	vmov s15;
	p0 =	sne.s32 s15, $0x18;
	s15 =	sadd.s32 $0x1, s15;
	[tilespmem:v13+s18+$0x0] =	vst.idx.msk $0xffff, v1  }
0x25: {  	v19 =	vor.u32 v9, v11;
	v18 =	vshll.u32 v17, $0x7;
	[tilespmem:v14+s18+$0x0] =	vst.idx.msk $0xffff, v1;
	v11 =	vshll.u32 v17, $0x3  }
0x26: {  	v17 =	vor.u32 v0, v18;
	v20 =	vor.u32 v8, v18;
	[tilespmem:v12+s18+$0x0] =	vst.idx.msk $0xffff, v1  }
0x27: {  	v21 =	vor.u32 v2, v18;
	[tilespmem:v15+s18+$0x0] =	vst.idx.msk $0xffff, v1  }
.Ltmp0:
0x28: {  	v13 =	vor.u32 v3, v18;
	[tilespmem:v16+s18+$0x0] =	vst.idx.msk $0xffff, v1;
	(pc) =	sbr.rel @p0 .LBB2_2-.Ltmp0, $4  }
0x29: {  	v14 =	vor.u32 v4, v18;
	[tilespmem:v10+s18+$0x0] =	vst.idx.msk $0xffff, v1;
	v10 =	vmov v20  }
0x2a: {  	v12 =	vor.u32 v5, v18;
	[tilespmem:v19+s19+$0x0] =	vst.idx.msk $0xff, v1  }
0x2b: {  	v15 =	vor.u32 v6, v18;
	[tilespmem:v17+s18+$0x0] =	vst.idx.msk $0xffff, v1  }
0x2c: {  	v16 =	vor.u32 v7, v18;
	[tilespmem:v21+s18+$0x0] =	vst.idx.msk $0xffff, v1  }
0x2d: {  	_ =	sdelay $0x3  }
0x2e: {  	[tilespmem:v13+s18+$0x0] =	vst.idx.msk $0xffff, v1  }
0x2f: {  	v11 =	vor.u32 v9, v11;
	[tilespmem:v14+s18+$0x0] =	vst.idx.msk $0xffff, v1  }
0x30: {  	[tilespmem:v12+s18+$0x0] =	vst.idx.msk $0xffff, v1  }
0x31: {  	[tilespmem:v15+s18+$0x0] =	vst.idx.msk $0xffff, v1  }
0x32: {  	[tilespmem:v16+s18+$0x0] =	vst.idx.msk $0xffff, v1  }
0x33: {  	[tilespmem:v10+s18+$0x0] =	vst.idx.msk $0xffff, v1  }
0x34: {  	s17 =	rddreg [dreg:$0x9];
	[tilespmem:v11+s19+$0x0] =	vst.idx.msk $0xff, v1  }
0x35: {  	[spmem:s17] =	stream.linear.scatter [tilespmem:s18], [sflag:$0x5], $0xC80, $0x38;
	[tilespmem:$0x1D808] =	vst v63  }
0x36: {  	_ =	swait.ge [sflag:s20], $0xC80  }
0x37: {  	[sflag:s20] =	ssyncset.done $0x0  }
0x38: {  	s15 =	sadd.s32 $0x0, s16;
	[sflag:s20] =	ssyncadd.s32 $0xFFFFF380  }
0x39: {  	[spmem:s15] =	stream.linear.scatter [tilespmem:s19], [sflag:$0x5], $0xC8, $0x38;
	[tilespmem:$0x1D808] =	vst v63  }
0x3a: {  	_ =	swait.ge [sflag:s20], $0xC8  }
0x3b: {  	s15 =	simm.s32 $0x320;
	[sflag:s20] =	ssyncset.done $0x0  }
.LBB2_4:
0x3c: {  	p0 =	sne.s32 s15, $0x4B00;
	[sflag:s20] =	ssyncadd.s32 $0xFFFFFF38;
	s17 =	sadd.s32 $0xC80, s17  }
0x3d: {  	[spmem:s17] =	stream.linear.scatter [tilespmem:s18], [sflag:$0x5], $0xC80, $0x38;
	[tilespmem:$0x1D808] =	vst v63  }
0x3e: {  	s24 =	smov.u32 s15;
	s15 =	sadd.s32 $0x320, s15;
	_ =	swait.ge [sflag:s20], $0xC80  }
.Ltmp1:
0x3f: {  	s24 =	sshra.s32 s24, $0x2;
	[sflag:s20] =	ssyncset.done $0x0;
	(pc) =	sbr.rel @p0 .LBB2_4-.Ltmp1, $4  }
0x40: {  	s24 =	sadd.s32 s24, s16;
	[sflag:s20] =	ssyncadd.s32 $0xFFFFF380  }
0x41: {  	[spmem:s24] =	stream.linear.scatter [tilespmem:s19], [sflag:$0x5], $0xC8, $0x38;
	[tilespmem:$0x1D808] =	vst v63  }
0x42: {  	_ =	swait.ge [sflag:s20], $0xC8  }
0x43: {  	[sflag:s20] =	ssyncset.done $0x0  }
0x44: {  	[dreg:$0xc] =	wrdreg s14;
	[sflag:s20] =	ssyncadd.s32 $0xFFFFFF38  }
0x45: {  	[bflag:$0x0] =	sbarrier.arrive $0xFFFF  }
0x46: {  	s15 =	simm.s32 $0x0;
	s13 =	rddreg [dreg:$0x5]  }
0x47: {  	[tilespmem:s15], [sflag:$0x5] =	stream.linear.gather [hbm4b:s13+s15], $0x100, $0x38;
	[tilespmem:$0x1D808] =	vst v63  }
0x48: {  	_ =	swait.ge [sflag:s20], $0x100  }
0x49: {  	[sflag:s20] =	ssyncset.done $0x0  }
0x4a: {  	[sflag:s20] =	ssyncadd.s32 $0xFFFFFF00  }
0x4b: {  	[tilespmem:s22], [sflag:$0x1] =	stream.indirect.gather [hbm4b:s6+s21], $0x1, s15, s21, $0xb8;
	[tilespmem:$0x1D808] =	vst v63  }
0x4c: {  	_ = 	snop  }
0x4d: {  	[tilespmem:s23], [sflag:$0x1] =	stream.indirect.gather [hbm4b:s7+s21], $0x1, s21, s21, $0xb8;
	[tilespmem:$0x1D808] =	vst v63  }
0x4e: {  	s24 =	simm.s32 $0x0  }
0x4f: {  	[tilespmem:s18], [sflag:$0x1] =	stream.indirect.gather [hbm4b:s8+s21], $0x80, s15, s21, $0xb8;
	[tilespmem:$0x1D808] =	vst v63  }
.LBB2_6:
0x50: {  	p0 =	seq.s32 s24, $0x0  }
0x51: {  	s17 =	simm.s32 @!p0 $0x4  }
0x52: {  	_ =	swait.ge @!p0 [sflag:s17], $0x4000  }
0x53: {  	[sflag:s17] =	ssyncset.done @!p0 $0x0  }
0x54: {  	s25 =	sshll.u32 s24, $0x1;
	[sflag:s17] =	ssyncadd.s32 @!p0 $0xFFFFC000  }
0x55: {  	s25 =	sadd.s32 s9, s25;
	_ =	swait.ge @!p0 [sflag:s17], $0x400  }
0x56: {  	s13 =	sshll.u32 s25, $0x5;
	[sflag:s17] =	ssyncset.done @!p0 $0x0  }
0x57: {  	s13 =	sadd.s32 s13, s11;
	[sflag:s17] =	ssyncadd.s32 @!p0 $0xFFFFFC00  }
0x58: {  	[tilespmem:s26], [sflag:$0x5] =	stream.linear.gather [hbm4b:s13+s15], $0x100, $0x38;
	[tilespmem:$0x1D808] =	vst v63  }
0x59: {  	_ =	swait.ge [sflag:s20], $0x100  }
0x5a: {  	[sflag:s20] =	ssyncset.done $0x0  }
0x5b: {  	[sflag:s20] =	ssyncadd.s32 $0xFFFFFF00  }
0x5c: {  	[tilespmem:s28], [sflag:$0x2] =	stream.indirect.gather [hbm4b:s6+s21], $0x1, s26, s21, $0xb8;
	[tilespmem:$0x1D808] =	vst v63  }
0x5d: {  	_ = 	snop  }
0x5e: {  	[tilespmem:s30], [sflag:$0x2] =	stream.indirect.gather [hbm4b:s7+s21], $0x1, s29, s21, $0xb8;
	[tilespmem:$0x1D808] =	vst v63  }
0x5f: {  	_ = 	snop  }
0x60: {  	[tilespmem:s31], [sflag:$0x2] =	stream.indirect.gather [hbm4b:s8+s21], $0x80, s26, s21, $0xb8;
	[tilespmem:$0x1D808] =	vst v63  }
0x61: {  	_ =	swait.ge [sflag:s0], $0x80  }
0x62: {  	[sflag:s0] =	ssyncset.done $0x0  }
0x63: {  	[sflag:s0] =	ssyncadd.s32 $0xFFFFFF80  }
0x64: {  	s17 =	simm.s32 $0x1;
	_ =	swait.ge [sflag:s0], $0x80  }
0x65: {  	v10 =	vmov s17;
	[sflag:s0] =	ssyncset.done $0x0  }
0x66: {  	s14 =	simm.s32 $0x3;
	[sflag:s0] =	ssyncadd.s32 $0xFFFFFF80  }
0x67: {  	v11 =	vmov s14;
	_ =	swait.ge [sflag:s0], $0x4000  }
0x68: {  	[sflag:s0] =	ssyncset.done $0x0  }
0x69: {  	[sflag:s0] =	ssyncadd.s32 $0xFFFFC000  }
0x6a: {  	v12 =	vld.idx.msk [tilespmem:v10+s23+$0x0], $0xffff  }
0x6b: {  	v13 =	vld.idx.msk [tilespmem:v10+s22+$0x0], $0xffff  }
0x6c: {  	v14 =	vld.idx.msk [tilespmem:v11+s22+$0x0], $0xffff  }
0x6d: {  	v15 =	vld.idx.msk [tilespmem:v11+s23+$0x0], $0xffff;
	_ =	sdelay $0x3  }
0x6e: {  	v12 =	vadd.f32 v12, v13  }
0x6f: {  	v13 =	vadd.f32 v15, v14  }
0x70: {  	v14 =	vmin.f32 v12, $0.0e+00  }
0x71: {  	v15 =	vmin.f32 v13, $0.0e+00;
	v14 =	vmul.f32 $2.000000030e-01, v14  }
0x72: {  	v17 =	vmov s15;
	v12 =	vmax.f32 v12, $0.0e+00;
	v15 =	vmul.f32 $2.000000030e-01, v15  }
0x73: {  	v13 =	vmax.f32 v13, $0.0e+00;
	v12 =	vadd.f32 v14, v12  }
0x74: {  	v13 =	vadd.f32 v15, v13  }
0x75: {  	v12 =	vmul.f32 $1.442695020e+00, v12  }
0x76: {  	v13 =	vmul.f32 $1.442695020e+00, v13  }
0x77: {  	v14 =	vld.idx.msk [tilespmem:v17+s22+$0x0], $0xffff;
	(erf) = vpow2.f32 v12  }
0x78: {  	s17 =	simm.s32 $0x2;
	v12 =	vld.idx.msk [tilespmem:v17+s23+$0x0], $0xffff;
	(erf) = vpow2.f32 v13  }
0x79: {  	v13 =	vmov s17;
	_ =	sdelay $0x2  }
0x7a: {  	v15 =	vshll.u32 v11, $0x3  }
0x7b: {  	v19 =	vshll.u32 v11, $0x7;
	v11 =	vadd.f32 v12, v14;
	v12 =	vor.u32 v9, v15  }
0x7c: {  	v18 =	vshll.u32 v10, $0x3;
	v15 =	vor.u32 v0, v19;
	v14 =	vld.idx.msk [tilespmem:v13+s23+$0x0], $0xffff  }
0x7d: {  	v16 =	vshll.u32 v10, $0x7;
	v10 =	vor.u32 v9, v18;
	v21 =	vld.idx.msk [tilespmem:v13+s22+$0x0], $0xffff;
	v20 =	vmin.f32 v11, $0.0e+00  }
0x7e: {  	v23 =	vor.u32 v0, v16;
	v20 =	vmul.f32 $2.000000030e-01, v20;
	v22 =	vpop (erf)  }
0x7f: {  	v11 =	vmax.f32 v11, $0.0e+00;
	v18 =	vpop (erf)  }
0x80: {  	v11 =	vadd.f32 v20, v11;
	[tilespmem:v12+s19+$0x0] =	vst.idx.msk $0xff, v18  }
0x81: {  	v12 =	vld.idx.msk [tilespmem:v15+s18+$0x0], $0xffff  }
0x82: {  	s14 =	simm.s32 $0x5;
	[tilespmem:v10+s19+$0x0] =	vst.idx.msk $0xff, v22;
	v14 =	vadd.f32 v14, v21;
	v11 =	vmul.f32 $1.442695020e+00, v11  }
0x83: {  	v24 =	vmov s14;
	v10 =	vld.idx.msk [tilespmem:v23+s18+$0x0], $0xffff  }
0x84: {  	v20 =	vmin.f32 v14, $0.0e+00;
	(erf) = vpow2.f32 v11;
	v11 =	vor.u32 v2, v19  }
0x85: {  	v20 =	vmul.f32 $2.000000030e-01, v20  }
0x86: {  	v14 =	vmax.f32 v14, $0.0e+00;
	v12 =	vmul.f32 v18, v12  }
0x87: {  	v26 =	vor.u32 v2, v16;
	v14 =	vadd.f32 v20, v14  }
0x88: {  	v27 =	vld.idx.msk [tilespmem:v24+s23+$0x0], $0xffff;
	s17 =	simm.s32 $0x7;
	v21 =	vshll.u32 v17, $0x7;
	v20 =	vshll.u32 v17, $0x3;
	v10 =	vmul.f32 v22, v10;
	[tilespmem:v15+s18+$0x0] =	vst.idx.msk $0xffff, v12  }
0x89: {  	v14 =	vmul.f32 $1.442695020e+00, v14;
	v12 =	vmov s17;
	v15 =	vor.u32 v9, v20;
	v17 =	vld.idx.msk [tilespmem:v11+s18+$0x0], $0xffff  }
0x8a: {  	[tilespmem:v23+s18+$0x0] =	vst.idx.msk $0xffff, v10;
	v10 =	vld.idx.msk [tilespmem:v24+s22+$0x0], $0xffff  }
0x8b: {  	v20 =	vor.u32 v0, v21;
	(erf) = vpow2.f32 v14  }
0x8c: {  	v29 =	vor.u32 v3, v19  }
0x8d: {  	s14 =	simm.s32 $0x4;
	v14 =	vld.idx.msk [tilespmem:v26+s18+$0x0], $0xffff;
	v25 =	vpop (erf)  }
0x8e: {  	v30 =	vmov s14;
	v28 =	vld.idx.msk [tilespmem:v12+s22+$0x0], $0xffff;
	[tilespmem:v15+s19+$0x0] =	vst.idx.msk $0xff, v25;
	v15 =	vmul.f32 v18, v17  }
0x8f: {  	v31 =	vshll.u32 v13, $0x3;
	v10 =	vadd.f32 v27, v10;
	v17 =	vld.idx.msk [tilespmem:v12+s23+$0x0], $0xffff  }
0x90: {  	v23 =	vshll.u32 v13, $0x7;
	v13 =	vor.u32 v9, v31;
	v32 =	vld.idx.msk [tilespmem:v20+s18+$0x0], $0xffff;
	[tilespmem:v11+s18+$0x0] =	vst.idx.msk $0xffff, v15  }
0x91: {  	v27 =	vmin.f32 v10, $0.0e+00;
	v15 =	vor.u32 v0, v23;
	v11 =	vld.idx.msk [tilespmem:v29+s18+$0x0], $0xffff  }
0x92: {  	v27 =	vmul.f32 $2.000000030e-01, v27  }
0x93: {  	v36 =	vor.u32 v3, v16;
	v34 =	vld.idx.msk [tilespmem:v30+s23+$0x0], $0xffff;
	v33 =	vor.u32 v2, v21;
	v10 =	vmax.f32 v10, $0.0e+00  }
0x94: {  	v31 =	vld.idx.msk [tilespmem:v30+s22+$0x0], $0xffff;
	v14 =	vmul.f32 v22, v14;
	v10 =	vadd.f32 v27, v10;
	v17 =	vadd.f32 v17, v28;
	v28 =	vpop (erf)  }
0x95: {  	v35 =	vor.u32 v4, v19;
	v32 =	vmul.f32 v25, v32;
	[tilespmem:v13+s19+$0x0] =	vst.idx.msk $0xff, v28  }
0x96: {  	[tilespmem:v26+s18+$0x0] =	vst.idx.msk $0xffff, v14;
	v10 =	vmul.f32 $1.442695020e+00, v10;
	v13 =	vmin.f32 v17, $0.0e+00;
	v14 =	vld.idx.msk [tilespmem:v15+s18+$0x0], $0xffff;
	v11 =	vmul.f32 v18, v11  }
0x97: {  	[tilespmem:v20+s18+$0x0] =	vst.idx.msk $0xffff, v32;
	v13 =	vmul.f32 $2.000000030e-01, v13  }
0x98: {  	v54 =	vor.u32 v5, v19;
	v17 =	vmax.f32 v17, $0.0e+00;
	(erf) = vpow2.f32 v10;
	v26 =	vld.idx.msk [tilespmem:v33+s18+$0x0], $0xffff;
	[tilespmem:v29+s18+$0x0] =	vst.idx.msk $0xffff, v11  }
0x99: {  	v10 =	vld.idx.msk [tilespmem:v36+s18+$0x0], $0xffff;
	v13 =	vadd.f32 v13, v17;
	v17 =	vor.u32 v2, v23;
	v29 =	vadd.f32 v34, v31  }
0x9a: {  	v37 =	vor.u32 v4, v16;
	v20 =	vshll.u32 v24, $0x3;
	v31 =	vor.u32 v3, v21;
	v27 =	vld.idx.msk [tilespmem:v35+s18+$0x0], $0xffff  }
0x9b: {  	v13 =	vmul.f32 $1.442695020e+00, v13;
	v14 =	vmul.f32 v28, v14;
	v53 =	vmin.f32 v29, $0.0e+00  }
0x9c: {  	v20 =	vor.u32 v9, v20;
	v11 =	vshll.u32 v24, $0x7;
	v32 =	vmul.f32 $2.000000030e-01, v53  }
0x9d: {  	s17 =	simm.s32 $0x6;
	(erf) = vpow2.f32 v13;
	v13 =	vmul.f32 v25, v26;
	[tilespmem:v15+s18+$0x0] =	vst.idx.msk $0xffff, v14;
	v14 =	vmax.f32 v29, $0.0e+00  }
0x9e: {  	v24 =	vmov s17;
	v10 =	vmul.f32 v22, v10;
	v26 =	vld.idx.msk [tilespmem:v17+s18+$0x0], $0xffff;
	v14 =	vadd.f32 v32, v14  }
0x9f: {  	v29 =	vor.u32 v0, v11;
	v27 =	vmul.f32 v27, v18;
	[tilespmem:v33+s18+$0x0] =	vst.idx.msk $0xffff, v13  }
0xa0: {  	v15 =	vshll.u32 v12, $0x7;
	[tilespmem:v36+s18+$0x0] =	vst.idx.msk $0xffff, v10;
	v13 =	vshll.u32 v12, $0x3;
	v12 =	vld.idx.msk [tilespmem:v31+s18+$0x0], $0xffff;
	v14 =	vmul.f32 $1.442695020e+00, v14  }
0xa1: {  	v57 =	vld.idx.msk [tilespmem:v37+s18+$0x0], $0xffff;
	[tilespmem:v35+s18+$0x0] =	vst.idx.msk $0xffff, v27;
	v27 =	vor.u32 v3, v23  }
0xa2: {  	v10 =	vpop (erf);
	v56 =	vor.u32 v9, v13;
	v55 =	vld.idx.msk [tilespmem:v54+s18+$0x0], $0xffff;
	(erf) = vpow2.f32 v14  }
0xa3: {  	v38 =	vld.idx.msk [tilespmem:v24+s23+$0x0], $0xffff;
	[tilespmem:v20+s19+$0x0] =	vst.idx.msk $0xff, v10;
	v20 =	vor.u32 v4, v21;
	v13 =	vmul.f32 v28, v26  }
0xa4: {  	v39 =	vor.u32 v6, v19;
	v58 =	vor.u32 v0, v15;
	v26 =	vld.idx.msk [tilespmem:v29+s18+$0x0], $0xffff  }
0xa5: {  	v40 =	vshll.u32 v30, $0x3;
	v14 =	vshll.u32 v30, $0x7;
	v30 =	vld.idx.msk [tilespmem:v24+s22+$0x0], $0xffff;
	v12 =	vmul.f32 v25, v12;
	[tilespmem:v17+s18+$0x0] =	vst.idx.msk $0xffff, v13  }
0xa6: {  	v59 =	vor.u32 v9, v40;
	v41 =	vor.u32 v5, v16;
	v60 =	vor.u32 v2, v11;
	v17 =	vld.idx.msk [tilespmem:v27+s18+$0x0], $0xffff  }
0xa7: {  	v13 =	vpop (erf);
	v32 =	vmul.f32 v55, v18;
	[tilespmem:v31+s18+$0x0] =	vst.idx.msk $0xffff, v12;
	v12 =	vmul.f32 v57, v22  }
0xa8: {  	v35 =	vor.u32 v0, v14;
	[tilespmem:v56+s19+$0x0] =	vst.idx.msk $0xff, v13;
	v31 =	vld.idx.msk [tilespmem:v20+s18+$0x0], $0xffff  }
0xa9: {  	v61 =	vor.u32 v4, v23;
	s17 =	simm.s32 $0x9;
	v26 =	vmul.f32 v10, v26;
	v42 =	vld.idx.msk [tilespmem:v58+s18+$0x0], $0xffff;
	[tilespmem:v54+s18+$0x0] =	vst.idx.msk $0xffff, v32  }
0xaa: {  	v63 =	vor.u32 v7, v19;
	v45 =	vmov s17;
	v30 =	vadd.f32 v38, v30;
	[tilespmem:v37+s18+$0x0] =	vst.idx.msk $0xffff, v12;
	v43 =	vld.idx.msk [tilespmem:v39+s18+$0x0], $0xffff  }
0xab: {  	v32 =	vor.u32 v5, v21;
	v44 =	vld.idx.msk [tilespmem:v41+s18+$0x0], $0xffff;
	[tilespmem:v29+s18+$0x0] =	vst.idx.msk $0xffff, v26;
	v12 =	vpop (erf);
	v17 =	vmul.f32 v28, v17  }
0xac: {  	v49 =	vor.u32 v6, v21;
	v62 =	vor.u32 v2, v15;
	v26 =	vld.idx.msk [tilespmem:v60+s18+$0x0], $0xffff;
	[tilespmem:v59+s19+$0x0] =	vst.idx.msk $0xff, v12  }
0xad: {  	s14 =	simm.s32 $0x8;
	v29 =	vmin.f32 v30, $0.0e+00;
	v30 =	vmax.f32 v30, $0.0e+00;
	v54 =	vld.idx.msk [tilespmem:v35+s18+$0x0], $0xffff;
	[tilespmem:v27+s18+$0x0] =	vst.idx.msk $0xffff, v17;
	v17 =	vmul.f32 v31, v25  }
0xae: {  	v29 =	vmul.f32 $2.000000030e-01, v29;
	v27 =	vmov s14;
	v53 =	vmul.f32 v13, v42;
	v31 =	vld.idx.msk [tilespmem:v61+s18+$0x0], $0xffff  }
0xaf: {  	v55 =	vmul.f32 v43, v18;
	[tilespmem:v20+s18+$0x0] =	vst.idx.msk $0xffff, v17;
	v20 =	vshll.u32 v24, $0x3;
	v17 =	vshll.u32 v24, $0x7;
	v24 =	vld.idx.msk [tilespmem:v45+s23+$0x0], $0xffff  }
0xb0: {  	v36 =	vor.u32 v6, v16;
	v29 =	vadd.f32 v29, v30;
	s14 =	simm.s32 $0xB;
	[tilespmem:v58+s18+$0x0] =	vst.idx.msk $0xffff, v53;
	v56 =	vld.idx.msk [tilespmem:v32+s18+$0x0], $0xffff  }
0xb1: {  	v50 =	vor.u32 v7, v21;
	v47 =	vmov s14;
	v57 =	vmul.f32 v44, v22;
	v30 =	vld.idx.msk [tilespmem:v62+s18+$0x0], $0xffff;
	[tilespmem:v39+s18+$0x0] =	vst.idx.msk $0xffff, v55  }
0xb2: {  	v34 =	vor.u32 v3, v11;
	v29 =	vmul.f32 $1.442695020e+00, v29;
	v26 =	vmul.f32 v10, v26;
	v58 =	vld.idx.msk [tilespmem:v63+s18+$0x0], $0xffff  }
0xb3: {  	v33 =	vor.u32 v5, v23;
	v38 =	vor.u32 v3, v14;
	[tilespmem:v41+s18+$0x0] =	vst.idx.msk $0xffff, v57;
	v46 =	vld.idx.msk [tilespmem:v27+s22+$0x0], $0xffff  }
0xb4: {  	v43 =	vor.u32 v7, v23;
	(erf) = vpow2.f32 v29;
	[tilespmem:v60+s18+$0x0] =	vst.idx.msk $0xffff, v26;
	v26 =	vld.idx.msk [tilespmem:v45+s22+$0x0], $0xffff  }
0xb5: {  	v20 =	vor.u32 v9, v20;
	v37 =	vor.u32 v0, v17;
	v42 =	vmul.f32 v12, v54;
	v59 =	vld.idx.msk [tilespmem:v36+s18+$0x0], $0xffff  }
0xb6: {  	v53 =	vor.u32 v6, v23;
	v39 =	vor.u32 v3, v15;
	v29 =	vmul.f32 v31, v28;
	v48 =	vld.idx.msk [tilespmem:v47+s22+$0x0], $0xffff  }
0xb7: {  	v55 =	vshll.u32 v45, $0x3;
	v54 =	vor.u32 v5, v15;
	v51 =	vld.idx.msk [tilespmem:v47+s23+$0x0], $0xffff;
	[tilespmem:v35+s18+$0x0] =	vst.idx.msk $0xffff, v42  }
0xb8: {  	v42 =	vld.idx.msk [tilespmem:v27+s23+$0x0], $0xffff;
	[tilespmem:v61+s18+$0x0] =	vst.idx.msk $0xffff, v29;
	v29 =	vor.u32 v8, v19;
	v19 =	vmul.f32 v56, v25  }
0xb9: {  	v31 =	vor.u32 v8, v16;
	v61 =	vld.idx.msk [tilespmem:v34+s18+$0x0], $0xffff;
	v30 =	vmul.f32 v13, v30;
	v44 =	vmul.f32 v58, v18  }
0xba: {  	v60 =	vld.idx.msk [tilespmem:v33+s18+$0x0], $0xffff;
	v24 =	vadd.f32 v24, v26;
	[tilespmem:v32+s18+$0x0] =	vst.idx.msk $0xffff, v19;
	v32 =	vor.u32 v2, v14  }
0xbb: {  	v40 =	vmul.f32 v59, v22;
	[tilespmem:v62+s18+$0x0] =	vst.idx.msk $0xffff, v30;
	v30 =	vor.u32 v7, v16;
	v35 =	vld.idx.msk [tilespmem:v49+s18+$0x0], $0xffff  }
0xbc: {  	v16 =	vshll.u32 v45, $0x7;
	v45 =	vor.u32 v4, v11;
	v52 =	vld.idx.msk [tilespmem:v39+s18+$0x0], $0xffff;
	[tilespmem:v63+s18+$0x0] =	vst.idx.msk $0xffff, v44;
	v56 =	vmin.f32 v24, $0.0e+00  }
0xbd: {  	[tilespmem:v36+s18+$0x0] =	vst.idx.msk $0xffff, v40;
	v40 =	vor.u32 v2, v17;
	v26 =	vld.idx.msk [tilespmem:v29+s18+$0x0], $0xffff;
	v19 =	vpop (erf);
	v62 =	vmul.f32 $2.000000030e-01, v56  }
0xbe: {  	v42 =	vadd.f32 v42, v46;
	v46 =	vor.u32 v0, v16;
	[tilespmem:v20+s19+$0x0] =	vst.idx.msk $0xff, v19;
	v20 =	vmax.f32 v24, $0.0e+00  }
0xbf: {  	v41 =	vmul.f32 v60, v28;
	v24 =	vadd.f32 v51, v48;
	v63 =	vld.idx.msk [tilespmem:v37+s18+$0x0], $0xffff;
	v20 =	vadd.f32 v62, v20  }
0xc0: {  	v56 =	vor.u32 v4, v15;
	v61 =	vmul.f32 v10, v61;
	v59 =	vld.idx.msk [tilespmem:v32+s18+$0x0], $0xffff;
	v35 =	vmul.f32 v35, v25  }
0xc1: {  	[tilespmem:v33+s18+$0x0] =	vst.idx.msk $0xffff, v41;
	v58 =	vmin.f32 v24, $0.0e+00;
	v60 =	vld.idx.msk [tilespmem:v30+s18+$0x0], $0xffff;
	v52 =	vmul.f32 v13, v52;
	v20 =	vmul.f32 $1.442695020e+00, v20  }
0xc2: {  	s17 =	simm.s32 $0xA;
	v57 =	vshll.u32 v27, $0x3;
	[tilespmem:v34+s18+$0x0] =	vst.idx.msk $0xffff, v61;
	v36 =	vld.idx.msk [tilespmem:v53+s18+$0x0], $0xffff;
	v18 =	vmul.f32 v26, v18;
	v26 =	vmul.f32 $2.000000030e-01, v58  }
0xc3: {  	v51 =	vmov s17;
	v34 =	vor.u32 v5, v11;
	v24 =	vmax.f32 v24, $0.0e+00;
	[tilespmem:v49+s18+$0x0] =	vst.idx.msk $0xffff, v35;
	v49 =	vld.idx.msk [tilespmem:v45+s18+$0x0], $0xffff  }
0xc4: {  	[tilespmem:v39+s18+$0x0] =	vst.idx.msk $0xffff, v52;
	(erf) = vpow2.f32 v20;
	v24 =	vadd.f32 v26, v24;
	v20 =	vmul.f32 v19, v63  }
0xc5: {  	v62 =	vld.idx.msk [tilespmem:v56+s18+$0x0], $0xffff;
	[tilespmem:v29+s18+$0x0] =	vst.idx.msk $0xffff, v18;
	v26 =	vmin.f32 v42, $0.0e+00;
	v18 =	vshll.u32 v27, $0x7;
	v27 =	vmul.f32 v12, v59  }
0xc6: {  	v41 =	vor.u32 v4, v17;
	v63 =	vld.idx.msk [tilespmem:v50+s18+$0x0], $0xffff;
	v26 =	vmul.f32 $2.000000030e-01, v26;
	v24 =	vmul.f32 $1.442695020e+00, v24;
	[tilespmem:v37+s18+$0x0] =	vst.idx.msk $0xffff, v20  }
0xc7: {  	v48 =	vmul.f32 v36, v28;
	v20 =	vmax.f32 v42, $0.0e+00;
	[tilespmem:v32+s18+$0x0] =	vst.idx.msk $0xffff, v27;
	v37 =	vld.idx.msk [tilespmem:v40+s18+$0x0], $0xffff  }
0xc8: {  	v29 =	vor.u32 v9, v55;
	v26 =	vadd.f32 v26, v20;
	v59 =	vld.idx.msk [tilespmem:v38+s18+$0x0], $0xffff;
	(erf) = vpow2.f32 v24  }
0xc9: {  	v58 =	vshll.u32 v47, $0x3;
	v20 =	vshll.u32 v47, $0x7;
	v47 =	vld.idx.msk [tilespmem:v51+s23+$0x0], $0xffff;
	v24 =	vmul.f32 v60, v22;
	[tilespmem:v53+s18+$0x0] =	vst.idx.msk $0xffff, v48  }
0xca: {  	v52 =	vor.u32 v3, v17;
	v39 =	vor.u32 v9, v58;
	v55 =	vmul.f32 v62, v13;
	v35 =	vld.idx.msk [tilespmem:v43+s18+$0x0], $0xffff  }
0xcb: {  	v48 =	vmul.f32 v49, v10;
	[tilespmem:v30+s18+$0x0] =	vst.idx.msk $0xffff, v24;
	v30 =	vmul.f32 $1.442695020e+00, v26;
	v26 =	vor.u32 v8, v21  }
0xcc: {  	v32 =	vor.u32 v8, v23;
	v23 =	vor.u32 v6, v11;
	[tilespmem:v56+s18+$0x0] =	vst.idx.msk $0xffff, v55;
	v60 =	vld.idx.msk [tilespmem:v31+s18+$0x0], $0xffff  }
0xcd: {  	v27 =	vshll.u32 v51, $0x3;
	v21 =	vmul.f32 v63, v25;
	[tilespmem:v45+s18+$0x0] =	vst.idx.msk $0xffff, v48;
	v61 =	vld.idx.msk [tilespmem:v54+s18+$0x0], $0xffff;
	v24 =	vpop (erf);
	(erf) = vpow2.f32 v30  }
0xce: {  	v42 =	vor.u32 v0, v20;
	v49 =	vld.idx.msk [tilespmem:v51+s22+$0x0], $0xffff;
	[tilespmem:v29+s19+$0x0] =	vst.idx.msk $0xff, v24;
	v29 =	vmul.f32 v19, v37  }
0xcf: {  	[tilespmem:v50+s18+$0x0] =	vst.idx.msk $0xffff, v21;
	v37 =	vor.u32 v4, v14;
	v30 =	vmul.f32 v35, v28;
	v50 =	vld.idx.msk [tilespmem:v46+s18+$0x0], $0xffff  }
0xd0: {  	v62 =	vmul.f32 v12, v59;
	v35 =	vor.u32 v6, v15;
	[tilespmem:v40+s18+$0x0] =	vst.idx.msk $0xffff, v29;
	v53 =	vld.idx.msk [tilespmem:v26+s18+$0x0], $0xffff  }
0xd1: {  	v22 =	vmul.f32 v60, v22;
	[tilespmem:v43+s18+$0x0] =	vst.idx.msk $0xffff, v30;
	v63 =	vld.idx.msk [tilespmem:v52+s18+$0x0], $0xffff;
	v43 =	vor.u32 v2, v16;
	v21 =	vpop (erf)  }
0xd2: {  	v29 =	vmul.f32 v61, v13;
	v60 =	vld.idx.msk [tilespmem:v32+s18+$0x0], $0xffff;
	v61 =	vor.u32 v9, v57;
	[tilespmem:v39+s19+$0x0] =	vst.idx.msk $0xff, v21  }
0xd3: {  	v47 =	vadd.f32 v47, v49;
	[tilespmem:v38+s18+$0x0] =	vst.idx.msk $0xffff, v62;
	v40 =	vor.u32 v0, v18;
	v62 =	vld.idx.msk [tilespmem:v42+s18+$0x0], $0xffff  }
0xd4: {  	v30 =	vor.u32 v5, v14;
	v36 =	vld.idx.msk [tilespmem:v37+s18+$0x0], $0xffff;
	[tilespmem:v31+s18+$0x0] =	vst.idx.msk $0xffff, v22;
	v50 =	vmul.f32 v24, v50  }
0xd5: {  	v44 =	vld.idx.msk [tilespmem:v34+s18+$0x0], $0xffff;
	[tilespmem:v54+s18+$0x0] =	vst.idx.msk $0xffff, v29;
	v29 =	vor.u32 v7, v15;
	v38 =	vmul.f32 v53, v25  }
0xd6: {  	v45 =	vld.idx.msk [tilespmem:v35+s18+$0x0], $0xffff;
	[tilespmem:v46+s18+$0x0] =	vst.idx.msk $0xffff, v50;
	v46 =	vor.u32 v2, v20;
	v31 =	vpop (erf);
	v25 =	vmul.f32 v19, v63  }
0xd7: {  	v49 =	vmax.f32 v47, $0.0e+00;
	v63 =	vmin.f32 v47, $0.0e+00;
	[tilespmem:v61+s19+$0x0] =	vst.idx.msk $0xff, v31;
	v39 =	vld.idx.msk [tilespmem:v43+s18+$0x0], $0xffff;
	v28 =	vmul.f32 v60, v28  }
0xd8: {  	s17 =	simm.s32 $0xC;
	v22 =	vshll.u32 v51, $0x7;
	v50 =	vmul.f32 $2.000000030e-01, v63;
	v47 =	vld.idx.msk [tilespmem:v40+s18+$0x0], $0xffff;
	[tilespmem:v52+s18+$0x0] =	vst.idx.msk $0xffff, v25;
	v48 =	vmul.f32 v21, v62  }
.LBB2_7:
0xd9: {  	v51 =	vmov s17;
	s13 =	sadd.s32 $0x1, s17;
	v33 =	vmul.f32 v36, v12;
	v52 =	vld.idx.msk [tilespmem:v41+s18+$0x0], $0xffff;
	v53 =	vor.u32 v5, v17  }
0xda: {  	p0 =	slt.u32 s17, $0x7C;
	[tilespmem:v32+s18+$0x0] =	vst.idx.msk $0xffff, v28;
	v25 =	vmovc v19;
	v36 =	vmovc v10;
	v10 =	vmov v24;
	v28 =	vmov v12;
	v12 =	vmov v31;
	s14 =	smov.u32 s17;
	s17 =	sadd.s32 $0x4, s17  }
0xdb: {  	v32 =	vmul.f32 v45, v13;
	v19 =	vmov s13;
	v24 =	vadd.f32 v50, v49;
	[tilespmem:v42+s18+$0x0] =	vst.idx.msk $0xffff, v48  }
0xdc: {  	s13 =	sadd.s32 $0x2, s14;
	v42 =	vshll.u32 v19, $0x3;
	v45 =	vshll.u32 v19, $0x7;
	v48 =	vld.idx.msk [tilespmem:v46+s18+$0x0], $0xffff;
	[tilespmem:v37+s18+$0x0] =	vst.idx.msk $0xffff, v33;
	v33 =	vmul.f32 v44, v36  }
0xdd: {  	v31 =	vshll.u32 v51, $0x3;
	v37 =	vmov s13;
	v44 =	vmul.f32 $1.442695020e+00, v24;
	v49 =	vld.idx.msk [tilespmem:v30+s18+$0x0], $0xffff;
	[tilespmem:v35+s18+$0x0] =	vst.idx.msk $0xffff, v32  }
0xde: {  	s13 =	sadd.s32 $0x3, s14;
	v35 =	vshll.u32 v51, $0x7;
	v32 =	vshll.u32 v37, $0x3;
	v39 =	vmul.f32 v10, v39;
	[tilespmem:v34+s18+$0x0] =	vst.idx.msk $0xffff, v33;
	v34 =	vld.idx.msk [tilespmem:v29+s18+$0x0], $0xffff  }
0xdf: {  	v54 =	vmov s13;
	v33 =	vshll.u32 v37, $0x7;
	v47 =	vmul.f32 v12, v47;
	v50 =	vld.idx.msk [tilespmem:v51+s22+$0x0], $0xffff;
	[tilespmem:v26+s18+$0x0] =	vst.idx.msk $0xffff, v38  }
0xe0: {  	v24 =	vshll.u32 v54, $0x3;
	v38 =	vmul.f32 v52, v25;
	v26 =	vld.idx.msk [tilespmem:v19+s23+$0x0], $0xffff;
	[tilespmem:v43+s18+$0x0] =	vst.idx.msk $0xffff, v39;
	(erf) = vpow2.f32 v44  }
0xe1: {  	v43 =	vshll.u32 v54, $0x7;
	v44 =	vor.u32 v3, v20;
	v39 =	vor.u32 v8, v11;
	v19 =	vld.idx.msk [tilespmem:v19+s22+$0x0], $0xffff  }
0xe2: {  	v55 =	vor.u32 v8, v15;
	v48 =	vmul.f32 v21, v48;
	v52 =	vld.idx.msk [tilespmem:v23+s18+$0x0], $0xffff;
	[tilespmem:v41+s18+$0x0] =	vst.idx.msk $0xffff, v38  }
0xe3: {  	v56 =	vor.u32 v3, v16;
	v15 =	vmul.f32 v49, v28;
	v38 =	vor.u32 v7, v17;
	v49 =	vld.idx.msk [tilespmem:v53+s18+$0x0], $0xffff  }
0xe4: {  	v58 =	vor.u32 v6, v14;
	v59 =	vor.u32 v7, v14;
	v34 =	vmul.f32 v34, v13;
	v57 =	vld.idx.msk [tilespmem:v54+s22+$0x0], $0xffff  }
0xe5: {  	v27 =	vor.u32 v9, v27;
	v54 =	vld.idx.msk [tilespmem:v54+s23+$0x0], $0xffff;
	[tilespmem:v46+s18+$0x0] =	vst.idx.msk $0xffff, v48;
	v46 =	vor.u32 v7, v11  }
0xe6: {  	v61 =	vor.u32 v6, v17;
	v48 =	vor.u32 v0, v22;
	v60 =	vld.idx.msk [tilespmem:v44+s18+$0x0], $0xffff;
	[tilespmem:v29+s18+$0x0] =	vst.idx.msk $0xffff, v34  }
0xe7: {  	v26 =	vadd.f32 v26, v19;
	v29 =	vor.u32 v3, v18;
	[tilespmem:v30+s18+$0x0] =	vst.idx.msk $0xffff, v15;
	v15 =	vld.idx.msk [tilespmem:v55+s18+$0x0], $0xffff  }
0xe8: {  	v41 =	vor.u32 v5, v20;
	v30 =	vor.u32 v2, v18;
	v52 =	vmul.f32 v52, v36;
	v34 =	vld.idx.msk [tilespmem:v56+s18+$0x0], $0xffff  }
0xe9: {  	v11 =	vmov v16;
	v62 =	vmin.f32 v26, $0.0e+00;
	[tilespmem:v40+s18+$0x0] =	vst.idx.msk $0xffff, v47;
	v19 =	vpop (erf);
	v40 =	vld.idx.msk [tilespmem:v58+s18+$0x0], $0xffff;
	v47 =	vmul.f32 v49, v25  }
0xea: {  	v16 =	vmov v45;
	v49 =	vld.idx.msk [tilespmem:v51+s23+$0x0], $0xffff;
	v51 =	vmul.f32 $2.000000030e-01, v62;
	[tilespmem:v27+s19+$0x0] =	vst.idx.msk $0xff, v19;
	v62 =	vor.u32 v4, v20  }
0xeb: {  	v26 =	vmax.f32 v26, $0.0e+00;
	v45 =	vadd.f32 v54, v57;
	v27 =	vmov v32;
	v54 =	vld.idx.msk [tilespmem:v48+s18+$0x0], $0xffff;
	[tilespmem:v53+s18+$0x0] =	vst.idx.msk $0xffff, v47  }
0xec: {  	v32 =	vmul.f32 v21, v60;
	v26 =	vadd.f32 v51, v26;
	[tilespmem:v23+s18+$0x0] =	vst.idx.msk $0xffff, v52;
	v23 =	vld.idx.msk [tilespmem:v61+s18+$0x0], $0xffff  }
0xed: {  	v47 =	vmin.f32 v45, $0.0e+00;
	v52 =	vor.u32 v4, v11;
	v13 =	vmul.f32 v15, v13;
	v15 =	vmovc v20;
	v51 =	vld.idx.msk [tilespmem:v30+s18+$0x0], $0xffff  }
0xee: {  	v53 =	vor.u32 v2, v22;
	v47 =	vmul.f32 $2.000000030e-01, v47;
	v26 =	vmul.f32 $1.442695020e+00, v26;
	[tilespmem:v44+s18+$0x0] =	vst.idx.msk $0xffff, v32;
	v32 =	vld.idx.msk [tilespmem:v46+s18+$0x0], $0xffff  }
0xef: {  	v20 =	vmovc v43;
	v34 =	vmul.f32 v10, v34;
	v44 =	vmax.f32 v45, $0.0e+00;
	v40 =	vmul.f32 v40, v28;
	v45 =	vld.idx.msk [tilespmem:v62+s18+$0x0], $0xffff  }
0xf0: {  	v43 =	vadd.f32 v49, v50;
	v44 =	vadd.f32 v47, v44;
	(erf) = vpow2.f32 v26;
	[tilespmem:v55+s18+$0x0] =	vst.idx.msk $0xffff, v13  }
0xf1: {  	v47 =	vor.u32 v9, v42;
	v26 =	vmul.f32 v19, v54;
	v13 =	vmov v21;
	[tilespmem:v58+s18+$0x0] =	vst.idx.msk $0xffff, v40  }
0xf2: {  	v21 =	vmin.f32 v43, $0.0e+00;
	v40 =	vmul.f32 $1.442695020e+00, v44;
	v23 =	vmul.f32 v23, v25;
	[tilespmem:v56+s18+$0x0] =	vst.idx.msk $0xffff, v34;
	v34 =	vld.idx.msk [tilespmem:v59+s18+$0x0], $0xffff  }
0xf3: {  	v21 =	vmul.f32 $2.000000030e-01, v21;
	v42 =	vmul.f32 v12, v51;
	v44 =	vld.idx.msk [tilespmem:v52+s18+$0x0], $0xffff;
	[tilespmem:v48+s18+$0x0] =	vst.idx.msk $0xffff, v26  }
0xf4: {  	v26 =	vmax.f32 v43, $0.0e+00;
	v32 =	vmul.f32 v32, v36;
	(erf) = vpow2.f32 v40;
	v40 =	vld.idx.msk [tilespmem:v53+s18+$0x0], $0xffff;
	[tilespmem:v61+s18+$0x0] =	vst.idx.msk $0xffff, v23  }
0xf5: {  	v21 =	vadd.f32 v21, v26;
	v23 =	vmul.f32 v45, v13;
	[tilespmem:v30+s18+$0x0] =	vst.idx.msk $0xffff, v42;
	v30 =	vld.idx.msk [tilespmem:v38+s18+$0x0], $0xffff  }
0xf6: {  	v48 =	vor.u32 v0, v16;
	v43 =	vld.idx.msk [tilespmem:v29+s18+$0x0], $0xffff;
	[tilespmem:v46+s18+$0x0] =	vst.idx.msk $0xffff, v32;
	v32 =	vor.u32 v8, v17  }
0xf7: {  	v26 =	vor.u32 v8, v14;
	v14 =	vmov v18;
	v17 =	vmul.f32 $1.442695020e+00, v21;
	[tilespmem:v62+s18+$0x0] =	vst.idx.msk $0xffff, v23;
	v45 =	vld.idx.msk [tilespmem:v39+s18+$0x0], $0xffff  }
0xf8: {  	v51 =	vor.u32 v3, v22;
	v23 =	vor.u32 v6, v11;
	v21 =	vmul.f32 v34, v28;
	v46 =	vld.idx.msk [tilespmem:v41+s18+$0x0], $0xffff  }
0xf9: {  	v50 =	vor.u32 v9, v24;
	v42 =	vor.u32 v0, v20;
	v44 =	vmul.f32 v44, v10;
	v49 =	vld.idx.msk [tilespmem:v37+s23+$0x0], $0xffff;
	v24 =	vpop (erf)  }
0xfa: {  	v18 =	vmov v35;
	[tilespmem:v47+s19+$0x0] =	vst.idx.msk $0xff, v24;
	v47 =	vld.idx.msk [tilespmem:v37+s22+$0x0], $0xffff;
	(erf) = vpow2.f32 v17;
	v17 =	vmul.f32 v19, v40  }
0xfb: {  	v37 =	vor.u32 v4, v14;
	v30 =	vmul.f32 v30, v25;
	v54 =	vld.idx.msk [tilespmem:v48+s18+$0x0], $0xffff;
	[tilespmem:v59+s18+$0x0] =	vst.idx.msk $0xffff, v21  }
0xfc: {  	v35 =	vor.u32 v6, v15;
	v40 =	vmul.f32 v12, v43;
	[tilespmem:v53+s18+$0x0] =	vst.idx.msk $0xffff, v17;
	v17 =	vld.idx.msk [tilespmem:v26+s18+$0x0], $0xffff  }
0xfd: {  	v34 =	vor.u32 v5, v11;
	v55 =	vmul.f32 v45, v36;
	v21 =	vpop (erf);
	v53 =	vld.idx.msk [tilespmem:v51+s18+$0x0], $0xffff;
	[tilespmem:v38+s18+$0x0] =	vst.idx.msk $0xffff, v30  }
0xfe: {  	v30 =	vor.u32 v5, v14;
	v38 =	vmul.f32 v46, v13;
	[tilespmem:v50+s19+$0x0] =	vst.idx.msk $0xff, v21;
	v50 =	vld.idx.msk [tilespmem:v32+s18+$0x0], $0xffff  }
0xff: {  	v56 =	vor.u32 v9, v31;
	v43 =	vor.u32 v2, v16;
	v57 =	vld.idx.msk [tilespmem:v42+s18+$0x0], $0xffff;
	[tilespmem:v29+s18+$0x0] =	vst.idx.msk $0xffff, v40  }
0x100: {  	v40 =	vor.u32 v0, v18;
	v29 =	vor.u32 v7, v15;
	v36 =	vld.idx.msk [tilespmem:v37+s18+$0x0], $0xffff;
	[tilespmem:v41+s18+$0x0] =	vst.idx.msk $0xffff, v38  }
.Ltmp2:
0x101: {  	v54 =	vmul.f32 v24, v54;
	v41 =	vor.u32 v4, v22;
	[tilespmem:v52+s18+$0x0] =	vst.idx.msk $0xffff, v44;
	v45 =	vld.idx.msk [tilespmem:v35+s18+$0x0], $0xffff;
	(pc) =	sbr.rel @p0 .LBB2_7-.Ltmp2, $4  }
0x102: {  	v47 =	vadd.f32 v49, v47;
	v38 =	vmul.f32 v17, v28;
	v44 =	vld.idx.msk [tilespmem:v34+s18+$0x0], $0xffff;
	[tilespmem:v39+s18+$0x0] =	vst.idx.msk $0xffff, v55  }
0x103: {  	v46 =	vor.u32 v2, v20;
	v17 =	vmov v22;
	v52 =	vmul.f32 v19, v53;
	[tilespmem:v48+s18+$0x0] =	vst.idx.msk $0xffff, v54;
	v31 =	vpop (erf)  }
0x104: {  	v49 =	vmax.f32 v47, $0.0e+00;
	v53 =	vmin.f32 v47, $0.0e+00;
	v28 =	vmul.f32 v50, v25;
	[tilespmem:v56+s19+$0x0] =	vst.idx.msk $0xff, v31;
	v39 =	vld.idx.msk [tilespmem:v43+s18+$0x0], $0xffff  }
0x105: {  	v22 =	vmov v33;
	v50 =	vmul.f32 $2.000000030e-01, v53;
	v48 =	vmul.f32 v21, v57;
	v47 =	vld.idx.msk [tilespmem:v40+s18+$0x0], $0xffff;
	[tilespmem:v51+s18+$0x0] =	vst.idx.msk $0xffff, v52  }
0x106: {  	_ = 	snop  }
0x107: {  	v25 =	vadd.f32 v50, v49;
	_ =	sdelay $0x1  }
0x108: {  	v25 =	vmul.f32 $1.442695020e+00, v25;
	_ =	sdelay $0x1  }
0x109: {  	(erf) = vpow2.f32 v25;
	_ =	sdelay $0x4  }
0x10a: {  	v27 =	vor.u32 v9, v27  }
0x10b: {  	v33 =	vor.u32 v0, v22;
	_ =	sdelay $0x2  }
0x10c: {  	v25 =	vpop (erf)  }
0x10d: {  	[tilespmem:v27+s19+$0x0] =	vst.idx.msk $0xff, v25  }
0x10e: {  	v27 =	vld.idx.msk [tilespmem:v33+s18+$0x0], $0xffff;
	_ =	sdelay $0x2  }
0x10f: {  	v59 =	vor.u32 v2, v22  }
0x110: {  	v60 =	vor.u32 v2, v18  }
0x111: {  	[tilespmem:v42+s18+$0x0] =	vst.idx.msk $0xffff, v48;
	v27 =	vmul.f32 v25, v27  }
0x112: {  	v42 =	vld.idx.msk [tilespmem:v46+s18+$0x0], $0xffff;
	v47 =	vmul.f32 v31, v47  }
0x113: {  	[tilespmem:v33+s18+$0x0] =	vst.idx.msk $0xffff, v27  }
0x114: {  	[tilespmem:v40+s18+$0x0] =	vst.idx.msk $0xffff, v47;
	v27 =	vld.idx.msk [tilespmem:v59+s18+$0x0], $0xffff  }
0x115: {  	v61 =	vor.u32 v3, v20;
	v40 =	vld.idx.msk [tilespmem:v60+s18+$0x0], $0xffff  }
0x116: {  	v62 =	vor.u32 v3, v16  }
0x117: {  	v63 =	vor.u32 v3, v22;
	v42 =	vmul.f32 v21, v42  }
0x118: {  	v51 =	vor.u32 v3, v18;
	v39 =	vmul.f32 v24, v39  }
0x119: {  	[tilespmem:v46+s18+$0x0] =	vst.idx.msk $0xffff, v42;
	v27 =	vmul.f32 v25, v27  }
0x11a: {  	[tilespmem:v43+s18+$0x0] =	vst.idx.msk $0xffff, v39;
	v54 =	vld.idx.msk [tilespmem:v61+s18+$0x0], $0xffff;
	v40 =	vmul.f32 v31, v40  }
0x11b: {  	v55 =	vld.idx.msk [tilespmem:v62+s18+$0x0], $0xffff;
	[tilespmem:v59+s18+$0x0] =	vst.idx.msk $0xffff, v27  }
0x11c: {  	[tilespmem:v60+s18+$0x0] =	vst.idx.msk $0xffff, v40;
	v27 =	vld.idx.msk [tilespmem:v63+s18+$0x0], $0xffff  }
0x11d: {  	v40 =	vor.u32 v4, v20;
	v56 =	vld.idx.msk [tilespmem:v51+s18+$0x0], $0xffff  }
0x11e: {  	v57 =	vor.u32 v4, v16  }
0x11f: {  	v58 =	vor.u32 v4, v22;
	v39 =	vmul.f32 v21, v54  }
0x120: {  	v52 =	vor.u32 v4, v18;
	v42 =	vmul.f32 v24, v55;
	v59 =	vld.idx.msk [tilespmem:v41+s18+$0x0], $0xffff  }
0x121: {  	[tilespmem:v61+s18+$0x0] =	vst.idx.msk $0xffff, v39;
	v27 =	vmul.f32 v25, v27  }
0x122: {  	[tilespmem:v62+s18+$0x0] =	vst.idx.msk $0xffff, v42;
	v60 =	vmul.f32 v31, v56;
	v33 =	vld.idx.msk [tilespmem:v40+s18+$0x0], $0xffff  }
0x123: {  	v42 =	vor.u32 v5, v17;
	v61 =	vld.idx.msk [tilespmem:v57+s18+$0x0], $0xffff;
	[tilespmem:v63+s18+$0x0] =	vst.idx.msk $0xffff, v27  }
0x124: {  	[tilespmem:v51+s18+$0x0] =	vst.idx.msk $0xffff, v60;
	v27 =	vld.idx.msk [tilespmem:v58+s18+$0x0], $0xffff  }
0x125: {  	v47 =	vor.u32 v5, v20;
	v62 =	vmul.f32 v59, v19;
	v63 =	vld.idx.msk [tilespmem:v52+s18+$0x0], $0xffff  }
0x126: {  	v36 =	vmul.f32 v36, v12;
	[tilespmem:v32+s18+$0x0] =	vst.idx.msk $0xffff, v28;
	v28 =	vor.u32 v5, v16  }
0x127: {  	v50 =	vmul.f32 v33, v21;
	v33 =	vor.u32 v5, v22;
	[tilespmem:v41+s18+$0x0] =	vst.idx.msk $0xffff, v62  }
0x128: {  	[tilespmem:v37+s18+$0x0] =	vst.idx.msk $0xffff, v36;
	v39 =	vor.u32 v5, v18;
	v53 =	vmul.f32 v61, v24;
	v51 =	vld.idx.msk [tilespmem:v42+s18+$0x0], $0xffff  }
0x129: {  	v54 =	vld.idx.msk [tilespmem:v30+s18+$0x0], $0xffff;
	[tilespmem:v40+s18+$0x0] =	vst.idx.msk $0xffff, v50;
	v27 =	vmul.f32 v27, v25  }
0x12a: {  	[tilespmem:v57+s18+$0x0] =	vst.idx.msk $0xffff, v53;
	v32 =	vld.idx.msk [tilespmem:v47+s18+$0x0], $0xffff;
	v55 =	vmul.f32 v63, v31  }
0x12b: {  	v43 =	vor.u32 v6, v17;
	v56 =	vmul.f32 v45, v13;
	v57 =	vld.idx.msk [tilespmem:v28+s18+$0x0], $0xffff;
	[tilespmem:v58+s18+$0x0] =	vst.idx.msk $0xffff, v27  }
0x12c: {  	[tilespmem:v52+s18+$0x0] =	vst.idx.msk $0xffff, v55;
	v27 =	vmul.f32 v44, v10;
	v44 =	vor.u32 v6, v14;
	v58 =	vld.idx.msk [tilespmem:v33+s18+$0x0], $0xffff  }
0x12d: {  	v36 =	vor.u32 v6, v20;
	[tilespmem:v35+s18+$0x0] =	vst.idx.msk $0xffff, v56;
	v59 =	vmul.f32 v51, v19;
	v60 =	vld.idx.msk [tilespmem:v39+s18+$0x0], $0xffff  }
0x12e: {  	v61 =	vor.u32 v6, v16;
	[tilespmem:v34+s18+$0x0] =	vst.idx.msk $0xffff, v27;
	v27 =	vmul.f32 v54, v12  }
0x12f: {  	v35 =	vor.u32 v6, v22;
	v32 =	vmul.f32 v32, v21;
	[tilespmem:v42+s18+$0x0] =	vst.idx.msk $0xffff, v59;
	v62 =	vld.idx.msk [tilespmem:v23+s18+$0x0], $0xffff  }
0x130: {  	v42 =	vor.u32 v6, v18;
	[tilespmem:v30+s18+$0x0] =	vst.idx.msk $0xffff, v27;
	v27 =	vld.idx.msk [tilespmem:v43+s18+$0x0], $0xffff;
	v30 =	vmul.f32 v57, v24  }
0x131: {  	[tilespmem:v47+s18+$0x0] =	vst.idx.msk $0xffff, v32;
	v63 =	vld.idx.msk [tilespmem:v44+s18+$0x0], $0xffff;
	v48 =	vmul.f32 v58, v25  }
0x132: {  	v49 =	vor.u32 v7, v11;
	v50 =	vld.idx.msk [tilespmem:v36+s18+$0x0], $0xffff;
	[tilespmem:v28+s18+$0x0] =	vst.idx.msk $0xffff, v30;
	v28 =	vmul.f32 v60, v31  }
0x133: {  	v30 =	vor.u32 v7, v17;
	v51 =	vld.idx.msk [tilespmem:v61+s18+$0x0], $0xffff;
	[tilespmem:v33+s18+$0x0] =	vst.idx.msk $0xffff, v48  }
0x134: {  	v52 =	vor.u32 v7, v14;
	v53 =	vmul.f32 v62, v10;
	[tilespmem:v39+s18+$0x0] =	vst.idx.msk $0xffff, v28;
	v28 =	vld.idx.msk [tilespmem:v35+s18+$0x0], $0xffff  }
0x135: {  	[tilespmem:v26+s18+$0x0] =	vst.idx.msk $0xffff, v38;
	v26 =	vmul.f32 v27, v19;
	v27 =	vor.u32 v7, v20;
	v54 =	vld.idx.msk [tilespmem:v42+s18+$0x0], $0xffff  }
0x136: {  	v56 =	vor.u32 v7, v16;
	v55 =	vld.idx.msk [tilespmem:v29+s18+$0x0], $0xffff;
	[tilespmem:v23+s18+$0x0] =	vst.idx.msk $0xffff, v53;
	v23 =	vmul.f32 v63, v12  }
0x137: {  	v58 =	vor.u32 v7, v22;
	v57 =	vld.idx.msk [tilespmem:v49+s18+$0x0], $0xffff;
	[tilespmem:v43+s18+$0x0] =	vst.idx.msk $0xffff, v26;
	v26 =	vmul.f32 v50, v21  }
0x138: {  	v59 =	vor.u32 v7, v18;
	[tilespmem:v44+s18+$0x0] =	vst.idx.msk $0xffff, v23;
	v23 =	vld.idx.msk [tilespmem:v30+s18+$0x0], $0xffff;
	v40 =	vmul.f32 v51, v24  }
0x139: {  	v15 =	vor.u32 v8, v15;
	v60 =	vld.idx.msk [tilespmem:v52+s18+$0x0], $0xffff;
	[tilespmem:v36+s18+$0x0] =	vst.idx.msk $0xffff, v26;
	v26 =	vmul.f32 v28, v25  }
0x13a: {  	v11 =	vor.u32 v8, v11;
	v28 =	vld.idx.msk [tilespmem:v27+s18+$0x0], $0xffff;
	[tilespmem:v61+s18+$0x0] =	vst.idx.msk $0xffff, v40;
	v61 =	vmul.f32 v54, v31  }
0x13b: {  	v17 =	vor.u32 v8, v17;
	v62 =	vmul.f32 v55, v13;
	v63 =	vld.idx.msk [tilespmem:v56+s18+$0x0], $0xffff;
	[tilespmem:v35+s18+$0x0] =	vst.idx.msk $0xffff, v26  }
0x13c: {  	v14 =	vor.u32 v8, v14;
	v26 =	vmul.f32 v57, v10;
	[tilespmem:v42+s18+$0x0] =	vst.idx.msk $0xffff, v61;
	v40 =	vld.idx.msk [tilespmem:v58+s18+$0x0], $0xffff  }
0x13d: {  	v20 =	vor.u32 v8, v20;
	[tilespmem:v29+s18+$0x0] =	vst.idx.msk $0xffff, v62;
	v23 =	vmul.f32 v23, v19;
	v29 =	vld.idx.msk [tilespmem:v59+s18+$0x0], $0xffff  }
0x13e: {  	v16 =	vor.u32 v8, v16;
	v41 =	vld.idx.msk [tilespmem:v15+s18+$0x0], $0xffff;
	[tilespmem:v49+s18+$0x0] =	vst.idx.msk $0xffff, v26;
	v26 =	vmul.f32 v60, v12  }
0x13f: {  	v22 =	vor.u32 v8, v22;
	v42 =	vld.idx.msk [tilespmem:v11+s18+$0x0], $0xffff;
	[tilespmem:v30+s18+$0x0] =	vst.idx.msk $0xffff, v23;
	v23 =	vmul.f32 v28, v21  }
0x140: {  	v18 =	vor.u32 v8, v18;
	[tilespmem:v52+s18+$0x0] =	vst.idx.msk $0xffff, v26;
	v26 =	vld.idx.msk [tilespmem:v17+s18+$0x0], $0xffff;
	v28 =	vmul.f32 v63, v24  }
0x141: {  	v30 =	vld.idx.msk [tilespmem:v14+s18+$0x0], $0xffff;
	[tilespmem:v27+s18+$0x0] =	vst.idx.msk $0xffff, v23;
	v23 =	vmul.f32 v40, v25  }
0x142: {  	v27 =	vld.idx.msk [tilespmem:v20+s18+$0x0], $0xffff;
	[tilespmem:v56+s18+$0x0] =	vst.idx.msk $0xffff, v28;
	v28 =	vmul.f32 v29, v31  }
0x143: {  	v13 =	vmul.f32 v41, v13;
	v29 =	vld.idx.msk [tilespmem:v16+s18+$0x0], $0xffff;
	[tilespmem:v58+s18+$0x0] =	vst.idx.msk $0xffff, v23  }
0x144: {  	v10 =	vmul.f32 v42, v10;
	[tilespmem:v59+s18+$0x0] =	vst.idx.msk $0xffff, v28;
	v23 =	vld.idx.msk [tilespmem:v22+s18+$0x0], $0xffff  }
0x145: {  	[tilespmem:v15+s18+$0x0] =	vst.idx.msk $0xffff, v13;
	v13 =	vmul.f32 v26, v19;
	v15 =	vld.idx.msk [tilespmem:v18+s18+$0x0], $0xffff  }
0x146: {  	v12 =	vmul.f32 v30, v12;
	[tilespmem:v11+s18+$0x0] =	vst.idx.msk $0xffff, v10  }
0x147: {  	[tilespmem:v17+s18+$0x0] =	vst.idx.msk $0xffff, v13;
	v10 =	vmul.f32 v27, v21  }
0x148: {  	[tilespmem:v14+s18+$0x0] =	vst.idx.msk $0xffff, v12;
	v11 =	vmul.f32 v29, v24  }
0x149: {  	[tilespmem:v20+s18+$0x0] =	vst.idx.msk $0xffff, v10;
	v10 =	vmul.f32 v23, v25  }
0x14a: {  	v12 =	vmul.f32 v15, v31;
	[tilespmem:v16+s18+$0x0] =	vst.idx.msk $0xffff, v11  }
0x14b: {  	[tilespmem:v22+s18+$0x0] =	vst.idx.msk $0xffff, v10  }
0x14c: {  	[tilespmem:v18+s18+$0x0] =	vst.idx.msk $0xffff, v12  }
0x14d: {  	[spmem:s2] =	stream.indirect.scatter.add.f32 [tilespmem:s18], [sflag:$0x3], $0x80, s21, s21, $0xb8;
	[tilespmem:$0x1D808] =	vst v63  }
0x14e: {  	_ = 	snop  }
0x14f: {  	[spmem:s3] =	stream.indirect.scatter.add.f32 [tilespmem:s19], [sflag:$0x3], $0x8, s21, s21, $0xb8;
	[tilespmem:$0x1D808] =	vst v63  }
0x150: {  	_ =	swait.ge [sflag:s5], $0x4000  }
0x151: {  	[sflag:s5] =	ssyncset.done $0x0  }
0x152: {  	s13 =	sadd.s32 $0x2, s25;
	[sflag:s5] =	ssyncadd.s32 $0xFFFFC000  }
0x153: {  	s13 =	smin.u32 s13, s12;
	_ =	swait.ge [sflag:s5], $0x400  }
0x154: {  	s13 =	sshll.u32 s13, $0x5;
	[sflag:s5] =	ssyncset.done $0x0  }
0x155: {  	s14 =	simm.s32 $0x0;
	s13 =	sadd.s32 s1, s13;
	[sflag:s5] =	ssyncadd.s32 $0xFFFFFC00  }
0x156: {  	[tilespmem:s14], [sflag:$0x5] =	stream.linear.gather [hbm4b:s13+s14], $0x100, $0x38;
	[tilespmem:$0x1D808] =	vst v63  }
0x157: {  	_ =	swait.ge [sflag:s20], $0x100  }
0x158: {  	[sflag:s20] =	ssyncset.done $0x0  }
0x159: {  	[sflag:s20] =	ssyncadd.s32 $0xFFFFFF00  }
0x15a: {  	[tilespmem:s22], [sflag:$0x1] =	stream.indirect.gather [hbm4b:s6+s21], $0x1, s14, s21, $0xb8;
	[tilespmem:$0x1D808] =	vst v63  }
0x15b: {  	_ = 	snop  }
0x15c: {  	[tilespmem:s23], [sflag:$0x1] =	stream.indirect.gather [hbm4b:s7+s21], $0x1, s21, s21, $0xb8;
	[tilespmem:$0x1D808] =	vst v63  }
0x15d: {  	_ = 	snop  }
0x15e: {  	[tilespmem:s18], [sflag:$0x1] =	stream.indirect.gather [hbm4b:s8+s21], $0x80, s14, s21, $0xb8;
	[tilespmem:$0x1D808] =	vst v63  }
0x15f: {  	_ =	swait.ge [sflag:s4], $0x80  }
0x160: {  	[sflag:s4] =	ssyncset.done $0x0  }
0x161: {  	[sflag:s4] =	ssyncadd.s32 $0xFFFFFF80  }
0x162: {  	s17 =	simm.s32 $0x1;
	_ =	swait.ge [sflag:s4], $0x80  }
0x163: {  	v10 =	vmov s17;
	[sflag:s4] =	ssyncset.done $0x0  }
0x164: {  	s25 =	simm.s32 $0x3;
	[sflag:s4] =	ssyncadd.s32 $0xFFFFFF80  }
0x165: {  	v11 =	vmov s25;
	_ =	swait.ge [sflag:s4], $0x4000  }
0x166: {  	[sflag:s4] =	ssyncset.done $0x0  }
0x167: {  	[sflag:s4] =	ssyncadd.s32 $0xFFFFC000  }
0x168: {  	v12 =	vld.idx.msk [tilespmem:v10+s30+$0x0], $0xffff  }
0x169: {  	v13 =	vld.idx.msk [tilespmem:v10+s28+$0x0], $0xffff  }
0x16a: {  	v14 =	vld.idx.msk [tilespmem:v11+s28+$0x0], $0xffff  }
0x16b: {  	v15 =	vld.idx.msk [tilespmem:v11+s30+$0x0], $0xffff;
	_ =	sdelay $0x3  }
0x16c: {  	v12 =	vadd.f32 v12, v13  }
0x16d: {  	v13 =	vadd.f32 v15, v14  }
0x16e: {  	v14 =	vmin.f32 v12, $0.0e+00  }
0x16f: {  	v15 =	vmin.f32 v13, $0.0e+00;
	v14 =	vmul.f32 $2.000000030e-01, v14  }
0x170: {  	v17 =	vmov s14;
	v12 =	vmax.f32 v12, $0.0e+00;
	v15 =	vmul.f32 $2.000000030e-01, v15  }
0x171: {  	v13 =	vmax.f32 v13, $0.0e+00;
	v12 =	vadd.f32 v14, v12  }
0x172: {  	v13 =	vadd.f32 v15, v13  }
0x173: {  	v12 =	vmul.f32 $1.442695020e+00, v12  }
0x174: {  	v13 =	vmul.f32 $1.442695020e+00, v13  }
0x175: {  	v14 =	vld.idx.msk [tilespmem:v17+s28+$0x0], $0xffff;
	(erf) = vpow2.f32 v12  }
0x176: {  	s14 =	simm.s32 $0x2;
	v12 =	vld.idx.msk [tilespmem:v17+s30+$0x0], $0xffff;
	(erf) = vpow2.f32 v13  }
0x177: {  	v13 =	vmov s14;
	_ =	sdelay $0x1  }
0x178: {  	v19 =	vshll.u32 v11, $0x7;
	v18 =	vshll.u32 v10, $0x3  }
0x179: {  	v16 =	vshll.u32 v10, $0x7;
	v10 =	vor.u32 v9, v18;
	v15 =	vshll.u32 v11, $0x3  }
0x17a: {  	v23 =	vor.u32 v0, v16;
	v11 =	vadd.f32 v12, v14;
	v12 =	vor.u32 v9, v15  }
0x17b: {  	v15 =	vor.u32 v0, v19;
	v14 =	vld.idx.msk [tilespmem:v13+s30+$0x0], $0xffff  }
0x17c: {  	v21 =	vld.idx.msk [tilespmem:v13+s28+$0x0], $0xffff;
	v20 =	vmin.f32 v11, $0.0e+00  }
0x17d: {  	v20 =	vmul.f32 $2.000000030e-01, v20;
	v22 =	vpop (erf)  }
0x17e: {  	v11 =	vmax.f32 v11, $0.0e+00;
	v18 =	vpop (erf);
	[tilespmem:v10+s10+$0x0] =	vst.idx.msk $0xff, v22  }
0x17f: {  	v11 =	vadd.f32 v20, v11;
	[tilespmem:v12+s10+$0x0] =	vst.idx.msk $0xff, v18;
	v10 =	vld.idx.msk [tilespmem:v23+s31+$0x0], $0xffff  }
0x180: {  	s17 =	simm.s32 $0x5;
	v12 =	vld.idx.msk [tilespmem:v15+s31+$0x0], $0xffff  }
0x181: {  	v24 =	vmov s17;
	v14 =	vadd.f32 v14, v21;
	v11 =	vmul.f32 $1.442695020e+00, v11;
	_ =	sdelay $0x1  }
0x182: {  	v20 =	vmin.f32 v14, $0.0e+00;
	(erf) = vpow2.f32 v11;
	v11 =	vor.u32 v2, v19  }
0x183: {  	v20 =	vmul.f32 $2.000000030e-01, v20;
	v10 =	vmul.f32 v22, v10  }
0x184: {  	v14 =	vmax.f32 v14, $0.0e+00;
	v12 =	vmul.f32 v18, v12  }
0x185: {  	v27 =	vld.idx.msk [tilespmem:v24+s30+$0x0], $0xffff;
	v14 =	vadd.f32 v20, v14;
	[tilespmem:v23+s31+$0x0] =	vst.idx.msk $0xffff, v10  }
0x186: {  	s25 =	simm.s32 $0x7;
	v26 =	vor.u32 v2, v16;
	v21 =	vshll.u32 v17, $0x7;
	v20 =	vshll.u32 v17, $0x3;
	v10 =	vld.idx.msk [tilespmem:v24+s28+$0x0], $0xffff;
	[tilespmem:v15+s31+$0x0] =	vst.idx.msk $0xffff, v12  }
0x187: {  	v14 =	vmul.f32 $1.442695020e+00, v14;
	v12 =	vmov s25;
	v15 =	vor.u32 v9, v20;
	v17 =	vld.idx.msk [tilespmem:v11+s31+$0x0], $0xffff;
	_ =	sdelay $0x1  }
0x188: {  	v20 =	vor.u32 v0, v21;
	(erf) = vpow2.f32 v14  }
0x189: {  	v29 =	vor.u32 v3, v19  }
0x18a: {  	s14 =	simm.s32 $0x4;
	v14 =	vld.idx.msk [tilespmem:v26+s31+$0x0], $0xffff;
	v25 =	vpop (erf)  }
0x18b: {  	v30 =	vmov s14;
	v10 =	vadd.f32 v27, v10;
	v28 =	vld.idx.msk [tilespmem:v12+s28+$0x0], $0xffff;
	[tilespmem:v15+s10+$0x0] =	vst.idx.msk $0xff, v25;
	v15 =	vmul.f32 v18, v17  }
0x18c: {  	v31 =	vshll.u32 v13, $0x3;
	v17 =	vld.idx.msk [tilespmem:v12+s30+$0x0], $0xffff  }
0x18d: {  	v23 =	vshll.u32 v13, $0x7;
	v13 =	vor.u32 v9, v31;
	v45 =	vld.idx.msk [tilespmem:v20+s31+$0x0], $0xffff;
	v27 =	vmin.f32 v10, $0.0e+00;
	[tilespmem:v11+s31+$0x0] =	vst.idx.msk $0xffff, v15  }
0x18e: {  	v27 =	vmul.f32 $2.000000030e-01, v27;
	v15 =	vor.u32 v0, v23;
	v11 =	vld.idx.msk [tilespmem:v29+s31+$0x0], $0xffff  }
0x18f: {  	v49 =	vor.u32 v3, v16;
	v10 =	vmax.f32 v10, $0.0e+00  }
0x190: {  	v47 =	vld.idx.msk [tilespmem:v30+s30+$0x0], $0xffff;
	v46 =	vor.u32 v2, v21;
	v10 =	vadd.f32 v27, v10  }
0x191: {  	v31 =	vld.idx.msk [tilespmem:v30+s28+$0x0], $0xffff;
	v14 =	vmul.f32 v22, v14;
	v17 =	vadd.f32 v17, v28;
	v28 =	vpop (erf)  }
0x192: {  	v48 =	vor.u32 v4, v19;
	v32 =	vmul.f32 v25, v45;
	v10 =	vmul.f32 $1.442695020e+00, v10;
	[tilespmem:v13+s10+$0x0] =	vst.idx.msk $0xff, v28  }
0x193: {  	[tilespmem:v26+s31+$0x0] =	vst.idx.msk $0xffff, v14;
	v13 =	vmin.f32 v17, $0.0e+00;
	v14 =	vld.idx.msk [tilespmem:v15+s31+$0x0], $0xffff;
	v11 =	vmul.f32 v18, v11  }
0x194: {  	v51 =	vor.u32 v5, v19;
	[tilespmem:v20+s31+$0x0] =	vst.idx.msk $0xffff, v32;
	(erf) = vpow2.f32 v10;
	v10 =	vld.idx.msk [tilespmem:v49+s31+$0x0], $0xffff;
	v13 =	vmul.f32 $2.000000030e-01, v13  }
0x195: {  	v52 =	vor.u32 v4, v16;
	v17 =	vmax.f32 v17, $0.0e+00;
	v26 =	vld.idx.msk [tilespmem:v46+s31+$0x0], $0xffff;
	[tilespmem:v29+s31+$0x0] =	vst.idx.msk $0xffff, v11  }
0x196: {  	v13 =	vadd.f32 v13, v17;
	v17 =	vor.u32 v2, v23;
	v29 =	vadd.f32 v47, v31  }
0x197: {  	v20 =	vshll.u32 v24, $0x3;
	v11 =	vshll.u32 v24, $0x7;
	v31 =	vor.u32 v3, v21;
	v27 =	vld.idx.msk [tilespmem:v48+s31+$0x0], $0xffff  }
0x198: {  	s17 =	simm.s32 $0x6;
	v13 =	vmul.f32 $1.442695020e+00, v13;
	v14 =	vmul.f32 v28, v14;
	v50 =	vmin.f32 v29, $0.0e+00  }
0x199: {  	v24 =	vmov s17;
	v10 =	vmul.f32 v22, v10;
	v32 =	vmul.f32 $2.000000030e-01, v50  }
0x19a: {  	v20 =	vor.u32 v9, v20;
	(erf) = vpow2.f32 v13;
	v13 =	vmul.f32 v25, v26;
	[tilespmem:v15+s31+$0x0] =	vst.idx.msk $0xffff, v14  }
0x19b: {  	v14 =	vmax.f32 v29, $0.0e+00;
	v29 =	vor.u32 v0, v11;
	[tilespmem:v49+s31+$0x0] =	vst.idx.msk $0xffff, v10;
	v26 =	vld.idx.msk [tilespmem:v17+s31+$0x0], $0xffff  }
0x19c: {  	v14 =	vadd.f32 v32, v14;
	v55 =	vld.idx.msk [tilespmem:v52+s31+$0x0], $0xffff;
	v27 =	vmul.f32 v27, v18;
	[tilespmem:v46+s31+$0x0] =	vst.idx.msk $0xffff, v13  }
0x19d: {  	v15 =	vshll.u32 v12, $0x7;
	v13 =	vshll.u32 v12, $0x3;
	v12 =	vld.idx.msk [tilespmem:v31+s31+$0x0], $0xffff  }
0x19e: {  	v57 =	vld.idx.msk [tilespmem:v24+s30+$0x0], $0xffff;
	v14 =	vmul.f32 $1.442695020e+00, v14;
	[tilespmem:v48+s31+$0x0] =	vst.idx.msk $0xffff, v27  }
0x19f: {  	v10 =	vpop (erf);
	v54 =	vor.u32 v9, v13;
	v27 =	vor.u32 v3, v23;
	v53 =	vld.idx.msk [tilespmem:v51+s31+$0x0], $0xffff  }
0x1a0: {  	[tilespmem:v20+s10+$0x0] =	vst.idx.msk $0xff, v10;
	v20 =	vor.u32 v4, v21;
	(erf) = vpow2.f32 v14;
	v13 =	vmul.f32 v28, v26  }
0x1a1: {  	v58 =	vor.u32 v6, v19;
	v56 =	vor.u32 v0, v15;
	v26 =	vld.idx.msk [tilespmem:v29+s31+$0x0], $0xffff  }
0x1a2: {  	v62 =	vshll.u32 v30, $0x3;
	v14 =	vshll.u32 v30, $0x7;
	v30 =	vld.idx.msk [tilespmem:v24+s28+$0x0], $0xffff;
	v12 =	vmul.f32 v25, v12  }
0x1a3: {  	v63 =	vor.u32 v5, v16;
	[tilespmem:v17+s31+$0x0] =	vst.idx.msk $0xffff, v13  }
0x1a4: {  	s17 =	simm.s32 $0xB;
	v49 =	vor.u32 v2, v11;
	v17 =	vld.idx.msk [tilespmem:v27+s31+$0x0], $0xffff;
	v13 =	vpop (erf);
	v32 =	vmul.f32 v53, v18;
	[tilespmem:v31+s31+$0x0] =	vst.idx.msk $0xffff, v12  }
0x1a5: {  	v47 =	vmov s17;
	v48 =	vor.u32 v9, v62;
	v12 =	vmul.f32 v55, v22;
	[tilespmem:v54+s10+$0x0] =	vst.idx.msk $0xff, v13;
	v31 =	vld.idx.msk [tilespmem:v20+s31+$0x0], $0xffff  }
0x1a6: {  	v35 =	vor.u32 v0, v14;
	v26 =	vmul.f32 v10, v26;
	v50 =	vld.idx.msk [tilespmem:v56+s31+$0x0], $0xffff;
	[tilespmem:v51+s31+$0x0] =	vst.idx.msk $0xffff, v32  }
0x1a7: {  	s14 =	simm.s32 $0x9;
	v30 =	vadd.f32 v57, v30;
	v51 =	vor.u32 v4, v23;
	[tilespmem:v52+s31+$0x0] =	vst.idx.msk $0xffff, v12;
	v59 =	vld.idx.msk [tilespmem:v58+s31+$0x0], $0xffff  }
0x1a8: {  	v61 =	vor.u32 v7, v19;
	v45 =	vmov s14;
	v52 =	vld.idx.msk [tilespmem:v63+s31+$0x0], $0xffff;
	[tilespmem:v29+s31+$0x0] =	vst.idx.msk $0xffff, v26  }
0x1a9: {  	v32 =	vor.u32 v5, v21;
	v29 =	vmin.f32 v30, $0.0e+00;
	v12 =	vpop (erf);
	v17 =	vmul.f32 v28, v17;
	v26 =	vld.idx.msk [tilespmem:v49+s31+$0x0], $0xffff  }
0x1aa: {  	v60 =	vor.u32 v2, v15;
	v29 =	vmul.f32 $2.000000030e-01, v29;
	[tilespmem:v48+s10+$0x0] =	vst.idx.msk $0xff, v12;
	v48 =	vld.idx.msk [tilespmem:v47+s28+$0x0], $0xffff  }
0x1ab: {  	s25 =	simm.s32 $0x8;
	v30 =	vmax.f32 v30, $0.0e+00;
	v54 =	vld.idx.msk [tilespmem:v35+s31+$0x0], $0xffff;
	[tilespmem:v27+s31+$0x0] =	vst.idx.msk $0xffff, v17;
	v17 =	vmul.f32 v31, v25  }
0x1ac: {  	v27 =	vmov s25;
	v29 =	vadd.f32 v29, v30;
	v53 =	vmul.f32 v13, v50;
	v31 =	vld.idx.msk [tilespmem:v51+s31+$0x0], $0xffff  }
0x1ad: {  	v55 =	vmul.f32 v59, v18;
	[tilespmem:v20+s31+$0x0] =	vst.idx.msk $0xffff, v17;
	v20 =	vshll.u32 v24, $0x3;
	v17 =	vshll.u32 v24, $0x7;
	v24 =	vld.idx.msk [tilespmem:v45+s30+$0x0], $0xffff  }
0x1ae: {  	v36 =	vor.u32 v6, v16;
	v57 =	vmul.f32 v52, v22;
	[tilespmem:v56+s31+$0x0] =	vst.idx.msk $0xffff, v53;
	v56 =	vld.idx.msk [tilespmem:v32+s31+$0x0], $0xffff  }
0x1af: {  	v33 =	vor.u32 v5, v23;
	v29 =	vmul.f32 $1.442695020e+00, v29;
	v30 =	vld.idx.msk [tilespmem:v60+s31+$0x0], $0xffff;
	[tilespmem:v58+s31+$0x0] =	vst.idx.msk $0xffff, v55  }
0x1b0: {  	v43 =	vor.u32 v7, v23;
	v26 =	vmul.f32 v10, v26;
	[tilespmem:v63+s31+$0x0] =	vst.idx.msk $0xffff, v57;
	v63 =	vld.idx.msk [tilespmem:v47+s30+$0x0], $0xffff  }
0x1b1: {  	v34 =	vor.u32 v3, v11;
	v39 =	vor.u32 v3, v15;
	(erf) = vpow2.f32 v29;
	v58 =	vld.idx.msk [tilespmem:v61+s31+$0x0], $0xffff  }
0x1b2: {  	v46 =	vld.idx.msk [tilespmem:v27+s28+$0x0], $0xffff;
	[tilespmem:v49+s31+$0x0] =	vst.idx.msk $0xffff, v26;
	v49 =	vor.u32 v6, v21;
	v29 =	vmul.f32 v31, v28  }
0x1b3: {  	v38 =	vor.u32 v3, v14;
	v50 =	vor.u32 v7, v21;
	v42 =	vmul.f32 v12, v54;
	v26 =	vld.idx.msk [tilespmem:v45+s28+$0x0], $0xffff  }
0x1b4: {  	v59 =	vld.idx.msk [tilespmem:v36+s31+$0x0], $0xffff;
	[tilespmem:v51+s31+$0x0] =	vst.idx.msk $0xffff, v29;
	v29 =	vor.u32 v8, v19;
	v19 =	vmul.f32 v56, v25  }
0x1b5: {  	v20 =	vor.u32 v9, v20;
	[tilespmem:v35+s31+$0x0] =	vst.idx.msk $0xffff, v42;
	v42 =	vld.idx.msk [tilespmem:v27+s30+$0x0], $0xffff;
	v30 =	vmul.f32 v13, v30  }
0x1b6: {  	v37 =	vor.u32 v0, v17;
	v53 =	vor.u32 v6, v23;
	v62 =	vld.idx.msk [tilespmem:v33+s31+$0x0], $0xffff;
	[tilespmem:v32+s31+$0x0] =	vst.idx.msk $0xffff, v19  }
0x1b7: {  	v55 =	vshll.u32 v45, $0x3;
	v57 =	vshll.u32 v27, $0x3;
	v44 =	vmul.f32 v58, v18;
	[tilespmem:v60+s31+$0x0] =	vst.idx.msk $0xffff, v30;
	v35 =	vld.idx.msk [tilespmem:v49+s31+$0x0], $0xffff  }
0x1b8: {  	v54 =	vor.u32 v5, v15;
	v31 =	vor.u32 v8, v16;
	v24 =	vadd.f32 v24, v26;
	v60 =	vld.idx.msk [tilespmem:v39+s31+$0x0], $0xffff  }
0x1b9: {  	v32 =	vor.u32 v2, v14;
	v40 =	vmul.f32 v59, v22;
	[tilespmem:v61+s31+$0x0] =	vst.idx.msk $0xffff, v44;
	v61 =	vld.idx.msk [tilespmem:v34+s31+$0x0], $0xffff  }
0x1ba: {  	v30 =	vor.u32 v7, v16;
	v16 =	vshll.u32 v45, $0x7;
	v45 =	vor.u32 v4, v11;
	v26 =	vld.idx.msk [tilespmem:v29+s31+$0x0], $0xffff  }
0x1bb: {  	v56 =	vmin.f32 v24, $0.0e+00;
	[tilespmem:v36+s31+$0x0] =	vst.idx.msk $0xffff, v40;
	v40 =	vor.u32 v2, v17;
	v42 =	vadd.f32 v42, v46;
	v19 =	vpop (erf)  }
0x1bc: {  	v41 =	vmul.f32 v62, v28;
	v62 =	vmul.f32 $2.000000030e-01, v56;
	[tilespmem:v20+s10+$0x0] =	vst.idx.msk $0xff, v19;
	v56 =	vor.u32 v4, v15  }
0x1bd: {  	v20 =	vmax.f32 v24, $0.0e+00;
	v24 =	vadd.f32 v63, v48;
	v63 =	vld.idx.msk [tilespmem:v37+s31+$0x0], $0xffff;
	v35 =	vmul.f32 v35, v25  }
0x1be: {  	v59 =	vld.idx.msk [tilespmem:v32+s31+$0x0], $0xffff;
	[tilespmem:v33+s31+$0x0] =	vst.idx.msk $0xffff, v41;
	v20 =	vadd.f32 v62, v20;
	v52 =	vmul.f32 v13, v60  }
0x1bf: {  	v58 =	vmin.f32 v24, $0.0e+00;
	v61 =	vmul.f32 v10, v61;
	v18 =	vmul.f32 v26, v18;
	[tilespmem:v49+s31+$0x0] =	vst.idx.msk $0xffff, v35  }
0x1c0: {  	s25 =	simm.s32 $0xA;
	v46 =	vor.u32 v0, v16;
	v36 =	vld.idx.msk [tilespmem:v53+s31+$0x0], $0xffff;
	v20 =	vmul.f32 $1.442695020e+00, v20;
	v26 =	vmul.f32 $2.000000030e-01, v58;
	[tilespmem:v39+s31+$0x0] =	vst.idx.msk $0xffff, v52  }
0x1c1: {  	v51 =	vmov s25;
	v24 =	vmax.f32 v24, $0.0e+00;
	v41 =	vor.u32 v4, v17;
	v60 =	vld.idx.msk [tilespmem:v30+s31+$0x0], $0xffff;
	[tilespmem:v34+s31+$0x0] =	vst.idx.msk $0xffff, v61  }
0x1c2: {  	v62 =	vld.idx.msk [tilespmem:v56+s31+$0x0], $0xffff;
	v24 =	vadd.f32 v26, v24;
	(erf) = vpow2.f32 v20;
	v20 =	vmul.f32 v19, v63  }
0x1c3: {  	[tilespmem:v29+s31+$0x0] =	vst.idx.msk $0xffff, v18;
	v26 =	vmin.f32 v42, $0.0e+00;
	v63 =	vld.idx.msk [tilespmem:v50+s31+$0x0], $0xffff;
	v18 =	vshll.u32 v27, $0x7;
	v27 =	vmul.f32 v12, v59  }
0x1c4: {  	v52 =	vor.u32 v3, v17;
	v49 =	vld.idx.msk [tilespmem:v45+s31+$0x0], $0xffff;
	v26 =	vmul.f32 $2.000000030e-01, v26;
	v24 =	vmul.f32 $1.442695020e+00, v24;
	[tilespmem:v37+s31+$0x0] =	vst.idx.msk $0xffff, v20  }
0x1c5: {  	v48 =	vmul.f32 v36, v28;
	v20 =	vmax.f32 v42, $0.0e+00;
	[tilespmem:v32+s31+$0x0] =	vst.idx.msk $0xffff, v27;
	v37 =	vld.idx.msk [tilespmem:v40+s31+$0x0], $0xffff  }
0x1c6: {  	v29 =	vor.u32 v9, v55;
	v26 =	vadd.f32 v26, v20;
	v59 =	vld.idx.msk [tilespmem:v38+s31+$0x0], $0xffff;
	(erf) = vpow2.f32 v24  }
0x1c7: {  	v58 =	vshll.u32 v47, $0x3;
	v20 =	vshll.u32 v47, $0x7;
	v47 =	vld.idx.msk [tilespmem:v51+s30+$0x0], $0xffff;
	v24 =	vmul.f32 v60, v22;
	[tilespmem:v53+s31+$0x0] =	vst.idx.msk $0xffff, v48  }
0x1c8: {  	v39 =	vor.u32 v9, v58;
	v34 =	vor.u32 v5, v11;
	v55 =	vmul.f32 v62, v13;
	v35 =	vld.idx.msk [tilespmem:v43+s31+$0x0], $0xffff  }
0x1c9: {  	v48 =	vmul.f32 v49, v10;
	[tilespmem:v30+s31+$0x0] =	vst.idx.msk $0xffff, v24;
	v30 =	vmul.f32 $1.442695020e+00, v26;
	v26 =	vor.u32 v8, v21  }
0x1ca: {  	v32 =	vor.u32 v8, v23;
	v23 =	vor.u32 v6, v11;
	[tilespmem:v56+s31+$0x0] =	vst.idx.msk $0xffff, v55;
	v60 =	vld.idx.msk [tilespmem:v31+s31+$0x0], $0xffff  }
0x1cb: {  	v27 =	vshll.u32 v51, $0x3;
	v21 =	vmul.f32 v63, v25;
	[tilespmem:v45+s31+$0x0] =	vst.idx.msk $0xffff, v48;
	v61 =	vld.idx.msk [tilespmem:v54+s31+$0x0], $0xffff;
	v24 =	vpop (erf);
	(erf) = vpow2.f32 v30  }
0x1cc: {  	v42 =	vor.u32 v0, v20;
	v49 =	vld.idx.msk [tilespmem:v51+s28+$0x0], $0xffff;
	[tilespmem:v29+s10+$0x0] =	vst.idx.msk $0xff, v24;
	v29 =	vmul.f32 v19, v37  }
0x1cd: {  	[tilespmem:v50+s31+$0x0] =	vst.idx.msk $0xffff, v21;
	v37 =	vor.u32 v4, v14;
	v30 =	vmul.f32 v35, v28;
	v50 =	vld.idx.msk [tilespmem:v46+s31+$0x0], $0xffff  }
0x1ce: {  	v62 =	vmul.f32 v12, v59;
	v35 =	vor.u32 v6, v15;
	v53 =	vld.idx.msk [tilespmem:v26+s31+$0x0], $0xffff;
	[tilespmem:v40+s31+$0x0] =	vst.idx.msk $0xffff, v29  }
0x1cf: {  	v22 =	vmul.f32 v60, v22;
	[tilespmem:v43+s31+$0x0] =	vst.idx.msk $0xffff, v30;
	v43 =	vor.u32 v2, v16;
	v21 =	vpop (erf);
	v63 =	vld.idx.msk [tilespmem:v52+s31+$0x0], $0xffff  }
0x1d0: {  	v29 =	vmul.f32 v61, v13;
	v60 =	vld.idx.msk [tilespmem:v32+s31+$0x0], $0xffff;
	v61 =	vor.u32 v9, v57;
	[tilespmem:v39+s10+$0x0] =	vst.idx.msk $0xff, v21  }
0x1d1: {  	[tilespmem:v38+s31+$0x0] =	vst.idx.msk $0xffff, v62;
	v47 =	vadd.f32 v47, v49;
	v40 =	vor.u32 v0, v18;
	v62 =	vld.idx.msk [tilespmem:v42+s31+$0x0], $0xffff  }
0x1d2: {  	v30 =	vor.u32 v5, v14;
	[tilespmem:v31+s31+$0x0] =	vst.idx.msk $0xffff, v22;
	v36 =	vld.idx.msk [tilespmem:v37+s31+$0x0], $0xffff;
	v50 =	vmul.f32 v24, v50  }
0x1d3: {  	v44 =	vld.idx.msk [tilespmem:v34+s31+$0x0], $0xffff;
	[tilespmem:v54+s31+$0x0] =	vst.idx.msk $0xffff, v29;
	v29 =	vor.u32 v7, v15;
	v38 =	vmul.f32 v53, v25  }
0x1d4: {  	v45 =	vld.idx.msk [tilespmem:v35+s31+$0x0], $0xffff;
	[tilespmem:v46+s31+$0x0] =	vst.idx.msk $0xffff, v50;
	v46 =	vor.u32 v2, v20;
	v31 =	vpop (erf);
	v25 =	vmul.f32 v19, v63  }
0x1d5: {  	v49 =	vmax.f32 v47, $0.0e+00;
	v63 =	vmin.f32 v47, $0.0e+00;
	v28 =	vmul.f32 v60, v28;
	[tilespmem:v61+s10+$0x0] =	vst.idx.msk $0xff, v31;
	v39 =	vld.idx.msk [tilespmem:v43+s31+$0x0], $0xffff  }
0x1d6: {  	s17 =	simm.s32 $0xC;
	v22 =	vshll.u32 v51, $0x7;
	v50 =	vmul.f32 $2.000000030e-01, v63;
	v47 =	vld.idx.msk [tilespmem:v40+s31+$0x0], $0xffff;
	v48 =	vmul.f32 v21, v62;
	[tilespmem:v52+s31+$0x0] =	vst.idx.msk $0xffff, v25  }
.LBB2_9:
0x1d7: {  	v51 =	vmov s17;
	s13 =	sadd.s32 $0x1, s17;
	v33 =	vmul.f32 v36, v12;
	v52 =	vld.idx.msk [tilespmem:v41+s31+$0x0], $0xffff;
	v53 =	vor.u32 v5, v17  }
0x1d8: {  	p0 =	slt.u32 s17, $0x7C;
	[tilespmem:v32+s31+$0x0] =	vst.idx.msk $0xffff, v28;
	v25 =	vmovc v19;
	v36 =	vmovc v10;
	v10 =	vmov v24;
	v28 =	vmov v12;
	v12 =	vmov v31;
	s14 =	smov.u32 s17;
	s17 =	sadd.s32 $0x4, s17  }
0x1d9: {  	v32 =	vmul.f32 v45, v13;
	v19 =	vmov s13;
	v24 =	vadd.f32 v50, v49;
	[tilespmem:v42+s31+$0x0] =	vst.idx.msk $0xffff, v48  }
0x1da: {  	s13 =	sadd.s32 $0x2, s14;
	v42 =	vshll.u32 v19, $0x3;
	v45 =	vshll.u32 v19, $0x7;
	v48 =	vld.idx.msk [tilespmem:v46+s31+$0x0], $0xffff;
	[tilespmem:v37+s31+$0x0] =	vst.idx.msk $0xffff, v33;
	v33 =	vmul.f32 v44, v36  }
0x1db: {  	v31 =	vshll.u32 v51, $0x3;
	v37 =	vmov s13;
	v44 =	vmul.f32 $1.442695020e+00, v24;
	v49 =	vld.idx.msk [tilespmem:v30+s31+$0x0], $0xffff;
	[tilespmem:v35+s31+$0x0] =	vst.idx.msk $0xffff, v32  }
0x1dc: {  	s13 =	sadd.s32 $0x3, s14;
	v35 =	vshll.u32 v51, $0x7;
	v32 =	vshll.u32 v37, $0x3;
	v39 =	vmul.f32 v10, v39;
	[tilespmem:v34+s31+$0x0] =	vst.idx.msk $0xffff, v33;
	v34 =	vld.idx.msk [tilespmem:v29+s31+$0x0], $0xffff  }
0x1dd: {  	v54 =	vmov s13;
	v33 =	vshll.u32 v37, $0x7;
	v47 =	vmul.f32 v12, v47;
	v50 =	vld.idx.msk [tilespmem:v51+s28+$0x0], $0xffff;
	[tilespmem:v26+s31+$0x0] =	vst.idx.msk $0xffff, v38  }
0x1de: {  	v24 =	vshll.u32 v54, $0x3;
	v38 =	vmul.f32 v52, v25;
	v26 =	vld.idx.msk [tilespmem:v19+s30+$0x0], $0xffff;
	[tilespmem:v43+s31+$0x0] =	vst.idx.msk $0xffff, v39;
	(erf) = vpow2.f32 v44  }
0x1df: {  	v43 =	vshll.u32 v54, $0x7;
	v44 =	vor.u32 v3, v20;
	v39 =	vor.u32 v8, v11;
	v19 =	vld.idx.msk [tilespmem:v19+s28+$0x0], $0xffff  }
0x1e0: {  	v55 =	vor.u32 v8, v15;
	v48 =	vmul.f32 v21, v48;
	v52 =	vld.idx.msk [tilespmem:v23+s31+$0x0], $0xffff;
	[tilespmem:v41+s31+$0x0] =	vst.idx.msk $0xffff, v38  }
0x1e1: {  	v56 =	vor.u32 v3, v16;
	v15 =	vmul.f32 v49, v28;
	v38 =	vor.u32 v7, v17;
	v49 =	vld.idx.msk [tilespmem:v53+s31+$0x0], $0xffff  }
0x1e2: {  	v58 =	vor.u32 v6, v14;
	v59 =	vor.u32 v7, v14;
	v34 =	vmul.f32 v34, v13;
	v57 =	vld.idx.msk [tilespmem:v54+s28+$0x0], $0xffff  }
0x1e3: {  	v27 =	vor.u32 v9, v27;
	v54 =	vld.idx.msk [tilespmem:v54+s30+$0x0], $0xffff;
	[tilespmem:v46+s31+$0x0] =	vst.idx.msk $0xffff, v48;
	v46 =	vor.u32 v7, v11  }
0x1e4: {  	v61 =	vor.u32 v6, v17;
	v48 =	vor.u32 v0, v22;
	v60 =	vld.idx.msk [tilespmem:v44+s31+$0x0], $0xffff;
	[tilespmem:v29+s31+$0x0] =	vst.idx.msk $0xffff, v34  }
0x1e5: {  	v26 =	vadd.f32 v26, v19;
	v29 =	vor.u32 v3, v18;
	[tilespmem:v30+s31+$0x0] =	vst.idx.msk $0xffff, v15;
	v15 =	vld.idx.msk [tilespmem:v55+s31+$0x0], $0xffff  }
0x1e6: {  	v41 =	vor.u32 v5, v20;
	v30 =	vor.u32 v2, v18;
	v52 =	vmul.f32 v52, v36;
	v34 =	vld.idx.msk [tilespmem:v56+s31+$0x0], $0xffff  }
0x1e7: {  	v11 =	vmov v16;
	v62 =	vmin.f32 v26, $0.0e+00;
	[tilespmem:v40+s31+$0x0] =	vst.idx.msk $0xffff, v47;
	v19 =	vpop (erf);
	v40 =	vld.idx.msk [tilespmem:v58+s31+$0x0], $0xffff;
	v47 =	vmul.f32 v49, v25  }
0x1e8: {  	v16 =	vmov v45;
	v49 =	vld.idx.msk [tilespmem:v51+s30+$0x0], $0xffff;
	v51 =	vmul.f32 $2.000000030e-01, v62;
	[tilespmem:v27+s10+$0x0] =	vst.idx.msk $0xff, v19;
	v62 =	vor.u32 v4, v20  }
0x1e9: {  	v26 =	vmax.f32 v26, $0.0e+00;
	v45 =	vadd.f32 v54, v57;
	v27 =	vmov v32;
	v54 =	vld.idx.msk [tilespmem:v48+s31+$0x0], $0xffff;
	[tilespmem:v53+s31+$0x0] =	vst.idx.msk $0xffff, v47  }
0x1ea: {  	v32 =	vmul.f32 v21, v60;
	v26 =	vadd.f32 v51, v26;
	[tilespmem:v23+s31+$0x0] =	vst.idx.msk $0xffff, v52;
	v23 =	vld.idx.msk [tilespmem:v61+s31+$0x0], $0xffff  }
0x1eb: {  	v47 =	vmin.f32 v45, $0.0e+00;
	v52 =	vor.u32 v4, v11;
	v13 =	vmul.f32 v15, v13;
	v15 =	vmovc v20;
	v51 =	vld.idx.msk [tilespmem:v30+s31+$0x0], $0xffff  }
0x1ec: {  	v53 =	vor.u32 v2, v22;
	v47 =	vmul.f32 $2.000000030e-01, v47;
	v26 =	vmul.f32 $1.442695020e+00, v26;
	[tilespmem:v44+s31+$0x0] =	vst.idx.msk $0xffff, v32;
	v32 =	vld.idx.msk [tilespmem:v46+s31+$0x0], $0xffff  }
0x1ed: {  	v20 =	vmovc v43;
	v34 =	vmul.f32 v10, v34;
	v44 =	vmax.f32 v45, $0.0e+00;
	v40 =	vmul.f32 v40, v28;
	v45 =	vld.idx.msk [tilespmem:v62+s31+$0x0], $0xffff  }
0x1ee: {  	v43 =	vadd.f32 v49, v50;
	v44 =	vadd.f32 v47, v44;
	(erf) = vpow2.f32 v26;
	[tilespmem:v55+s31+$0x0] =	vst.idx.msk $0xffff, v13  }
0x1ef: {  	v47 =	vor.u32 v9, v42;
	v26 =	vmul.f32 v19, v54;
	v13 =	vmov v21;
	[tilespmem:v58+s31+$0x0] =	vst.idx.msk $0xffff, v40  }
0x1f0: {  	v21 =	vmin.f32 v43, $0.0e+00;
	v40 =	vmul.f32 $1.442695020e+00, v44;
	v23 =	vmul.f32 v23, v25;
	[tilespmem:v56+s31+$0x0] =	vst.idx.msk $0xffff, v34;
	v34 =	vld.idx.msk [tilespmem:v59+s31+$0x0], $0xffff  }
0x1f1: {  	v21 =	vmul.f32 $2.000000030e-01, v21;
	v42 =	vmul.f32 v12, v51;
	v44 =	vld.idx.msk [tilespmem:v52+s31+$0x0], $0xffff;
	[tilespmem:v48+s31+$0x0] =	vst.idx.msk $0xffff, v26  }
0x1f2: {  	v26 =	vmax.f32 v43, $0.0e+00;
	v32 =	vmul.f32 v32, v36;
	(erf) = vpow2.f32 v40;
	v40 =	vld.idx.msk [tilespmem:v53+s31+$0x0], $0xffff;
	[tilespmem:v61+s31+$0x0] =	vst.idx.msk $0xffff, v23  }
0x1f3: {  	v21 =	vadd.f32 v21, v26;
	v23 =	vmul.f32 v45, v13;
	[tilespmem:v30+s31+$0x0] =	vst.idx.msk $0xffff, v42;
	v30 =	vld.idx.msk [tilespmem:v38+s31+$0x0], $0xffff  }
0x1f4: {  	v48 =	vor.u32 v0, v16;
	v43 =	vld.idx.msk [tilespmem:v29+s31+$0x0], $0xffff;
	[tilespmem:v46+s31+$0x0] =	vst.idx.msk $0xffff, v32;
	v32 =	vor.u32 v8, v17  }
0x1f5: {  	v26 =	vor.u32 v8, v14;
	v14 =	vmov v18;
	v17 =	vmul.f32 $1.442695020e+00, v21;
	[tilespmem:v62+s31+$0x0] =	vst.idx.msk $0xffff, v23;
	v45 =	vld.idx.msk [tilespmem:v39+s31+$0x0], $0xffff  }
0x1f6: {  	v51 =	vor.u32 v3, v22;
	v23 =	vor.u32 v6, v11;
	v21 =	vmul.f32 v34, v28;
	v46 =	vld.idx.msk [tilespmem:v41+s31+$0x0], $0xffff  }
0x1f7: {  	v50 =	vor.u32 v9, v24;
	v42 =	vor.u32 v0, v20;
	v44 =	vmul.f32 v44, v10;
	v49 =	vld.idx.msk [tilespmem:v37+s30+$0x0], $0xffff;
	v24 =	vpop (erf)  }
0x1f8: {  	v18 =	vmov v35;
	[tilespmem:v47+s10+$0x0] =	vst.idx.msk $0xff, v24;
	v47 =	vld.idx.msk [tilespmem:v37+s28+$0x0], $0xffff;
	(erf) = vpow2.f32 v17;
	v17 =	vmul.f32 v19, v40  }
0x1f9: {  	v37 =	vor.u32 v4, v14;
	v30 =	vmul.f32 v30, v25;
	v54 =	vld.idx.msk [tilespmem:v48+s31+$0x0], $0xffff;
	[tilespmem:v59+s31+$0x0] =	vst.idx.msk $0xffff, v21  }
0x1fa: {  	v35 =	vor.u32 v6, v15;
	v40 =	vmul.f32 v12, v43;
	[tilespmem:v53+s31+$0x0] =	vst.idx.msk $0xffff, v17;
	v17 =	vld.idx.msk [tilespmem:v26+s31+$0x0], $0xffff  }
0x1fb: {  	v34 =	vor.u32 v5, v11;
	v55 =	vmul.f32 v45, v36;
	v21 =	vpop (erf);
	v53 =	vld.idx.msk [tilespmem:v51+s31+$0x0], $0xffff;
	[tilespmem:v38+s31+$0x0] =	vst.idx.msk $0xffff, v30  }
0x1fc: {  	v30 =	vor.u32 v5, v14;
	v38 =	vmul.f32 v46, v13;
	[tilespmem:v50+s10+$0x0] =	vst.idx.msk $0xff, v21;
	v50 =	vld.idx.msk [tilespmem:v32+s31+$0x0], $0xffff  }
0x1fd: {  	v56 =	vor.u32 v9, v31;
	v43 =	vor.u32 v2, v16;
	v57 =	vld.idx.msk [tilespmem:v42+s31+$0x0], $0xffff;
	[tilespmem:v29+s31+$0x0] =	vst.idx.msk $0xffff, v40  }
0x1fe: {  	v40 =	vor.u32 v0, v18;
	v29 =	vor.u32 v7, v15;
	v36 =	vld.idx.msk [tilespmem:v37+s31+$0x0], $0xffff;
	[tilespmem:v41+s31+$0x0] =	vst.idx.msk $0xffff, v38  }
.Ltmp3:
0x1ff: {  	v54 =	vmul.f32 v24, v54;
	v41 =	vor.u32 v4, v22;
	[tilespmem:v52+s31+$0x0] =	vst.idx.msk $0xffff, v44;
	v45 =	vld.idx.msk [tilespmem:v35+s31+$0x0], $0xffff;
	(pc) =	sbr.rel @p0 .LBB2_9-.Ltmp3, $4  }
0x200: {  	v47 =	vadd.f32 v49, v47;
	v38 =	vmul.f32 v17, v28;
	v44 =	vld.idx.msk [tilespmem:v34+s31+$0x0], $0xffff;
	[tilespmem:v39+s31+$0x0] =	vst.idx.msk $0xffff, v55  }
0x201: {  	v46 =	vor.u32 v2, v20;
	v17 =	vmov v22;
	v52 =	vmul.f32 v19, v53;
	[tilespmem:v48+s31+$0x0] =	vst.idx.msk $0xffff, v54;
	v31 =	vpop (erf)  }
0x202: {  	v49 =	vmax.f32 v47, $0.0e+00;
	v53 =	vmin.f32 v47, $0.0e+00;
	v28 =	vmul.f32 v50, v25;
	[tilespmem:v56+s10+$0x0] =	vst.idx.msk $0xff, v31;
	v39 =	vld.idx.msk [tilespmem:v43+s31+$0x0], $0xffff  }
0x203: {  	v22 =	vmov v33;
	v50 =	vmul.f32 $2.000000030e-01, v53;
	v48 =	vmul.f32 v21, v57;
	v47 =	vld.idx.msk [tilespmem:v40+s31+$0x0], $0xffff;
	[tilespmem:v51+s31+$0x0] =	vst.idx.msk $0xffff, v52  }
0x204: {  	_ = 	snop  }
0x205: {  	v25 =	vadd.f32 v50, v49;
	_ =	sdelay $0x1  }
0x206: {  	v25 =	vmul.f32 $1.442695020e+00, v25;
	_ =	sdelay $0x1  }
0x207: {  	(erf) = vpow2.f32 v25;
	_ =	sdelay $0x4  }
0x208: {  	v27 =	vor.u32 v9, v27  }
0x209: {  	v33 =	vor.u32 v0, v22;
	_ =	sdelay $0x2  }
0x20a: {  	v25 =	vpop (erf)  }
0x20b: {  	[tilespmem:v27+s10+$0x0] =	vst.idx.msk $0xff, v25  }
0x20c: {  	v27 =	vld.idx.msk [tilespmem:v33+s31+$0x0], $0xffff;
	_ =	sdelay $0x1  }
0x20d: {  	v56 =	vor.u32 v2, v18  }
0x20e: {  	v55 =	vor.u32 v2, v22;
	[tilespmem:v42+s31+$0x0] =	vst.idx.msk $0xffff, v48  }
0x20f: {  	v42 =	vld.idx.msk [tilespmem:v46+s31+$0x0], $0xffff;
	v47 =	vmul.f32 v31, v47  }
0x210: {  	v27 =	vmul.f32 v25, v27  }
0x211: {  	[tilespmem:v40+s31+$0x0] =	vst.idx.msk $0xffff, v47  }
0x212: {  	v57 =	vor.u32 v3, v20;
	v40 =	vld.idx.msk [tilespmem:v56+s31+$0x0], $0xffff;
	[tilespmem:v33+s31+$0x0] =	vst.idx.msk $0xffff, v27  }
0x213: {  	v58 =	vor.u32 v3, v16;
	v27 =	vld.idx.msk [tilespmem:v55+s31+$0x0], $0xffff  }
0x214: {  	v42 =	vmul.f32 v21, v42  }
0x215: {  	v51 =	vor.u32 v3, v18;
	v39 =	vmul.f32 v24, v39  }
0x216: {  	v59 =	vor.u32 v3, v22;
	[tilespmem:v46+s31+$0x0] =	vst.idx.msk $0xffff, v42  }
0x217: {  	[tilespmem:v43+s31+$0x0] =	vst.idx.msk $0xffff, v39;
	v60 =	vld.idx.msk [tilespmem:v57+s31+$0x0], $0xffff;
	v40 =	vmul.f32 v31, v40  }
0x218: {  	v61 =	vld.idx.msk [tilespmem:v58+s31+$0x0], $0xffff;
	v27 =	vmul.f32 v25, v27  }
0x219: {  	[tilespmem:v56+s31+$0x0] =	vst.idx.msk $0xffff, v40  }
0x21a: {  	v40 =	vor.u32 v4, v20;
	v62 =	vld.idx.msk [tilespmem:v51+s31+$0x0], $0xffff;
	[tilespmem:v55+s31+$0x0] =	vst.idx.msk $0xffff, v27  }
0x21b: {  	v27 =	vld.idx.msk [tilespmem:v59+s31+$0x0], $0xffff  }
0x21c: {  	v63 =	vld.idx.msk [tilespmem:v41+s31+$0x0], $0xffff;
	v46 =	vor.u32 v4, v16;
	v39 =	vmul.f32 v21, v60  }
0x21d: {  	v52 =	vor.u32 v4, v18;
	v42 =	vmul.f32 v24, v61  }
0x21e: {  	v49 =	vor.u32 v4, v22;
	[tilespmem:v57+s31+$0x0] =	vst.idx.msk $0xffff, v39  }
0x21f: {  	[tilespmem:v58+s31+$0x0] =	vst.idx.msk $0xffff, v42;
	v42 =	vor.u32 v5, v17;
	v54 =	vmul.f32 v31, v62;
	v33 =	vld.idx.msk [tilespmem:v40+s31+$0x0], $0xffff  }
0x220: {  	v27 =	vmul.f32 v25, v27  }
0x221: {  	v57 =	vmul.f32 v63, v19;
	[tilespmem:v51+s31+$0x0] =	vst.idx.msk $0xffff, v54;
	v55 =	vld.idx.msk [tilespmem:v46+s31+$0x0], $0xffff  }
0x222: {  	v47 =	vor.u32 v5, v20;
	v58 =	vld.idx.msk [tilespmem:v52+s31+$0x0], $0xffff;
	[tilespmem:v59+s31+$0x0] =	vst.idx.msk $0xffff, v27  }
0x223: {  	v36 =	vmul.f32 v36, v12;
	[tilespmem:v41+s31+$0x0] =	vst.idx.msk $0xffff, v57;
	v56 =	vld.idx.msk [tilespmem:v49+s31+$0x0], $0xffff  }
0x224: {  	[tilespmem:v32+s31+$0x0] =	vst.idx.msk $0xffff, v28;
	v28 =	vor.u32 v5, v16;
	v60 =	vld.idx.msk [tilespmem:v42+s31+$0x0], $0xffff;
	v59 =	vmul.f32 v33, v21  }
0x225: {  	[tilespmem:v37+s31+$0x0] =	vst.idx.msk $0xffff, v36;
	v37 =	vor.u32 v5, v18  }
0x226: {  	v61 =	vld.idx.msk [tilespmem:v30+s31+$0x0], $0xffff;
	v33 =	vor.u32 v5, v22;
	v27 =	vmul.f32 v55, v24;
	[tilespmem:v40+s31+$0x0] =	vst.idx.msk $0xffff, v59  }
0x227: {  	v43 =	vor.u32 v6, v17;
	v48 =	vmul.f32 v58, v31;
	v63 =	vld.idx.msk [tilespmem:v47+s31+$0x0], $0xffff  }
0x228: {  	v53 =	vmul.f32 v44, v10;
	[tilespmem:v46+s31+$0x0] =	vst.idx.msk $0xffff, v27;
	v62 =	vmul.f32 v56, v25  }
0x229: {  	v44 =	vor.u32 v6, v14;
	[tilespmem:v52+s31+$0x0] =	vst.idx.msk $0xffff, v48;
	v55 =	vmul.f32 v60, v19;
	v51 =	vld.idx.msk [tilespmem:v28+s31+$0x0], $0xffff  }
0x22a: {  	v36 =	vor.u32 v6, v20;
	v56 =	vld.idx.msk [tilespmem:v37+s31+$0x0], $0xffff;
	[tilespmem:v49+s31+$0x0] =	vst.idx.msk $0xffff, v62  }
0x22b: {  	v57 =	vmul.f32 v61, v12;
	[tilespmem:v42+s31+$0x0] =	vst.idx.msk $0xffff, v55;
	v54 =	vld.idx.msk [tilespmem:v33+s31+$0x0], $0xffff  }
0x22c: {  	[tilespmem:v34+s31+$0x0] =	vst.idx.msk $0xffff, v53;
	v34 =	vor.u32 v6, v16;
	v60 =	vld.idx.msk [tilespmem:v43+s31+$0x0], $0xffff;
	v59 =	vmul.f32 v63, v21  }
0x22d: {  	v50 =	vmul.f32 v45, v13;
	[tilespmem:v30+s31+$0x0] =	vst.idx.msk $0xffff, v57;
	v58 =	vld.idx.msk [tilespmem:v23+s31+$0x0], $0xffff;
	v42 =	vor.u32 v6, v18  }
0x22e: {  	v39 =	vor.u32 v6, v22;
	v61 =	vmul.f32 v51, v24;
	v62 =	vld.idx.msk [tilespmem:v44+s31+$0x0], $0xffff;
	[tilespmem:v47+s31+$0x0] =	vst.idx.msk $0xffff, v59  }
0x22f: {  	v32 =	vor.u32 v7, v17;
	[tilespmem:v35+s31+$0x0] =	vst.idx.msk $0xffff, v50;
	v63 =	vld.idx.msk [tilespmem:v36+s31+$0x0], $0xffff;
	v48 =	vmul.f32 v56, v31  }
0x230: {  	v35 =	vor.u32 v7, v11;
	[tilespmem:v28+s31+$0x0] =	vst.idx.msk $0xffff, v61;
	v27 =	vmul.f32 v54, v25  }
0x231: {  	v52 =	vmul.f32 v60, v19;
	v49 =	vld.idx.msk [tilespmem:v34+s31+$0x0], $0xffff;
	[tilespmem:v37+s31+$0x0] =	vst.idx.msk $0xffff, v48  }
0x232: {  	v30 =	vor.u32 v7, v20;
	v50 =	vmul.f32 v58, v10;
	v37 =	vld.idx.msk [tilespmem:v42+s31+$0x0], $0xffff;
	[tilespmem:v33+s31+$0x0] =	vst.idx.msk $0xffff, v27  }
0x233: {  	[tilespmem:v43+s31+$0x0] =	vst.idx.msk $0xffff, v52;
	v54 =	vmul.f32 v62, v12;
	v27 =	vor.u32 v7, v14;
	v51 =	vld.idx.msk [tilespmem:v39+s31+$0x0], $0xffff  }
0x234: {  	[tilespmem:v23+s31+$0x0] =	vst.idx.msk $0xffff, v50;
	v57 =	vld.idx.msk [tilespmem:v32+s31+$0x0], $0xffff;
	v33 =	vor.u32 v7, v16;
	v56 =	vmul.f32 v63, v21  }
0x235: {  	v55 =	vld.idx.msk [tilespmem:v35+s31+$0x0], $0xffff;
	[tilespmem:v44+s31+$0x0] =	vst.idx.msk $0xffff, v54;
	v44 =	vor.u32 v7, v18  }
0x236: {  	v53 =	vld.idx.msk [tilespmem:v29+s31+$0x0], $0xffff;
	v43 =	vor.u32 v7, v22;
	v40 =	vmul.f32 v49, v24;
	[tilespmem:v36+s31+$0x0] =	vst.idx.msk $0xffff, v56  }
0x237: {  	[tilespmem:v26+s31+$0x0] =	vst.idx.msk $0xffff, v38;
	v17 =	vor.u32 v8, v17;
	v60 =	vld.idx.msk [tilespmem:v30+s31+$0x0], $0xffff;
	v61 =	vmul.f32 v37, v31  }
0x238: {  	v11 =	vor.u32 v8, v11;
	[tilespmem:v34+s31+$0x0] =	vst.idx.msk $0xffff, v40;
	v58 =	vld.idx.msk [tilespmem:v27+s31+$0x0], $0xffff;
	v59 =	vmul.f32 v51, v25  }
0x239: {  	v15 =	vor.u32 v8, v15;
	v23 =	vmul.f32 v57, v19;
	v63 =	vld.idx.msk [tilespmem:v33+s31+$0x0], $0xffff;
	[tilespmem:v42+s31+$0x0] =	vst.idx.msk $0xffff, v61  }
0x23a: {  	v46 =	vor.u32 v8, v20;
	v40 =	vmul.f32 v55, v10;
	v47 =	vld.idx.msk [tilespmem:v44+s31+$0x0], $0xffff;
	[tilespmem:v39+s31+$0x0] =	vst.idx.msk $0xffff, v59  }
0x23b: {  	v41 =	vor.u32 v8, v14;
	v62 =	vmul.f32 v53, v13;
	[tilespmem:v32+s31+$0x0] =	vst.idx.msk $0xffff, v23;
	v42 =	vld.idx.msk [tilespmem:v43+s31+$0x0], $0xffff  }
0x23c: {  	v49 =	vor.u32 v8, v16;
	v52 =	vld.idx.msk [tilespmem:v17+s31+$0x0], $0xffff;
	[tilespmem:v35+s31+$0x0] =	vst.idx.msk $0xffff, v40;
	v50 =	vmul.f32 v60, v21  }
0x23d: {  	[tilespmem:v29+s31+$0x0] =	vst.idx.msk $0xffff, v62;
	v54 =	vor.u32 v8, v18;
	v35 =	vld.idx.msk [tilespmem:v11+s31+$0x0], $0xffff;
	v48 =	vmul.f32 v58, v12  }
0x23e: {  	v36 =	vld.idx.msk [tilespmem:v15+s31+$0x0], $0xffff;
	v51 =	vor.u32 v8, v22;
	v53 =	vmul.f32 v63, v24;
	[tilespmem:v30+s31+$0x0] =	vst.idx.msk $0xffff, v50  }
0x23f: {  	v30 =	vld.idx.msk [tilespmem:v46+s31+$0x0], $0xffff;
	v57 =	vmul.f32 v47, v31;
	[tilespmem:v27+s31+$0x0] =	vst.idx.msk $0xffff, v48  }
0x240: {  	[tilespmem:v33+s31+$0x0] =	vst.idx.msk $0xffff, v53;
	v55 =	vld.idx.msk [tilespmem:v41+s31+$0x0], $0xffff;
	v56 =	vmul.f32 v42, v25  }
0x241: {  	v60 =	vmul.f32 v52, v19;
	v59 =	vld.idx.msk [tilespmem:v49+s31+$0x0], $0xffff;
	[tilespmem:v44+s31+$0x0] =	vst.idx.msk $0xffff, v57  }
0x242: {  	v10 =	vmul.f32 v35, v10;
	v61 =	vld.idx.msk [tilespmem:v54+s31+$0x0], $0xffff;
	[tilespmem:v43+s31+$0x0] =	vst.idx.msk $0xffff, v56  }
0x243: {  	v58 =	vmul.f32 v36, v13;
	[tilespmem:v17+s31+$0x0] =	vst.idx.msk $0xffff, v60;
	v23 =	vld.idx.msk [tilespmem:v51+s31+$0x0], $0xffff  }
0x244: {  	[tilespmem:v11+s31+$0x0] =	vst.idx.msk $0xffff, v10;
	v10 =	vmul.f32 v30, v21  }
0x245: {  	[tilespmem:v15+s31+$0x0] =	vst.idx.msk $0xffff, v58;
	v62 =	vmul.f32 v55, v12  }
0x246: {  	v11 =	vmul.f32 v59, v24;
	[tilespmem:v46+s31+$0x0] =	vst.idx.msk $0xffff, v10  }
0x247: {  	s24 =	sadd.s32 $0x1, s24;
	v63 =	vmul.f32 v61, v31;
	[tilespmem:v41+s31+$0x0] =	vst.idx.msk $0xffff, v62  }
0x248: {  	p0 =	sne.s32 s24, $0x28;
	[tilespmem:v49+s31+$0x0] =	vst.idx.msk $0xffff, v11;
	v10 =	vmul.f32 v23, v25  }
.Ltmp4:
0x249: {  	[tilespmem:v54+s31+$0x0] =	vst.idx.msk $0xffff, v63;
	(pc) =	sbr.rel @p0 .LBB2_6-.Ltmp4, $4  }
0x24a: {  	[tilespmem:v51+s31+$0x0] =	vst.idx.msk $0xffff, v10  }
0x24b: {  	[spmem:s2] =	stream.indirect.scatter.add.f32 [tilespmem:s31], [sflag:$0x4], $0x80, s29, s21, $0xb8;
	[tilespmem:$0x1D808] =	vst v63  }
0x24c: {  	_ = 	snop  }
0x24d: {  	[spmem:s3] =	stream.indirect.scatter.add.f32 [tilespmem:s10], [sflag:$0x4], $0x8, s29, s21, $0xb8;
	[tilespmem:$0x1D808] =	vst v63  }
0x24e: {  	_ =	swait.ge [sflag:s0], $0x80  }
0x24f: {  	[sflag:s0] =	ssyncset.done $0x0  }
0x250: {  	[sflag:s0] =	ssyncadd.s32 $0xFFFFFF80  }
0x251: {  	_ =	swait.ge [sflag:s0], $0x80  }
0x252: {  	[sflag:s0] =	ssyncset.done $0x0  }
0x253: {  	[sflag:s0] =	ssyncadd.s32 $0xFFFFFF80  }
0x254: {  	_ =	swait.ge [sflag:s0], $0x4000  }
0x255: {  	[sflag:s0] =	ssyncset.done $0x0  }
0x256: {  	s13 =	simm.s32 $0x4;
	[sflag:s0] =	ssyncadd.s32 $0xFFFFC000  }
0x257: {  	_ =	swait.ge [sflag:s13], $0x4000  }
0x258: {  	[sflag:s13] =	ssyncset.done $0x0  }
0x259: {  	[sflag:s13] =	ssyncadd.s32 $0xFFFFC000  }
0x25a: {  	_ =	swait.ge [sflag:s13], $0x400  }
0x25b: {  	[sflag:s13] =	ssyncset.done $0x0  }
0x25c: {  	[sflag:s13] =	ssyncadd.s32 $0xFFFFFC00  }
0x25d: {  	s14 =	stileid.u32;
	[bflag:$0x0] =	sbarrier.arrive $0xFFFF  }
0x25e: {  	s13 =	sshll.u32 s14, $0x6;
	s14 =	rddreg [dreg:$0x6]  }
0x25f: {  	s13 =	sor.u32 $0x1C05, s13;
	s15 =	rddreg [dreg:$0xa]  }
0x260: {  	[hbm:s14], [sflag:s13] =	dma.local [spmem:s15], $0x2710  }
0x261: {  	_ =	swait.ge [sflag:s20], $0x2710  }
0x262: {  	[sflag:s20] =	ssyncset.done $0x0;
	s15 =	rddreg [dreg:$0x7]  }
0x263: {  	s17 =	rddreg [dreg:$0xb];
	[sflag:s20] =	ssyncadd.s32 $0xFFFFD8F0  }
0x264: {  	[hbm:s15], [sflag:s13] =	dma.local [spmem:s17], $0x271  }
0x265: {  	_ =	swait.ge [sflag:s20], $0x271  }
0x266: {  	s24 =	rddreg [dreg:$0xc]  }
0x267: {  	s25 =	rddreg [dreg:$0x8];
	s14 =	sadd.s32 $0x1, s24  }
0x268: {  	p0 =	sne.s32 s14, s25  }
.Ltmp5:
0x269: {  	_ = 	snop;
	(pc) =	sbr.rel @p0 .LBB2_1-.Ltmp5, $3  }
0x26a: {  	_ =	sdelay $0x1  }
0x26b: {  	[sflag:s20] =	ssyncset.done $0x0  }
0x26c: {  	[sflag:s20] =	ssyncadd.s32 $0xFFFFFD8F  }
0x26d: {  	_ =	sfence.sel $0x180000  }
0x26e: {  	[bflag:$0x0] =	sbarrier.arrive $0xFFFF  }
0x26f: {  	_ =	strace $0x9000004A  }
0x270: {  	s0 =	stileid.u32;
	[bflag:$0x2] =	sbarrier.arrive $0xFFFF  }
0x271: {  	p0 =	sne.s32 s0, $0x0;
	s0 =	rddreg [dreg:$0x4]  }
0x272: {  	s0 =	sadd.s32 @!p0 $0x100000, s0  }
0x273: {  	[sflag:s0] =	ssyncadd.tile.s32 @!p0 $0x1;
	_ =	shalt  }
.Lfunc_end2:
_tile_overlayer_lowered:
.L_overlay_start_2:
0x274: {  	(tag) =	ssettag $0x2  }
0x275: {  	s0 =	rddreg [dreg:$0x0];
	s2 =	stileid.u32  }
0x276: {  	s1 =	rddreg [dreg:$0x1];
	p0 =	sne.s32 s2, $0x0  }
0x277: {  	s3 =	rddreg [dreg:$0x2];
	[bflag:$0x3] =	sbarrier.arrive $0xFFFF;
	s2 =	simm.s32 @!p0 $0x1C05  }
0x278: {  	[timem:s3], [sflag:s2] =	dma.local @!p0 [hbm:s0], s1  }
0x279: {  	s0 =	simm.s32 @!p0 $0x5  }
0x27a: {  	_ =	swait.ge @!p0 [sflag:s0], s1  }
0x27b: {  	s1 =	ssub.s32 @!p0 $0x0, s1;
	[sflag:s0] =	ssyncset.done @!p0 $0x0  }
0x27c: {  	[sflag:s0] =	ssyncadd.s32 @!p0 s1  }
0x27d: {  	[bflag:$0x3] =	sbarrier.arrive $0xFFFF  }
0x27e: {  	_ =	shalt  }

// kernel: kernel.7.cloned.1.call-start
scs
__scs_entry_jumppad:
0x0: {  	(pc) =	sbr.rel $0x88, $3  }
0x1: {  	(tag) =	ssettag $0x0;
	lr =	simm.s32 $0x1  }
0x2: {  	[smem:$0x3F97] =	sst lr;
	_ =	strace $0xD0000000  }
0x3: {  	_ = 	snop  }
0x4: {  	_ = 	snop  }
0x5: {  	_ = 	snop  }
0x6: {  	_ = 	snop  }
0x7: {  	_ = 	snop  }
__scs_overlays_trampoline_lowered:
0x8: {  	[smem:$0x3FA6] =	sst s0  }
0x9: {  	[smem:$0x3FA7] =	sst s1  }
0xa: {  	[smem:$0x3FA8] =	sst s2  }
0xb: {  	[smem:$0x3FA9] =	sst s3  }
0xc: {  	[smem:$0x3FAA] =	sst s4  }
0xd: {  	[smem:$0x3FAB] =	sst s5  }
0xe: {  	[smem:$0x3FAC] =	sst s6  }
0xf: {  	[smem:$0x3FAD] =	sst s7  }
0x10: {  	[smem:$0x3FAE] =	sst s8  }
0x11: {  	[smem:$0x3FAF] =	sst s9;
	s0 =	simm.s32 @!p0 $0x0  }
0x12: {  	s1 =	sld [smem:$0x3F95];
	s0 =	simm.s32 @p0 $0x1  }
0x13: {  	[smem:$0x3FB0] =	sst s0;
	s0 =	simm.s32 @!p1 $0x0  }
0x14: {  	s2 =	sld [smem:$0x3F94];
	s0 =	simm.s32 @p1 $0x1  }
0x15: {  	[smem:$0x3FB1] =	sst s0;
	s0 =	simm.s32 @!p2 $0x0  }
0x16: {  	s3 =	sld [smem:$0x3FDB];
	s0 =	simm.s32 @p2 $0x1  }
0x17: {  	s4 =	simm.s32 $0x1BF5;
	[smem:$0x3FB3] =	sst s0  }
0x18: {  	s0 =	sld [smem:$0x3F96];
	_ =	swait.ge [sflag:s4], $0x0  }
0x19: {  	s7 =	sld [smem:$0x3F97]  }
0x1a: {  	s8 =	sadd.s32 $0xFFFFE003, lr  }
0x1b: {  	s9 =	sadd.s32 $0xFFFFFEF7, lr;
	s5 =	simm.s32 $0xFFFFFFFF;
	p2 =	slt.u32 s8, $0xFFFFF086  }
0x1c: {  	p1 =	slt.u32 s9, $0xF7A;
	s5 =	simm.s32 @!p2 $0x0  }
0x1d: {  	s5 =	simm.s32 @p1 $0x1;
	p0 =	seq.s32 s7, s2  }
0x1e: {  	s7 =	smul.u32 @!p0 $0xF7A, s2;
	p2 =	seq.s32 @!p0 s5, $0x0  }
0x1f: {  	s9 =	smul.u32 $0xF7A, s1;
	s8 =	simm.s32 @!p0 $0x1BF5;
	p2 =	por !p2, p0  }
0x20: {  	[sflag:s8] =	ssyncset.s32 @!p0 $0xFFFFF086;
	s6 =	sadd.s32 @!p0 s3, s7;
	s7 =	simm.s32 @!p0 $0x108  }
0x21: {  	s3 =	sadd.s32 s3, s9;
	s6 =	sadd.s32 @!p0 $0x88, s6;
	s7 =	simm.s32 @p2 $0x1082  }
0x22: {  	[simem:s7], [sflag:s8] =	dma.local @!p0 [hbm:s6], $0xF7A  }
0x23: {  	s9 =	sor.u32 $0xD0000000, s2;
	s6 =	simm.s32 $0x108;
	_ =	swait.ge @!p0 [sflag:s8], $0x0  }
0x24: {  	s3 =	sadd.s32 $0x88, s3;
	s6 =	simm.s32 @!p1 $0x1082;
	[sflag:s4] =	ssyncset.s32 $0xFFFFF086  }
0x25: {  	[simem:s6], [sflag:s4] =	dma.local [hbm:s3], $0xF7A  }
0x26: {  	[smem:$0x3F97] =	sst s1;
	(tag) =	ssettag s2;
	_ =	strace s9  }
0x27: {  	s1 =	sld [smem:$0x3FA7]  }
0x28: {  	s2 =	sld [smem:$0x3FA8]  }
0x29: {  	s4 =	sld [smem:$0x3FAA]  }
0x2a: {  	p0 =	seq.s32 s5, $0x0;
	s5 =	sld [smem:$0x3FAB]  }
0x2b: {  	s6 =	sld [smem:$0x3FAC]  }
0x2c: {  	s7 =	sld [smem:$0x3FAD]  }
0x2d: {  	s3 =	simm.s32 $0x108;
	s8 =	sld [smem:$0x3FAE]  }
0x2e: {  	s3 =	simm.s32 @!p0 $0x1082;
	s9 =	sld [smem:$0x3FAF]  }
0x2f: {  	lr =	sadd.s32 s0, s3;
	s0 =	sld [smem:$0x3FA6]  }
0x30: {  	s3 =	sld [smem:$0x3FA9]  }
0x31: {  	[smem:$0x3FB2] =	sst s10  }
0x32: {  	s10 =	sld [smem:$0x3FB0];
	_ =	sdelay $0x3  }
0x33: {  	p0 =	seq.s32 s10, $0x1;
	s10 =	sld [smem:$0x3FB2];
	_ =	sdelay $0x3  }
0x34: {  	[smem:$0x3FB2] =	sst s10  }
0x35: {  	s10 =	sld [smem:$0x3FB1];
	_ =	sdelay $0x3  }
0x36: {  	p1 =	seq.s32 s10, $0x1;
	s10 =	sld [smem:$0x3FB2];
	_ =	sdelay $0x3  }
0x37: {  	[smem:$0x3FB2] =	sst s10  }
0x38: {  	s10 =	sld [smem:$0x3FB3]  }
0x39: {  	_ = 	snop;
	(pc) =	sbr.ind lr, $3  }
0x3a: {  	_ = 	snop  }
0x3b: {  	_ = 	snop  }
0x3c: {  	p2 =	seq.s32 s10, $0x1;
	s10 =	sld [smem:$0x3FB2]  }
0x3d: {  	_ =	shalt  }
0x3e: {  	_ =	shalt  }
0x3f: {  	_ =	shalt  }
0x40: {  	_ =	shalt  }
0x41: {  	_ =	shalt  }
0x42: {  	_ =	shalt  }
0x43: {  	_ =	shalt  }
0x44: {  	_ =	shalt  }
0x45: {  	_ =	shalt  }
0x46: {  	_ =	shalt  }
0x47: {  	_ =	shalt  }
0x48: {  	_ =	shalt  }
0x49: {  	_ =	shalt  }
0x4a: {  	_ =	shalt  }
0x4b: {  	_ =	shalt  }
0x4c: {  	_ =	shalt  }
0x4d: {  	_ =	shalt  }
0x4e: {  	_ =	shalt  }
0x4f: {  	_ =	shalt  }
0x50: {  	_ =	shalt  }
0x51: {  	_ =	shalt  }
0x52: {  	_ =	shalt  }
0x53: {  	_ =	shalt  }
0x54: {  	_ =	shalt  }
0x55: {  	_ =	shalt  }
0x56: {  	_ =	shalt  }
0x57: {  	_ =	shalt  }
0x58: {  	_ =	shalt  }
0x59: {  	_ =	shalt  }
0x5a: {  	_ =	shalt  }
0x5b: {  	_ =	shalt  }
0x5c: {  	_ =	shalt  }
0x5d: {  	_ =	shalt  }
0x5e: {  	_ =	shalt  }
0x5f: {  	_ =	shalt  }
0x60: {  	_ =	shalt  }
0x61: {  	_ =	shalt  }
0x62: {  	_ =	shalt  }
0x63: {  	_ =	shalt  }
0x64: {  	_ =	shalt  }
0x65: {  	_ =	shalt  }
0x66: {  	_ =	shalt  }
0x67: {  	_ =	shalt  }
0x68: {  	_ =	shalt  }
0x69: {  	_ =	shalt  }
0x6a: {  	_ =	shalt  }
0x6b: {  	_ =	shalt  }
0x6c: {  	_ =	shalt  }
0x6d: {  	_ =	shalt  }
0x6e: {  	_ =	shalt  }
0x6f: {  	_ =	shalt  }
0x70: {  	_ =	shalt  }
0x71: {  	_ =	shalt  }
0x72: {  	_ =	shalt  }
0x73: {  	_ =	shalt  }
0x74: {  	_ =	shalt  }
0x75: {  	_ =	shalt  }
0x76: {  	_ =	shalt  }
0x77: {  	_ =	shalt  }
0x78: {  	_ =	shalt  }
0x79: {  	_ =	shalt  }
0x7a: {  	_ =	shalt  }
0x7b: {  	_ =	shalt  }
0x7c: {  	_ =	shalt  }
0x7d: {  	_ =	shalt  }
0x7e: {  	_ =	shalt  }
0x7f: {  	_ =	shalt  }
0x80: {  	_ =	shalt  }
0x81: {  	_ =	shalt  }
0x82: {  	_ =	shalt  }
0x83: {  	_ =	shalt  }
0x84: {  	_ =	shalt  }
0x85: {  	_ =	shalt  }
0x86: {  	_ =	shalt  }
0x87: {  	_ =	shalt  }
.Lfunc_end0:
.L_simem_size_0:
called_computation_lowered:
.L_overlay_start_0:
0x88: {  	s2 =	sld [smem:$0x3FD9]  }
0x89: {  	s3 =	sld [smem:$0x3FFE];
	_ =	sdelay $0x1  }
0x8a: {  	s1 =	srdreg.scid  }
0x8b: {  	s0 =	sand.u32 $0x1, s1  }
0x8c: {  	s17 =	sshll.u32 s0, $0xA;
	s2 =	sadd.s32 s3, s2  }
0x8d: {  	s2 =	sadd.s32 s2, s17  }
0x8e: {  	[smem:$0x3FBE] =	sst s2  }
0x8f: {  	_ = 	snop  }
0x90: {  	s2 =	sld [smem:$0x3FD0];
	(tm) =	ssettm $0x1  }
0x91: {  	s18 =	sld [smem:$0x3FFB];
	_ =	sdelay $0x3  }
0x92: {  	_ =	strace s18  }
0x93: {  	s3 =	sld [smem:$0x3FFC];
	_ =	sdelay $0x3  }
0x94: {  	_ =	strace s3  }
0x95: {  	s3 =	sld [smem:$0x3FFD];
	_ =	sdelay $0x3  }
0x96: {  	_ =	strace s3  }
0x97: {  	_ =	strace $0x8FFFFFFF  }
0x98: {  	s19 =	sld [smem:$0x3FDB];
	_ =	sdelay $0x1  }
0x99: {  	s4 =	simm.s32 $_scs_section_size  }
0x9a: {  	s5 =	simm.s32 $_size__tile_overlayer_lowered;
	s6 =	simm.s32 $_tile_overlayer_lowered  }
0x9b: {  	s22 =	simm.s32 $0x1BFF;
	s21 =	sshll.u32 s6, $0x1;
	s3 =	sadd.s32 s4, s19  }
0x9c: {  	s7 =	simm.s32 $0x0;
	s20 =	sshll.u32 s5, $0x1;
	s5 =	sadd.s32 s21, s3  }
0x9d: {  	[timem:s7], [sflag:s22] =	dma.local [hbm:s5], s20  }
0x9e: {  	_ =	swait.ge [sflag:s22], s20  }
0x9f: {  	s4 =	ssub.s32 $0x0, s20;
	[sflag:s22] =	ssyncset.done $0x0  }
0xa0: {  	[sflag:s22] =	ssyncadd.s32 s4;
	_ =	sdelay $0x1  }
0xa1: {  	s23 =	simm.s32 $0x1B8B  }
0xa2: {  	_ =	swait.ge [sflag:s23], $0x1  }
0xa3: {  	[sflag:s23] =	ssyncset.done $0x0  }
0xa4: {  	s25 =	simm.s32 $0x1B8E;
	s24 =	sld [smem:$0x3FFE];
	[sflag:s23] =	ssyncadd.s32 $0xFFFFFFFF  }
0xa5: {  	s26 =	simm.s32 $execute0_lowered;
	[smem:$0x3FD2] =	sst s25  }
0xa6: {  	s5 =	sshll.u32 s26, $0x1;
	_ =	strace $0x80000046;
	[dreg:$0x1] =	wrdreg $0xFFFFFFFF  }
0xa7: {  	s28 =	simm.s32 $_size_execute0_lowered;
	s3 =	sadd.s32 s3, s5;
	[dreg:$0x0] =	wrdreg $0x0  }
0xa8: {  	s5 =	sshll.u32 s28, $0x1;
	[dreg:$0x2] =	wrdreg s3  }
0xa9: {  	[dreg:$0x3] =	wrdreg s5  }
0xaa: {  	[dreg:$0x4] =	wrdreg $0xC0  }
0xab: {  	_ =	task [dreg:s7], $0x5FFFF  }
0xac: {  	[dreg:$0x1] =	wrdreg $0xFFFFFFFF  }
0xad: {  	[dreg:$0x0] =	wrdreg $0x60  }
0xae: {  	[dreg:$0x2] =	wrdreg s2  }
0xaf: {  	[dreg:$0x3] =	wrdreg s24  }
0xb0: {  	[dreg:$0x4] =	wrdreg $0xAA000  }
0xb1: {  	[dreg:$0x5] =	wrdreg $0x1E2800  }
0xb2: {  	[dreg:$0x6] =	wrdreg $0x9  }
0xb3: {  	_ =	task.clear_ibuf [dreg:s7], $0x7FFFF;
	_ =	strace $0x90000046  }
0xb4: {  	s29 =	simm.s32 $0x9;
	_ =	strace $0x80000048  }
0xb5: {  	_ =	swait.ge [sflag:s29], $0x1  }
0xb6: {  	[sflag:s29] =	ssyncadd.s32 $0xFFFFFFFF  }
0xb7: {  	_ =	strace $0x90000048  }
0xb8: {  	_ =	sfence  }
0xb9: {  	s30 =	sld [smem:$0x0];
	_ =	sdelay $0x2  }
0xba: {  	s31 =	sshll.u32 s1, $0xD;
	s1 =	sshrl.u32 s1, $0x2  }
0xbb: {  	s3 =	sand.u32 $0x4000, s31;
	s1 =	sadd.s32 s1, s30  }
0xbc: {  	s0 =	sor.u32 s3, s0;
	s1 =	sshll.u32 s1, $0x11  }
0xbd: {  	s0 =	sor.u32 s1, s0  }
0xbe: {  	s0 =	sadd.s32 $0x8F2B, s0  }
0xbf: {  	[sflag:s0] =	ssyncadd.remote.s32 $0x1  }
0xc0: {  	_ =	sfence.sel $0xFFFF  }
0xc1: {  	[dreg:$0x0] =	wrdreg $0xFFFFFFFF;
	(pc) =	sbr.abs _section_cstart, $3  }
0xc2: {  	[dreg:$0x1] =	wrdreg $0xFFFFFFFF  }
0xc3: {  	_ =	task.clear_ibuf [dreg:s7], $0x2FFFF;
	_ =	strace $0x9FFFFFFF  }
0xc4: {  	(tm) =	ssettm $0x7FFFFFFF  }
0xc5: {  	_ =	shalt  }
tec
execute0_lowered:
.L_overlay_start_1:
0x0: {  	(tag) =	ssettag $0x1  }
0x1: {  	s1 =	rddreg [dreg:$0x0]  }
0x2: {  	s0 =	rddreg [dreg:$0x1]  }
0x3: {  	s2 =	rddreg [dreg:$0x2]  }
0x4: {  	s3 =	rddreg [dreg:$0x3];
	s4 =	srdreg.scid;
	s6 =	simm.s32 $0x0  }
0x5: {  	s15 =	stileid.u32;
	s18 =	simm.s32 $0x2A00;
	s19 =	simm.s32 $0x2200  }
0x6: {  	s20 =	simm.s32 $0x5;
	s21 =	simm.s32 $0x80;
	s22 =	simm.s32 $0x200  }
0x7: {  	s23 =	simm.s32 $0x1200;
	s28 =	simm.s32 $0xA00;
	s10 =	smul.u32 $0x13880, s15  }
0x8: {  	s29 =	simm.s32 $0x180;
	s30 =	simm.s32 $0x1A00;
	s13 =	smul.u32 $0x1388, s15  }
0x9: {  	s31 =	simm.s32 $0x6A00;
	s4 =	sand.u32 $0x1, s4;
	s26 =	smul.u32 $0x4E20, s15  }
0xa: {  	[smem:$0x7FF] =	sst s6;
	s6 =	sadd.s32 $0x2EC00, s0;
	s16 =	smul.u32 $0x4E200, s15  }
0xb: {  	s7 =	sadd.s32 $0x29C00, s0;
	s8 =	sadd.s32 $0x1C00, s0;
	s5 =	smul.u32 $0x138800, s4  }
0xc: {  	s9 =	smul.u32 $0x13880, s4;
	s11 =	sshll.u32 s4, $0x4;
	s4 =	ssub.s32 $0x2, s4  }
0xd: {  	_ =	strace $0x80000047;
	s11 =	sor.u32 s15, s11;
	s12 =	sshrl.u32 s4, $0x1  }
0xe: {  	s17 =	sadd.s32 s13, s3;
	s24 =	sshrl.u32 s26, $0x2;
	s5 =	sadd.s32 s10, s5  }
0xf: {  	s9 =	sadd.s32 s13, s9;
	s14 =	smul.u32 $0xA00, s11;
	s4 =	ssub.s32 s4, s12  }
0x10: {  	s10 =	sadd.s32 s10, s2;
	s5 =	sshrl.u32 s5, $0x3;
	s9 =	sshrl.u32 s9, $0x3  }
0x11: {  	s4 =	smax.u32 s4, $0x1;
	s26 =	sshrl.u32 s10, $0x3;
	s10 =	simm.s32 $0x2600  }
0x12: {  	s5 =	sadd.s32 s5, s0;
	s0 =	sadd.s32 s9, s0;
	s9 =	smul.u32 $0x50, s11  }
0x13: {  	s25 =	sadd.s32 s1, s14;
	s11 =	sadd.s32 $0x20, s1;
	[dreg:$0x8] =	wrdreg s4  }
0x14: {  	v0 =	vlaneseq.u32;
	v1 =	vimm.f32 $0.0e+00;
	v10 =	vimm.s32 $0x4;
	[dreg:$0xa] =	wrdreg s26;
	s26 =	simm.s32 $0x100;
	s4 =	simm.s32 $0x2  }
0x15: {  	v11 =	vimm.s32 $0x3;
	v12 =	vimm.s32 $0x0;
	v13 =	vimm.s32 $0x7;
	s14 =	simm.s32 $0x0;
	[dreg:$0x5] =	wrdreg s25;
	s5 =	sadd.s32 $0x38C00, s5  }
0x16: {  	v14 =	vimm.s32 $0x1;
	v15 =	vimm.s32 $0x2;
	v16 =	vimm.s32 $0x5;
	s0 =	sadd.s32 $0x33C00, s0;
	s12 =	sadd.s32 $0x4F, s9;
	[dreg:$0x6] =	wrdreg s5  }
0x17: {  	v17 =	vimm.s32 $0x6;
	v2 =	vor.u32 $0x10, v0;
	v3 =	vor.u32 $0x20, v0;
	[dreg:$0x7] =	wrdreg s0;
	s5 =	sshrl.u32 s16, $0x2;
	s0 =	sshrl.u32 s17, $0x3  }
0x18: {  	v4 =	vor.u32 $0x30, v0;
	v5 =	vor.u32 $0x40, v0;
	v6 =	vor.u32 $0x50, v0;
	s16 =	sadd.s32 s24, s3;
	s25 =	sadd.s32 s5, s2;
	[dreg:$0xb] =	wrdreg s0  }
0x19: {  	v7 =	vor.u32 $0x60, v0;
	v8 =	vor.u32 $0x70, v0;
	v9 =	vand.u32 $0x7, v0;
	s0 =	simm.s32 $0x1;
	s5 =	simm.s32 $0x3;
	[dreg:$0x9] =	wrdreg s25  }
.LBB2_1:
0x1a: {  	s13 =	simm.s32 $0x0  }
0x1b: {  	v19 =	vmov s13  }
0x1c: {  	v24 =	vshll.u32 v19, $0x7  }
0x1d: {  	v23 =	vor.u32 v0, v24  }
0x1e: {  	v25 =	vor.u32 v2, v24  }
0x1f: {  	v21 =	vor.u32 v3, v24  }
0x20: {  	v22 =	vor.u32 v4, v24  }
0x21: {  	v20 =	vor.u32 v5, v24  }
0x22: {  	[tilespmem:v23+s18+$0x0] =	vst.idx.msk $0xffff, v1;
	v23 =	vor.u32 v6, v24  }
0x23: {  	s13 =	simm.s32 $0x1;
	v19 =	vshll.u32 v19, $0x3;
	v18 =	vor.u32 v8, v24;
	v24 =	vor.u32 v7, v24;
	[tilespmem:v25+s18+$0x0] =	vst.idx.msk $0xffff, v1  }
.LBB2_2:
0x24: {  	v25 =	vmov s13;
	p0 =	sne.s32 s13, $0x18;
	s13 =	sadd.s32 $0x1, s13;
	[tilespmem:v21+s18+$0x0] =	vst.idx.msk $0xffff, v1  }
0x25: {  	v27 =	vor.u32 v9, v19;
	v26 =	vshll.u32 v25, $0x7;
	[tilespmem:v22+s18+$0x0] =	vst.idx.msk $0xffff, v1;
	v19 =	vshll.u32 v25, $0x3  }
0x26: {  	v25 =	vor.u32 v0, v26;
	v28 =	vor.u32 v8, v26;
	[tilespmem:v20+s18+$0x0] =	vst.idx.msk $0xffff, v1  }
0x27: {  	v29 =	vor.u32 v2, v26;
	[tilespmem:v23+s18+$0x0] =	vst.idx.msk $0xffff, v1  }
.Ltmp0:
0x28: {  	v21 =	vor.u32 v3, v26;
	[tilespmem:v24+s18+$0x0] =	vst.idx.msk $0xffff, v1;
	(pc) =	sbr.rel @p0 .LBB2_2-.Ltmp0, $4  }
0x29: {  	v22 =	vor.u32 v4, v26;
	[tilespmem:v18+s18+$0x0] =	vst.idx.msk $0xffff, v1;
	v18 =	vmov v28  }
0x2a: {  	v20 =	vor.u32 v5, v26;
	[tilespmem:v27+s19+$0x0] =	vst.idx.msk $0xff, v1  }
0x2b: {  	v23 =	vor.u32 v6, v26;
	[tilespmem:v25+s18+$0x0] =	vst.idx.msk $0xffff, v1  }
0x2c: {  	v24 =	vor.u32 v7, v26;
	[tilespmem:v29+s18+$0x0] =	vst.idx.msk $0xffff, v1  }
0x2d: {  	_ =	sdelay $0x3  }
0x2e: {  	[tilespmem:v21+s18+$0x0] =	vst.idx.msk $0xffff, v1  }
0x2f: {  	v19 =	vor.u32 v9, v19;
	[tilespmem:v22+s18+$0x0] =	vst.idx.msk $0xffff, v1  }
0x30: {  	[tilespmem:v20+s18+$0x0] =	vst.idx.msk $0xffff, v1  }
0x31: {  	[tilespmem:v23+s18+$0x0] =	vst.idx.msk $0xffff, v1  }
0x32: {  	[tilespmem:v24+s18+$0x0] =	vst.idx.msk $0xffff, v1  }
0x33: {  	[tilespmem:v18+s18+$0x0] =	vst.idx.msk $0xffff, v1  }
0x34: {  	s15 =	rddreg [dreg:$0x9];
	[tilespmem:v19+s19+$0x0] =	vst.idx.msk $0xff, v1  }
0x35: {  	[spmem:s15] =	stream.linear.scatter [tilespmem:s18], [sflag:$0x5], $0xC80, $0x38;
	[tilespmem:$0x1F608] =	vst v63  }
0x36: {  	_ =	swait.ge [sflag:s20], $0xC80  }
0x37: {  	[sflag:s20] =	ssyncset.done $0x0  }
0x38: {  	s13 =	sadd.s32 $0x0, s16;
	[sflag:s20] =	ssyncadd.s32 $0xFFFFF380  }
0x39: {  	[spmem:s13] =	stream.linear.scatter [tilespmem:s19], [sflag:$0x5], $0xC8, $0x38;
	[tilespmem:$0x1F608] =	vst v63  }
0x3a: {  	_ =	swait.ge [sflag:s20], $0xC8  }
0x3b: {  	s13 =	simm.s32 $0x320;
	[sflag:s20] =	ssyncset.done $0x0  }
.LBB2_4:
0x3c: {  	p0 =	sne.s32 s13, $0x4B00;
	[sflag:s20] =	ssyncadd.s32 $0xFFFFFF38;
	s15 =	sadd.s32 $0xC80, s15  }
0x3d: {  	[spmem:s15] =	stream.linear.scatter [tilespmem:s18], [sflag:$0x5], $0xC80, $0x38;
	[tilespmem:$0x1F608] =	vst v63  }
0x3e: {  	s17 =	smov.u32 s13;
	s13 =	sadd.s32 $0x320, s13;
	_ =	swait.ge [sflag:s20], $0xC80  }
.Ltmp1:
0x3f: {  	s17 =	sshra.s32 s17, $0x2;
	[sflag:s20] =	ssyncset.done $0x0;
	(pc) =	sbr.rel @p0 .LBB2_4-.Ltmp1, $4  }
0x40: {  	s17 =	sadd.s32 s17, s16;
	[sflag:s20] =	ssyncadd.s32 $0xFFFFF380  }
0x41: {  	[spmem:s17] =	stream.linear.scatter [tilespmem:s19], [sflag:$0x5], $0xC8, $0x38;
	[tilespmem:$0x1F608] =	vst v63  }
0x42: {  	_ =	swait.ge [sflag:s20], $0xC8  }
0x43: {  	[sflag:s20] =	ssyncset.done $0x0  }
0x44: {  	[dreg:$0xc] =	wrdreg s14;
	[sflag:s20] =	ssyncadd.s32 $0xFFFFFF38  }
0x45: {  	[bflag:$0x0] =	sbarrier.arrive $0xFFFF  }
0x46: {  	s15 =	simm.s32 $0x0;
	s13 =	rddreg [dreg:$0x5]  }
0x47: {  	[tilespmem:s15], [sflag:$0x5] =	stream.linear.gather [hbm4b:s13+s15], $0x100, $0x38;
	[tilespmem:$0x1F608] =	vst v63  }
0x48: {  	_ =	swait.ge [sflag:s20], $0x100  }
0x49: {  	[sflag:s20] =	ssyncset.done $0x0  }
0x4a: {  	[sflag:s20] =	ssyncadd.s32 $0xFFFFFF00  }
0x4b: {  	[tilespmem:s22], [sflag:$0x1] =	stream.indirect.gather [hbm4b:s6+s21], $0x10, s15, s21, $0xb8;
	[tilespmem:$0x1F608] =	vst v63  }
0x4c: {  	_ = 	snop  }
0x4d: {  	[tilespmem:s23], [sflag:$0x1] =	stream.indirect.gather [hbm4b:s7+s21], $0x10, s21, s21, $0xb8;
	[tilespmem:$0x1F608] =	vst v63  }
0x4e: {  	s24 =	simm.s32 $0x0  }
0x4f: {  	[tilespmem:s18], [sflag:$0x1] =	stream.indirect.gather [hbm4b:s8+s21], $0x80, s15, s21, $0xb8;
	[tilespmem:$0x1F608] =	vst v63  }
.LBB2_6:
0x50: {  	p0 =	seq.s32 s24, $0x0  }
0x51: {  	s13 =	simm.s32 @!p0 $0x4  }
0x52: {  	_ =	swait.ge @!p0 [sflag:s13], $0x4000  }
0x53: {  	[sflag:s13] =	ssyncset.done @!p0 $0x0  }
0x54: {  	s17 =	sshll.u32 s24, $0x1;
	[sflag:s13] =	ssyncadd.s32 @!p0 $0xFFFFC000  }
0x55: {  	s25 =	sadd.s32 s9, s17;
	_ =	swait.ge @!p0 [sflag:s13], $0x400  }
0x56: {  	s17 =	sshll.u32 s25, $0x5;
	[sflag:s13] =	ssyncset.done @!p0 $0x0  }
0x57: {  	s14 =	sadd.s32 s17, s11;
	[sflag:s13] =	ssyncadd.s32 @!p0 $0xFFFFFC00  }
0x58: {  	[tilespmem:s26], [sflag:$0x5] =	stream.linear.gather [hbm4b:s14+s15], $0x100, $0x38;
	[tilespmem:$0x1F608] =	vst v63  }
0x59: {  	_ =	swait.ge [sflag:s20], $0x100  }
0x5a: {  	[sflag:s20] =	ssyncset.done $0x0  }
0x5b: {  	[sflag:s20] =	ssyncadd.s32 $0xFFFFFF00  }
0x5c: {  	[tilespmem:s28], [sflag:$0x2] =	stream.indirect.gather [hbm4b:s6+s21], $0x10, s26, s21, $0xb8;
	[tilespmem:$0x1F608] =	vst v63  }
0x5d: {  	_ = 	snop  }
0x5e: {  	[tilespmem:s30], [sflag:$0x2] =	stream.indirect.gather [hbm4b:s7+s21], $0x10, s29, s21, $0xb8;
	[tilespmem:$0x1F608] =	vst v63  }
0x5f: {  	_ = 	snop  }
0x60: {  	[tilespmem:s31], [sflag:$0x2] =	stream.indirect.gather [hbm4b:s8+s21], $0x80, s26, s21, $0xb8;
	[tilespmem:$0x1F608] =	vst v63  }
0x61: {  	_ =	swait.ge [sflag:s0], $0x800  }
0x62: {  	[sflag:s0] =	ssyncset.done $0x0  }
0x63: {  	v18 =	vmov s15;
	[sflag:s0] =	ssyncadd.s32 $0xFFFFF800  }
0x64: {  	v19 =	vshll.u32 v18, $0x4;
	_ =	swait.ge [sflag:s0], $0x800  }
0x65: {  	v19 =	vor.u32 v0, v19;
	[sflag:s0] =	ssyncset.done $0x0  }
0x66: {  	[sflag:s0] =	ssyncadd.s32 $0xFFFFF800  }
0x67: {  	_ =	swait.ge [sflag:s0], $0x4000  }
0x68: {  	[sflag:s0] =	ssyncset.done $0x0  }
0x69: {  	[sflag:s0] =	ssyncadd.s32 $0xFFFFC000  }
0x6a: {  	v20 =	vld.idx.msk [tilespmem:v19+s22+$0x0], $0xffff  }
0x6b: {  	v19 =	vld.idx.msk [tilespmem:v19+s23+$0x0], $0xffff;
	_ =	sdelay $0x4  }
0x6c: {  	v19 =	vadd.f32 v19, v20;
	_ =	sdelay $0x1  }
0x6d: {  	v20 =	vmin.f32 v19, $0.0e+00  }
0x6e: {  	s17 =	simm.s32 $0x5;
	v20 =	vmul.f32 $2.000000030e-01, v20  }
0x6f: {  	v21 =	vmov s17;
	v19 =	vmax.f32 v19, $0.0e+00  }
0x70: {  	s14 =	simm.s32 $0x4;
	v19 =	vadd.f32 v20, v19;
	v20 =	vshll.u32 v21, $0x4  }
0x71: {  	v22 =	vmov s14;
	v20 =	vor.u32 v0, v20  }
0x72: {  	v23 =	vshll.u32 v22, $0x4;
	v19 =	vmul.f32 $1.442695020e+00, v19  }
0x73: {  	s17 =	simm.s32 $0x3;
	v23 =	vor.u32 v0, v23  }
0x74: {  	(erf) = vpow2.f32 v19;
	v19 =	vmov s17  }
0x75: {  	v25 =	vshll.u32 v19, $0x4  }
0x76: {  	v26 =	vshll.u32 v18, $0x3;
	s14 =	simm.s32 $0x2;
	v24 =	vld.idx.msk [tilespmem:v20+s22+$0x0], $0xffff;
	v25 =	vor.u32 v0, v25  }
0x77: {  	v31 =	vshll.u32 v18, $0x7;
	v18 =	vor.u32 v9, v26;
	v26 =	vmov s14;
	v20 =	vld.idx.msk [tilespmem:v20+s23+$0x0], $0xffff  }
0x78: {  	v29 =	vshll.u32 v26, $0x4;
	v27 =	vld.idx.msk [tilespmem:v23+s22+$0x0], $0xffff  }
0x79: {  	v30 =	vor.u32 v0, v29;
	v23 =	vld.idx.msk [tilespmem:v23+s23+$0x0], $0xffff;
	s17 =	simm.s32 $0x1  }
0x7a: {  	v28 =	vor.u32 v0, v31;
	v32 =	vmov s17  }
0x7b: {  	v34 =	vshll.u32 v32, $0x4;
	v33 =	vld.idx.msk [tilespmem:v25+s22+$0x0], $0xffff  }
0x7c: {  	v20 =	vadd.f32 v20, v24;
	v24 =	vld.idx.msk [tilespmem:v25+s23+$0x0], $0xffff;
	v25 =	vor.u32 v0, v34  }
0x7d: {  	v29 =	vpop (erf)  }
0x7e: {  	v35 =	vld.idx.msk [tilespmem:v30+s22+$0x0], $0xffff;
	[tilespmem:v18+s19+$0x0] =	vst.idx.msk $0xff, v29;
	v18 =	vadd.f32 v23, v27;
	v27 =	vmin.f32 v20, $0.0e+00  }
0x7f: {  	v23 =	vld.idx.msk [tilespmem:v28+s18+$0x0], $0xffff;
	v27 =	vmul.f32 $2.000000030e-01, v27  }
0x80: {  	v30 =	vld.idx.msk [tilespmem:v30+s23+$0x0], $0xffff;
	v20 =	vmax.f32 v20, $0.0e+00;
	v53 =	vmin.f32 v18, $0.0e+00  }
0x81: {  	v24 =	vadd.f32 v24, v33;
	v34 =	vmul.f32 $2.000000030e-01, v53;
	v20 =	vadd.f32 v27, v20;
	v27 =	vld.idx.msk [tilespmem:v25+s22+$0x0], $0xffff  }
0x82: {  	v54 =	vor.u32 v2, v31;
	v36 =	vperm.xlane v29, v12;
	v18 =	vmax.f32 v18, $0.0e+00;
	v25 =	vld.idx.msk [tilespmem:v25+s23+$0x0], $0xffff  }
0x83: {  	v33 =	vmin.f32 v24, $0.0e+00;
	v18 =	vadd.f32 v34, v18;
	v20 =	vmul.f32 $1.442695020e+00, v20  }
0x84: {  	v24 =	vmax.f32 v24, $0.0e+00;
	v33 =	vmul.f32 $2.000000030e-01, v33;
	v23 =	vmul.f32 v23, v36  }
0x85: {  	v18 =	vmul.f32 $1.442695020e+00, v18;
	(erf) = vpow2.f32 v20;
	v20 =	vadd.f32 v30, v35  }
0x86: {  	v30 =	vshll.u32 v21, $0x7;
	v21 =	vshll.u32 v21, $0x3;
	v24 =	vadd.f32 v33, v24  }
0x87: {  	v25 =	vadd.f32 v25, v27;
	(erf) = vpow2.f32 v18;
	v18 =	vmin.f32 v20, $0.0e+00  }
0x88: {  	v27 =	vor.u32 v0, v30;
	v21 =	vor.u32 v9, v21;
	v18 =	vmul.f32 $2.000000030e-01, v18  }
0x89: {  	v24 =	vmul.f32 $1.442695020e+00, v24;
	v20 =	vmax.f32 v20, $0.0e+00;
	v55 =	vmin.f32 v25, $0.0e+00  }
0x8a: {  	[tilespmem:v28+s18+$0x0] =	vst.idx.msk $0xffff, v23;
	v28 =	vshll.u32 v22, $0x7;
	v18 =	vadd.f32 v18, v20;
	v20 =	vmul.f32 $2.000000030e-01, v55  }
0x8b: {  	v22 =	vshll.u32 v22, $0x3;
	v23 =	vmax.f32 v25, $0.0e+00;
	(erf) = vpow2.f32 v24  }
0x8c: {  	v22 =	vor.u32 v9, v22;
	v25 =	vld.idx.msk [tilespmem:v54+s18+$0x0], $0xffff;
	v18 =	vmul.f32 $1.442695020e+00, v18;
	v20 =	vadd.f32 v20, v23  }
0x8d: {  	v37 =	vor.u32 v3, v31;
	v56 =	vor.u32 v0, v28  }
0x8e: {  	v46 =	vor.u32 v4, v31;
	s14 =	simm.s32 $0x6;
	v24 =	vpop (erf);
	(erf) = vpow2.f32 v18;
	v18 =	vmul.f32 $1.442695020e+00, v20  }
0x8f: {  	v36 =	vmov s14;
	v20 =	vshll.u32 v19, $0x3;
	[tilespmem:v21+s19+$0x0] =	vst.idx.msk $0xff, v24;
	v21 =	vperm.xlane v29, v14  }
0x90: {  	v33 =	vshll.u32 v19, $0x7;
	v20 =	vor.u32 v9, v20;
	v23 =	vpop (erf);
	v38 =	vld.idx.msk [tilespmem:v27+s18+$0x0], $0xffff;
	(erf) = vpow2.f32 v18  }
0x91: {  	v18 =	vshll.u32 v36, $0x4;
	v19 =	vmul.f32 v25, v21;
	v21 =	vor.u32 v0, v33;
	[tilespmem:v22+s19+$0x0] =	vst.idx.msk $0xff, v23  }
0x92: {  	v61 =	vperm.xlane v29, v15;
	v39 =	vor.u32 v0, v18;
	v18 =	vshll.u32 v26, $0x3;
	v40 =	vld.idx.msk [tilespmem:v56+s18+$0x0], $0xffff  }
0x93: {  	[tilespmem:v54+s18+$0x0] =	vst.idx.msk $0xffff, v19;
	v19 =	vor.u32 v9, v18;
	v18 =	vperm.xlane v24, v12  }
0x94: {  	v41 =	vor.u32 v2, v30;
	v26 =	vshll.u32 v26, $0x7;
	v25 =	vshll.u32 v32, $0x3;
	v22 =	vpop (erf)  }
0x95: {  	v42 =	vperm.xlane v23, v12;
	[tilespmem:v20+s19+$0x0] =	vst.idx.msk $0xff, v22;
	v20 =	vld.idx.msk [tilespmem:v37+s18+$0x0], $0xffff;
	v18 =	vmul.f32 v38, v18  }
0x96: {  	v57 =	vor.u32 v0, v26;
	v58 =	vor.u32 v9, v25;
	v25 =	vshll.u32 v32, $0x7;
	v59 =	vld.idx.msk [tilespmem:v21+s18+$0x0], $0xffff  }
0x97: {  	v45 =	vor.u32 v0, v25;
	[tilespmem:v27+s18+$0x0] =	vst.idx.msk $0xffff, v18;
	v27 =	vmul.f32 v40, v42  }
0x98: {  	v35 =	vor.u32 v2, v33;
	v43 =	vor.u32 v2, v28;
	v63 =	vperm.xlane v24, v14;
	v44 =	vld.idx.msk [tilespmem:v39+s22+$0x0], $0xffff  }
0x99: {  	v55 =	vperm.xlane v23, v14;
	v48 =	vperm.xlane v22, v12;
	v60 =	vld.idx.msk [tilespmem:v41+s18+$0x0], $0xffff;
	v18 =	vpop (erf);
	[tilespmem:v56+s18+$0x0] =	vst.idx.msk $0xffff, v27  }
0x9a: {  	v51 =	vperm.xlane v23, v15;
	v27 =	vld.idx.msk [tilespmem:v39+s23+$0x0], $0xffff;
	v20 =	vmul.f32 v20, v61;
	[tilespmem:v19+s19+$0x0] =	vst.idx.msk $0xff, v18;
	v19 =	vpop (erf)  }
0x9b: {  	v53 =	vor.u32 v2, v26;
	v47 =	vld.idx.msk [tilespmem:v57+s18+$0x0], $0xffff;
	[tilespmem:v58+s19+$0x0] =	vst.idx.msk $0xff, v19;
	v32 =	vmul.f32 v59, v48  }
0x9c: {  	v50 =	vor.u32 v2, v25;
	v38 =	vor.u32 v5, v31;
	[tilespmem:v37+s18+$0x0] =	vst.idx.msk $0xffff, v20;
	v52 =	vld.idx.msk [tilespmem:v45+s18+$0x0], $0xffff  }
0x9d: {  	v42 =	vor.u32 v3, v30;
	v62 =	vld.idx.msk [tilespmem:v43+s18+$0x0], $0xffff;
	v20 =	vperm.xlane v18, v12;
	[tilespmem:v21+s18+$0x0] =	vst.idx.msk $0xffff, v32  }
0x9e: {  	v40 =	vor.u32 v3, v28;
	v49 =	vperm.xlane v19, v12;
	v21 =	vmul.f32 v60, v63;
	v56 =	vld.idx.msk [tilespmem:v35+s18+$0x0], $0xffff  }
0x9f: {  	v48 =	vperm.xlane v18, v14;
	v37 =	vor.u32 v5, v28;
	v54 =	vld.idx.msk [tilespmem:v46+s18+$0x0], $0xffff;
	v60 =	vperm.xlane v22, v14  }
0xa0: {  	v63 =	vperm.xlane v24, v15;
	[tilespmem:v41+s18+$0x0] =	vst.idx.msk $0xffff, v21;
	v20 =	vmul.f32 v47, v20  }
0xa1: {  	v21 =	vadd.f32 v27, v44;
	v47 =	vor.u32 v3, v25;
	v58 =	vmul.f32 v52, v49  }
0xa2: {  	v27 =	vld.idx.msk [tilespmem:v42+s18+$0x0], $0xffff;
	[tilespmem:v57+s18+$0x0] =	vst.idx.msk $0xffff, v20;
	v20 =	vmul.f32 v62, v55;
	v57 =	vperm.xlane v29, v11  }
0xa3: {  	v44 =	vmin.f32 v21, $0.0e+00;
	v49 =	vor.u32 v3, v33;
	[tilespmem:v45+s18+$0x0] =	vst.idx.msk $0xffff, v58;
	v62 =	vmul.f32 v56, v60  }
0xa4: {  	v52 =	vperm.xlane v19, v14;
	v59 =	vld.idx.msk [tilespmem:v53+s18+$0x0], $0xffff;
	[tilespmem:v43+s18+$0x0] =	vst.idx.msk $0xffff, v20;
	v32 =	vmul.f32 v54, v57  }
0xa5: {  	v21 =	vmax.f32 v21, $0.0e+00;
	v45 =	vor.u32 v4, v30;
	v20 =	vmul.f32 $2.000000030e-01, v44;
	v39 =	vld.idx.msk [tilespmem:v50+s18+$0x0], $0xffff;
	[tilespmem:v35+s18+$0x0] =	vst.idx.msk $0xffff, v62  }
0xa6: {  	v58 =	vperm.xlane v24, v11;
	v43 =	vor.u32 v4, v28;
	v61 =	vld.idx.msk [tilespmem:v40+s18+$0x0], $0xffff;
	[tilespmem:v46+s18+$0x0] =	vst.idx.msk $0xffff, v32  }
0xa7: {  	v27 =	vmul.f32 v27, v63;
	v46 =	vor.u32 v3, v26;
	v20 =	vadd.f32 v20, v21;
	v21 =	vld.idx.msk [tilespmem:v38+s18+$0x0], $0xffff  }
0xa8: {  	v54 =	vperm.xlane v29, v10;
	v57 =	vperm.xlane v22, v15;
	v44 =	vor.u32 v4, v33;
	v35 =	vld.idx.msk [tilespmem:v49+s18+$0x0], $0xffff  }
0xa9: {  	[tilespmem:v42+s18+$0x0] =	vst.idx.msk $0xffff, v27;
	v42 =	vor.u32 v6, v31;
	v32 =	vmul.f32 v59, v48;
	v20 =	vmul.f32 $1.442695020e+00, v20  }
0xaa: {  	v59 =	vperm.xlane v18, v15;
	v48 =	vor.u32 v6, v28;
	v55 =	vmul.f32 v39, v52  }
0xab: {  	v52 =	vperm.xlane v23, v11;
	[tilespmem:v53+s18+$0x0] =	vst.idx.msk $0xffff, v32;
	v27 =	vmul.f32 v61, v51;
	v53 =	vld.idx.msk [tilespmem:v45+s18+$0x0], $0xffff  }
0xac: {  	(erf) = vpow2.f32 v20;
	v56 =	vld.idx.msk [tilespmem:v46+s18+$0x0], $0xffff;
	[tilespmem:v50+s18+$0x0] =	vst.idx.msk $0xffff, v55;
	v20 =	vmul.f32 v21, v54  }
0xad: {  	v61 =	vshll.u32 v36, $0x3;
	[tilespmem:v40+s18+$0x0] =	vst.idx.msk $0xffff, v27;
	v21 =	vmul.f32 v35, v57;
	v60 =	vld.idx.msk [tilespmem:v47+s18+$0x0], $0xffff  }
0xae: {  	v51 =	vor.u32 v5, v26;
	v35 =	vor.u32 v5, v30;
	v27 =	vld.idx.msk [tilespmem:v43+s18+$0x0], $0xffff;
	[tilespmem:v38+s18+$0x0] =	vst.idx.msk $0xffff, v20  }
0xaf: {  	v41 =	vor.u32 v9, v61;
	v38 =	vor.u32 v4, v26;
	[tilespmem:v49+s18+$0x0] =	vst.idx.msk $0xffff, v21  }
0xb0: {  	v49 =	vor.u32 v4, v25;
	v21 =	vmul.f32 v53, v58;
	v63 =	vld.idx.msk [tilespmem:v44+s18+$0x0], $0xffff;
	v53 =	vperm.xlane v19, v15  }
0xb1: {  	v61 =	vperm.xlane v24, v10;
	v50 =	vor.u32 v6, v30;
	v54 =	vld.idx.msk [tilespmem:v42+s18+$0x0], $0xffff;
	v62 =	vmul.f32 v56, v59  }
0xb2: {  	v20 =	vshll.u32 v36, $0x7;
	v58 =	vperm.xlane v22, v11;
	[tilespmem:v45+s18+$0x0] =	vst.idx.msk $0xffff, v21;
	v56 =	vmul.f32 v60, v53  }
0xb3: {  	v59 =	vperm.xlane v29, v16;
	[tilespmem:v46+s18+$0x0] =	vst.idx.msk $0xffff, v62;
	v21 =	vmul.f32 v27, v52;
	v55 =	vld.idx.msk [tilespmem:v35+s18+$0x0], $0xffff  }
0xb4: {  	v45 =	vor.u32 v5, v33;
	v53 =	vor.u32 v5, v25;
	v57 =	vld.idx.msk [tilespmem:v38+s18+$0x0], $0xffff;
	[tilespmem:v47+s18+$0x0] =	vst.idx.msk $0xffff, v56  }
0xb5: {  	v27 =	vor.u32 v0, v20;
	[tilespmem:v43+s18+$0x0] =	vst.idx.msk $0xffff, v21;
	v34 =	vmul.f32 v63, v58;
	v47 =	vld.idx.msk [tilespmem:v49+s18+$0x0], $0xffff  }
0xb6: {  	v46 =	vor.u32 v7, v31;
	v62 =	vperm.xlane v18, v11;
	v43 =	vmul.f32 v54, v59;
	v60 =	vld.idx.msk [tilespmem:v37+s18+$0x0], $0xffff  }
0xb7: {  	v52 =	vperm.xlane v19, v11;
	v31 =	vor.u32 v8, v31;
	[tilespmem:v44+s18+$0x0] =	vst.idx.msk $0xffff, v34  }
0xb8: {  	v63 =	vperm.xlane v23, v10;
	v21 =	vpop (erf);
	[tilespmem:v42+s18+$0x0] =	vst.idx.msk $0xffff, v43;
	v32 =	vmul.f32 v55, v61  }
0xb9: {  	s17 =	simm.s32 $0xB;
	v54 =	vor.u32 v6, v26;
	[tilespmem:v41+s19+$0x0] =	vst.idx.msk $0xff, v21;
	v44 =	vld.idx.msk [tilespmem:v45+s18+$0x0], $0xffff;
	v39 =	vmul.f32 v57, v62  }
0xba: {  	v34 =	vmov s17;
	v42 =	vor.u32 v6, v33;
	v40 =	vld.idx.msk [tilespmem:v27+s18+$0x0], $0xffff;
	[tilespmem:v35+s18+$0x0] =	vst.idx.msk $0xffff, v32;
	v59 =	vmul.f32 v47, v52  }
0xbb: {  	v56 =	vshll.u32 v34, $0x4;
	[tilespmem:v38+s18+$0x0] =	vst.idx.msk $0xffff, v39;
	v57 =	vmul.f32 v60, v63;
	v58 =	vld.idx.msk [tilespmem:v50+s18+$0x0], $0xffff  }
0xbc: {  	s14 =	simm.s32 $0xA;
	v61 =	vperm.xlane v24, v16;
	v32 =	vor.u32 v0, v56;
	v39 =	vld.idx.msk [tilespmem:v51+s18+$0x0], $0xffff;
	[tilespmem:v49+s18+$0x0] =	vst.idx.msk $0xffff, v59  }
0xbd: {  	v62 =	vperm.xlane v18, v10;
	v35 =	vmov s14;
	v60 =	vperm.xlane v22, v10;
	[tilespmem:v37+s18+$0x0] =	vst.idx.msk $0xffff, v57;
	v37 =	vld.idx.msk [tilespmem:v46+s18+$0x0], $0xffff  }
0xbe: {  	v56 =	vor.u32 v7, v28;
	v38 =	vperm.xlane v29, v13;
	v29 =	vperm.xlane v29, v17;
	v47 =	vld.idx.msk [tilespmem:v53+s18+$0x0], $0xffff  }
0xbf: {  	v63 =	vperm.xlane v23, v16;
	v49 =	vor.u32 v7, v30;
	v41 =	vmul.f32 v44, v60;
	v43 =	vld.idx.msk [tilespmem:v48+s18+$0x0], $0xffff  }
0xc0: {  	v60 =	vshll.u32 v35, $0x4;
	v57 =	vor.u32 v6, v25;
	v36 =	vmul.f32 v58, v61  }
0xc1: {  	v55 =	vld.idx.msk [tilespmem:v32+s22+$0x0], $0xffff;
	[tilespmem:v45+s18+$0x0] =	vst.idx.msk $0xffff, v41;
	v61 =	vperm.xlane v19, v10;
	v58 =	vperm.xlane v21, v12  }
0xc2: {  	v59 =	vperm.xlane v22, v16;
	v45 =	vor.u32 v0, v60;
	v44 =	vld.idx.msk [tilespmem:v42+s18+$0x0], $0xffff;
	v39 =	vmul.f32 v39, v62  }
0xc3: {  	[tilespmem:v50+s18+$0x0] =	vst.idx.msk $0xffff, v36;
	v50 =	vld.idx.msk [tilespmem:v32+s23+$0x0], $0xffff;
	v47 =	vmul.f32 v47, v61;
	v41 =	vmul.f32 v40, v58  }
0xc4: {  	v29 =	vmul.f32 v37, v29;
	[tilespmem:v51+s18+$0x0] =	vst.idx.msk $0xffff, v39;
	v62 =	vmul.f32 v43, v63;
	v63 =	vld.idx.msk [tilespmem:v49+s18+$0x0], $0xffff  }
0xc5: {  	s17 =	simm.s32 $0x9;
	v61 =	vperm.xlane v24, v17;
	v43 =	vor.u32 v7, v33;
	v51 =	vld.idx.msk [tilespmem:v54+s18+$0x0], $0xffff;
	[tilespmem:v53+s18+$0x0] =	vst.idx.msk $0xffff, v47  }
0xc6: {  	v36 =	vor.u32 v8, v30;
	v37 =	vmov s17;
	v30 =	vperm.xlane v18, v16;
	[tilespmem:v46+s18+$0x0] =	vst.idx.msk $0xffff, v29;
	v52 =	vld.idx.msk [tilespmem:v57+s18+$0x0], $0xffff  }
0xc7: {  	v58 =	vld.idx.msk [tilespmem:v45+s22+$0x0], $0xffff;
	[tilespmem:v48+s18+$0x0] =	vst.idx.msk $0xffff, v62;
	v60 =	vmul.f32 v44, v59;
	v62 =	vshll.u32 v37, $0x4  }
0xc8: {  	v44 =	vor.u32 v7, v26;
	v59 =	vperm.xlane v19, v16;
	v40 =	vld.idx.msk [tilespmem:v56+s18+$0x0], $0xffff;
	v47 =	vor.u32 v0, v62  }
0xc9: {  	v29 =	vadd.f32 v50, v55;
	[tilespmem:v42+s18+$0x0] =	vst.idx.msk $0xffff, v60;
	v50 =	vld.idx.msk [tilespmem:v45+s23+$0x0], $0xffff;
	v63 =	vmul.f32 v63, v61  }
0xca: {  	s14 =	simm.s32 $0x8;
	v32 =	vor.u32 v2, v20;
	v45 =	vor.u32 v7, v25;
	v55 =	vld.idx.msk [tilespmem:v43+s18+$0x0], $0xffff;
	v30 =	vmul.f32 v51, v30  }
0xcb: {  	v39 =	vmov s14;
	v46 =	vld.idx.msk [tilespmem:v31+s18+$0x0], $0xffff;
	v60 =	vperm.xlane v23, v17;
	v52 =	vmul.f32 v52, v59;
	[tilespmem:v49+s18+$0x0] =	vst.idx.msk $0xffff, v63  }
0xcc: {  	v61 =	vmin.f32 v29, $0.0e+00;
	v63 =	vshll.u32 v39, $0x4;
	[tilespmem:v54+s18+$0x0] =	vst.idx.msk $0xffff, v30;
	v30 =	vor.u32 v8, v28;
	v42 =	vld.idx.msk [tilespmem:v36+s18+$0x0], $0xffff  }
0xcd: {  	v59 =	vperm.xlane v22, v17;
	v62 =	vmul.f32 v40, v60;
	v28 =	vor.u32 v8, v33;
	v48 =	vld.idx.msk [tilespmem:v44+s18+$0x0], $0xffff  }
0xce: {  	s17 =	simm.s32 $0x7;
	v53 =	vmul.f32 $2.000000030e-01, v61;
	v51 =	vor.u32 v0, v63;
	v49 =	vld.idx.msk [tilespmem:v47+s22+$0x0], $0xffff;
	[tilespmem:v57+s18+$0x0] =	vst.idx.msk $0xffff, v52  }
0xcf: {  	s13 =	simm.s32 $0xC;
	v40 =	vmov s17;
	v52 =	vadd.f32 v50, v58;
	v33 =	vld.idx.msk [tilespmem:v45+s18+$0x0], $0xffff;
	v50 =	vmul.f32 v55, v59;
	[tilespmem:v56+s18+$0x0] =	vst.idx.msk $0xffff, v62  }
.LBB2_7:
0xd0: {  	p0 =	slt.u32 s13, $0x78;
	v54 =	vshll.u32 v40, $0x4;
	v47 =	vld.idx.msk [tilespmem:v47+s23+$0x0], $0xffff;
	v55 =	vperm.xlane v18, v17;
	v26 =	vor.u32 v8, v26  }
0xd1: {  	v29 =	vmax.f32 v29, $0.0e+00;
	v54 =	vor.u32 v0, v54;
	v56 =	vmin.f32 v52, $0.0e+00;
	[tilespmem:v43+s18+$0x0] =	vst.idx.msk $0xffff, v50;
	v43 =	vld.idx.msk [tilespmem:v30+s18+$0x0], $0xffff  }
0xd2: {  	v29 =	vadd.f32 v53, v29;
	v50 =	vmul.f32 $2.000000030e-01, v56;
	v48 =	vmul.f32 v48, v55;
	v53 =	vld.idx.msk [tilespmem:v28+s18+$0x0], $0xffff  }
0xd3: {  	v25 =	vor.u32 v8, v25;
	v52 =	vmax.f32 v52, $0.0e+00;
	v56 =	vperm.xlane v19, v17;
	v55 =	vld.idx.msk [tilespmem:v51+s22+$0x0], $0xffff  }
0xd4: {  	v38 =	vmul.f32 v46, v38;
	v51 =	vld.idx.msk [tilespmem:v51+s23+$0x0], $0xffff;
	v50 =	vadd.f32 v50, v52;
	[tilespmem:v44+s18+$0x0] =	vst.idx.msk $0xffff, v48  }
0xd5: {  	v44 =	vmul.f32 $1.442695020e+00, v29;
	v29 =	vshll.u32 v34, $0x7;
	v33 =	vmul.f32 v33, v56;
	v46 =	vld.idx.msk [tilespmem:v26+s18+$0x0], $0xffff  }
0xd6: {  	v24 =	vperm.xlane v24, v13;
	v47 =	vadd.f32 v47, v49;
	v48 =	vld.idx.msk [tilespmem:v54+s22+$0x0], $0xffff;
	v49 =	vmul.f32 $1.442695020e+00, v50  }
0xd7: {  	v34 =	vshll.u32 v34, $0x3;
	v52 =	vor.u32 v0, v29;
	v50 =	vld.idx.msk [tilespmem:v54+s23+$0x0], $0xffff;
	(erf) = vpow2.f32 v44;
	[tilespmem:v45+s18+$0x0] =	vst.idx.msk $0xffff, v33  }
0xd8: {  	v24 =	vmul.f32 v42, v24;
	v33 =	vmin.f32 v47, $0.0e+00;
	(erf) = vpow2.f32 v49;
	v44 =	vld.idx.msk [tilespmem:v25+s18+$0x0], $0xffff  }
0xd9: {  	v23 =	vperm.xlane v23, v13;
	[tilespmem:v27+s18+$0x0] =	vst.idx.msk $0xffff, v41;
	v27 =	vmul.f32 $2.000000030e-01, v33;
	v33 =	vor.u32 v9, v34  }
0xda: {  	v22 =	vperm.xlane v22, v13;
	v34 =	vadd.f32 v51, v55;
	v41 =	vmax.f32 v47, $0.0e+00;
	[tilespmem:v31+s18+$0x0] =	vst.idx.msk $0xffff, v38  }
0xdb: {  	v18 =	vperm.xlane v18, v13;
	v23 =	vmul.f32 v43, v23;
	v27 =	vadd.f32 v27, v41  }
0xdc: {  	v19 =	vperm.xlane v19, v13;
	v22 =	vmul.f32 v53, v22;
	v31 =	vmin.f32 v34, $0.0e+00;
	[tilespmem:v36+s18+$0x0] =	vst.idx.msk $0xffff, v24  }
0xdd: {  	v18 =	vmul.f32 v46, v18;
	v36 =	vadd.f32 v50, v48;
	v31 =	vmul.f32 $2.000000030e-01, v31;
	[tilespmem:v30+s18+$0x0] =	vst.idx.msk $0xffff, v23  }
0xde: {  	v23 =	vmax.f32 v34, $0.0e+00;
	v27 =	vmul.f32 $1.442695020e+00, v27;
	v19 =	vmul.f32 v44, v19;
	[tilespmem:v28+s18+$0x0] =	vst.idx.msk $0xffff, v22  }
0xdf: {  	v22 =	vmin.f32 v36, $0.0e+00;
	v30 =	vadd.f32 v31, v23;
	v28 =	vshll.u32 v35, $0x7;
	[tilespmem:v26+s18+$0x0] =	vst.idx.msk $0xffff, v18  }
0xe0: {  	s17 =	simm.s32 $0x7E;
	v22 =	vmul.f32 $2.000000030e-01, v22;
	v26 =	vshll.u32 v35, $0x3;
	v18 =	vld.idx.msk [tilespmem:v32+s18+$0x0], $0xffff;
	(erf) = vpow2.f32 v27;
	v24 =	vpop (erf);
	[tilespmem:v25+s18+$0x0] =	vst.idx.msk $0xffff, v19  }
0xe1: {  	v19 =	vmax.f32 v36, $0.0e+00;
	v25 =	vmul.f32 $1.442695020e+00, v30;
	v26 =	vor.u32 v9, v26;
	v23 =	vpop (erf)  }
0xe2: {  	v30 =	vor.u32 v0, v28;
	v19 =	vadd.f32 v22, v19  }
0xe3: {  	v31 =	vor.u32 v3, v20;
	v27 =	vmov s13;
	[tilespmem:v33+s19+$0x0] =	vst.idx.msk $0xff, v24;
	(erf) = vpow2.f32 v25  }
0xe4: {  	v22 =	vperm.xlane v21, v14;
	v19 =	vmul.f32 $1.442695020e+00, v19;
	v25 =	vshll.u32 v37, $0x3;
	v34 =	vld.idx.msk [tilespmem:v52+s18+$0x0], $0xffff  }
0xe5: {  	v35 =	vshll.u32 v27, $0x4;
	v33 =	vshll.u32 v37, $0x7;
	v25 =	vor.u32 v9, v25  }
0xe6: {  	v36 =	vor.u32 v0, v33;
	v18 =	vmul.f32 v18, v22;
	[tilespmem:v26+s19+$0x0] =	vst.idx.msk $0xff, v23;
	(erf) = vpow2.f32 v19  }
0xe7: {  	v41 =	vshll.u32 v39, $0x3;
	v37 =	vor.u32 v2, v29;
	v19 =	vor.u32 v0, v35;
	v35 =	vld.idx.msk [tilespmem:v30+s18+$0x0], $0xffff  }
0xe8: {  	v26 =	vshll.u32 v39, $0x7;
	[tilespmem:v32+s18+$0x0] =	vst.idx.msk $0xffff, v18;
	v32 =	vor.u32 v9, v41;
	v18 =	vperm.xlane v24, v12  }
0xe9: {  	v39 =	vor.u32 v0, v26;
	v38 =	vld.idx.msk [tilespmem:v31+s18+$0x0], $0xffff;
	v22 =	vpop (erf)  }
0xea: {  	v42 =	vor.u32 v2, v28;
	v41 =	vshll.u32 v40, $0x3;
	[tilespmem:v25+s19+$0x0] =	vst.idx.msk $0xff, v22;
	v45 =	vmul.f32 v34, v18  }
0xeb: {  	v34 =	vor.u32 v9, v41;
	v25 =	vshll.u32 v40, $0x7;
	v41 =	vperm.xlane v23, v12;
	v40 =	vld.idx.msk [tilespmem:v36+s18+$0x0], $0xffff  }
0xec: {  	v44 =	vor.u32 v0, v25;
	v43 =	vld.idx.msk [tilespmem:v19+s22+$0x0], $0xffff;
	[tilespmem:v52+s18+$0x0] =	vst.idx.msk $0xffff, v45;
	v18 =	vpop (erf)  }
0xed: {  	[tilespmem:v32+s19+$0x0] =	vst.idx.msk $0xff, v18;
	v32 =	vmul.f32 v35, v41;
	v35 =	vld.idx.msk [tilespmem:v37+s18+$0x0], $0xffff  }
0xee: {  	v45 =	vor.u32 v4, v20;
	v41 =	vperm.xlane v21, v15;
	v46 =	vld.idx.msk [tilespmem:v39+s18+$0x0], $0xffff  }
0xef: {  	v49 =	vor.u32 v2, v33;
	v48 =	vperm.xlane v22, v12;
	v47 =	vld.idx.msk [tilespmem:v19+s23+$0x0], $0xffff;
	[tilespmem:v30+s18+$0x0] =	vst.idx.msk $0xffff, v32;
	v19 =	vpop (erf)  }
0xf0: {  	v30 =	vmul.f32 v38, v41;
	[tilespmem:v34+s19+$0x0] =	vst.idx.msk $0xff, v19;
	v32 =	vld.idx.msk [tilespmem:v42+s18+$0x0], $0xffff  }
0xf1: {  	v41 =	vor.u32 v3, v29;
	v38 =	vmul.f32 v40, v48;
	v40 =	vperm.xlane v24, v14;
	v34 =	vld.idx.msk [tilespmem:v44+s18+$0x0], $0xffff  }
0xf2: {  	[tilespmem:v31+s18+$0x0] =	vst.idx.msk $0xffff, v30;
	v30 =	vperm.xlane v18, v12;
	v31 =	vor.u32 v2, v26  }
0xf3: {  	v35 =	vmul.f32 v35, v40;
	v48 =	vld.idx.msk [tilespmem:v45+s18+$0x0], $0xffff;
	[tilespmem:v36+s18+$0x0] =	vst.idx.msk $0xffff, v38  }
0xf4: {  	v40 =	vor.u32 v3, v28;
	v38 =	vperm.xlane v23, v14;
	v30 =	vmul.f32 v46, v30;
	v36 =	vld.idx.msk [tilespmem:v49+s18+$0x0], $0xffff  }
0xf5: {  	v50 =	vor.u32 v2, v25;
	v46 =	vperm.xlane v19, v12;
	[tilespmem:v37+s18+$0x0] =	vst.idx.msk $0xffff, v35  }
0xf6: {  	v35 =	vadd.f32 v47, v43;
	[tilespmem:v39+s18+$0x0] =	vst.idx.msk $0xffff, v30;
	v30 =	vmul.f32 v32, v38;
	v32 =	vld.idx.msk [tilespmem:v41+s18+$0x0], $0xffff  }
0xf7: {  	v37 =	vperm.xlane v21, v11;
	v38 =	vor.u32 v5, v20;
	v34 =	vmul.f32 v34, v46;
	v39 =	vld.idx.msk [tilespmem:v31+s18+$0x0], $0xffff  }
0xf8: {  	v47 =	vor.u32 v3, v33;
	v46 =	vperm.xlane v22, v14;
	v43 =	vmin.f32 v35, $0.0e+00;
	[tilespmem:v42+s18+$0x0] =	vst.idx.msk $0xffff, v30  }
0xf9: {  	v30 =	vmul.f32 $2.000000030e-01, v43;
	v37 =	vmul.f32 v48, v37;
	[tilespmem:v44+s18+$0x0] =	vst.idx.msk $0xffff, v34;
	v34 =	vld.idx.msk [tilespmem:v40+s18+$0x0], $0xffff  }
0xfa: {  	v43 =	vperm.xlane v24, v15;
	v36 =	vmul.f32 v36, v46;
	v44 =	vor.u32 v4, v29;
	v42 =	vld.idx.msk [tilespmem:v50+s18+$0x0], $0xffff  }
0xfb: {  	v35 =	vmax.f32 v35, $0.0e+00;
	[tilespmem:v45+s18+$0x0] =	vst.idx.msk $0xffff, v37;
	v37 =	vperm.xlane v18, v14;
	v45 =	vor.u32 v3, v26  }
0xfc: {  	v30 =	vadd.f32 v30, v35;
	v32 =	vmul.f32 v32, v43;
	v35 =	vld.idx.msk [tilespmem:v38+s18+$0x0], $0xffff;
	[tilespmem:v49+s18+$0x0] =	vst.idx.msk $0xffff, v36  }
0xfd: {  	v43 =	vor.u32 v4, v28;
	v36 =	vmul.f32 v39, v37;
	v37 =	vld.idx.msk [tilespmem:v47+s18+$0x0], $0xffff;
	v39 =	vperm.xlane v23, v15  }
0xfe: {  	v48 =	vor.u32 v3, v25;
	v46 =	vperm.xlane v19, v14;
	[tilespmem:v41+s18+$0x0] =	vst.idx.msk $0xffff, v32  }
0xff: {  	v30 =	vmul.f32 $1.442695020e+00, v30;
	[tilespmem:v31+s18+$0x0] =	vst.idx.msk $0xffff, v36;
	v31 =	vmul.f32 v34, v39;
	v32 =	vld.idx.msk [tilespmem:v44+s18+$0x0], $0xffff  }
0x100: {  	v34 =	vperm.xlane v21, v10;
	v36 =	vor.u32 v6, v20;
	v39 =	vmul.f32 v42, v46;
	v41 =	vld.idx.msk [tilespmem:v45+s18+$0x0], $0xffff  }
0x101: {  	v42 =	vperm.xlane v22, v15;
	v46 =	vor.u32 v4, v33;
	[tilespmem:v40+s18+$0x0] =	vst.idx.msk $0xffff, v31  }
0x102: {  	(erf) = vpow2.f32 v30;
	v30 =	vmul.f32 v35, v34;
	[tilespmem:v50+s18+$0x0] =	vst.idx.msk $0xffff, v39;
	v31 =	vld.idx.msk [tilespmem:v43+s18+$0x0], $0xffff  }
0x103: {  	v35 =	vmul.f32 v37, v42;
	v37 =	vperm.xlane v24, v11;
	v39 =	vor.u32 v5, v29;
	v34 =	vld.idx.msk [tilespmem:v48+s18+$0x0], $0xffff  }
0x104: {  	[tilespmem:v38+s18+$0x0] =	vst.idx.msk $0xffff, v30;
	v30 =	vperm.xlane v18, v15;
	v38 =	vor.u32 v4, v26  }
0x105: {  	v40 =	vshll.u32 v27, $0x3;
	v42 =	vshll.u32 v27, $0x7;
	v27 =	vmul.f32 v32, v37;
	[tilespmem:v47+s18+$0x0] =	vst.idx.msk $0xffff, v35  }
0x106: {  	v37 =	vor.u32 v5, v28;
	v35 =	vperm.xlane v23, v11;
	v30 =	vmul.f32 v41, v30;
	v32 =	vld.idx.msk [tilespmem:v46+s18+$0x0], $0xffff  }
0x107: {  	v49 =	vor.u32 v4, v25;
	v47 =	vperm.xlane v19, v15;
	v41 =	vld.idx.msk [tilespmem:v36+s18+$0x0], $0xffff;
	[tilespmem:v44+s18+$0x0] =	vst.idx.msk $0xffff, v27  }
0x108: {  	v40 =	vor.u32 v9, v40;
	v50 =	vmul.f32 v31, v35;
	[tilespmem:v45+s18+$0x0] =	vst.idx.msk $0xffff, v30;
	v31 =	vld.idx.msk [tilespmem:v39+s18+$0x0], $0xffff  }
0x109: {  	v27 =	vor.u32 v0, v42;
	v34 =	vmul.f32 v34, v47;
	v35 =	vld.idx.msk [tilespmem:v38+s18+$0x0], $0xffff  }
0x10a: {  	v44 =	vperm.xlane v22, v11;
	v45 =	vor.u32 v5, v33;
	[tilespmem:v43+s18+$0x0] =	vst.idx.msk $0xffff, v50  }
0x10b: {  	v47 =	vor.u32 v7, v20;
	v43 =	vperm.xlane v21, v16;
	v30 =	vpop (erf);
	[tilespmem:v48+s18+$0x0] =	vst.idx.msk $0xffff, v34;
	v48 =	vld.idx.msk [tilespmem:v37+s18+$0x0], $0xffff  }
0x10c: {  	v51 =	vor.u32 v6, v29;
	v32 =	vmul.f32 v32, v44;
	v44 =	vperm.xlane v24, v10;
	v50 =	vld.idx.msk [tilespmem:v49+s18+$0x0], $0xffff  }
0x10d: {  	s14 =	sadd.s32 $0x5, s13;
	v52 =	vor.u32 v5, v26;
	[tilespmem:v40+s19+$0x0] =	vst.idx.msk $0xff, v30;
	v40 =	vperm.xlane v18, v11  }
0x10e: {  	v34 =	vmov s14;
	v41 =	vmul.f32 v41, v43;
	v31 =	vmul.f32 v31, v44;
	v53 =	vld.idx.msk [tilespmem:v27+s18+$0x0], $0xffff;
	[tilespmem:v46+s18+$0x0] =	vst.idx.msk $0xffff, v32  }
0x10f: {  	v44 =	vor.u32 v6, v28;
	v32 =	vmul.f32 v35, v40;
	v35 =	vld.idx.msk [tilespmem:v45+s18+$0x0], $0xffff;
	v40 =	vperm.xlane v23, v10  }
0x110: {  	v54 =	vor.u32 v5, v25;
	v43 =	vshll.u32 v34, $0x4;
	v46 =	vperm.xlane v19, v11;
	[tilespmem:v39+s18+$0x0] =	vst.idx.msk $0xffff, v31  }
0x111: {  	v39 =	vor.u32 v0, v43;
	[tilespmem:v38+s18+$0x0] =	vst.idx.msk $0xffff, v32;
	v31 =	vmul.f32 v48, v40;
	v32 =	vld.idx.msk [tilespmem:v51+s18+$0x0], $0xffff  }
0x112: {  	[tilespmem:v36+s18+$0x0] =	vst.idx.msk $0xffff, v41;
	v36 =	vmul.f32 v50, v46;
	v40 =	vld.idx.msk [tilespmem:v52+s18+$0x0], $0xffff  }
0x113: {  	v38 =	vperm.xlane v22, v10;
	v48 =	vor.u32 v6, v33;
	v46 =	vld.idx.msk [tilespmem:v47+s18+$0x0], $0xffff;
	[tilespmem:v37+s18+$0x0] =	vst.idx.msk $0xffff, v31  }
0x114: {  	v31 =	vor.u32 v8, v20;
	v20 =	vmov v42;
	[tilespmem:v49+s18+$0x0] =	vst.idx.msk $0xffff, v36;
	v36 =	vld.idx.msk [tilespmem:v44+s18+$0x0], $0xffff  }
0x115: {  	v42 =	vperm.xlane v24, v16;
	v41 =	vmul.f32 v35, v38;
	v49 =	vor.u32 v7, v29;
	v37 =	vld.idx.msk [tilespmem:v54+s18+$0x0], $0xffff  }
0x116: {  	v55 =	vor.u32 v6, v26;
	s14 =	sadd.s32 $0x4, s13;
	v43 =	vperm.xlane v18, v10;
	v38 =	vperm.xlane v21, v13;
	v50 =	vld.idx.msk [tilespmem:v39+s22+$0x0], $0xffff  }
0x117: {  	v56 =	vperm.xlane v21, v17;
	v35 =	vmov s14;
	v21 =	vmul.f32 v32, v42;
	v39 =	vld.idx.msk [tilespmem:v39+s23+$0x0], $0xffff;
	[tilespmem:v45+s18+$0x0] =	vst.idx.msk $0xffff, v41  }
0x118: {  	v57 =	vor.u32 v7, v28;
	v32 =	vmul.f32 v40, v43;
	v41 =	vperm.xlane v23, v16;
	v40 =	vld.idx.msk [tilespmem:v48+s18+$0x0], $0xffff  }
0x119: {  	v58 =	vor.u32 v6, v25;
	v42 =	vshll.u32 v35, $0x4;
	v43 =	vperm.xlane v19, v10;
	[tilespmem:v51+s18+$0x0] =	vst.idx.msk $0xffff, v21  }
0x11a: {  	v42 =	vor.u32 v0, v42;
	v41 =	vmul.f32 v36, v41;
	[tilespmem:v52+s18+$0x0] =	vst.idx.msk $0xffff, v32;
	v45 =	vld.idx.msk [tilespmem:v49+s18+$0x0], $0xffff  }
0x11b: {  	v36 =	vperm.xlane v30, v12;
	v32 =	vor.u32 v2, v20;
	v37 =	vmul.f32 v37, v43;
	v51 =	vld.idx.msk [tilespmem:v55+s18+$0x0], $0xffff  }
0x11c: {  	v52 =	vperm.xlane v22, v16;
	v43 =	vor.u32 v7, v33;
	v21 =	vmov v30;
	[tilespmem:v44+s18+$0x0] =	vst.idx.msk $0xffff, v41  }
0x11d: {  	v30 =	vmul.f32 v46, v56;
	v41 =	vmul.f32 v53, v36;
	[tilespmem:v54+s18+$0x0] =	vst.idx.msk $0xffff, v37;
	v53 =	vld.idx.msk [tilespmem:v57+s18+$0x0], $0xffff  }
0x11e: {  	s14 =	sadd.s32 $0x3, s13;
	v46 =	vperm.xlane v24, v17;
	v36 =	vor.u32 v8, v29;
	v40 =	vmul.f32 v40, v52;
	v54 =	vld.idx.msk [tilespmem:v58+s18+$0x0], $0xffff  }
0x11f: {  	v44 =	vor.u32 v7, v26;
	v37 =	vmov s14;
	v52 =	vld.idx.msk [tilespmem:v42+s22+$0x0], $0xffff;
	[tilespmem:v47+s18+$0x0] =	vst.idx.msk $0xffff, v30;
	v30 =	vperm.xlane v18, v16  }
0x120: {  	v29 =	vadd.f32 v39, v50;
	v47 =	vshll.u32 v37, $0x4;
	v56 =	vld.idx.msk [tilespmem:v42+s23+$0x0], $0xffff;
	[tilespmem:v48+s18+$0x0] =	vst.idx.msk $0xffff, v40  }
0x121: {  	v47 =	vor.u32 v0, v47;
	v40 =	vmul.f32 v45, v46;
	v30 =	vmul.f32 v51, v30;
	v50 =	vld.idx.msk [tilespmem:v43+s18+$0x0], $0xffff  }
0x122: {  	v42 =	vperm.xlane v19, v16;
	v45 =	vor.u32 v7, v25;
	v51 =	vperm.xlane v23, v17  }
.Ltmp2:
0x123: {  	s14 =	sadd.s32 $0x2, s13;
	v59 =	vmin.f32 v29, $0.0e+00;
	v46 =	vld.idx.msk [tilespmem:v31+s18+$0x0], $0xffff;
	[tilespmem:v55+s18+$0x0] =	vst.idx.msk $0xffff, v30;
	v30 =	vor.u32 v8, v28;
	(pc) =	sbr.rel @p0 .LBB2_7-.Ltmp2, $4  }
0x124: {  	v39 =	vmov s14;
	v54 =	vmul.f32 v54, v42;
	v55 =	vmul.f32 v53, v51;
	v48 =	vld.idx.msk [tilespmem:v44+s18+$0x0], $0xffff;
	[tilespmem:v49+s18+$0x0] =	vst.idx.msk $0xffff, v40  }
0x125: {  	v60 =	vperm.xlane v22, v17;
	v28 =	vor.u32 v8, v33;
	v40 =	vshll.u32 v39, $0x4;
	v42 =	vld.idx.msk [tilespmem:v36+s18+$0x0], $0xffff  }
0x126: {  	s14 =	sadd.s32 $0x1, s13;
	v53 =	vmul.f32 $2.000000030e-01, v59;
	v51 =	vor.u32 v0, v40;
	v49 =	vld.idx.msk [tilespmem:v47+s22+$0x0], $0xffff;
	[tilespmem:v58+s18+$0x0] =	vst.idx.msk $0xffff, v54  }
0x127: {  	s13 =	sadd.s32 $0x6, s13;
	v40 =	vmov s14;
	v52 =	vadd.f32 v56, v52;
	v50 =	vmul.f32 v50, v60;
	v33 =	vld.idx.msk [tilespmem:v45+s18+$0x0], $0xffff;
	[tilespmem:v57+s18+$0x0] =	vst.idx.msk $0xffff, v55  }
0x128: {  	_ = 	snop  }
0x129: {  	v54 =	vshll.u32 v40, $0x4  }
0x12a: {  	v54 =	vor.u32 v0, v54;
	_ =	sdelay $0x1  }
0x12b: {  	v47 =	vld.idx.msk [tilespmem:v47+s23+$0x0], $0xffff  }
0x12c: {  	v55 =	vld.idx.msk [tilespmem:v51+s22+$0x0], $0xffff  }
0x12d: {  	v60 =	vld.idx.msk [tilespmem:v51+s23+$0x0], $0xffff  }
0x12e: {  	v56 =	vperm.xlane v18, v17;
	v29 =	vmax.f32 v29, $0.0e+00;
	v57 =	vld.idx.msk [tilespmem:v54+s22+$0x0], $0xffff  }
0x12f: {  	v59 =	vshll.u32 v34, $0x3;
	v29 =	vadd.f32 v53, v29;
	v61 =	vmin.f32 v52, $0.0e+00;
	v54 =	vld.idx.msk [tilespmem:v54+s23+$0x0], $0xffff  }
0x130: {  	[tilespmem:v27+s18+$0x0] =	vst.idx.msk $0xffff, v41;
	v41 =	vmul.f32 v46, v38;
	v53 =	vmul.f32 $2.000000030e-01, v61;
	v47 =	vadd.f32 v47, v49  }
0x131: {  	v46 =	vor.u32 v3, v20;
	v62 =	vmax.f32 v52, $0.0e+00;
	v63 =	vmul.f32 $1.442695020e+00, v29  }
0x132: {  	v52 =	vperm.xlane v19, v17;
	v49 =	vadd.f32 v53, v62;
	v58 =	vmin.f32 v47, $0.0e+00  }
0x133: {  	(erf) = vpow2.f32 v63;
	v51 =	vadd.f32 v60, v55;
	v53 =	vmul.f32 $2.000000030e-01, v58  }
0x134: {  	v49 =	vmul.f32 $1.442695020e+00, v49;
	v47 =	vmax.f32 v47, $0.0e+00;
	v54 =	vadd.f32 v54, v57  }
0x135: {  	v29 =	vshll.u32 v34, $0x7;
	v60 =	vmin.f32 v51, $0.0e+00;
	v47 =	vadd.f32 v53, v47  }
0x136: {  	v61 =	vmul.f32 $2.000000030e-01, v60;
	(erf) = vpow2.f32 v49;
	v62 =	vmin.f32 v54, $0.0e+00  }
0x137: {  	v51 =	vmax.f32 v51, $0.0e+00;
	v47 =	vmul.f32 $1.442695020e+00, v47;
	v53 =	vmul.f32 $2.000000030e-01, v62  }
0x138: {  	v63 =	vor.u32 v9, v59;
	v59 =	vadd.f32 v61, v51;
	v60 =	vmax.f32 v54, $0.0e+00  }
0x139: {  	v51 =	vor.u32 v0, v29;
	(erf) = vpow2.f32 v47;
	v61 =	vadd.f32 v53, v60  }
0x13a: {  	[tilespmem:v43+s18+$0x0] =	vst.idx.msk $0xffff, v50;
	v48 =	vmul.f32 v48, v56;
	v56 =	vmul.f32 $1.442695020e+00, v59;
	v54 =	vshll.u32 v35, $0x3  }
0x13b: {  	[tilespmem:v31+s18+$0x0] =	vst.idx.msk $0xffff, v41;
	v34 =	vshll.u32 v35, $0x7;
	v62 =	vld.idx.msk [tilespmem:v32+s18+$0x0], $0xffff;
	v57 =	vor.u32 v9, v54;
	v58 =	vmul.f32 $1.442695020e+00, v61  }
0x13c: {  	v24 =	vperm.xlane v24, v13;
	[tilespmem:v44+s18+$0x0] =	vst.idx.msk $0xffff, v48;
	v49 =	vor.u32 v0, v34;
	v27 =	vpop (erf);
	(erf) = vpow2.f32 v56  }
0x13d: {  	v55 =	vshll.u32 v37, $0x3;
	v59 =	vmul.f32 v33, v52;
	[tilespmem:v63+s19+$0x0] =	vst.idx.msk $0xff, v27;
	(erf) = vpow2.f32 v58  }
0x13e: {  	v37 =	vshll.u32 v37, $0x7;
	v63 =	vperm.xlane v21, v14;
	v56 =	vld.idx.msk [tilespmem:v51+s18+$0x0], $0xffff;
	v60 =	vor.u32 v9, v55  }
0x13f: {  	v38 =	vshll.u32 v39, $0x7;
	v24 =	vmul.f32 v42, v24;
	v47 =	vor.u32 v0, v37;
	[tilespmem:v45+s18+$0x0] =	vst.idx.msk $0xffff, v59;
	v33 =	vpop (erf)  }
0x140: {  	v48 =	vor.u32 v2, v29;
	v61 =	vmul.f32 v62, v63;
	v62 =	vshll.u32 v39, $0x3;
	[tilespmem:v57+s19+$0x0] =	vst.idx.msk $0xff, v33  }
0x141: {  	v59 =	vshll.u32 v40, $0x3;
	v63 =	vor.u32 v9, v62;
	v57 =	vld.idx.msk [tilespmem:v49+s18+$0x0], $0xffff;
	v58 =	vperm.xlane v27, v12  }
0x142: {  	v44 =	vor.u32 v0, v38;
	v53 =	vor.u32 v9, v59;
	v39 =	vshll.u32 v40, $0x7;
	[tilespmem:v32+s18+$0x0] =	vst.idx.msk $0xffff, v61;
	v32 =	vpop (erf)  }
0x143: {  	v50 =	vor.u32 v0, v39;
	v40 =	vld.idx.msk [tilespmem:v46+s18+$0x0], $0xffff;
	v45 =	vmul.f32 v56, v58;
	[tilespmem:v60+s19+$0x0] =	vst.idx.msk $0xff, v32  }
0x144: {  	[tilespmem:v36+s18+$0x0] =	vst.idx.msk $0xffff, v24;
	v61 =	vperm.xlane v33, v12;
	v60 =	vld.idx.msk [tilespmem:v47+s18+$0x0], $0xffff  }
0x145: {  	v54 =	vor.u32 v2, v34;
	[tilespmem:v51+s18+$0x0] =	vst.idx.msk $0xffff, v45;
	v31 =	vpop (erf)  }
0x146: {  	v62 =	vperm.xlane v21, v15;
	[tilespmem:v63+s19+$0x0] =	vst.idx.msk $0xff, v31;
	v43 =	vmul.f32 v57, v61;
	v45 =	vld.idx.msk [tilespmem:v48+s18+$0x0], $0xffff;
	v35 =	vpop (erf)  }
0x147: {  	v52 =	vor.u32 v4, v20;
	v63 =	vperm.xlane v32, v12;
	v55 =	vld.idx.msk [tilespmem:v44+s18+$0x0], $0xffff;
	[tilespmem:v53+s19+$0x0] =	vst.idx.msk $0xff, v35  }
0x148: {  	[tilespmem:v49+s18+$0x0] =	vst.idx.msk $0xffff, v43;
	v40 =	vmul.f32 v40, v62;
	v53 =	vor.u32 v2, v37;
	v43 =	vld.idx.msk [tilespmem:v50+s18+$0x0], $0xffff  }
0x149: {  	v51 =	vor.u32 v3, v29;
	v41 =	vmul.f32 v60, v63;
	v60 =	vperm.xlane v27, v14  }
0x14a: {  	v62 =	vperm.xlane v31, v12;
	[tilespmem:v46+s18+$0x0] =	vst.idx.msk $0xffff, v40;
	v46 =	vor.u32 v2, v38  }
0x14b: {  	v57 =	vor.u32 v2, v39;
	v61 =	vld.idx.msk [tilespmem:v54+s18+$0x0], $0xffff;
	v63 =	vperm.xlane v35, v12;
	v45 =	vmul.f32 v45, v60  }
0x14c: {  	v59 =	vld.idx.msk [tilespmem:v52+s18+$0x0], $0xffff;
	v40 =	vmul.f32 v55, v62;
	[tilespmem:v47+s18+$0x0] =	vst.idx.msk $0xffff, v41  }
0x14d: {  	[tilespmem:v48+s18+$0x0] =	vst.idx.msk $0xffff, v45;
	v47 =	vld.idx.msk [tilespmem:v53+s18+$0x0], $0xffff;
	v43 =	vmul.f32 v43, v63  }
0x14e: {  	v42 =	vor.u32 v3, v34;
	v60 =	vperm.xlane v33, v14;
	[tilespmem:v44+s18+$0x0] =	vst.idx.msk $0xffff, v40;
	v40 =	vld.idx.msk [tilespmem:v51+s18+$0x0], $0xffff  }
0x14f: {  	v22 =	vperm.xlane v22, v13;
	v62 =	vperm.xlane v21, v11;
	v63 =	vld.idx.msk [tilespmem:v46+s18+$0x0], $0xffff;
	[tilespmem:v50+s18+$0x0] =	vst.idx.msk $0xffff, v43  }
0x150: {  	v36 =	vor.u32 v5, v20;
	v58 =	vperm.xlane v32, v14;
	v61 =	vmul.f32 v61, v60;
	v43 =	vld.idx.msk [tilespmem:v57+s18+$0x0], $0xffff  }
0x151: {  	v49 =	vor.u32 v3, v37;
	v45 =	vor.u32 v3, v38;
	v41 =	vmul.f32 v59, v62  }
0x152: {  	v59 =	vperm.xlane v31, v14;
	v62 =	vperm.xlane v35, v14;
	[tilespmem:v54+s18+$0x0] =	vst.idx.msk $0xffff, v61  }
0x153: {  	v55 =	vor.u32 v3, v39;
	v61 =	vperm.xlane v27, v15;
	v60 =	vld.idx.msk [tilespmem:v42+s18+$0x0], $0xffff;
	v24 =	vmul.f32 v47, v58  }
0x154: {  	[tilespmem:v52+s18+$0x0] =	vst.idx.msk $0xffff, v41;
	v41 =	vor.u32 v4, v29;
	v44 =	vmul.f32 v63, v59  }
0x155: {  	v48 =	vld.idx.msk [tilespmem:v30+s18+$0x0], $0xffff;
	v40 =	vmul.f32 v40, v61;
	[tilespmem:v53+s18+$0x0] =	vst.idx.msk $0xffff, v24;
	v43 =	vmul.f32 v43, v62  }
0x156: {  	v58 =	vperm.xlane v33, v15;
	v53 =	vor.u32 v4, v34;
	v63 =	vld.idx.msk [tilespmem:v49+s18+$0x0], $0xffff;
	[tilespmem:v46+s18+$0x0] =	vst.idx.msk $0xffff, v44  }
0x157: {  	v56 =	vperm.xlane v31, v11;
	v24 =	vor.u32 v8, v26;
	v26 =	vld.idx.msk [tilespmem:v45+s18+$0x0], $0xffff;
	[tilespmem:v57+s18+$0x0] =	vst.idx.msk $0xffff, v43  }
0x158: {  	v54 =	vor.u32 v4, v38;
	[tilespmem:v51+s18+$0x0] =	vst.idx.msk $0xffff, v40;
	v59 =	vmul.f32 v60, v58;
	v40 =	vld.idx.msk [tilespmem:v55+s18+$0x0], $0xffff  }
0x159: {  	v61 =	vperm.xlane v31, v15;
	v60 =	vperm.xlane v32, v15;
	v51 =	vor.u32 v4, v37;
	v44 =	vld.idx.msk [tilespmem:v36+s18+$0x0], $0xffff  }
0x15a: {  	v46 =	vperm.xlane v21, v10;
	v52 =	vld.idx.msk [tilespmem:v41+s18+$0x0], $0xffff;
	[tilespmem:v42+s18+$0x0] =	vst.idx.msk $0xffff, v59;
	v59 =	vperm.xlane v27, v11  }
0x15b: {  	v57 =	vor.u32 v4, v39;
	v62 =	vld.idx.msk [tilespmem:v53+s18+$0x0], $0xffff;
	v47 =	vmul.f32 v63, v60;
	v63 =	vperm.xlane v35, v15  }
0x15c: {  	v42 =	vor.u32 v5, v29;
	v43 =	vperm.xlane v23, v13;
	v58 =	vmul.f32 v26, v61  }
0x15d: {  	v23 =	vor.u32 v8, v25;
	[tilespmem:v49+s18+$0x0] =	vst.idx.msk $0xffff, v47;
	v40 =	vmul.f32 v40, v63  }
0x15e: {  	v25 =	vor.u32 v5, v34;
	v60 =	vperm.xlane v33, v11;
	v47 =	vld.idx.msk [tilespmem:v51+s18+$0x0], $0xffff;
	[tilespmem:v45+s18+$0x0] =	vst.idx.msk $0xffff, v58  }
0x15f: {  	v43 =	vmul.f32 v48, v43;
	v26 =	vmul.f32 v52, v59;
	v45 =	vld.idx.msk [tilespmem:v54+s18+$0x0], $0xffff;
	[tilespmem:v55+s18+$0x0] =	vst.idx.msk $0xffff, v40  }
0x160: {  	v44 =	vmul.f32 v44, v46;
	v61 =	vmul.f32 v62, v60;
	v62 =	vld.idx.msk [tilespmem:v57+s18+$0x0], $0xffff  }
0x161: {  	v48 =	vld.idx.msk [tilespmem:v28+s18+$0x0], $0xffff;
	[tilespmem:v41+s18+$0x0] =	vst.idx.msk $0xffff, v26;
	v41 =	vor.u32 v5, v37;
	v63 =	vperm.xlane v32, v11  }
0x162: {  	v50 =	vor.u32 v5, v38;
	v59 =	vperm.xlane v35, v11;
	v49 =	vld.idx.msk [tilespmem:v42+s18+$0x0], $0xffff;
	[tilespmem:v53+s18+$0x0] =	vst.idx.msk $0xffff, v61  }
0x163: {  	[tilespmem:v36+s18+$0x0] =	vst.idx.msk $0xffff, v44;
	v53 =	vor.u32 v5, v39;
	v58 =	vld.idx.msk [tilespmem:v25+s18+$0x0], $0xffff;
	v26 =	vmul.f32 v47, v63  }
0x164: {  	[tilespmem:v30+s18+$0x0] =	vst.idx.msk $0xffff, v43;
	v60 =	vperm.xlane v27, v10;
	v61 =	vmul.f32 v45, v56  }
0x165: {  	v40 =	vor.u32 v6, v20;
	[tilespmem:v51+s18+$0x0] =	vst.idx.msk $0xffff, v26;
	v62 =	vmul.f32 v62, v59  }
0x166: {  	v46 =	vor.u32 v6, v29;
	v56 =	vperm.xlane v33, v10;
	v63 =	vld.idx.msk [tilespmem:v41+s18+$0x0], $0xffff;
	[tilespmem:v54+s18+$0x0] =	vst.idx.msk $0xffff, v61  }
0x167: {  	v36 =	vmul.f32 v49, v60;
	v44 =	vld.idx.msk [tilespmem:v50+s18+$0x0], $0xffff;
	[tilespmem:v57+s18+$0x0] =	vst.idx.msk $0xffff, v62  }
0x168: {  	v22 =	vmul.f32 v48, v22;
	v51 =	vor.u32 v6, v34;
	v57 =	vmul.f32 v58, v56;
	v58 =	vld.idx.msk [tilespmem:v53+s18+$0x0], $0xffff  }
0x169: {  	[tilespmem:v42+s18+$0x0] =	vst.idx.msk $0xffff, v36;
	v42 =	vor.u32 v6, v37;
	v59 =	vperm.xlane v32, v10  }
0x16a: {  	v30 =	vor.u32 v6, v38;
	[tilespmem:v28+s18+$0x0] =	vst.idx.msk $0xffff, v22;
	v45 =	vld.idx.msk [tilespmem:v40+s18+$0x0], $0xffff;
	v61 =	vperm.xlane v31, v10  }
0x16b: {  	v54 =	vor.u32 v6, v39;
	v60 =	vld.idx.msk [tilespmem:v46+s18+$0x0], $0xffff;
	v36 =	vmul.f32 v63, v59;
	v63 =	vperm.xlane v35, v10  }
0x16c: {  	v52 =	vperm.xlane v31, v16;
	[tilespmem:v25+s18+$0x0] =	vst.idx.msk $0xffff, v57;
	v25 =	vmul.f32 v44, v61  }
0x16d: {  	v26 =	vperm.xlane v21, v16;
	v62 =	vld.idx.msk [tilespmem:v51+s18+$0x0], $0xffff;
	[tilespmem:v41+s18+$0x0] =	vst.idx.msk $0xffff, v36;
	v57 =	vmul.f32 v58, v63  }
0x16e: {  	v55 =	vor.u32 v7, v20;
	v56 =	vperm.xlane v27, v16;
	[tilespmem:v50+s18+$0x0] =	vst.idx.msk $0xffff, v25;
	v58 =	vld.idx.msk [tilespmem:v42+s18+$0x0], $0xffff  }
0x16f: {  	v26 =	vmul.f32 v45, v26;
	v41 =	vor.u32 v7, v29;
	v61 =	vld.idx.msk [tilespmem:v30+s18+$0x0], $0xffff;
	[tilespmem:v53+s18+$0x0] =	vst.idx.msk $0xffff, v57  }
0x170: {  	v59 =	vperm.xlane v33, v16;
	v60 =	vmul.f32 v60, v56;
	v44 =	vor.u32 v7, v34;
	v36 =	vld.idx.msk [tilespmem:v54+s18+$0x0], $0xffff  }
0x171: {  	v45 =	vor.u32 v7, v37;
	[tilespmem:v40+s18+$0x0] =	vst.idx.msk $0xffff, v26;
	v63 =	vperm.xlane v32, v16  }
0x172: {  	[tilespmem:v46+s18+$0x0] =	vst.idx.msk $0xffff, v60;
	v46 =	vor.u32 v7, v38;
	v62 =	vmul.f32 v62, v59  }
0x173: {  	v49 =	vor.u32 v7, v39;
	v56 =	vperm.xlane v35, v16;
	v40 =	vld.idx.msk [tilespmem:v55+s18+$0x0], $0xffff;
	v25 =	vmul.f32 v58, v63  }
0x174: {  	v20 =	vor.u32 v8, v20;
	v53 =	vld.idx.msk [tilespmem:v41+s18+$0x0], $0xffff;
	[tilespmem:v51+s18+$0x0] =	vst.idx.msk $0xffff, v62;
	v26 =	vmul.f32 v61, v52  }
0x175: {  	v39 =	vor.u32 v8, v39;
	v58 =	vld.idx.msk [tilespmem:v44+s18+$0x0], $0xffff;
	[tilespmem:v42+s18+$0x0] =	vst.idx.msk $0xffff, v25;
	v59 =	vmul.f32 v36, v56  }
0x176: {  	v37 =	vor.u32 v8, v37;
	v57 =	vperm.xlane v21, v17;
	[tilespmem:v30+s18+$0x0] =	vst.idx.msk $0xffff, v26;
	v61 =	vld.idx.msk [tilespmem:v45+s18+$0x0], $0xffff  }
0x177: {  	v60 =	vperm.xlane v27, v17;
	v26 =	vor.u32 v8, v29;
	v30 =	vld.idx.msk [tilespmem:v46+s18+$0x0], $0xffff;
	[tilespmem:v54+s18+$0x0] =	vst.idx.msk $0xffff, v59  }
0x178: {  	v22 =	vmul.f32 v40, v57;
	v62 =	vperm.xlane v33, v17;
	v25 =	vor.u32 v8, v34;
	v47 =	vld.idx.msk [tilespmem:v49+s18+$0x0], $0xffff  }
0x179: {  	v48 =	vld.idx.msk [tilespmem:v24+s18+$0x0], $0xffff;
	v50 =	vperm.xlane v32, v17;
	v38 =	vor.u32 v8, v38;
	v63 =	vmul.f32 v53, v60  }
0x17a: {  	v51 =	vld.idx.msk [tilespmem:v23+s18+$0x0], $0xffff;
	v52 =	vperm.xlane v31, v17;
	[tilespmem:v55+s18+$0x0] =	vst.idx.msk $0xffff, v22;
	v28 =	vmul.f32 v58, v62  }
0x17b: {  	v53 =	vld.idx.msk [tilespmem:v20+s18+$0x0], $0xffff;
	[tilespmem:v41+s18+$0x0] =	vst.idx.msk $0xffff, v63;
	v54 =	vperm.xlane v35, v17;
	v29 =	vmul.f32 v61, v50  }
0x17c: {  	v18 =	vperm.xlane v18, v13;
	v55 =	vld.idx.msk [tilespmem:v26+s18+$0x0], $0xffff;
	[tilespmem:v44+s18+$0x0] =	vst.idx.msk $0xffff, v28;
	v22 =	vmul.f32 v30, v52  }
0x17d: {  	v19 =	vperm.xlane v19, v13;
	v28 =	vld.idx.msk [tilespmem:v25+s18+$0x0], $0xffff;
	[tilespmem:v45+s18+$0x0] =	vst.idx.msk $0xffff, v29;
	v56 =	vmul.f32 v47, v54  }
0x17e: {  	v18 =	vmul.f32 v48, v18;
	v57 =	vperm.xlane v21, v13;
	[tilespmem:v46+s18+$0x0] =	vst.idx.msk $0xffff, v22;
	v58 =	vld.idx.msk [tilespmem:v37+s18+$0x0], $0xffff  }
0x17f: {  	v27 =	vperm.xlane v27, v13;
	v19 =	vmul.f32 v51, v19;
	v22 =	vld.idx.msk [tilespmem:v38+s18+$0x0], $0xffff;
	[tilespmem:v49+s18+$0x0] =	vst.idx.msk $0xffff, v56  }
0x180: {  	[tilespmem:v24+s18+$0x0] =	vst.idx.msk $0xffff, v18;
	v60 =	vperm.xlane v33, v13;
	v18 =	vmul.f32 v53, v57;
	v59 =	vld.idx.msk [tilespmem:v39+s18+$0x0], $0xffff  }
0x181: {  	[tilespmem:v23+s18+$0x0] =	vst.idx.msk $0xffff, v19;
	v61 =	vperm.xlane v32, v13;
	v19 =	vmul.f32 v55, v27  }
0x182: {  	[tilespmem:v20+s18+$0x0] =	vst.idx.msk $0xffff, v18;
	v18 =	vperm.xlane v31, v13;
	v62 =	vmul.f32 v28, v60  }
0x183: {  	v63 =	vperm.xlane v35, v13;
	[tilespmem:v26+s18+$0x0] =	vst.idx.msk $0xffff, v19;
	v23 =	vmul.f32 v58, v61  }
0x184: {  	[tilespmem:v25+s18+$0x0] =	vst.idx.msk $0xffff, v62;
	v18 =	vmul.f32 v22, v18  }
0x185: {  	[tilespmem:v37+s18+$0x0] =	vst.idx.msk $0xffff, v23;
	v19 =	vmul.f32 v59, v63  }
0x186: {  	[tilespmem:v38+s18+$0x0] =	vst.idx.msk $0xffff, v18  }
0x187: {  	[tilespmem:v39+s18+$0x0] =	vst.idx.msk $0xffff, v19  }
.LBB2_9:
0x188: {  	v18 =	vmov s17  }
0x189: {  	v19 =	vshll.u32 v18, $0x4  }
0x18a: {  	v19 =	vor.u32 v0, v19;
	_ =	sdelay $0x4  }
0x18b: {  	v20 =	vld.idx.msk [tilespmem:v19+s22+$0x0], $0xffff  }
0x18c: {  	v19 =	vld.idx.msk [tilespmem:v19+s23+$0x0], $0xffff;
	_ =	sdelay $0x4  }
0x18d: {  	v19 =	vadd.f32 v19, v20;
	_ =	sdelay $0x1  }
0x18e: {  	v20 =	vmin.f32 v19, $0.0e+00  }
0x18f: {  	v20 =	vmul.f32 $2.000000030e-01, v20  }
0x190: {  	v19 =	vmax.f32 v19, $0.0e+00  }
0x191: {  	v19 =	vadd.f32 v20, v19;
	_ =	sdelay $0x1  }
0x192: {  	v19 =	vmul.f32 $1.442695020e+00, v19;
	_ =	sdelay $0x1  }
0x193: {  	(erf) = vpow2.f32 v19;
	_ =	sdelay $0x3  }
0x194: {  	v19 =	vshll.u32 v18, $0x3  }
0x195: {  	v18 =	vshll.u32 v18, $0x7;
	v19 =	vor.u32 v9, v19  }
0x196: {  	v51 =	vor.u32 v0, v18;
	_ =	sdelay $0x2  }
0x197: {  	v21 =	vpop (erf)  }
0x198: {  	[tilespmem:v19+s19+$0x0] =	vst.idx.msk $0xff, v21  }
0x199: {  	v19 =	vld.idx.msk [tilespmem:v51+s18+$0x0], $0xffff;
	_ =	sdelay $0x2  }
0x19a: {  	v23 =	vor.u32 v2, v18;
	v22 =	vperm.xlane v21, v12;
	_ =	sdelay $0x1  }
0x19b: {  	v19 =	vmul.f32 v19, v22;
	_ =	sdelay $0x1  }
0x19c: {  	[tilespmem:v51+s18+$0x0] =	vst.idx.msk $0xffff, v19  }
0x19d: {  	v19 =	vld.idx.msk [tilespmem:v23+s18+$0x0], $0xffff;
	_ =	sdelay $0x2  }
0x19e: {  	v53 =	vor.u32 v3, v18;
	v52 =	vperm.xlane v21, v14;
	_ =	sdelay $0x1  }
0x19f: {  	v19 =	vmul.f32 v19, v52;
	_ =	sdelay $0x1  }
0x1a0: {  	[tilespmem:v23+s18+$0x0] =	vst.idx.msk $0xffff, v19  }
0x1a1: {  	v19 =	vld.idx.msk [tilespmem:v53+s18+$0x0], $0xffff;
	_ =	sdelay $0x2  }
0x1a2: {  	v55 =	vor.u32 v4, v18;
	v54 =	vperm.xlane v21, v15;
	_ =	sdelay $0x1  }
0x1a3: {  	v19 =	vmul.f32 v19, v54;
	_ =	sdelay $0x1  }
0x1a4: {  	[tilespmem:v53+s18+$0x0] =	vst.idx.msk $0xffff, v19  }
0x1a5: {  	v19 =	vld.idx.msk [tilespmem:v55+s18+$0x0], $0xffff;
	_ =	sdelay $0x2  }
0x1a6: {  	v57 =	vor.u32 v5, v18;
	v56 =	vperm.xlane v21, v11;
	_ =	sdelay $0x1  }
0x1a7: {  	v19 =	vmul.f32 v19, v56;
	_ =	sdelay $0x1  }
0x1a8: {  	[tilespmem:v55+s18+$0x0] =	vst.idx.msk $0xffff, v19  }
0x1a9: {  	v19 =	vld.idx.msk [tilespmem:v57+s18+$0x0], $0xffff;
	_ =	sdelay $0x2  }
0x1aa: {  	v59 =	vor.u32 v6, v18;
	v58 =	vperm.xlane v21, v10;
	_ =	sdelay $0x1  }
0x1ab: {  	v19 =	vmul.f32 v19, v58;
	_ =	sdelay $0x1  }
0x1ac: {  	[tilespmem:v57+s18+$0x0] =	vst.idx.msk $0xffff, v19  }
0x1ad: {  	v19 =	vld.idx.msk [tilespmem:v59+s18+$0x0], $0xffff;
	_ =	sdelay $0x2  }
0x1ae: {  	v61 =	vor.u32 v7, v18;
	v60 =	vperm.xlane v21, v16;
	_ =	sdelay $0x1  }
0x1af: {  	v19 =	vmul.f32 v19, v60;
	_ =	sdelay $0x1  }
0x1b0: {  	[tilespmem:v59+s18+$0x0] =	vst.idx.msk $0xffff, v19  }
0x1b1: {  	v19 =	vld.idx.msk [tilespmem:v61+s18+$0x0], $0xffff;
	_ =	sdelay $0x2  }
0x1b2: {  	v18 =	vor.u32 v8, v18;
	v62 =	vperm.xlane v21, v17;
	_ =	sdelay $0x1  }
0x1b3: {  	v19 =	vmul.f32 v19, v62;
	_ =	sdelay $0x1  }
0x1b4: {  	[tilespmem:v61+s18+$0x0] =	vst.idx.msk $0xffff, v19  }
0x1b5: {  	v19 =	vld.idx.msk [tilespmem:v18+s18+$0x0], $0xffff;
	_ =	sdelay $0x1  }
0x1b6: {  	p0 =	sne.s32 s17, $0x7F  }
.Ltmp3:
0x1b7: {  	v63 =	vperm.xlane v21, v13;
	(pc) =	sbr.rel @p0 .LBB2_9-.Ltmp3, $3  }
0x1b8: {  	_ = 	snop  }
0x1b9: {  	v19 =	vmul.f32 v19, v63;
	_ =	sdelay $0x1  }
0x1ba: {  	s17 =	sadd.s32 $0x1, s17;
	[tilespmem:v18+s18+$0x0] =	vst.idx.msk $0xffff, v19  }
0x1bb: {  	[spmem:s2] =	stream.indirect.scatter.add.f32 [tilespmem:s18], [sflag:$0x3], $0x80, s21, s21, $0xb8;
	[tilespmem:$0x1F608] =	vst v63  }
0x1bc: {  	_ = 	snop  }
0x1bd: {  	[spmem:s3] =	stream.indirect.scatter.add.f32 [tilespmem:s19], [sflag:$0x3], $0x8, s21, s21, $0xb8;
	[tilespmem:$0x1F608] =	vst v63  }
0x1be: {  	_ =	swait.ge [sflag:s5], $0x4000  }
0x1bf: {  	[sflag:s5] =	ssyncset.done $0x0  }
0x1c0: {  	s13 =	sadd.s32 $0x2, s25;
	[sflag:s5] =	ssyncadd.s32 $0xFFFFC000  }
0x1c1: {  	s13 =	smin.u32 s13, s12;
	_ =	swait.ge [sflag:s5], $0x400  }
0x1c2: {  	s13 =	sshll.u32 s13, $0x5;
	[sflag:s5] =	ssyncset.done $0x0  }
0x1c3: {  	s14 =	simm.s32 $0x0;
	s13 =	sadd.s32 s1, s13;
	[sflag:s5] =	ssyncadd.s32 $0xFFFFFC00  }
0x1c4: {  	[tilespmem:s14], [sflag:$0x5] =	stream.linear.gather [hbm4b:s13+s14], $0x100, $0x38;
	[tilespmem:$0x1F608] =	vst v63  }
0x1c5: {  	_ =	swait.ge [sflag:s20], $0x100  }
0x1c6: {  	[sflag:s20] =	ssyncset.done $0x0  }
0x1c7: {  	[sflag:s20] =	ssyncadd.s32 $0xFFFFFF00  }
0x1c8: {  	[tilespmem:s22], [sflag:$0x1] =	stream.indirect.gather [hbm4b:s6+s21], $0x10, s14, s21, $0xb8;
	[tilespmem:$0x1F608] =	vst v63  }
0x1c9: {  	_ = 	snop  }
0x1ca: {  	[tilespmem:s23], [sflag:$0x1] =	stream.indirect.gather [hbm4b:s7+s21], $0x10, s21, s21, $0xb8;
	[tilespmem:$0x1F608] =	vst v63  }
0x1cb: {  	_ = 	snop  }
0x1cc: {  	[tilespmem:s18], [sflag:$0x1] =	stream.indirect.gather [hbm4b:s8+s21], $0x80, s14, s21, $0xb8;
	[tilespmem:$0x1F608] =	vst v63  }
0x1cd: {  	_ =	swait.ge [sflag:s4], $0x800  }
0x1ce: {  	[sflag:s4] =	ssyncset.done $0x0  }
0x1cf: {  	v18 =	vmov s14;
	[sflag:s4] =	ssyncadd.s32 $0xFFFFF800  }
0x1d0: {  	v19 =	vshll.u32 v18, $0x4;
	_ =	swait.ge [sflag:s4], $0x800  }
0x1d1: {  	v19 =	vor.u32 v0, v19;
	[sflag:s4] =	ssyncset.done $0x0  }
0x1d2: {  	[sflag:s4] =	ssyncadd.s32 $0xFFFFF800  }
0x1d3: {  	_ =	swait.ge [sflag:s4], $0x4000  }
0x1d4: {  	[sflag:s4] =	ssyncset.done $0x0  }
0x1d5: {  	[sflag:s4] =	ssyncadd.s32 $0xFFFFC000  }
0x1d6: {  	v20 =	vld.idx.msk [tilespmem:v19+s28+$0x0], $0xffff  }
0x1d7: {  	v19 =	vld.idx.msk [tilespmem:v19+s30+$0x0], $0xffff;
	_ =	sdelay $0x4  }
0x1d8: {  	v19 =	vadd.f32 v19, v20;
	_ =	sdelay $0x1  }
0x1d9: {  	v20 =	vmin.f32 v19, $0.0e+00  }
0x1da: {  	s17 =	simm.s32 $0x5;
	v20 =	vmul.f32 $2.000000030e-01, v20  }
0x1db: {  	v21 =	vmov s17;
	v19 =	vmax.f32 v19, $0.0e+00  }
0x1dc: {  	s25 =	simm.s32 $0x4;
	v19 =	vadd.f32 v20, v19;
	v20 =	vshll.u32 v21, $0x4  }
0x1dd: {  	v22 =	vmov s25;
	v20 =	vor.u32 v0, v20  }
0x1de: {  	v23 =	vshll.u32 v22, $0x4;
	v19 =	vmul.f32 $1.442695020e+00, v19  }
0x1df: {  	v23 =	vor.u32 v0, v23;
	s14 =	simm.s32 $0x3  }
0x1e0: {  	(erf) = vpow2.f32 v19;
	v19 =	vmov s14  }
0x1e1: {  	v25 =	vshll.u32 v19, $0x4  }
0x1e2: {  	s17 =	simm.s32 $0x2;
	v26 =	vshll.u32 v18, $0x3;
	v24 =	vld.idx.msk [tilespmem:v20+s28+$0x0], $0xffff;
	v25 =	vor.u32 v0, v25  }
0x1e3: {  	v31 =	vshll.u32 v18, $0x7;
	v18 =	vor.u32 v9, v26;
	v26 =	vmov s17;
	v20 =	vld.idx.msk [tilespmem:v20+s30+$0x0], $0xffff  }
0x1e4: {  	v29 =	vshll.u32 v26, $0x4;
	v27 =	vld.idx.msk [tilespmem:v23+s28+$0x0], $0xffff  }
0x1e5: {  	s25 =	simm.s32 $0x1;
	v30 =	vor.u32 v0, v29;
	v23 =	vld.idx.msk [tilespmem:v23+s30+$0x0], $0xffff  }
0x1e6: {  	v32 =	vmov s25;
	v28 =	vor.u32 v0, v31  }
0x1e7: {  	v34 =	vshll.u32 v32, $0x4;
	v33 =	vld.idx.msk [tilespmem:v25+s28+$0x0], $0xffff  }
0x1e8: {  	v20 =	vadd.f32 v20, v24;
	v24 =	vld.idx.msk [tilespmem:v25+s30+$0x0], $0xffff;
	v25 =	vor.u32 v0, v34  }
0x1e9: {  	v29 =	vpop (erf)  }
0x1ea: {  	v35 =	vld.idx.msk [tilespmem:v30+s28+$0x0], $0xffff;
	[tilespmem:v18+s10+$0x0] =	vst.idx.msk $0xff, v29;
	v18 =	vadd.f32 v23, v27;
	v27 =	vmin.f32 v20, $0.0e+00  }
0x1eb: {  	v23 =	vld.idx.msk [tilespmem:v28+s31+$0x0], $0xffff;
	v27 =	vmul.f32 $2.000000030e-01, v27  }
0x1ec: {  	v30 =	vld.idx.msk [tilespmem:v30+s30+$0x0], $0xffff;
	v20 =	vmax.f32 v20, $0.0e+00;
	v53 =	vmin.f32 v18, $0.0e+00  }
0x1ed: {  	v24 =	vadd.f32 v24, v33;
	v34 =	vmul.f32 $2.000000030e-01, v53;
	v20 =	vadd.f32 v27, v20;
	v27 =	vld.idx.msk [tilespmem:v25+s28+$0x0], $0xffff  }
0x1ee: {  	v54 =	vor.u32 v2, v31;
	v36 =	vperm.xlane v29, v12;
	v18 =	vmax.f32 v18, $0.0e+00;
	v25 =	vld.idx.msk [tilespmem:v25+s30+$0x0], $0xffff  }
0x1ef: {  	v33 =	vmin.f32 v24, $0.0e+00;
	v18 =	vadd.f32 v34, v18;
	v20 =	vmul.f32 $1.442695020e+00, v20  }
0x1f0: {  	v24 =	vmax.f32 v24, $0.0e+00;
	v33 =	vmul.f32 $2.000000030e-01, v33;
	v23 =	vmul.f32 v23, v36  }
0x1f1: {  	v18 =	vmul.f32 $1.442695020e+00, v18;
	(erf) = vpow2.f32 v20;
	v20 =	vadd.f32 v30, v35  }
0x1f2: {  	v30 =	vshll.u32 v21, $0x7;
	v21 =	vshll.u32 v21, $0x3;
	v24 =	vadd.f32 v33, v24  }
0x1f3: {  	v25 =	vadd.f32 v25, v27;
	(erf) = vpow2.f32 v18;
	v18 =	vmin.f32 v20, $0.0e+00  }
0x1f4: {  	v27 =	vor.u32 v0, v30;
	v21 =	vor.u32 v9, v21;
	v18 =	vmul.f32 $2.000000030e-01, v18  }
0x1f5: {  	v24 =	vmul.f32 $1.442695020e+00, v24;
	v20 =	vmax.f32 v20, $0.0e+00;
	v55 =	vmin.f32 v25, $0.0e+00  }
0x1f6: {  	[tilespmem:v28+s31+$0x0] =	vst.idx.msk $0xffff, v23;
	v28 =	vshll.u32 v22, $0x7;
	v18 =	vadd.f32 v18, v20;
	v20 =	vmul.f32 $2.000000030e-01, v55  }
0x1f7: {  	v22 =	vshll.u32 v22, $0x3;
	v23 =	vmax.f32 v25, $0.0e+00;
	(erf) = vpow2.f32 v24  }
0x1f8: {  	v22 =	vor.u32 v9, v22;
	v25 =	vld.idx.msk [tilespmem:v54+s31+$0x0], $0xffff;
	v18 =	vmul.f32 $1.442695020e+00, v18;
	v20 =	vadd.f32 v20, v23  }
0x1f9: {  	v37 =	vor.u32 v3, v31;
	v56 =	vor.u32 v0, v28  }
0x1fa: {  	v46 =	vor.u32 v4, v31;
	s14 =	simm.s32 $0x6;
	v24 =	vpop (erf);
	(erf) = vpow2.f32 v18;
	v18 =	vmul.f32 $1.442695020e+00, v20  }
0x1fb: {  	v36 =	vmov s14;
	v20 =	vshll.u32 v19, $0x3;
	[tilespmem:v21+s10+$0x0] =	vst.idx.msk $0xff, v24;
	v21 =	vperm.xlane v29, v14  }
0x1fc: {  	v33 =	vshll.u32 v19, $0x7;
	v20 =	vor.u32 v9, v20;
	v23 =	vpop (erf);
	v38 =	vld.idx.msk [tilespmem:v27+s31+$0x0], $0xffff;
	(erf) = vpow2.f32 v18  }
0x1fd: {  	v18 =	vshll.u32 v36, $0x4;
	v19 =	vmul.f32 v25, v21;
	v21 =	vor.u32 v0, v33;
	[tilespmem:v22+s10+$0x0] =	vst.idx.msk $0xff, v23  }
0x1fe: {  	v61 =	vperm.xlane v29, v15;
	v39 =	vor.u32 v0, v18;
	v18 =	vshll.u32 v26, $0x3;
	v40 =	vld.idx.msk [tilespmem:v56+s31+$0x0], $0xffff  }
0x1ff: {  	[tilespmem:v54+s31+$0x0] =	vst.idx.msk $0xffff, v19;
	v19 =	vor.u32 v9, v18;
	v18 =	vperm.xlane v24, v12  }
0x200: {  	v41 =	vor.u32 v2, v30;
	v26 =	vshll.u32 v26, $0x7;
	v25 =	vshll.u32 v32, $0x3;
	v22 =	vpop (erf)  }
0x201: {  	v42 =	vperm.xlane v23, v12;
	[tilespmem:v20+s10+$0x0] =	vst.idx.msk $0xff, v22;
	v20 =	vld.idx.msk [tilespmem:v37+s31+$0x0], $0xffff;
	v18 =	vmul.f32 v38, v18  }
0x202: {  	v57 =	vor.u32 v0, v26;
	v58 =	vor.u32 v9, v25;
	v25 =	vshll.u32 v32, $0x7;
	v59 =	vld.idx.msk [tilespmem:v21+s31+$0x0], $0xffff  }
0x203: {  	v45 =	vor.u32 v0, v25;
	[tilespmem:v27+s31+$0x0] =	vst.idx.msk $0xffff, v18;
	v27 =	vmul.f32 v40, v42  }
0x204: {  	v35 =	vor.u32 v2, v33;
	v43 =	vor.u32 v2, v28;
	v63 =	vperm.xlane v24, v14;
	v44 =	vld.idx.msk [tilespmem:v39+s28+$0x0], $0xffff  }
0x205: {  	v55 =	vperm.xlane v23, v14;
	v48 =	vperm.xlane v22, v12;
	v60 =	vld.idx.msk [tilespmem:v41+s31+$0x0], $0xffff;
	v18 =	vpop (erf);
	[tilespmem:v56+s31+$0x0] =	vst.idx.msk $0xffff, v27  }
0x206: {  	v51 =	vperm.xlane v23, v15;
	v27 =	vld.idx.msk [tilespmem:v39+s30+$0x0], $0xffff;
	v20 =	vmul.f32 v20, v61;
	[tilespmem:v19+s10+$0x0] =	vst.idx.msk $0xff, v18;
	v19 =	vpop (erf)  }
0x207: {  	v53 =	vor.u32 v2, v26;
	v47 =	vld.idx.msk [tilespmem:v57+s31+$0x0], $0xffff;
	[tilespmem:v58+s10+$0x0] =	vst.idx.msk $0xff, v19;
	v32 =	vmul.f32 v59, v48  }
0x208: {  	v50 =	vor.u32 v2, v25;
	v38 =	vor.u32 v5, v31;
	[tilespmem:v37+s31+$0x0] =	vst.idx.msk $0xffff, v20;
	v52 =	vld.idx.msk [tilespmem:v45+s31+$0x0], $0xffff  }
0x209: {  	v42 =	vor.u32 v3, v30;
	v62 =	vld.idx.msk [tilespmem:v43+s31+$0x0], $0xffff;
	v20 =	vperm.xlane v18, v12;
	[tilespmem:v21+s31+$0x0] =	vst.idx.msk $0xffff, v32  }
0x20a: {  	v40 =	vor.u32 v3, v28;
	v49 =	vperm.xlane v19, v12;
	v21 =	vmul.f32 v60, v63;
	v56 =	vld.idx.msk [tilespmem:v35+s31+$0x0], $0xffff  }
0x20b: {  	v48 =	vperm.xlane v18, v14;
	v37 =	vor.u32 v5, v28;
	v54 =	vld.idx.msk [tilespmem:v46+s31+$0x0], $0xffff;
	v60 =	vperm.xlane v22, v14  }
0x20c: {  	v63 =	vperm.xlane v24, v15;
	[tilespmem:v41+s31+$0x0] =	vst.idx.msk $0xffff, v21;
	v20 =	vmul.f32 v47, v20  }
0x20d: {  	v21 =	vadd.f32 v27, v44;
	v47 =	vor.u32 v3, v25;
	v58 =	vmul.f32 v52, v49  }
0x20e: {  	v27 =	vld.idx.msk [tilespmem:v42+s31+$0x0], $0xffff;
	[tilespmem:v57+s31+$0x0] =	vst.idx.msk $0xffff, v20;
	v20 =	vmul.f32 v62, v55;
	v57 =	vperm.xlane v29, v11  }
0x20f: {  	v44 =	vmin.f32 v21, $0.0e+00;
	v49 =	vor.u32 v3, v33;
	[tilespmem:v45+s31+$0x0] =	vst.idx.msk $0xffff, v58;
	v62 =	vmul.f32 v56, v60  }
0x210: {  	v52 =	vperm.xlane v19, v14;
	v59 =	vld.idx.msk [tilespmem:v53+s31+$0x0], $0xffff;
	[tilespmem:v43+s31+$0x0] =	vst.idx.msk $0xffff, v20;
	v32 =	vmul.f32 v54, v57  }
0x211: {  	v21 =	vmax.f32 v21, $0.0e+00;
	v45 =	vor.u32 v4, v30;
	v20 =	vmul.f32 $2.000000030e-01, v44;
	v39 =	vld.idx.msk [tilespmem:v50+s31+$0x0], $0xffff;
	[tilespmem:v35+s31+$0x0] =	vst.idx.msk $0xffff, v62  }
0x212: {  	v58 =	vperm.xlane v24, v11;
	v43 =	vor.u32 v4, v28;
	v61 =	vld.idx.msk [tilespmem:v40+s31+$0x0], $0xffff;
	[tilespmem:v46+s31+$0x0] =	vst.idx.msk $0xffff, v32  }
0x213: {  	v27 =	vmul.f32 v27, v63;
	v46 =	vor.u32 v3, v26;
	v20 =	vadd.f32 v20, v21;
	v21 =	vld.idx.msk [tilespmem:v38+s31+$0x0], $0xffff  }
0x214: {  	v54 =	vperm.xlane v29, v10;
	v57 =	vperm.xlane v22, v15;
	v44 =	vor.u32 v4, v33;
	v35 =	vld.idx.msk [tilespmem:v49+s31+$0x0], $0xffff  }
0x215: {  	[tilespmem:v42+s31+$0x0] =	vst.idx.msk $0xffff, v27;
	v42 =	vor.u32 v6, v31;
	v32 =	vmul.f32 v59, v48;
	v20 =	vmul.f32 $1.442695020e+00, v20  }
0x216: {  	v59 =	vperm.xlane v18, v15;
	v48 =	vor.u32 v6, v28;
	v55 =	vmul.f32 v39, v52  }
0x217: {  	v52 =	vperm.xlane v23, v11;
	[tilespmem:v53+s31+$0x0] =	vst.idx.msk $0xffff, v32;
	v27 =	vmul.f32 v61, v51;
	v53 =	vld.idx.msk [tilespmem:v45+s31+$0x0], $0xffff  }
0x218: {  	(erf) = vpow2.f32 v20;
	v56 =	vld.idx.msk [tilespmem:v46+s31+$0x0], $0xffff;
	[tilespmem:v50+s31+$0x0] =	vst.idx.msk $0xffff, v55;
	v20 =	vmul.f32 v21, v54  }
0x219: {  	v61 =	vshll.u32 v36, $0x3;
	[tilespmem:v40+s31+$0x0] =	vst.idx.msk $0xffff, v27;
	v21 =	vmul.f32 v35, v57;
	v60 =	vld.idx.msk [tilespmem:v47+s31+$0x0], $0xffff  }
0x21a: {  	v51 =	vor.u32 v5, v26;
	v35 =	vor.u32 v5, v30;
	v27 =	vld.idx.msk [tilespmem:v43+s31+$0x0], $0xffff;
	[tilespmem:v38+s31+$0x0] =	vst.idx.msk $0xffff, v20  }
0x21b: {  	v41 =	vor.u32 v9, v61;
	v38 =	vor.u32 v4, v26;
	[tilespmem:v49+s31+$0x0] =	vst.idx.msk $0xffff, v21  }
0x21c: {  	v49 =	vor.u32 v4, v25;
	v21 =	vmul.f32 v53, v58;
	v63 =	vld.idx.msk [tilespmem:v44+s31+$0x0], $0xffff;
	v53 =	vperm.xlane v19, v15  }
0x21d: {  	v61 =	vperm.xlane v24, v10;
	v50 =	vor.u32 v6, v30;
	v54 =	vld.idx.msk [tilespmem:v42+s31+$0x0], $0xffff;
	v62 =	vmul.f32 v56, v59  }
0x21e: {  	v20 =	vshll.u32 v36, $0x7;
	v58 =	vperm.xlane v22, v11;
	[tilespmem:v45+s31+$0x0] =	vst.idx.msk $0xffff, v21;
	v56 =	vmul.f32 v60, v53  }
0x21f: {  	v59 =	vperm.xlane v29, v16;
	[tilespmem:v46+s31+$0x0] =	vst.idx.msk $0xffff, v62;
	v21 =	vmul.f32 v27, v52;
	v55 =	vld.idx.msk [tilespmem:v35+s31+$0x0], $0xffff  }
0x220: {  	v45 =	vor.u32 v5, v33;
	v53 =	vor.u32 v5, v25;
	v57 =	vld.idx.msk [tilespmem:v38+s31+$0x0], $0xffff;
	[tilespmem:v47+s31+$0x0] =	vst.idx.msk $0xffff, v56  }
0x221: {  	v27 =	vor.u32 v0, v20;
	[tilespmem:v43+s31+$0x0] =	vst.idx.msk $0xffff, v21;
	v34 =	vmul.f32 v63, v58;
	v47 =	vld.idx.msk [tilespmem:v49+s31+$0x0], $0xffff  }
0x222: {  	v46 =	vor.u32 v7, v31;
	v62 =	vperm.xlane v18, v11;
	v43 =	vmul.f32 v54, v59;
	v60 =	vld.idx.msk [tilespmem:v37+s31+$0x0], $0xffff  }
0x223: {  	v52 =	vperm.xlane v19, v11;
	v31 =	vor.u32 v8, v31;
	[tilespmem:v44+s31+$0x0] =	vst.idx.msk $0xffff, v34  }
0x224: {  	v63 =	vperm.xlane v23, v10;
	v21 =	vpop (erf);
	[tilespmem:v42+s31+$0x0] =	vst.idx.msk $0xffff, v43;
	v32 =	vmul.f32 v55, v61  }
0x225: {  	s17 =	simm.s32 $0xB;
	v54 =	vor.u32 v6, v26;
	[tilespmem:v41+s10+$0x0] =	vst.idx.msk $0xff, v21;
	v44 =	vld.idx.msk [tilespmem:v45+s31+$0x0], $0xffff;
	v39 =	vmul.f32 v57, v62  }
0x226: {  	v34 =	vmov s17;
	v42 =	vor.u32 v6, v33;
	v40 =	vld.idx.msk [tilespmem:v27+s31+$0x0], $0xffff;
	[tilespmem:v35+s31+$0x0] =	vst.idx.msk $0xffff, v32;
	v59 =	vmul.f32 v47, v52  }
0x227: {  	v56 =	vshll.u32 v34, $0x4;
	[tilespmem:v38+s31+$0x0] =	vst.idx.msk $0xffff, v39;
	v57 =	vmul.f32 v60, v63;
	v58 =	vld.idx.msk [tilespmem:v50+s31+$0x0], $0xffff  }
0x228: {  	s25 =	simm.s32 $0xA;
	v61 =	vperm.xlane v24, v16;
	v32 =	vor.u32 v0, v56;
	v39 =	vld.idx.msk [tilespmem:v51+s31+$0x0], $0xffff;
	[tilespmem:v49+s31+$0x0] =	vst.idx.msk $0xffff, v59  }
0x229: {  	v62 =	vperm.xlane v18, v10;
	v35 =	vmov s25;
	v60 =	vperm.xlane v22, v10;
	[tilespmem:v37+s31+$0x0] =	vst.idx.msk $0xffff, v57;
	v37 =	vld.idx.msk [tilespmem:v46+s31+$0x0], $0xffff  }
0x22a: {  	v56 =	vor.u32 v7, v28;
	v38 =	vperm.xlane v29, v13;
	v29 =	vperm.xlane v29, v17;
	v47 =	vld.idx.msk [tilespmem:v53+s31+$0x0], $0xffff  }
0x22b: {  	v63 =	vperm.xlane v23, v16;
	v49 =	vor.u32 v7, v30;
	v41 =	vmul.f32 v44, v60;
	v43 =	vld.idx.msk [tilespmem:v48+s31+$0x0], $0xffff  }
0x22c: {  	v60 =	vshll.u32 v35, $0x4;
	v57 =	vor.u32 v6, v25;
	v36 =	vmul.f32 v58, v61  }
0x22d: {  	v55 =	vld.idx.msk [tilespmem:v32+s28+$0x0], $0xffff;
	[tilespmem:v45+s31+$0x0] =	vst.idx.msk $0xffff, v41;
	v61 =	vperm.xlane v19, v10;
	v58 =	vperm.xlane v21, v12  }
0x22e: {  	v59 =	vperm.xlane v22, v16;
	v45 =	vor.u32 v0, v60;
	v44 =	vld.idx.msk [tilespmem:v42+s31+$0x0], $0xffff;
	v39 =	vmul.f32 v39, v62  }
0x22f: {  	[tilespmem:v50+s31+$0x0] =	vst.idx.msk $0xffff, v36;
	v50 =	vld.idx.msk [tilespmem:v32+s30+$0x0], $0xffff;
	v47 =	vmul.f32 v47, v61;
	v41 =	vmul.f32 v40, v58  }
0x230: {  	v29 =	vmul.f32 v37, v29;
	[tilespmem:v51+s31+$0x0] =	vst.idx.msk $0xffff, v39;
	v62 =	vmul.f32 v43, v63;
	v63 =	vld.idx.msk [tilespmem:v49+s31+$0x0], $0xffff  }
0x231: {  	s14 =	simm.s32 $0x9;
	v61 =	vperm.xlane v24, v17;
	v43 =	vor.u32 v7, v33;
	v51 =	vld.idx.msk [tilespmem:v54+s31+$0x0], $0xffff;
	[tilespmem:v53+s31+$0x0] =	vst.idx.msk $0xffff, v47  }
0x232: {  	v36 =	vor.u32 v8, v30;
	v37 =	vmov s14;
	v30 =	vperm.xlane v18, v16;
	[tilespmem:v46+s31+$0x0] =	vst.idx.msk $0xffff, v29;
	v52 =	vld.idx.msk [tilespmem:v57+s31+$0x0], $0xffff  }
0x233: {  	v58 =	vld.idx.msk [tilespmem:v45+s28+$0x0], $0xffff;
	[tilespmem:v48+s31+$0x0] =	vst.idx.msk $0xffff, v62;
	v60 =	vmul.f32 v44, v59;
	v62 =	vshll.u32 v37, $0x4  }
0x234: {  	v44 =	vor.u32 v7, v26;
	v59 =	vperm.xlane v19, v16;
	v40 =	vld.idx.msk [tilespmem:v56+s31+$0x0], $0xffff;
	v47 =	vor.u32 v0, v62  }
0x235: {  	v29 =	vadd.f32 v50, v55;
	[tilespmem:v42+s31+$0x0] =	vst.idx.msk $0xffff, v60;
	v50 =	vld.idx.msk [tilespmem:v45+s30+$0x0], $0xffff;
	v63 =	vmul.f32 v63, v61  }
0x236: {  	s17 =	simm.s32 $0x8;
	v32 =	vor.u32 v2, v20;
	v45 =	vor.u32 v7, v25;
	v55 =	vld.idx.msk [tilespmem:v43+s31+$0x0], $0xffff;
	v30 =	vmul.f32 v51, v30  }
0x237: {  	v39 =	vmov s17;
	v46 =	vld.idx.msk [tilespmem:v31+s31+$0x0], $0xffff;
	v60 =	vperm.xlane v23, v17;
	v52 =	vmul.f32 v52, v59;
	[tilespmem:v49+s31+$0x0] =	vst.idx.msk $0xffff, v63  }
0x238: {  	v61 =	vmin.f32 v29, $0.0e+00;
	v63 =	vshll.u32 v39, $0x4;
	[tilespmem:v54+s31+$0x0] =	vst.idx.msk $0xffff, v30;
	v30 =	vor.u32 v8, v28;
	v42 =	vld.idx.msk [tilespmem:v36+s31+$0x0], $0xffff  }
0x239: {  	v59 =	vperm.xlane v22, v17;
	v62 =	vmul.f32 v40, v60;
	v28 =	vor.u32 v8, v33;
	v48 =	vld.idx.msk [tilespmem:v44+s31+$0x0], $0xffff  }
0x23a: {  	s25 =	simm.s32 $0x7;
	v53 =	vmul.f32 $2.000000030e-01, v61;
	v51 =	vor.u32 v0, v63;
	v49 =	vld.idx.msk [tilespmem:v47+s28+$0x0], $0xffff;
	[tilespmem:v57+s31+$0x0] =	vst.idx.msk $0xffff, v52  }
0x23b: {  	s13 =	simm.s32 $0xC;
	v40 =	vmov s25;
	v52 =	vadd.f32 v50, v58;
	v33 =	vld.idx.msk [tilespmem:v45+s31+$0x0], $0xffff;
	v50 =	vmul.f32 v55, v59;
	[tilespmem:v56+s31+$0x0] =	vst.idx.msk $0xffff, v62  }
.LBB2_11:
0x23c: {  	p0 =	slt.u32 s13, $0x78;
	v54 =	vshll.u32 v40, $0x4;
	v47 =	vld.idx.msk [tilespmem:v47+s30+$0x0], $0xffff;
	v55 =	vperm.xlane v18, v17;
	v26 =	vor.u32 v8, v26  }
0x23d: {  	v29 =	vmax.f32 v29, $0.0e+00;
	v54 =	vor.u32 v0, v54;
	v56 =	vmin.f32 v52, $0.0e+00;
	[tilespmem:v43+s31+$0x0] =	vst.idx.msk $0xffff, v50;
	v43 =	vld.idx.msk [tilespmem:v30+s31+$0x0], $0xffff  }
0x23e: {  	v29 =	vadd.f32 v53, v29;
	v50 =	vmul.f32 $2.000000030e-01, v56;
	v48 =	vmul.f32 v48, v55;
	v53 =	vld.idx.msk [tilespmem:v28+s31+$0x0], $0xffff  }
0x23f: {  	v25 =	vor.u32 v8, v25;
	v52 =	vmax.f32 v52, $0.0e+00;
	v56 =	vperm.xlane v19, v17;
	v55 =	vld.idx.msk [tilespmem:v51+s28+$0x0], $0xffff  }
0x240: {  	v38 =	vmul.f32 v46, v38;
	v51 =	vld.idx.msk [tilespmem:v51+s30+$0x0], $0xffff;
	v50 =	vadd.f32 v50, v52;
	[tilespmem:v44+s31+$0x0] =	vst.idx.msk $0xffff, v48  }
0x241: {  	v44 =	vmul.f32 $1.442695020e+00, v29;
	v29 =	vshll.u32 v34, $0x7;
	v33 =	vmul.f32 v33, v56;
	v46 =	vld.idx.msk [tilespmem:v26+s31+$0x0], $0xffff  }
0x242: {  	v24 =	vperm.xlane v24, v13;
	v47 =	vadd.f32 v47, v49;
	v48 =	vld.idx.msk [tilespmem:v54+s28+$0x0], $0xffff;
	v49 =	vmul.f32 $1.442695020e+00, v50  }
0x243: {  	v34 =	vshll.u32 v34, $0x3;
	v52 =	vor.u32 v0, v29;
	v50 =	vld.idx.msk [tilespmem:v54+s30+$0x0], $0xffff;
	(erf) = vpow2.f32 v44;
	[tilespmem:v45+s31+$0x0] =	vst.idx.msk $0xffff, v33  }
0x244: {  	v24 =	vmul.f32 v42, v24;
	v33 =	vmin.f32 v47, $0.0e+00;
	(erf) = vpow2.f32 v49;
	v44 =	vld.idx.msk [tilespmem:v25+s31+$0x0], $0xffff  }
0x245: {  	v23 =	vperm.xlane v23, v13;
	[tilespmem:v27+s31+$0x0] =	vst.idx.msk $0xffff, v41;
	v27 =	vmul.f32 $2.000000030e-01, v33;
	v33 =	vor.u32 v9, v34  }
0x246: {  	v22 =	vperm.xlane v22, v13;
	v34 =	vadd.f32 v51, v55;
	v41 =	vmax.f32 v47, $0.0e+00;
	[tilespmem:v31+s31+$0x0] =	vst.idx.msk $0xffff, v38  }
0x247: {  	v18 =	vperm.xlane v18, v13;
	v23 =	vmul.f32 v43, v23;
	v27 =	vadd.f32 v27, v41  }
0x248: {  	v19 =	vperm.xlane v19, v13;
	v22 =	vmul.f32 v53, v22;
	v31 =	vmin.f32 v34, $0.0e+00;
	[tilespmem:v36+s31+$0x0] =	vst.idx.msk $0xffff, v24  }
0x249: {  	v18 =	vmul.f32 v46, v18;
	v36 =	vadd.f32 v50, v48;
	v31 =	vmul.f32 $2.000000030e-01, v31;
	[tilespmem:v30+s31+$0x0] =	vst.idx.msk $0xffff, v23  }
0x24a: {  	v23 =	vmax.f32 v34, $0.0e+00;
	v27 =	vmul.f32 $1.442695020e+00, v27;
	v19 =	vmul.f32 v44, v19;
	[tilespmem:v28+s31+$0x0] =	vst.idx.msk $0xffff, v22  }
0x24b: {  	v22 =	vmin.f32 v36, $0.0e+00;
	v30 =	vadd.f32 v31, v23;
	v28 =	vshll.u32 v35, $0x7;
	[tilespmem:v26+s31+$0x0] =	vst.idx.msk $0xffff, v18  }
0x24c: {  	v22 =	vmul.f32 $2.000000030e-01, v22;
	v26 =	vshll.u32 v35, $0x3;
	v18 =	vld.idx.msk [tilespmem:v32+s31+$0x0], $0xffff;
	(erf) = vpow2.f32 v27;
	v24 =	vpop (erf);
	[tilespmem:v25+s31+$0x0] =	vst.idx.msk $0xffff, v19  }
0x24d: {  	v19 =	vmax.f32 v36, $0.0e+00;
	v25 =	vmul.f32 $1.442695020e+00, v30;
	v26 =	vor.u32 v9, v26;
	v23 =	vpop (erf)  }
0x24e: {  	v30 =	vor.u32 v0, v28;
	v19 =	vadd.f32 v22, v19  }
0x24f: {  	v31 =	vor.u32 v3, v20;
	v27 =	vmov s13;
	[tilespmem:v33+s10+$0x0] =	vst.idx.msk $0xff, v24;
	(erf) = vpow2.f32 v25  }
0x250: {  	v22 =	vperm.xlane v21, v14;
	v19 =	vmul.f32 $1.442695020e+00, v19;
	v25 =	vshll.u32 v37, $0x3;
	v34 =	vld.idx.msk [tilespmem:v52+s31+$0x0], $0xffff  }
0x251: {  	v35 =	vshll.u32 v27, $0x4;
	v33 =	vshll.u32 v37, $0x7;
	v25 =	vor.u32 v9, v25  }
0x252: {  	v36 =	vor.u32 v0, v33;
	v18 =	vmul.f32 v18, v22;
	[tilespmem:v26+s10+$0x0] =	vst.idx.msk $0xff, v23;
	(erf) = vpow2.f32 v19  }
0x253: {  	v41 =	vshll.u32 v39, $0x3;
	v37 =	vor.u32 v2, v29;
	v19 =	vor.u32 v0, v35;
	v35 =	vld.idx.msk [tilespmem:v30+s31+$0x0], $0xffff  }
0x254: {  	v26 =	vshll.u32 v39, $0x7;
	[tilespmem:v32+s31+$0x0] =	vst.idx.msk $0xffff, v18;
	v32 =	vor.u32 v9, v41;
	v18 =	vperm.xlane v24, v12  }
0x255: {  	v39 =	vor.u32 v0, v26;
	v38 =	vld.idx.msk [tilespmem:v31+s31+$0x0], $0xffff;
	v22 =	vpop (erf)  }
0x256: {  	v42 =	vor.u32 v2, v28;
	v41 =	vshll.u32 v40, $0x3;
	[tilespmem:v25+s10+$0x0] =	vst.idx.msk $0xff, v22;
	v45 =	vmul.f32 v34, v18  }
0x257: {  	v34 =	vor.u32 v9, v41;
	v25 =	vshll.u32 v40, $0x7;
	v41 =	vperm.xlane v23, v12;
	v40 =	vld.idx.msk [tilespmem:v36+s31+$0x0], $0xffff  }
0x258: {  	v44 =	vor.u32 v0, v25;
	v43 =	vld.idx.msk [tilespmem:v19+s28+$0x0], $0xffff;
	[tilespmem:v52+s31+$0x0] =	vst.idx.msk $0xffff, v45;
	v18 =	vpop (erf)  }
0x259: {  	[tilespmem:v32+s10+$0x0] =	vst.idx.msk $0xff, v18;
	v32 =	vmul.f32 v35, v41;
	v35 =	vld.idx.msk [tilespmem:v37+s31+$0x0], $0xffff  }
0x25a: {  	v45 =	vor.u32 v4, v20;
	v41 =	vperm.xlane v21, v15;
	v46 =	vld.idx.msk [tilespmem:v39+s31+$0x0], $0xffff  }
0x25b: {  	v49 =	vor.u32 v2, v33;
	v48 =	vperm.xlane v22, v12;
	v47 =	vld.idx.msk [tilespmem:v19+s30+$0x0], $0xffff;
	[tilespmem:v30+s31+$0x0] =	vst.idx.msk $0xffff, v32;
	v19 =	vpop (erf)  }
0x25c: {  	v30 =	vmul.f32 v38, v41;
	[tilespmem:v34+s10+$0x0] =	vst.idx.msk $0xff, v19;
	v32 =	vld.idx.msk [tilespmem:v42+s31+$0x0], $0xffff  }
0x25d: {  	v41 =	vor.u32 v3, v29;
	v38 =	vmul.f32 v40, v48;
	v40 =	vperm.xlane v24, v14;
	v34 =	vld.idx.msk [tilespmem:v44+s31+$0x0], $0xffff  }
0x25e: {  	[tilespmem:v31+s31+$0x0] =	vst.idx.msk $0xffff, v30;
	v30 =	vperm.xlane v18, v12;
	v31 =	vor.u32 v2, v26  }
0x25f: {  	v35 =	vmul.f32 v35, v40;
	v48 =	vld.idx.msk [tilespmem:v45+s31+$0x0], $0xffff;
	[tilespmem:v36+s31+$0x0] =	vst.idx.msk $0xffff, v38  }
0x260: {  	v40 =	vor.u32 v3, v28;
	v38 =	vperm.xlane v23, v14;
	v30 =	vmul.f32 v46, v30;
	v36 =	vld.idx.msk [tilespmem:v49+s31+$0x0], $0xffff  }
0x261: {  	v50 =	vor.u32 v2, v25;
	v46 =	vperm.xlane v19, v12;
	[tilespmem:v37+s31+$0x0] =	vst.idx.msk $0xffff, v35  }
0x262: {  	v35 =	vadd.f32 v47, v43;
	[tilespmem:v39+s31+$0x0] =	vst.idx.msk $0xffff, v30;
	v30 =	vmul.f32 v32, v38;
	v32 =	vld.idx.msk [tilespmem:v41+s31+$0x0], $0xffff  }
0x263: {  	v37 =	vperm.xlane v21, v11;
	v38 =	vor.u32 v5, v20;
	v34 =	vmul.f32 v34, v46;
	v39 =	vld.idx.msk [tilespmem:v31+s31+$0x0], $0xffff  }
0x264: {  	v47 =	vor.u32 v3, v33;
	v46 =	vperm.xlane v22, v14;
	v43 =	vmin.f32 v35, $0.0e+00;
	[tilespmem:v42+s31+$0x0] =	vst.idx.msk $0xffff, v30  }
0x265: {  	v30 =	vmul.f32 $2.000000030e-01, v43;
	v37 =	vmul.f32 v48, v37;
	[tilespmem:v44+s31+$0x0] =	vst.idx.msk $0xffff, v34;
	v34 =	vld.idx.msk [tilespmem:v40+s31+$0x0], $0xffff  }
0x266: {  	v43 =	vperm.xlane v24, v15;
	v36 =	vmul.f32 v36, v46;
	v44 =	vor.u32 v4, v29;
	v42 =	vld.idx.msk [tilespmem:v50+s31+$0x0], $0xffff  }
0x267: {  	v35 =	vmax.f32 v35, $0.0e+00;
	[tilespmem:v45+s31+$0x0] =	vst.idx.msk $0xffff, v37;
	v37 =	vperm.xlane v18, v14;
	v45 =	vor.u32 v3, v26  }
0x268: {  	v30 =	vadd.f32 v30, v35;
	v32 =	vmul.f32 v32, v43;
	v35 =	vld.idx.msk [tilespmem:v38+s31+$0x0], $0xffff;
	[tilespmem:v49+s31+$0x0] =	vst.idx.msk $0xffff, v36  }
0x269: {  	v43 =	vor.u32 v4, v28;
	v36 =	vmul.f32 v39, v37;
	v37 =	vld.idx.msk [tilespmem:v47+s31+$0x0], $0xffff;
	v39 =	vperm.xlane v23, v15  }
0x26a: {  	v48 =	vor.u32 v3, v25;
	v46 =	vperm.xlane v19, v14;
	[tilespmem:v41+s31+$0x0] =	vst.idx.msk $0xffff, v32  }
0x26b: {  	v30 =	vmul.f32 $1.442695020e+00, v30;
	[tilespmem:v31+s31+$0x0] =	vst.idx.msk $0xffff, v36;
	v31 =	vmul.f32 v34, v39;
	v32 =	vld.idx.msk [tilespmem:v44+s31+$0x0], $0xffff  }
0x26c: {  	v34 =	vperm.xlane v21, v10;
	v36 =	vor.u32 v6, v20;
	v39 =	vmul.f32 v42, v46;
	v41 =	vld.idx.msk [tilespmem:v45+s31+$0x0], $0xffff  }
0x26d: {  	v42 =	vperm.xlane v22, v15;
	v46 =	vor.u32 v4, v33;
	[tilespmem:v40+s31+$0x0] =	vst.idx.msk $0xffff, v31  }
0x26e: {  	(erf) = vpow2.f32 v30;
	v30 =	vmul.f32 v35, v34;
	[tilespmem:v50+s31+$0x0] =	vst.idx.msk $0xffff, v39;
	v31 =	vld.idx.msk [tilespmem:v43+s31+$0x0], $0xffff  }
0x26f: {  	v35 =	vmul.f32 v37, v42;
	v37 =	vperm.xlane v24, v11;
	v39 =	vor.u32 v5, v29;
	v34 =	vld.idx.msk [tilespmem:v48+s31+$0x0], $0xffff  }
0x270: {  	[tilespmem:v38+s31+$0x0] =	vst.idx.msk $0xffff, v30;
	v30 =	vperm.xlane v18, v15;
	v38 =	vor.u32 v4, v26  }
0x271: {  	v40 =	vshll.u32 v27, $0x3;
	v42 =	vshll.u32 v27, $0x7;
	v27 =	vmul.f32 v32, v37;
	[tilespmem:v47+s31+$0x0] =	vst.idx.msk $0xffff, v35  }
0x272: {  	v37 =	vor.u32 v5, v28;
	v35 =	vperm.xlane v23, v11;
	v30 =	vmul.f32 v41, v30;
	v32 =	vld.idx.msk [tilespmem:v46+s31+$0x0], $0xffff  }
0x273: {  	v49 =	vor.u32 v4, v25;
	v47 =	vperm.xlane v19, v15;
	v41 =	vld.idx.msk [tilespmem:v36+s31+$0x0], $0xffff;
	[tilespmem:v44+s31+$0x0] =	vst.idx.msk $0xffff, v27  }
0x274: {  	v40 =	vor.u32 v9, v40;
	v50 =	vmul.f32 v31, v35;
	[tilespmem:v45+s31+$0x0] =	vst.idx.msk $0xffff, v30;
	v31 =	vld.idx.msk [tilespmem:v39+s31+$0x0], $0xffff  }
0x275: {  	v27 =	vor.u32 v0, v42;
	v34 =	vmul.f32 v34, v47;
	v35 =	vld.idx.msk [tilespmem:v38+s31+$0x0], $0xffff  }
0x276: {  	v44 =	vperm.xlane v22, v11;
	v45 =	vor.u32 v5, v33;
	[tilespmem:v43+s31+$0x0] =	vst.idx.msk $0xffff, v50  }
0x277: {  	v47 =	vor.u32 v7, v20;
	v43 =	vperm.xlane v21, v16;
	v30 =	vpop (erf);
	[tilespmem:v48+s31+$0x0] =	vst.idx.msk $0xffff, v34;
	v48 =	vld.idx.msk [tilespmem:v37+s31+$0x0], $0xffff  }
0x278: {  	v51 =	vor.u32 v6, v29;
	v32 =	vmul.f32 v32, v44;
	v44 =	vperm.xlane v24, v10;
	v50 =	vld.idx.msk [tilespmem:v49+s31+$0x0], $0xffff  }
0x279: {  	s14 =	sadd.s32 $0x5, s13;
	v52 =	vor.u32 v5, v26;
	[tilespmem:v40+s10+$0x0] =	vst.idx.msk $0xff, v30;
	v40 =	vperm.xlane v18, v11  }
0x27a: {  	v34 =	vmov s14;
	v41 =	vmul.f32 v41, v43;
	v31 =	vmul.f32 v31, v44;
	v53 =	vld.idx.msk [tilespmem:v27+s31+$0x0], $0xffff;
	[tilespmem:v46+s31+$0x0] =	vst.idx.msk $0xffff, v32  }
0x27b: {  	v44 =	vor.u32 v6, v28;
	v32 =	vmul.f32 v35, v40;
	v35 =	vld.idx.msk [tilespmem:v45+s31+$0x0], $0xffff;
	v40 =	vperm.xlane v23, v10  }
0x27c: {  	v54 =	vor.u32 v5, v25;
	v43 =	vshll.u32 v34, $0x4;
	v46 =	vperm.xlane v19, v11;
	[tilespmem:v39+s31+$0x0] =	vst.idx.msk $0xffff, v31  }
0x27d: {  	v39 =	vor.u32 v0, v43;
	[tilespmem:v38+s31+$0x0] =	vst.idx.msk $0xffff, v32;
	v31 =	vmul.f32 v48, v40;
	v32 =	vld.idx.msk [tilespmem:v51+s31+$0x0], $0xffff  }
0x27e: {  	[tilespmem:v36+s31+$0x0] =	vst.idx.msk $0xffff, v41;
	v36 =	vmul.f32 v50, v46;
	v40 =	vld.idx.msk [tilespmem:v52+s31+$0x0], $0xffff  }
0x27f: {  	v38 =	vperm.xlane v22, v10;
	v48 =	vor.u32 v6, v33;
	v46 =	vld.idx.msk [tilespmem:v47+s31+$0x0], $0xffff;
	[tilespmem:v37+s31+$0x0] =	vst.idx.msk $0xffff, v31  }
0x280: {  	v31 =	vor.u32 v8, v20;
	v20 =	vmov v42;
	[tilespmem:v49+s31+$0x0] =	vst.idx.msk $0xffff, v36;
	v36 =	vld.idx.msk [tilespmem:v44+s31+$0x0], $0xffff  }
0x281: {  	v42 =	vperm.xlane v24, v16;
	v41 =	vmul.f32 v35, v38;
	v49 =	vor.u32 v7, v29;
	v37 =	vld.idx.msk [tilespmem:v54+s31+$0x0], $0xffff  }
0x282: {  	v55 =	vor.u32 v6, v26;
	s14 =	sadd.s32 $0x4, s13;
	v43 =	vperm.xlane v18, v10;
	v38 =	vperm.xlane v21, v13;
	v50 =	vld.idx.msk [tilespmem:v39+s28+$0x0], $0xffff  }
0x283: {  	v56 =	vperm.xlane v21, v17;
	v35 =	vmov s14;
	v21 =	vmul.f32 v32, v42;
	v39 =	vld.idx.msk [tilespmem:v39+s30+$0x0], $0xffff;
	[tilespmem:v45+s31+$0x0] =	vst.idx.msk $0xffff, v41  }
0x284: {  	v57 =	vor.u32 v7, v28;
	v32 =	vmul.f32 v40, v43;
	v41 =	vperm.xlane v23, v16;
	v40 =	vld.idx.msk [tilespmem:v48+s31+$0x0], $0xffff  }
0x285: {  	v58 =	vor.u32 v6, v25;
	v42 =	vshll.u32 v35, $0x4;
	v43 =	vperm.xlane v19, v10;
	[tilespmem:v51+s31+$0x0] =	vst.idx.msk $0xffff, v21  }
0x286: {  	v42 =	vor.u32 v0, v42;
	v41 =	vmul.f32 v36, v41;
	[tilespmem:v52+s31+$0x0] =	vst.idx.msk $0xffff, v32;
	v45 =	vld.idx.msk [tilespmem:v49+s31+$0x0], $0xffff  }
0x287: {  	v36 =	vperm.xlane v30, v12;
	v32 =	vor.u32 v2, v20;
	v37 =	vmul.f32 v37, v43;
	v51 =	vld.idx.msk [tilespmem:v55+s31+$0x0], $0xffff  }
0x288: {  	v52 =	vperm.xlane v22, v16;
	v43 =	vor.u32 v7, v33;
	v21 =	vmov v30;
	[tilespmem:v44+s31+$0x0] =	vst.idx.msk $0xffff, v41  }
0x289: {  	v30 =	vmul.f32 v46, v56;
	v41 =	vmul.f32 v53, v36;
	[tilespmem:v54+s31+$0x0] =	vst.idx.msk $0xffff, v37;
	v53 =	vld.idx.msk [tilespmem:v57+s31+$0x0], $0xffff  }
0x28a: {  	s14 =	sadd.s32 $0x3, s13;
	v46 =	vperm.xlane v24, v17;
	v36 =	vor.u32 v8, v29;
	v40 =	vmul.f32 v40, v52;
	v54 =	vld.idx.msk [tilespmem:v58+s31+$0x0], $0xffff  }
0x28b: {  	v44 =	vor.u32 v7, v26;
	v37 =	vmov s14;
	v52 =	vld.idx.msk [tilespmem:v42+s28+$0x0], $0xffff;
	[tilespmem:v47+s31+$0x0] =	vst.idx.msk $0xffff, v30;
	v30 =	vperm.xlane v18, v16  }
0x28c: {  	v29 =	vadd.f32 v39, v50;
	v47 =	vshll.u32 v37, $0x4;
	v56 =	vld.idx.msk [tilespmem:v42+s30+$0x0], $0xffff;
	[tilespmem:v48+s31+$0x0] =	vst.idx.msk $0xffff, v40  }
0x28d: {  	v47 =	vor.u32 v0, v47;
	v40 =	vmul.f32 v45, v46;
	v30 =	vmul.f32 v51, v30;
	v50 =	vld.idx.msk [tilespmem:v43+s31+$0x0], $0xffff  }
0x28e: {  	v42 =	vperm.xlane v19, v16;
	v45 =	vor.u32 v7, v25;
	v51 =	vperm.xlane v23, v17  }
.Ltmp4:
0x28f: {  	s14 =	sadd.s32 $0x2, s13;
	v59 =	vmin.f32 v29, $0.0e+00;
	v46 =	vld.idx.msk [tilespmem:v31+s31+$0x0], $0xffff;
	[tilespmem:v55+s31+$0x0] =	vst.idx.msk $0xffff, v30;
	v30 =	vor.u32 v8, v28;
	(pc) =	sbr.rel @p0 .LBB2_11-.Ltmp4, $4  }
0x290: {  	v39 =	vmov s14;
	v54 =	vmul.f32 v54, v42;
	v55 =	vmul.f32 v53, v51;
	v48 =	vld.idx.msk [tilespmem:v44+s31+$0x0], $0xffff;
	[tilespmem:v49+s31+$0x0] =	vst.idx.msk $0xffff, v40  }
0x291: {  	v60 =	vperm.xlane v22, v17;
	v28 =	vor.u32 v8, v33;
	v40 =	vshll.u32 v39, $0x4;
	v42 =	vld.idx.msk [tilespmem:v36+s31+$0x0], $0xffff  }
0x292: {  	s14 =	sadd.s32 $0x1, s13;
	v53 =	vmul.f32 $2.000000030e-01, v59;
	v51 =	vor.u32 v0, v40;
	v49 =	vld.idx.msk [tilespmem:v47+s28+$0x0], $0xffff;
	[tilespmem:v58+s31+$0x0] =	vst.idx.msk $0xffff, v54  }
0x293: {  	s13 =	sadd.s32 $0x6, s13;
	v40 =	vmov s14;
	v52 =	vadd.f32 v56, v52;
	v50 =	vmul.f32 v50, v60;
	v33 =	vld.idx.msk [tilespmem:v45+s31+$0x0], $0xffff;
	[tilespmem:v57+s31+$0x0] =	vst.idx.msk $0xffff, v55  }
0x294: {  	_ = 	snop  }
0x295: {  	v54 =	vshll.u32 v40, $0x4  }
0x296: {  	v54 =	vor.u32 v0, v54;
	_ =	sdelay $0x1  }
0x297: {  	v47 =	vld.idx.msk [tilespmem:v47+s30+$0x0], $0xffff  }
0x298: {  	v55 =	vld.idx.msk [tilespmem:v51+s28+$0x0], $0xffff  }
0x299: {  	v60 =	vld.idx.msk [tilespmem:v51+s30+$0x0], $0xffff  }
0x29a: {  	v56 =	vperm.xlane v18, v17;
	v29 =	vmax.f32 v29, $0.0e+00;
	v57 =	vld.idx.msk [tilespmem:v54+s28+$0x0], $0xffff  }
0x29b: {  	v59 =	vshll.u32 v34, $0x3;
	v29 =	vadd.f32 v53, v29;
	v61 =	vmin.f32 v52, $0.0e+00;
	v54 =	vld.idx.msk [tilespmem:v54+s30+$0x0], $0xffff  }
0x29c: {  	[tilespmem:v27+s31+$0x0] =	vst.idx.msk $0xffff, v41;
	v41 =	vmul.f32 v46, v38;
	v53 =	vmul.f32 $2.000000030e-01, v61;
	v47 =	vadd.f32 v47, v49  }
0x29d: {  	v46 =	vor.u32 v3, v20;
	v62 =	vmax.f32 v52, $0.0e+00;
	v63 =	vmul.f32 $1.442695020e+00, v29  }
0x29e: {  	v52 =	vperm.xlane v19, v17;
	v49 =	vadd.f32 v53, v62;
	v58 =	vmin.f32 v47, $0.0e+00  }
0x29f: {  	(erf) = vpow2.f32 v63;
	v51 =	vadd.f32 v60, v55;
	v53 =	vmul.f32 $2.000000030e-01, v58  }
0x2a0: {  	v49 =	vmul.f32 $1.442695020e+00, v49;
	v47 =	vmax.f32 v47, $0.0e+00;
	v54 =	vadd.f32 v54, v57  }
0x2a1: {  	v29 =	vshll.u32 v34, $0x7;
	v60 =	vmin.f32 v51, $0.0e+00;
	v47 =	vadd.f32 v53, v47  }
0x2a2: {  	v61 =	vmul.f32 $2.000000030e-01, v60;
	(erf) = vpow2.f32 v49;
	v62 =	vmin.f32 v54, $0.0e+00  }
0x2a3: {  	v51 =	vmax.f32 v51, $0.0e+00;
	v47 =	vmul.f32 $1.442695020e+00, v47;
	v53 =	vmul.f32 $2.000000030e-01, v62  }
0x2a4: {  	v63 =	vor.u32 v9, v59;
	v59 =	vadd.f32 v61, v51;
	v60 =	vmax.f32 v54, $0.0e+00  }
0x2a5: {  	v51 =	vor.u32 v0, v29;
	(erf) = vpow2.f32 v47;
	v61 =	vadd.f32 v53, v60  }
0x2a6: {  	[tilespmem:v43+s31+$0x0] =	vst.idx.msk $0xffff, v50;
	v48 =	vmul.f32 v48, v56;
	v56 =	vmul.f32 $1.442695020e+00, v59;
	v54 =	vshll.u32 v35, $0x3  }
0x2a7: {  	[tilespmem:v31+s31+$0x0] =	vst.idx.msk $0xffff, v41;
	v34 =	vshll.u32 v35, $0x7;
	v62 =	vld.idx.msk [tilespmem:v32+s31+$0x0], $0xffff;
	v57 =	vor.u32 v9, v54;
	v58 =	vmul.f32 $1.442695020e+00, v61  }
0x2a8: {  	v24 =	vperm.xlane v24, v13;
	[tilespmem:v44+s31+$0x0] =	vst.idx.msk $0xffff, v48;
	v49 =	vor.u32 v0, v34;
	v27 =	vpop (erf);
	(erf) = vpow2.f32 v56  }
0x2a9: {  	v55 =	vshll.u32 v37, $0x3;
	v59 =	vmul.f32 v33, v52;
	[tilespmem:v63+s10+$0x0] =	vst.idx.msk $0xff, v27;
	(erf) = vpow2.f32 v58  }
0x2aa: {  	v37 =	vshll.u32 v37, $0x7;
	v63 =	vperm.xlane v21, v14;
	v56 =	vld.idx.msk [tilespmem:v51+s31+$0x0], $0xffff;
	v60 =	vor.u32 v9, v55  }
0x2ab: {  	v38 =	vshll.u32 v39, $0x7;
	v24 =	vmul.f32 v42, v24;
	v47 =	vor.u32 v0, v37;
	[tilespmem:v45+s31+$0x0] =	vst.idx.msk $0xffff, v59;
	v33 =	vpop (erf)  }
0x2ac: {  	v48 =	vor.u32 v2, v29;
	v61 =	vmul.f32 v62, v63;
	v62 =	vshll.u32 v39, $0x3;
	[tilespmem:v57+s10+$0x0] =	vst.idx.msk $0xff, v33  }
0x2ad: {  	v59 =	vshll.u32 v40, $0x3;
	v63 =	vor.u32 v9, v62;
	v57 =	vld.idx.msk [tilespmem:v49+s31+$0x0], $0xffff;
	v58 =	vperm.xlane v27, v12  }
0x2ae: {  	v44 =	vor.u32 v0, v38;
	v53 =	vor.u32 v9, v59;
	v39 =	vshll.u32 v40, $0x7;
	[tilespmem:v32+s31+$0x0] =	vst.idx.msk $0xffff, v61;
	v32 =	vpop (erf)  }
0x2af: {  	v50 =	vor.u32 v0, v39;
	v40 =	vld.idx.msk [tilespmem:v46+s31+$0x0], $0xffff;
	v45 =	vmul.f32 v56, v58;
	[tilespmem:v60+s10+$0x0] =	vst.idx.msk $0xff, v32  }
0x2b0: {  	[tilespmem:v36+s31+$0x0] =	vst.idx.msk $0xffff, v24;
	v61 =	vperm.xlane v33, v12;
	v60 =	vld.idx.msk [tilespmem:v47+s31+$0x0], $0xffff  }
0x2b1: {  	v54 =	vor.u32 v2, v34;
	[tilespmem:v51+s31+$0x0] =	vst.idx.msk $0xffff, v45;
	v31 =	vpop (erf)  }
0x2b2: {  	v62 =	vperm.xlane v21, v15;
	[tilespmem:v63+s10+$0x0] =	vst.idx.msk $0xff, v31;
	v43 =	vmul.f32 v57, v61;
	v45 =	vld.idx.msk [tilespmem:v48+s31+$0x0], $0xffff;
	v35 =	vpop (erf)  }
0x2b3: {  	v52 =	vor.u32 v4, v20;
	v63 =	vperm.xlane v32, v12;
	v55 =	vld.idx.msk [tilespmem:v44+s31+$0x0], $0xffff;
	[tilespmem:v53+s10+$0x0] =	vst.idx.msk $0xff, v35  }
0x2b4: {  	[tilespmem:v49+s31+$0x0] =	vst.idx.msk $0xffff, v43;
	v40 =	vmul.f32 v40, v62;
	v53 =	vor.u32 v2, v37;
	v43 =	vld.idx.msk [tilespmem:v50+s31+$0x0], $0xffff  }
0x2b5: {  	v51 =	vor.u32 v3, v29;
	v41 =	vmul.f32 v60, v63;
	v60 =	vperm.xlane v27, v14  }
0x2b6: {  	v62 =	vperm.xlane v31, v12;
	[tilespmem:v46+s31+$0x0] =	vst.idx.msk $0xffff, v40;
	v46 =	vor.u32 v2, v38  }
0x2b7: {  	v57 =	vor.u32 v2, v39;
	v61 =	vld.idx.msk [tilespmem:v54+s31+$0x0], $0xffff;
	v63 =	vperm.xlane v35, v12;
	v45 =	vmul.f32 v45, v60  }
0x2b8: {  	v59 =	vld.idx.msk [tilespmem:v52+s31+$0x0], $0xffff;
	v40 =	vmul.f32 v55, v62;
	[tilespmem:v47+s31+$0x0] =	vst.idx.msk $0xffff, v41  }
0x2b9: {  	[tilespmem:v48+s31+$0x0] =	vst.idx.msk $0xffff, v45;
	v47 =	vld.idx.msk [tilespmem:v53+s31+$0x0], $0xffff;
	v43 =	vmul.f32 v43, v63  }
0x2ba: {  	v42 =	vor.u32 v3, v34;
	v60 =	vperm.xlane v33, v14;
	[tilespmem:v44+s31+$0x0] =	vst.idx.msk $0xffff, v40;
	v40 =	vld.idx.msk [tilespmem:v51+s31+$0x0], $0xffff  }
0x2bb: {  	v22 =	vperm.xlane v22, v13;
	v62 =	vperm.xlane v21, v11;
	v63 =	vld.idx.msk [tilespmem:v46+s31+$0x0], $0xffff;
	[tilespmem:v50+s31+$0x0] =	vst.idx.msk $0xffff, v43  }
0x2bc: {  	v36 =	vor.u32 v5, v20;
	v58 =	vperm.xlane v32, v14;
	v61 =	vmul.f32 v61, v60;
	v43 =	vld.idx.msk [tilespmem:v57+s31+$0x0], $0xffff  }
0x2bd: {  	v49 =	vor.u32 v3, v37;
	v45 =	vor.u32 v3, v38;
	v41 =	vmul.f32 v59, v62  }
0x2be: {  	v59 =	vperm.xlane v31, v14;
	v62 =	vperm.xlane v35, v14;
	[tilespmem:v54+s31+$0x0] =	vst.idx.msk $0xffff, v61  }
0x2bf: {  	v55 =	vor.u32 v3, v39;
	v61 =	vperm.xlane v27, v15;
	v60 =	vld.idx.msk [tilespmem:v42+s31+$0x0], $0xffff;
	v24 =	vmul.f32 v47, v58  }
0x2c0: {  	[tilespmem:v52+s31+$0x0] =	vst.idx.msk $0xffff, v41;
	v41 =	vor.u32 v4, v29;
	v44 =	vmul.f32 v63, v59  }
0x2c1: {  	v48 =	vld.idx.msk [tilespmem:v30+s31+$0x0], $0xffff;
	v40 =	vmul.f32 v40, v61;
	[tilespmem:v53+s31+$0x0] =	vst.idx.msk $0xffff, v24;
	v43 =	vmul.f32 v43, v62  }
0x2c2: {  	v58 =	vperm.xlane v33, v15;
	v53 =	vor.u32 v4, v34;
	v63 =	vld.idx.msk [tilespmem:v49+s31+$0x0], $0xffff;
	[tilespmem:v46+s31+$0x0] =	vst.idx.msk $0xffff, v44  }
0x2c3: {  	v56 =	vperm.xlane v31, v11;
	v24 =	vor.u32 v8, v26;
	v26 =	vld.idx.msk [tilespmem:v45+s31+$0x0], $0xffff;
	[tilespmem:v57+s31+$0x0] =	vst.idx.msk $0xffff, v43  }
0x2c4: {  	v54 =	vor.u32 v4, v38;
	[tilespmem:v51+s31+$0x0] =	vst.idx.msk $0xffff, v40;
	v59 =	vmul.f32 v60, v58;
	v40 =	vld.idx.msk [tilespmem:v55+s31+$0x0], $0xffff  }
0x2c5: {  	v61 =	vperm.xlane v31, v15;
	v60 =	vperm.xlane v32, v15;
	v51 =	vor.u32 v4, v37;
	v44 =	vld.idx.msk [tilespmem:v36+s31+$0x0], $0xffff  }
0x2c6: {  	v46 =	vperm.xlane v21, v10;
	v52 =	vld.idx.msk [tilespmem:v41+s31+$0x0], $0xffff;
	[tilespmem:v42+s31+$0x0] =	vst.idx.msk $0xffff, v59;
	v59 =	vperm.xlane v27, v11  }
0x2c7: {  	v57 =	vor.u32 v4, v39;
	v62 =	vld.idx.msk [tilespmem:v53+s31+$0x0], $0xffff;
	v47 =	vmul.f32 v63, v60;
	v63 =	vperm.xlane v35, v15  }
0x2c8: {  	v42 =	vor.u32 v5, v29;
	v43 =	vperm.xlane v23, v13;
	v58 =	vmul.f32 v26, v61  }
0x2c9: {  	v23 =	vor.u32 v8, v25;
	[tilespmem:v49+s31+$0x0] =	vst.idx.msk $0xffff, v47;
	v40 =	vmul.f32 v40, v63  }
0x2ca: {  	v25 =	vor.u32 v5, v34;
	v60 =	vperm.xlane v33, v11;
	v47 =	vld.idx.msk [tilespmem:v51+s31+$0x0], $0xffff;
	[tilespmem:v45+s31+$0x0] =	vst.idx.msk $0xffff, v58  }
0x2cb: {  	v43 =	vmul.f32 v48, v43;
	v26 =	vmul.f32 v52, v59;
	v45 =	vld.idx.msk [tilespmem:v54+s31+$0x0], $0xffff;
	[tilespmem:v55+s31+$0x0] =	vst.idx.msk $0xffff, v40  }
0x2cc: {  	v44 =	vmul.f32 v44, v46;
	v61 =	vmul.f32 v62, v60;
	v62 =	vld.idx.msk [tilespmem:v57+s31+$0x0], $0xffff  }
0x2cd: {  	v48 =	vld.idx.msk [tilespmem:v28+s31+$0x0], $0xffff;
	[tilespmem:v41+s31+$0x0] =	vst.idx.msk $0xffff, v26;
	v41 =	vor.u32 v5, v37;
	v63 =	vperm.xlane v32, v11  }
0x2ce: {  	v50 =	vor.u32 v5, v38;
	v59 =	vperm.xlane v35, v11;
	v49 =	vld.idx.msk [tilespmem:v42+s31+$0x0], $0xffff;
	[tilespmem:v53+s31+$0x0] =	vst.idx.msk $0xffff, v61  }
0x2cf: {  	[tilespmem:v36+s31+$0x0] =	vst.idx.msk $0xffff, v44;
	v53 =	vor.u32 v5, v39;
	v58 =	vld.idx.msk [tilespmem:v25+s31+$0x0], $0xffff;
	v26 =	vmul.f32 v47, v63  }
0x2d0: {  	[tilespmem:v30+s31+$0x0] =	vst.idx.msk $0xffff, v43;
	v60 =	vperm.xlane v27, v10;
	v61 =	vmul.f32 v45, v56  }
0x2d1: {  	v40 =	vor.u32 v6, v20;
	[tilespmem:v51+s31+$0x0] =	vst.idx.msk $0xffff, v26;
	v62 =	vmul.f32 v62, v59  }
0x2d2: {  	v46 =	vor.u32 v6, v29;
	v56 =	vperm.xlane v33, v10;
	v63 =	vld.idx.msk [tilespmem:v41+s31+$0x0], $0xffff;
	[tilespmem:v54+s31+$0x0] =	vst.idx.msk $0xffff, v61  }
0x2d3: {  	v36 =	vmul.f32 v49, v60;
	v44 =	vld.idx.msk [tilespmem:v50+s31+$0x0], $0xffff;
	[tilespmem:v57+s31+$0x0] =	vst.idx.msk $0xffff, v62  }
0x2d4: {  	v22 =	vmul.f32 v48, v22;
	v51 =	vor.u32 v6, v34;
	v57 =	vmul.f32 v58, v56;
	v58 =	vld.idx.msk [tilespmem:v53+s31+$0x0], $0xffff  }
0x2d5: {  	[tilespmem:v42+s31+$0x0] =	vst.idx.msk $0xffff, v36;
	v42 =	vor.u32 v6, v37;
	v59 =	vperm.xlane v32, v10  }
0x2d6: {  	v30 =	vor.u32 v6, v38;
	[tilespmem:v28+s31+$0x0] =	vst.idx.msk $0xffff, v22;
	v45 =	vld.idx.msk [tilespmem:v40+s31+$0x0], $0xffff;
	v61 =	vperm.xlane v31, v10  }
0x2d7: {  	v54 =	vor.u32 v6, v39;
	v60 =	vld.idx.msk [tilespmem:v46+s31+$0x0], $0xffff;
	v36 =	vmul.f32 v63, v59;
	v63 =	vperm.xlane v35, v10  }
0x2d8: {  	v52 =	vperm.xlane v31, v16;
	[tilespmem:v25+s31+$0x0] =	vst.idx.msk $0xffff, v57;
	v25 =	vmul.f32 v44, v61  }
0x2d9: {  	v26 =	vperm.xlane v21, v16;
	v62 =	vld.idx.msk [tilespmem:v51+s31+$0x0], $0xffff;
	[tilespmem:v41+s31+$0x0] =	vst.idx.msk $0xffff, v36;
	v57 =	vmul.f32 v58, v63  }
0x2da: {  	v55 =	vor.u32 v7, v20;
	v56 =	vperm.xlane v27, v16;
	[tilespmem:v50+s31+$0x0] =	vst.idx.msk $0xffff, v25;
	v58 =	vld.idx.msk [tilespmem:v42+s31+$0x0], $0xffff  }
0x2db: {  	v26 =	vmul.f32 v45, v26;
	v41 =	vor.u32 v7, v29;
	v61 =	vld.idx.msk [tilespmem:v30+s31+$0x0], $0xffff;
	[tilespmem:v53+s31+$0x0] =	vst.idx.msk $0xffff, v57  }
0x2dc: {  	v59 =	vperm.xlane v33, v16;
	v60 =	vmul.f32 v60, v56;
	v44 =	vor.u32 v7, v34;
	v36 =	vld.idx.msk [tilespmem:v54+s31+$0x0], $0xffff  }
0x2dd: {  	v45 =	vor.u32 v7, v37;
	[tilespmem:v40+s31+$0x0] =	vst.idx.msk $0xffff, v26;
	v63 =	vperm.xlane v32, v16  }
0x2de: {  	[tilespmem:v46+s31+$0x0] =	vst.idx.msk $0xffff, v60;
	v46 =	vor.u32 v7, v38;
	v62 =	vmul.f32 v62, v59  }
0x2df: {  	v49 =	vor.u32 v7, v39;
	v56 =	vperm.xlane v35, v16;
	v40 =	vld.idx.msk [tilespmem:v55+s31+$0x0], $0xffff;
	v25 =	vmul.f32 v58, v63  }
0x2e0: {  	v20 =	vor.u32 v8, v20;
	v53 =	vld.idx.msk [tilespmem:v41+s31+$0x0], $0xffff;
	[tilespmem:v51+s31+$0x0] =	vst.idx.msk $0xffff, v62;
	v26 =	vmul.f32 v61, v52  }
0x2e1: {  	v39 =	vor.u32 v8, v39;
	v58 =	vld.idx.msk [tilespmem:v44+s31+$0x0], $0xffff;
	[tilespmem:v42+s31+$0x0] =	vst.idx.msk $0xffff, v25;
	v59 =	vmul.f32 v36, v56  }
0x2e2: {  	v37 =	vor.u32 v8, v37;
	v57 =	vperm.xlane v21, v17;
	[tilespmem:v30+s31+$0x0] =	vst.idx.msk $0xffff, v26;
	v61 =	vld.idx.msk [tilespmem:v45+s31+$0x0], $0xffff  }
0x2e3: {  	v60 =	vperm.xlane v27, v17;
	v26 =	vor.u32 v8, v29;
	v30 =	vld.idx.msk [tilespmem:v46+s31+$0x0], $0xffff;
	[tilespmem:v54+s31+$0x0] =	vst.idx.msk $0xffff, v59  }
0x2e4: {  	v22 =	vmul.f32 v40, v57;
	v62 =	vperm.xlane v33, v17;
	v25 =	vor.u32 v8, v34;
	v47 =	vld.idx.msk [tilespmem:v49+s31+$0x0], $0xffff  }
0x2e5: {  	v48 =	vld.idx.msk [tilespmem:v24+s31+$0x0], $0xffff;
	v50 =	vperm.xlane v32, v17;
	v38 =	vor.u32 v8, v38;
	v63 =	vmul.f32 v53, v60  }
0x2e6: {  	v51 =	vld.idx.msk [tilespmem:v23+s31+$0x0], $0xffff;
	v52 =	vperm.xlane v31, v17;
	[tilespmem:v55+s31+$0x0] =	vst.idx.msk $0xffff, v22;
	v28 =	vmul.f32 v58, v62  }
0x2e7: {  	v53 =	vld.idx.msk [tilespmem:v20+s31+$0x0], $0xffff;
	[tilespmem:v41+s31+$0x0] =	vst.idx.msk $0xffff, v63;
	v54 =	vperm.xlane v35, v17;
	v29 =	vmul.f32 v61, v50  }
0x2e8: {  	v18 =	vperm.xlane v18, v13;
	v55 =	vld.idx.msk [tilespmem:v26+s31+$0x0], $0xffff;
	[tilespmem:v44+s31+$0x0] =	vst.idx.msk $0xffff, v28;
	v22 =	vmul.f32 v30, v52  }
0x2e9: {  	v19 =	vperm.xlane v19, v13;
	v28 =	vld.idx.msk [tilespmem:v25+s31+$0x0], $0xffff;
	[tilespmem:v45+s31+$0x0] =	vst.idx.msk $0xffff, v29;
	v56 =	vmul.f32 v47, v54  }
0x2ea: {  	v18 =	vmul.f32 v48, v18;
	v57 =	vperm.xlane v21, v13;
	[tilespmem:v46+s31+$0x0] =	vst.idx.msk $0xffff, v22;
	v58 =	vld.idx.msk [tilespmem:v37+s31+$0x0], $0xffff  }
0x2eb: {  	v27 =	vperm.xlane v27, v13;
	v19 =	vmul.f32 v51, v19;
	v22 =	vld.idx.msk [tilespmem:v38+s31+$0x0], $0xffff;
	[tilespmem:v49+s31+$0x0] =	vst.idx.msk $0xffff, v56  }
0x2ec: {  	[tilespmem:v24+s31+$0x0] =	vst.idx.msk $0xffff, v18;
	v60 =	vperm.xlane v33, v13;
	v18 =	vmul.f32 v53, v57;
	v59 =	vld.idx.msk [tilespmem:v39+s31+$0x0], $0xffff  }
0x2ed: {  	[tilespmem:v23+s31+$0x0] =	vst.idx.msk $0xffff, v19;
	v61 =	vperm.xlane v32, v13;
	v19 =	vmul.f32 v55, v27  }
0x2ee: {  	[tilespmem:v20+s31+$0x0] =	vst.idx.msk $0xffff, v18;
	v18 =	vperm.xlane v31, v13;
	v62 =	vmul.f32 v28, v60  }
0x2ef: {  	v63 =	vperm.xlane v35, v13;
	[tilespmem:v26+s31+$0x0] =	vst.idx.msk $0xffff, v19;
	v23 =	vmul.f32 v58, v61  }
0x2f0: {  	[tilespmem:v25+s31+$0x0] =	vst.idx.msk $0xffff, v62;
	v18 =	vmul.f32 v22, v18  }
0x2f1: {  	[tilespmem:v37+s31+$0x0] =	vst.idx.msk $0xffff, v23;
	v19 =	vmul.f32 v59, v63  }
0x2f2: {  	[tilespmem:v38+s31+$0x0] =	vst.idx.msk $0xffff, v18  }
0x2f3: {  	s13 =	simm.s32 $0x7E;
	[tilespmem:v39+s31+$0x0] =	vst.idx.msk $0xffff, v19  }
.LBB2_13:
0x2f4: {  	v18 =	vmov s13  }
0x2f5: {  	v19 =	vshll.u32 v18, $0x4  }
0x2f6: {  	v19 =	vor.u32 v0, v19;
	_ =	sdelay $0x4  }
0x2f7: {  	v20 =	vld.idx.msk [tilespmem:v19+s28+$0x0], $0xffff  }
0x2f8: {  	v19 =	vld.idx.msk [tilespmem:v19+s30+$0x0], $0xffff;
	_ =	sdelay $0x4  }
0x2f9: {  	v19 =	vadd.f32 v19, v20;
	_ =	sdelay $0x1  }
0x2fa: {  	v20 =	vmin.f32 v19, $0.0e+00  }
0x2fb: {  	v20 =	vmul.f32 $2.000000030e-01, v20  }
0x2fc: {  	v19 =	vmax.f32 v19, $0.0e+00  }
0x2fd: {  	v19 =	vadd.f32 v20, v19;
	_ =	sdelay $0x1  }
0x2fe: {  	v19 =	vmul.f32 $1.442695020e+00, v19;
	_ =	sdelay $0x1  }
0x2ff: {  	(erf) = vpow2.f32 v19;
	_ =	sdelay $0x3  }
0x300: {  	v19 =	vshll.u32 v18, $0x3  }
0x301: {  	v18 =	vshll.u32 v18, $0x7;
	v19 =	vor.u32 v9, v19  }
0x302: {  	v51 =	vor.u32 v0, v18;
	_ =	sdelay $0x2  }
0x303: {  	v21 =	vpop (erf)  }
0x304: {  	[tilespmem:v19+s10+$0x0] =	vst.idx.msk $0xff, v21  }
0x305: {  	v19 =	vld.idx.msk [tilespmem:v51+s31+$0x0], $0xffff;
	_ =	sdelay $0x2  }
0x306: {  	v23 =	vor.u32 v2, v18;
	v22 =	vperm.xlane v21, v12;
	_ =	sdelay $0x1  }
0x307: {  	v19 =	vmul.f32 v19, v22;
	_ =	sdelay $0x1  }
0x308: {  	[tilespmem:v51+s31+$0x0] =	vst.idx.msk $0xffff, v19  }
0x309: {  	v19 =	vld.idx.msk [tilespmem:v23+s31+$0x0], $0xffff;
	_ =	sdelay $0x2  }
0x30a: {  	v53 =	vor.u32 v3, v18;
	v52 =	vperm.xlane v21, v14;
	_ =	sdelay $0x1  }
0x30b: {  	v19 =	vmul.f32 v19, v52;
	_ =	sdelay $0x1  }
0x30c: {  	[tilespmem:v23+s31+$0x0] =	vst.idx.msk $0xffff, v19  }
0x30d: {  	v19 =	vld.idx.msk [tilespmem:v53+s31+$0x0], $0xffff;
	_ =	sdelay $0x2  }
0x30e: {  	v55 =	vor.u32 v4, v18;
	v54 =	vperm.xlane v21, v15;
	_ =	sdelay $0x1  }
0x30f: {  	v19 =	vmul.f32 v19, v54;
	_ =	sdelay $0x1  }
0x310: {  	[tilespmem:v53+s31+$0x0] =	vst.idx.msk $0xffff, v19  }
0x311: {  	v19 =	vld.idx.msk [tilespmem:v55+s31+$0x0], $0xffff;
	_ =	sdelay $0x2  }
0x312: {  	v57 =	vor.u32 v5, v18;
	v56 =	vperm.xlane v21, v11;
	_ =	sdelay $0x1  }
0x313: {  	v19 =	vmul.f32 v19, v56;
	_ =	sdelay $0x1  }
0x314: {  	[tilespmem:v55+s31+$0x0] =	vst.idx.msk $0xffff, v19  }
0x315: {  	v19 =	vld.idx.msk [tilespmem:v57+s31+$0x0], $0xffff;
	_ =	sdelay $0x2  }
0x316: {  	v59 =	vor.u32 v6, v18;
	v58 =	vperm.xlane v21, v10;
	_ =	sdelay $0x1  }
0x317: {  	v19 =	vmul.f32 v19, v58;
	_ =	sdelay $0x1  }
0x318: {  	[tilespmem:v57+s31+$0x0] =	vst.idx.msk $0xffff, v19  }
0x319: {  	v19 =	vld.idx.msk [tilespmem:v59+s31+$0x0], $0xffff;
	_ =	sdelay $0x2  }
0x31a: {  	v61 =	vor.u32 v7, v18;
	v60 =	vperm.xlane v21, v16;
	_ =	sdelay $0x1  }
0x31b: {  	v19 =	vmul.f32 v19, v60;
	_ =	sdelay $0x1  }
0x31c: {  	[tilespmem:v59+s31+$0x0] =	vst.idx.msk $0xffff, v19  }
0x31d: {  	v19 =	vld.idx.msk [tilespmem:v61+s31+$0x0], $0xffff;
	_ =	sdelay $0x2  }
0x31e: {  	v18 =	vor.u32 v8, v18;
	v62 =	vperm.xlane v21, v17;
	_ =	sdelay $0x1  }
0x31f: {  	v19 =	vmul.f32 v19, v62;
	_ =	sdelay $0x1  }
0x320: {  	[tilespmem:v61+s31+$0x0] =	vst.idx.msk $0xffff, v19  }
0x321: {  	v19 =	vld.idx.msk [tilespmem:v18+s31+$0x0], $0xffff;
	_ =	sdelay $0x1  }
0x322: {  	p0 =	sne.s32 s13, $0x7F  }
.Ltmp5:
0x323: {  	v63 =	vperm.xlane v21, v13;
	(pc) =	sbr.rel @p0 .LBB2_13-.Ltmp5, $3  }
0x324: {  	_ = 	snop  }
0x325: {  	v19 =	vmul.f32 v19, v63;
	_ =	sdelay $0x1  }
0x326: {  	s13 =	sadd.s32 $0x1, s13;
	[tilespmem:v18+s31+$0x0] =	vst.idx.msk $0xffff, v19  }
0x327: {  	s24 =	sadd.s32 $0x1, s24  }
0x328: {  	p0 =	sne.s32 s24, $0x28  }
.Ltmp6:
0x329: {  	_ = 	snop;
	(pc) =	sbr.rel @p0 .LBB2_6-.Ltmp6, $4  }
0x32a: {  	_ = 	snop  }
0x32b: {  	[spmem:s2] =	stream.indirect.scatter.add.f32 [tilespmem:s31], [sflag:$0x4], $0x80, s29, s21, $0xb8;
	[tilespmem:$0x1F608] =	vst v63  }
0x32c: {  	_ = 	snop  }
0x32d: {  	[spmem:s3] =	stream.indirect.scatter.add.f32 [tilespmem:s10], [sflag:$0x4], $0x8, s29, s21, $0xb8;
	[tilespmem:$0x1F608] =	vst v63  }
0x32e: {  	_ =	swait.ge [sflag:s0], $0x800  }
0x32f: {  	[sflag:s0] =	ssyncset.done $0x0  }
0x330: {  	[sflag:s0] =	ssyncadd.s32 $0xFFFFF800  }
0x331: {  	_ =	swait.ge [sflag:s0], $0x800  }
0x332: {  	[sflag:s0] =	ssyncset.done $0x0  }
0x333: {  	[sflag:s0] =	ssyncadd.s32 $0xFFFFF800  }
0x334: {  	_ =	swait.ge [sflag:s0], $0x4000  }
0x335: {  	[sflag:s0] =	ssyncset.done $0x0  }
0x336: {  	s13 =	simm.s32 $0x4;
	[sflag:s0] =	ssyncadd.s32 $0xFFFFC000  }
0x337: {  	_ =	swait.ge [sflag:s13], $0x4000  }
0x338: {  	[sflag:s13] =	ssyncset.done $0x0  }
0x339: {  	[sflag:s13] =	ssyncadd.s32 $0xFFFFC000  }
0x33a: {  	_ =	swait.ge [sflag:s13], $0x400  }
0x33b: {  	[sflag:s13] =	ssyncset.done $0x0  }
0x33c: {  	[sflag:s13] =	ssyncadd.s32 $0xFFFFFC00  }
0x33d: {  	s14 =	stileid.u32;
	[bflag:$0x0] =	sbarrier.arrive $0xFFFF  }
0x33e: {  	s13 =	sshll.u32 s14, $0x6;
	s14 =	rddreg [dreg:$0x6]  }
0x33f: {  	s13 =	sor.u32 $0x1C05, s13;
	s15 =	rddreg [dreg:$0xa]  }
0x340: {  	[hbm:s14], [sflag:s13] =	dma.local [spmem:s15], $0x2710  }
0x341: {  	_ =	swait.ge [sflag:s20], $0x2710  }
0x342: {  	[sflag:s20] =	ssyncset.done $0x0;
	s15 =	rddreg [dreg:$0x7]  }
0x343: {  	s17 =	rddreg [dreg:$0xb];
	[sflag:s20] =	ssyncadd.s32 $0xFFFFD8F0  }
0x344: {  	[hbm:s15], [sflag:s13] =	dma.local [spmem:s17], $0x271  }
0x345: {  	_ =	swait.ge [sflag:s20], $0x271  }
0x346: {  	s24 =	rddreg [dreg:$0xc]  }
0x347: {  	s25 =	rddreg [dreg:$0x8];
	s14 =	sadd.s32 $0x1, s24  }
0x348: {  	p0 =	sne.s32 s14, s25  }
.Ltmp7:
0x349: {  	_ = 	snop;
	(pc) =	sbr.rel @p0 .LBB2_1-.Ltmp7, $3  }
0x34a: {  	_ =	sdelay $0x1  }
0x34b: {  	[sflag:s20] =	ssyncset.done $0x0  }
0x34c: {  	[sflag:s20] =	ssyncadd.s32 $0xFFFFFD8F  }
0x34d: {  	_ =	sfence.sel $0x180000  }
0x34e: {  	[bflag:$0x0] =	sbarrier.arrive $0xFFFF  }
0x34f: {  	_ =	strace $0x90000047  }
0x350: {  	s0 =	stileid.u32;
	[bflag:$0x2] =	sbarrier.arrive $0xFFFF  }
0x351: {  	p0 =	sne.s32 s0, $0x0;
	s0 =	rddreg [dreg:$0x4]  }
0x352: {  	s0 =	sadd.s32 @!p0 $0x100000, s0  }
0x353: {  	[sflag:s0] =	ssyncadd.tile.s32 @!p0 $0x1;
	_ =	shalt  }
.Lfunc_end2:
_tile_overlayer_lowered:
.L_overlay_start_2:
0x354: {  	(tag) =	ssettag $0x2  }
0x355: {  	s0 =	rddreg [dreg:$0x0];
	s2 =	stileid.u32  }
0x356: {  	s1 =	rddreg [dreg:$0x1];
	p0 =	sne.s32 s2, $0x0  }
0x357: {  	s3 =	rddreg [dreg:$0x2];
	[bflag:$0x3] =	sbarrier.arrive $0xFFFF;
	s2 =	simm.s32 @!p0 $0x1C05  }
0x358: {  	[timem:s3], [sflag:s2] =	dma.local @!p0 [hbm:s0], s1  }
0x359: {  	s0 =	simm.s32 @!p0 $0x5  }
0x35a: {  	_ =	swait.ge @!p0 [sflag:s0], s1  }
0x35b: {  	s1 =	ssub.s32 @!p0 $0x0, s1;
	[sflag:s0] =	ssyncset.done @!p0 $0x0  }
0x35c: {  	[sflag:s0] =	ssyncadd.s32 @!p0 s1  }
0x35d: {  	[bflag:$0x3] =	sbarrier.arrive $0xFFFF  }
0x35e: {  	_ =	shalt  }

</sc_bundles>
